<compile_context>
chip_gen: v7x
topology: tpu7x:2x2x1
jax: 0.10.2.dev20260603
libtpu: 0.0.44.dev20260713+nightly
codegen_flags: <defaults>
</compile_context>

<pallas_src>
import functools

import jax
import jax.numpy as jnp
import numpy as np
from jax import lax
from jax.experimental import pallas as pl
from jax.experimental.pallas import tpu as pltpu
from jax.experimental.pallas import tpu_sc as plsc

NUM_FIELDS = 26
FIELD_DIM = 100000
EMBED_DIM = 16
TOTAL_VOCAB = NUM_FIELDS * FIELD_DIM
EMBED_OUT = NUM_FIELDS * EMBED_DIM
BATCH = 4096

_CW = 6272
_SLABW = 16 * _CW
_NVREG = BATCH // 16
_SLOTS = EMBED_DIM * BATCH
_SLAB_ALLOC = _SLOTS + 128
_FIELDS_PER_SC = NUM_FIELDS // 2
_HITCAP = BATCH + 16


def _sc_body(embT, idx1d, out1d,
             chunkA, chunkB, chunk_tail, idxf, hitvlA, hitbA,
             acc_v, acc_p2, shared, sem, sem2, semI, semg):
    cid = lax.axis_index("c")
    tid = lax.axis_index("s")
    d16 = lax.iota(jnp.int32, 16)
    _AW = 3200
    _BW = 3072
    _TBW = 2688

    pltpu.sync_copy(embT.at[:, pl.ds(TOTAL_VOCAB - 64, 64)], chunk_tail)

    def slab_base(f):
        return pl.multiple_of(f * FIELD_DIM - 32 * (f % 4) + tid * _CW, 128)

    def issue_stage(f, is_tail):
        mb = slab_base(f)
        pltpu.async_copy(embT.at[:, pl.ds(mb, _AW)], chunkA, sem)

        @pl.when(~is_tail)
        def _():
            pltpu.async_copy(embT.at[:, pl.ds(mb + _AW, _BW)], chunkB, sem2)

        @pl.when(is_tail)
        def _():
            pltpu.async_copy(
                embT.at[:, pl.ds(TOTAL_VOCAB - 64 - _TBW, _TBW)],
                chunkB.at[:, pl.ds(0, _TBW)], sem2)

    def issue_idx(f, slot):
        pltpu.async_copy(idx1d.at[pl.ds(f * BATCH, BATCH)],
                         idxf.at[pl.ds(slot * BATCH, BATCH)], semI)

    f0 = cid * _FIELDS_PER_SC
    issue_idx(f0, 0)
    issue_stage(f0, (f0 == NUM_FIELDS - 1) & (tid == 15))

    def field_step(i, carry):
        f = cid * _FIELDS_PER_SC + i
        ib = i % 2
        my_base = slab_base(f)
        buf = 0

        tail = (f == NUM_FIELDS - 1) & (tid == 15)
        cw_eff = jnp.where(tail, _AW + _TBW, _CW)

        pltpu.make_async_copy(idx1d.at[pl.ds(0, BATCH)],
                              idxf.at[pl.ds(ib * BATCH, BATCH)], semI).wait()

        def scan_step(k4, off):
            for u in range(4):
                k = k4 * 4 + u
                iv = idxf[pl.ds(ib * BATCH + k * 16, 16)]
                vl = iv - my_base
                m = (vl >= 0) & (vl < cw_eff)
                nh = jnp.sum(m.astype(jnp.int32))
                b_vec = k * 16 + d16

                @pl.when(nh > 0)
                def _(off=off, vl=vl, m=m, b_vec=b_vec):
                    plsc.store_compressed(hitvlA.at[pl.ds(off, 16)], vl,
                                          mask=m)
                    plsc.store_compressed(hitbA.at[pl.ds(off, 16)], b_vec,
                                          mask=m)

                off = off + nh
            return off

        n_tot = lax.fori_loop(0, _NVREG // 4, scan_step, 0)

        def run_hits(srcA, srcB, hvl, hb, n_hits):
            hvl[pl.ds(n_hits, 16)] = jnp.zeros((16,), jnp.int32)
            hb[pl.ds(n_hits, 16)] = jnp.full((16,), BATCH, jnp.int32)
            ngrp = (n_hits + 15) // 16

            def grp_step(g, carry):
                vb = (g % 2) * 256
                rb = (g % 2) * 2
                vl16 = hvl[pl.ds(g * 16, 16)]
                b16 = hb[pl.ds(g * 16, 16)]
                bad = b16 >= BATCH
                inA = vl16 < _AW
                vlA = jnp.minimum(vl16, _AW - 1)
                vlB = jnp.maximum(vl16 - _AW, 0)
                btile = ((b16 >> 7) << 10) + (b16 & 127)

                @pl.when(g >= 2)
                def _():
                    pltpu.make_async_copy(acc_v.at[pl.ds(vb, 128)],
                                          shared.at[acc_p2.at[rb]],
                                          semg).wait()
                    pltpu.make_async_copy(acc_v.at[pl.ds(vb + 128, 128)],
                                          shared.at[acc_p2.at[rb + 1]],
                                          semg).wait()

                for d in range(16):
                    dv = jnp.full((16,), d, jnp.int32)
                    valsA = plsc.load_gather(srcA, [dv, vlA])
                    valsB = plsc.load_gather(srcB, [dv, vlB])
                    vals = jnp.where(inA, valsA, valsB)
                    cpos = (d // 8) * 32768 + (d % 8) * 128
                    pos = jnp.where(bad, _SLOTS + (d * 16) % 128 + d16,
                                    btile + cpos)
                    acc_v[pl.ds(vb + d * 16, 16)] = vals
                    acc_p2[rb + d // 8, pl.ds((d % 8) * 16, 16)] = pos + buf
                pltpu.async_copy(acc_v.at[pl.ds(vb, 128)],
                                 shared.at[acc_p2.at[rb]], semg)
                pltpu.async_copy(acc_v.at[pl.ds(vb + 128, 128)],
                                 shared.at[acc_p2.at[rb + 1]], semg)
                return carry

            lax.fori_loop(0, ngrp, grp_step, 0)

            def drain_step(g, carry):
                vb = (g % 2) * 256
                rb = (g % 2) * 2
                pltpu.make_async_copy(acc_v.at[pl.ds(vb, 128)],
                                      shared.at[acc_p2.at[rb]], semg).wait()
                pltpu.make_async_copy(acc_v.at[pl.ds(vb + 128, 128)],
                                      shared.at[acc_p2.at[rb + 1]],
                                      semg).wait()
                return carry

            lax.fori_loop(jnp.maximum(ngrp - 2, 0), ngrp, drain_step, 0)

        @pl.when(i < _FIELDS_PER_SC - 1)
        def _():
            issue_idx(f + 1, 1 - ib)

        pltpu.make_async_copy(embT.at[:, pl.ds(0, _AW)], chunkA, sem).wait()

        @pl.when(~tail)
        def _():
            pltpu.make_async_copy(embT.at[:, pl.ds(0, _BW)], chunkB,
                                  sem2).wait()

        @pl.when(tail)
        def _():
            pltpu.make_async_copy(embT.at[:, pl.ds(0, _TBW)],
                                  chunkB.at[:, pl.ds(0, _TBW)], sem2).wait()

        run_hits(chunkA, chunkB, hitvlA, hitbA, n_tot)

        @pl.when(tail)
        def _():
            def tail_scan(k, off):
                iv = idxf[pl.ds(ib * BATCH + k * 16, 16)]
                vt = iv - (TOTAL_VOCAB - 64)
                mt = (vt >= 0) & (vt < 64)
                nt = jnp.sum(mt.astype(jnp.int32))

                @pl.when(nt > 0)
                def _():
                    plsc.store_compressed(hitvlA.at[pl.ds(off, 16)], vt,
                                          mask=mt)
                    plsc.store_compressed(hitbA.at[pl.ds(off, 16)],
                                          k * 16 + d16, mask=mt)

                return off + nt

            n_t = lax.fori_loop(0, _NVREG, tail_scan, 0)
            run_hits(chunk_tail, chunk_tail, hitvlA, hitbA, n_t)

        @pl.when(i < _FIELDS_PER_SC - 1)
        def _():
            nf = f + 1
            issue_stage(nf, (nf == NUM_FIELDS - 1) & (tid == 15))

        plsc.subcore_barrier()
        pltpu.sync_copy(
            shared.at[pl.ds(tid * (_SLOTS // 16), _SLOTS // 16)],
            out1d.at[pl.ds(f * _SLOTS + tid * (_SLOTS // 16), _SLOTS // 16)])
        plsc.subcore_barrier()
        return carry

    lax.fori_loop(0, _FIELDS_PER_SC, field_step, 0)


def _sc_gather(embT, idx1d):
    mesh = plsc.VectorSubcoreMesh(core_axis_name="c", subcore_axis_name="s")
    fn = pl.kernel(
        _sc_body,
        out_type=[
            jax.ShapeDtypeStruct((NUM_FIELDS * _SLOTS,), jnp.float32),
        ],
        mesh=mesh,
        scratch_types=[
            pltpu.VMEM((16, 3200), jnp.float32),
            pltpu.VMEM((16, 3072), jnp.float32),
            pltpu.VMEM((16, 64), jnp.float32),
            pltpu.VMEM((2 * BATCH,), jnp.int32),
            pltpu.VMEM((_HITCAP,), jnp.int32),
            pltpu.VMEM((_HITCAP,), jnp.int32),
            pltpu.VMEM((512,), jnp.float32),
            pltpu.VMEM((4, 128), jnp.int32),
            pltpu.VMEM_SHARED((_SLAB_ALLOC,), jnp.float32),
            pltpu.SemaphoreType.DMA,
            pltpu.SemaphoreType.DMA,
            pltpu.SemaphoreType.DMA,
            pltpu.SemaphoreType.DMA,
        ],
        compiler_params=pltpu.CompilerParams(use_tc_tiling_on_sc=True,
                                             needs_layout_passes=False,
                                             skip_device_barrier=True),
    )
    return fn(embT, idx1d)


_NPW = (BATCH * NUM_FIELDS) // 32


def _sc_lin_body(idx1d, lin1d, outlin, idxw, linw, sem):
    wid = lax.axis_index("s") * 2 + lax.axis_index("c")
    base = wid * _NPW
    pltpu.sync_copy(idx1d.at[pl.ds(base, _NPW)], idxw)

    def fire(j, carry):
        pltpu.async_copy(lin1d.at[idxw.at[pl.ds(j * 128, 128)]],
                         linw.at[pl.ds(j * 128, 128)], sem)
        return carry

    lax.fori_loop(0, _NPW // 128, fire, 0)

    def drain(j, carry):
        pltpu.make_async_copy(lin1d.at[pl.ds(0, 128)],
                              linw.at[pl.ds(j * 128, 128)], sem).wait()
        return carry

    lax.fori_loop(0, _NPW // 128, drain, 0)
    pltpu.sync_copy(linw, outlin.at[pl.ds(base, _NPW)])


def _sc_lin(idx1d, lin1d):
    mesh = plsc.VectorSubcoreMesh(core_axis_name="c", subcore_axis_name="s")
    fn = pl.kernel(
        _sc_lin_body,
        out_type=[jax.ShapeDtypeStruct((NUM_FIELDS * BATCH,), jnp.float32)],
        mesh=mesh,
        scratch_types=[
            pltpu.VMEM((_NPW,), jnp.int32),
            pltpu.VMEM((_NPW,), jnp.float32),
            pltpu.SemaphoreType.DMA,
        ],
        compiler_params=pltpu.CompilerParams(use_tc_tiling_on_sc=True,
                                             needs_layout_passes=False,
                                             skip_device_barrier=True),
    )
    return fn(idx1d, lin1d)


def _dotT(a, b):
    return lax.dot_general(a, b, (((0,), (0,)), ((), ())),
                           preferred_element_type=jnp.float32)


def _bn_prelu_T(h, g, be, a):
    mean = jnp.mean(h, axis=1, keepdims=True)
    var = jnp.mean(h * h, axis=1, keepdims=True) - mean * mean
    h = (h - mean) * lax.rsqrt(var + 1e-5) * g + be
    return jnp.maximum(h, 0.0) + a * jnp.minimum(h, 0.0)


def _tc_body(emb_ref, lin_ref, bias_ref, W1_ref, b1_ref, g1_ref, be1_ref,
             a1_ref, W2_ref, b2_ref, g2_ref, be2_ref, a2_ref, W3_ref,
             b3_ref, out_ref):
    emb = emb_ref[...]

    row = lax.broadcasted_iota(jnp.int32, (EMBED_OUT, EMBED_DIM), 0)
    col = lax.broadcasted_iota(jnp.int32, (EMBED_OUT, EMBED_DIM), 1)
    S = (row % EMBED_DIM == col).astype(jnp.float32)

    sum_f = _dotT(S, emb)
    sum_sq = _dotT(S, emb * emb)
    fm = 0.5 * jnp.sum(sum_f * sum_f - sum_sq, axis=0, keepdims=True)

    linear = jnp.sum(lin_ref[...], axis=0, keepdims=True) + bias_ref[0, 0]

    h = _dotT(W1_ref[...], emb) + b1_ref[...]
    h = _bn_prelu_T(h, g1_ref[...], be1_ref[...], a1_ref[0, 0])
    h = _dotT(W2_ref[...], h) + b2_ref[...]
    h = _bn_prelu_T(h, g2_ref[...], be2_ref[...], a2_ref[0, 0])
    mlp = _dotT(W3_ref[...], h) + b3_ref[0, 0]

    out_ref[...] = jnp.maximum(linear + fm + mlp, 0.0)


def _tc_dense(emb2, lin2, bias, W1, b1, g1, be1, a1, W2, b2, g2, be2, a2,
              W3, b3):
    return pl.pallas_call(
        _tc_body,
        out_shape=jax.ShapeDtypeStruct((1, BATCH), jnp.float32),
    )(emb2, lin2, bias.reshape(1, 1), W1, b1.reshape(-1, 1),
      g1.reshape(-1, 1), be1.reshape(-1, 1), a1.reshape(1, 1), W2,
      b2.reshape(-1, 1), g2.reshape(-1, 1), be2.reshape(-1, 1),
      a2.reshape(1, 1), W3, b3.reshape(1, 1))


_OFFSETS = np.arange(NUM_FIELDS, dtype=np.int32) * FIELD_DIM


def kernel(x, emb_table, lin_table, bias, W1, b1, g1, be1, a1, W2, b2, g2,
           be2, a2, W3, b3):
    idx1d = (x + jnp.asarray(_OFFSETS)[None, :]).T.reshape(-1)
    embT = emb_table.T
    lin1d = lin_table.T.reshape(-1)
    out1d, = _sc_gather(embT, idx1d)
    outlin, = _sc_lin(idx1d, lin1d)
    emb2 = (out1d.reshape(EMBED_OUT // 8, BATCH // 128, 8, 128)
            .transpose(0, 2, 1, 3).reshape(EMBED_OUT, BATCH))
    lin2 = outlin.reshape(NUM_FIELDS, BATCH)
    res = _tc_dense(emb2, lin2, bias, W1, b1, g1, be1, a1, W2, b2, g2, be2,
                    a2, W3, b3)
    return res.reshape(BATCH, 1)

# --- scband reference (transcript-rebuilt; emitter-appended) ---
"""Pipeline reference for scband-deep-factorization-machine-model-49340584297170 (READ-ONLY COPY).

The authoritative reference and input builder live on the scoring server;
editing this copy changes nothing except your own understanding.
"""

import jax, jax.numpy as jnp
import numpy as np

FIELD_DIMS = [100000] * 26
NUM_FIELDS = 26
EMBED_DIM = 16
TOTAL_VOCAB = sum(FIELD_DIMS)
EMBED_OUT = NUM_FIELDS * EMBED_DIM
OFFSETS = np.concatenate(([0], np.cumsum(FIELD_DIMS)[:-1])).astype(np.int32)
BATCH = 4096


def setup_inputs(seed: int = 0) -> dict:
    key = jax.random.key(seed)
    ks = jax.random.split(key, 12)
    x = jax.random.randint(ks[0], (BATCH, NUM_FIELDS), 0, 100000, dtype=jnp.int32)
    emb_table = jax.random.normal(ks[1], (TOTAL_VOCAB, EMBED_DIM), dtype=jnp.float32) * 0.01
    lin_table = jax.random.normal(ks[2], (TOTAL_VOCAB, 1), dtype=jnp.float32) * 0.01
    bias = jnp.zeros((1,), dtype=jnp.float32)
    W1 = jax.random.normal(ks[3], (EMBED_OUT, 128), dtype=jnp.float32) * 0.05
    b1 = jnp.zeros((128,), dtype=jnp.float32)
    g1 = jnp.ones((128,), dtype=jnp.float32)
    be1 = jnp.zeros((128,), dtype=jnp.float32)
    a1 = jnp.full((1,), 0.8, dtype=jnp.float32)
    W2 = jax.random.normal(ks[4], (128, 64), dtype=jnp.float32) * 0.05
    b2 = jnp.zeros((64,), dtype=jnp.float32)
    g2 = jnp.ones((64,), dtype=jnp.float32)
    be2 = jnp.zeros((64,), dtype=jnp.float32)
    a2 = jnp.full((1,), 0.8, dtype=jnp.float32)
    W3 = jax.random.normal(ks[5], (64, 1), dtype=jnp.float32) * 0.05
    b3 = jnp.zeros((1,), dtype=jnp.float32)
    return {"x": x, "emb_table": emb_table, "lin_table": lin_table, "bias": bias,
            "W1": W1, "b1": b1, "g1": g1, "be1": be1, "a1": a1,
            "W2": W2, "b2": b2, "g2": g2, "be2": be2, "a2": a2,
            "W3": W3, "b3": b3}


def _bn_prelu(h, g, be, a):
    mean = jnp.mean(h, axis=0, keepdims=True)
    var = jnp.var(h, axis=0, keepdims=True)
    h = (h - mean) / jnp.sqrt(var + 1e-5) * g + be
    return jnp.maximum(h, 0.0) + a * jnp.minimum(h, 0.0)


def reference(x, emb_table, lin_table, bias, W1, b1, g1, be1, a1, W2, b2, g2, be2, a2, W3, b3):
    offsets = jnp.asarray(OFFSETS)
    idx = x + offsets[None, :]
    embed_x = jnp.take(emb_table, idx, axis=0)              # (B, F, D)
    linear = jnp.sum(jnp.take(lin_table, idx, axis=0), axis=1) + bias  # (B, 1)
    square_of_sum = jnp.sum(embed_x, axis=1) ** 2
    sum_of_square = jnp.sum(embed_x ** 2, axis=1)
    fm = 0.5 * jnp.sum(square_of_sum - sum_of_square, axis=1, keepdims=True)
    h = embed_x.reshape(-1, EMBED_OUT)
    h = h @ W1 + b1
    h = _bn_prelu(h, g1, be1, a1)
    h = h @ W2 + b2
    h = _bn_prelu(h, g2, be2, a2)
    mlp_out = h @ W3 + b3
    return jax.nn.relu(linear + fm + mlp_out)

if __name__ == "__main__":
    import jax
    _d = setup_inputs()
    print(jax.jit(kernel)(*tuple(_d.values())))

</pallas_src>

<mosaic_0001>
#map = affine_map<(d0, d1) -> (0)>
module attributes {stable_mosaic.version = 14 : i64} {
  func.func @_sc_lin_body(%arg0: i32, %arg1: i32, %arg2: memref<106496xi32, #tpu.memory_space<hbm>>, %arg3: memref<2600000xf32, #tpu.memory_space<hbm>>, %arg4: memref<106496xf32, #tpu.memory_space<hbm>>, %arg5: memref<3328xi32, #tpu.memory_space<vmem>>, %arg6: memref<3328xf32, #tpu.memory_space<vmem>>, %arg7: memref<!tpu.dma_semaphore, #tpu.memory_space<semaphore_mem>>) attributes {dimension_semantics = [#tpu.dimension_semantics<core_parallel>, #tpu.dimension_semantics<subcore_parallel>], iteration_bounds = array<i64: 2, 16>, scalar_prefetch = 0 : i64, scratch_operands = 3 : i64, tpu.core_type = #tpu.core_type<sc_vector_subcore>, window_params = [{transform_indices = #map}, {transform_indices = #map}, {transform_indices = #map}]} {
    %mul3A = arith.constant 2 : i32
    %mul3A_0 = arith.muli %arg1, %mul3A : i32
    %add3A = arith.addi %mul3A_0, %arg0 : i32
    %mul3A_1 = arith.constant 3328 : i32
    %mul3A_2 = arith.muli %add3A, %mul3A_1 : i32
    "tpu.region"() ({
      %run_scoped3A = tpu.sem_alloc : memref<!tpu.dma_semaphore, #tpu.memory_space<semaphore_mem>>
      %dma_start3A = tpu.memref_slice %arg2[%mul3A_2] : memref<106496xi32, #tpu.memory_space<hbm>> -> memref<3328xi32, #tpu.memory_space<hbm>>
      %dma_start3A_14 = tpu.memref_slice %arg2[%mul3A_2] : memref<106496xi32, #tpu.memory_space<hbm>> -> memref<3328xi32, #tpu.memory_space<hbm>>
      tpu.enqueue_dma source(%dma_start3A_14 : memref<3328xi32, #tpu.memory_space<hbm>>) target(%arg5 : memref<3328xi32, #tpu.memory_space<vmem>>) target_semaphore(%run_scoped3A : memref<!tpu.dma_semaphore, #tpu.memory_space<semaphore_mem>>)
      %dma_wait3A = tpu.memref_slice %arg2[%mul3A_2] : memref<106496xi32, #tpu.memory_space<hbm>> -> memref<3328xi32, #tpu.memory_space<hbm>>
      %dma_wait3A_15 = tpu.memref_slice %arg2[%mul3A_2] : memref<106496xi32, #tpu.memory_space<hbm>> -> memref<3328xi32, #tpu.memory_space<hbm>>
      tpu.wait_dma2 semaphore(%run_scoped3A : memref<!tpu.dma_semaphore, #tpu.memory_space<semaphore_mem>>) src(%dma_wait3A_15 : memref<3328xi32, #tpu.memory_space<hbm>>) dst(%arg5 : memref<3328xi32, #tpu.memory_space<vmem>>)
      tpu.yield
    }) : () -> ()
    %scan3A = arith.constant 0 : i32
    %scan3A_3 = arith.constant 0 : i32
    %scan3A_4 = arith.constant 26 : i32
    %scan3A_5 = arith.addi %scan3A_3, %scan3A_4 : i32
    %scan3A_6 = arith.constant 1 : i32
    scf.for %scan3A_14 = %scan3A_3 to %scan3A_5 step %scan3A_6  : i32 {
      %mul3A_15 = arith.constant 128 : i32
      %mul3A_16 = arith.muli %scan3A_14, %mul3A_15 : i32
      %mul3A_17 = arith.constant 128 : i32
      %mul3A_18 = arith.muli %scan3A_14, %mul3A_17 : i32
      %dma_start3A = tpu.memref_slice %arg6[%mul3A_18] : memref<3328xf32, #tpu.memory_space<vmem>> -> memref<128xf32, #tpu.memory_space<vmem>>
      %dma_start3A_19 = tpu.memref_slice %arg5[%mul3A_16] : memref<3328xi32, #tpu.memory_space<vmem>> -> memref<128xi32, #tpu.memory_space<vmem>>
      %dma_start3A_20 = arith.constant 0 : i32
      %dma_start3A_21 = tpu.memref_slice %arg3[%dma_start3A_20] : memref<2600000xf32, #tpu.memory_space<hbm>> -> memref<2600000xf32, #tpu.memory_space<hbm>>
      tpu.enqueue_indirect_dma source(%dma_start3A_21 : memref<2600000xf32, #tpu.memory_space<hbm>>) target(%dma_start3A : memref<128xf32, #tpu.memory_space<vmem>>) offsets(%dma_start3A_19 : memref<128xi32, #tpu.memory_space<vmem>>) semaphore(%arg7 : memref<!tpu.dma_semaphore, #tpu.memory_space<semaphore_mem>>)
    }
    %scan3A_7 = arith.constant 26 : i32
    %scan3A_8 = arith.constant 0 : i32
    %scan3A_9 = arith.constant 0 : i32
    %scan3A_10 = arith.constant 26 : i32
    %scan3A_11 = arith.addi %scan3A_9, %scan3A_10 : i32
    %scan3A_12 = arith.constant 1 : i32
    scf.for %scan3A_14 = %scan3A_9 to %scan3A_11 step %scan3A_12  : i32 {
      %mul3A_15 = arith.constant 128 : i32
      %mul3A_16 = arith.muli %scan3A_14, %mul3A_15 : i32
      %dma_wait3A = tpu.memref_slice %arg6[%mul3A_16] : memref<3328xf32, #tpu.memory_space<vmem>> -> memref<128xf32, #tpu.memory_space<vmem>>
      %dma_wait3A_17 = arith.constant 0 : i32
      %dma_wait3A_18 = tpu.memref_slice %arg3[%dma_wait3A_17] : memref<2600000xf32, #tpu.memory_space<hbm>> -> memref<128xf32, #tpu.memory_space<hbm>>
      %dma_wait3A_19 = tpu.memref_slice %arg6[%mul3A_16] : memref<3328xf32, #tpu.memory_space<vmem>> -> memref<128xf32, #tpu.memory_space<vmem>>
      %dma_wait3A_20 = arith.constant 0 : i32
      %dma_wait3A_21 = tpu.memref_slice %arg3[%dma_wait3A_20] : memref<2600000xf32, #tpu.memory_space<hbm>> -> memref<128xf32, #tpu.memory_space<hbm>>
      tpu.wait_dma2 semaphore(%arg7 : memref<!tpu.dma_semaphore, #tpu.memory_space<semaphore_mem>>) src(%dma_wait3A_21 : memref<128xf32, #tpu.memory_space<hbm>>) dst(%dma_wait3A_19 : memref<128xf32, #tpu.memory_space<vmem>>)
    }
    %scan3A_13 = arith.constant 26 : i32
    "tpu.region"() ({
      %run_scoped3A = tpu.sem_alloc : memref<!tpu.dma_semaphore, #tpu.memory_space<semaphore_mem>>
      %dma_start3A = tpu.memref_slice %arg4[%mul3A_2] : memref<106496xf32, #tpu.memory_space<hbm>> -> memref<3328xf32, #tpu.memory_space<hbm>>
      %dma_start3A_14 = tpu.memref_slice %arg4[%mul3A_2] : memref<106496xf32, #tpu.memory_space<hbm>> -> memref<3328xf32, #tpu.memory_space<hbm>>
      tpu.enqueue_dma source(%arg6 : memref<3328xf32, #tpu.memory_space<vmem>>) target(%dma_start3A_14 : memref<3328xf32, #tpu.memory_space<hbm>>) target_semaphore(%run_scoped3A : memref<!tpu.dma_semaphore, #tpu.memory_space<semaphore_mem>>)
      %dma_wait3A = tpu.memref_slice %arg4[%mul3A_2] : memref<106496xf32, #tpu.memory_space<hbm>> -> memref<3328xf32, #tpu.memory_space<hbm>>
      %dma_wait3A_15 = tpu.memref_slice %arg4[%mul3A_2] : memref<106496xf32, #tpu.memory_space<hbm>> -> memref<3328xf32, #tpu.memory_space<hbm>>
      tpu.wait_dma2 semaphore(%run_scoped3A : memref<!tpu.dma_semaphore, #tpu.memory_space<semaphore_mem>>) src(%arg6 : memref<3328xf32, #tpu.memory_space<vmem>>) dst(%dma_wait3A_15 : memref<3328xf32, #tpu.memory_space<hbm>>)
      tpu.yield
    }) : () -> ()
    return
  }
}

#map = affine_map<(d0, d1) -> (0, 0)>
#map1 = affine_map<(d0, d1) -> (0)>
module attributes {stable_mosaic.version = 14 : i64} {
  func.func @_sc_body(%arg0: i32, %arg1: i32, %arg2: memref<16x2600000xf32, #tpu.memory_space<hbm>>, %arg3: memref<106496xi32, #tpu.memory_space<hbm>>, %arg4: memref<1703936xf32, #tpu.memory_space<hbm>>, %arg5: memref<16x3200xf32, #tpu.memory_space<vmem>>, %arg6: memref<16x3072xf32, #tpu.memory_space<vmem>>, %arg7: memref<16x64xf32, #tpu.memory_space<vmem>>, %arg8: memref<8192xi32, #tpu.memory_space<vmem>>, %arg9: memref<4112xi32, #tpu.memory_space<vmem>>, %arg10: memref<4112xi32, #tpu.memory_space<vmem>>, %arg11: memref<512xf32, #tpu.memory_space<vmem>>, %arg12: memref<4x128xi32, #tpu.memory_space<vmem>>, %arg13: memref<65664xf32, #tpu.memory_space<vmem_shared>>, %arg14: memref<!tpu.dma_semaphore, #tpu.memory_space<semaphore_mem>>, %arg15: memref<!tpu.dma_semaphore, #tpu.memory_space<semaphore_mem>>, %arg16: memref<!tpu.dma_semaphore, #tpu.memory_space<semaphore_mem>>, %arg17: memref<!tpu.dma_semaphore, #tpu.memory_space<semaphore_mem>>) attributes {dimension_semantics = [#tpu.dimension_semantics<core_parallel>, #tpu.dimension_semantics<subcore_parallel>], iteration_bounds = array<i64: 2, 16>, scalar_prefetch = 0 : i64, scratch_operands = 13 : i64, tpu.core_type = #tpu.core_type<sc_vector_subcore>, window_params = [{transform_indices = #map}, {transform_indices = #map1}, {transform_indices = #map1}]} {
    %iota3A = tpu.iota {dimensions = array<i32: 0>} : vector<16xi32>
    "tpu.region"() ({
      %run_scoped3A = tpu.sem_alloc : memref<!tpu.dma_semaphore, #tpu.memory_space<semaphore_mem>>
      %dma_start3A_42 = arith.constant 0 : i32
      %dma_start3A_43 = arith.constant 2599936 : i32
      %dma_start3A_44 = tpu.memref_slice %arg2[%dma_start3A_42, %dma_start3A_43] : memref<16x2600000xf32, #tpu.memory_space<hbm>> -> memref<16x64xf32, #tpu.memory_space<hbm>>
      %dma_start3A_45 = arith.constant 0 : i32
      %dma_start3A_46 = arith.constant 2599936 : i32
      %dma_start3A_47 = tpu.memref_slice %arg2[%dma_start3A_45, %dma_start3A_46] : memref<16x2600000xf32, #tpu.memory_space<hbm>> -> memref<16x64xf32, #tpu.memory_space<hbm>>
      tpu.enqueue_dma source(%dma_start3A_47 : memref<16x64xf32, #tpu.memory_space<hbm>>) target(%arg7 : memref<16x64xf32, #tpu.memory_space<vmem>>) target_semaphore(%run_scoped3A : memref<!tpu.dma_semaphore, #tpu.memory_space<semaphore_mem>>)
      %dma_wait3A = arith.constant 0 : i32
      %dma_wait3A_48 = arith.constant 2599936 : i32
      %dma_wait3A_49 = tpu.memref_slice %arg2[%dma_wait3A, %dma_wait3A_48] : memref<16x2600000xf32, #tpu.memory_space<hbm>> -> memref<16x64xf32, #tpu.memory_space<hbm>>
      %dma_wait3A_50 = arith.constant 0 : i32
      %dma_wait3A_51 = arith.constant 2599936 : i32
      %dma_wait3A_52 = tpu.memref_slice %arg2[%dma_wait3A_50, %dma_wait3A_51] : memref<16x2600000xf32, #tpu.memory_space<hbm>> -> memref<16x64xf32, #tpu.memory_space<hbm>>
      tpu.wait_dma2 semaphore(%run_scoped3A : memref<!tpu.dma_semaphore, #tpu.memory_space<semaphore_mem>>) src(%dma_wait3A_52 : memref<16x64xf32, #tpu.memory_space<hbm>>) dst(%arg7 : memref<16x64xf32, #tpu.memory_space<vmem>>)
      tpu.yield
    }) : () -> ()
    %mul3A = arith.constant 13 : i32
    %mul3A_0 = arith.muli %arg0, %mul3A : i32
    %mul3A_1 = arith.constant 4096 : i32
    %mul3A_2 = arith.muli %mul3A_0, %mul3A_1 : i32
    %dma_start3A = arith.constant 0 : i32
    %dma_start3A_3 = tpu.memref_slice %arg8[%dma_start3A] : memref<8192xi32, #tpu.memory_space<vmem>> -> memref<4096xi32, #tpu.memory_space<vmem>>
    %dma_start3A_4 = tpu.memref_slice %arg3[%mul3A_2] : memref<106496xi32, #tpu.memory_space<hbm>> -> memref<4096xi32, #tpu.memory_space<hbm>>
    %dma_start3A_5 = arith.constant 0 : i32
    %dma_start3A_6 = tpu.memref_slice %arg8[%dma_start3A_5] : memref<8192xi32, #tpu.memory_space<vmem>> -> memref<4096xi32, #tpu.memory_space<vmem>>
    %dma_start3A_7 = tpu.memref_slice %arg3[%mul3A_2] : memref<106496xi32, #tpu.memory_space<hbm>> -> memref<4096xi32, #tpu.memory_space<hbm>>
    tpu.enqueue_dma source(%dma_start3A_7 : memref<4096xi32, #tpu.memory_space<hbm>>) target(%dma_start3A_6 : memref<4096xi32, #tpu.memory_space<vmem>>) target_semaphore(%arg16 : memref<!tpu.dma_semaphore, #tpu.memory_space<semaphore_mem>>)
    %eq3A = arith.constant 25 : i32
    %eq3A_8 = arith.cmpi eq, %mul3A_0, %eq3A : i32
    %eq3A_9 = arith.constant 15 : i32
    %eq3A_10 = arith.cmpi eq, %arg1, %eq3A_9 : i32
    %and3A = arith.andi %eq3A_8, %eq3A_10 : i1
    %mul3A_11 = arith.constant 100000 : i32
    %mul3A_12 = arith.muli %mul3A_0, %mul3A_11 : i32
    %jit3A = arith.constant 4 : i32
    %eq3A_13 = arith.constant 0 : i32
    %eq3A_14 = arith.cmpi eq, %jit3A, %eq3A_13 : i32
    %jit3A_15 = arith.constant 1 : i32
    %select_n3A = arith.select %eq3A_14, %jit3A_15, %jit3A : i32
    %rem3A = arith.remsi %mul3A_0, %select_n3A : i32
    %ne3A = arith.constant 0 : i32
    %ne3A_16 = arith.cmpi ne, %rem3A, %ne3A : i32
    %lt3A = arith.constant 0 : i32
    %lt3A_17 = arith.cmpi slt, %rem3A, %lt3A : i32
    %lt3A_18 = arith.constant 0 : i32
    %lt3A_19 = arith.cmpi slt, %select_n3A, %lt3A_18 : i32
    %ne3A_20 = arith.xori %lt3A_17, %lt3A_19 : i1
    %and3A_21 = arith.andi %ne3A_20, %ne3A_16 : i1
    %add3A = arith.addi %rem3A, %select_n3A : i32
    %select_n3A_22 = arith.select %and3A_21, %add3A, %rem3A : i32
    %mul3A_23 = arith.constant 32 : i32
    %mul3A_24 = arith.muli %mul3A_23, %select_n3A_22 : i32
    %sub3A = arith.subi %mul3A_12, %mul3A_24 : i32
    %mul3A_25 = arith.constant 6272 : i32
    %mul3A_26 = arith.muli %arg1, %mul3A_25 : i32
    %add3A_27 = arith.addi %sub3A, %mul3A_26 : i32
    %multiple_of3A = tpu.assume_multiple %add3A_27, 128 : i32
    %dma_start3A_28 = arith.constant 0 : i32
    %dma_start3A_29 = tpu.memref_slice %arg2[%dma_start3A_28, %multiple_of3A] : memref<16x2600000xf32, #tpu.memory_space<hbm>> -> memref<16x3200xf32, #tpu.memory_space<hbm>>
    %dma_start3A_30 = arith.constant 0 : i32
    %dma_start3A_31 = tpu.memref_slice %arg2[%dma_start3A_30, %multiple_of3A] : memref<16x2600000xf32, #tpu.memory_space<hbm>> -> memref<16x3200xf32, #tpu.memory_space<hbm>>
    tpu.enqueue_dma source(%dma_start3A_31 : memref<16x3200xf32, #tpu.memory_space<hbm>>) target(%arg5 : memref<16x3200xf32, #tpu.memory_space<vmem>>) target_semaphore(%arg14 : memref<!tpu.dma_semaphore, #tpu.memory_space<semaphore_mem>>)
    %not3A = arith.constant true
    %not3A_32 = arith.xori %and3A, %not3A : i1
    %convert_element_type3A = arith.extui %not3A_32 : i1 to i32
    %cond3A = arith.constant 0 : i32
    %cond3A_33 = arith.cmpi ne, %convert_element_type3A, %cond3A : i32
    scf.if %cond3A_33 {
      %add3A_42 = arith.constant 3200 : i32
      %add3A_43 = arith.addi %multiple_of3A, %add3A_42 : i32
      %dma_start3A_44 = arith.constant 0 : i32
      %dma_start3A_45 = tpu.memref_slice %arg2[%dma_start3A_44, %add3A_43] : memref<16x2600000xf32, #tpu.memory_space<hbm>> -> memref<16x3072xf32, #tpu.memory_space<hbm>>
      %dma_start3A_46 = arith.constant 0 : i32
      %dma_start3A_47 = tpu.memref_slice %arg2[%dma_start3A_46, %add3A_43] : memref<16x2600000xf32, #tpu.memory_space<hbm>> -> memref<16x3072xf32, #tpu.memory_space<hbm>>
      tpu.enqueue_dma source(%dma_start3A_47 : memref<16x3072xf32, #tpu.memory_space<hbm>>) target(%arg6 : memref<16x3072xf32, #tpu.memory_space<vmem>>) target_semaphore(%arg15 : memref<!tpu.dma_semaphore, #tpu.memory_space<semaphore_mem>>)
    } else {
    }
    %convert_element_type3A_34 = arith.extui %and3A : i1 to i32
    %cond3A_35 = arith.constant 0 : i32
    %cond3A_36 = arith.cmpi ne, %convert_element_type3A_34, %cond3A_35 : i32
    scf.if %cond3A_36 {
      %dma_start3A_42 = arith.constant 0 : i32
      %dma_start3A_43 = arith.constant 0 : i32
      %dma_start3A_44 = tpu.memref_slice %arg6[%dma_start3A_42, %dma_start3A_43] : memref<16x3072xf32, #tpu.memory_space<vmem>> -> memref<16x2688xf32, #tpu.memory_space<vmem>>
      %dma_start3A_45 = arith.constant 0 : i32
      %dma_start3A_46 = arith.constant 2597248 : i32
      %dma_start3A_47 = tpu.memref_slice %arg2[%dma_start3A_45, %dma_start3A_46] : memref<16x2600000xf32, #tpu.memory_space<hbm>> -> memref<16x2688xf32, #tpu.memory_space<hbm>>
      %dma_start3A_48 = arith.constant 0 : i32
      %dma_start3A_49 = arith.constant 0 : i32
      %dma_start3A_50 = tpu.memref_slice %arg6[%dma_start3A_48, %dma_start3A_49] : memref<16x3072xf32, #tpu.memory_space<vmem>> -> memref<16x2688xf32, #tpu.memory_space<vmem>>
      %dma_start3A_51 = arith.constant 0 : i32
      %dma_start3A_52 = arith.constant 2597248 : i32
      %dma_start3A_53 = tpu.memref_slice %arg2[%dma_start3A_51, %dma_start3A_52] : memref<16x2600000xf32, #tpu.memory_space<hbm>> -> memref<16x2688xf32, #tpu.memory_space<hbm>>
      tpu.enqueue_dma source(%dma_start3A_53 : memref<16x2688xf32, #tpu.memory_space<hbm>>) target(%dma_start3A_50 : memref<16x2688xf32, #tpu.memory_space<vmem>>) target_semaphore(%arg15 : memref<!tpu.dma_semaphore, #tpu.memory_space<semaphore_mem>>)
    } else {
    }
    %scan3A = arith.constant 0 : i32
    %scan3A_37 = arith.constant 0 : i32
    %scan3A_38 = arith.constant 13 : i32
    %scan3A_39 = arith.addi %scan3A_37, %scan3A_38 : i32
    %scan3A_40 = arith.constant 1 : i32
    scf.for %scan3A_42 = %scan3A_37 to %scan3A_39 step %scan3A_40  : i32 {
      %mul3A_43 = arith.constant 13 : i32
      %mul3A_44 = arith.muli %arg0, %mul3A_43 : i32
      %add3A_45 = arith.addi %mul3A_44, %scan3A_42 : i32
      %jit3A_46 = arith.constant 2 : i32
      %eq3A_47 = arith.constant 0 : i32
      %eq3A_48 = arith.cmpi eq, %jit3A_46, %eq3A_47 : i32
      %jit3A_49 = arith.constant 1 : i32
      %select_n3A_50 = arith.select %eq3A_48, %jit3A_49, %jit3A_46 : i32
      %rem3A_51 = arith.remsi %scan3A_42, %select_n3A_50 : i32
      %ne3A_52 = arith.constant 0 : i32
      %ne3A_53 = arith.cmpi ne, %rem3A_51, %ne3A_52 : i32
      %lt3A_54 = arith.constant 0 : i32
      %lt3A_55 = arith.cmpi slt, %rem3A_51, %lt3A_54 : i32
      %lt3A_56 = arith.constant 0 : i32
      %lt3A_57 = arith.cmpi slt, %select_n3A_50, %lt3A_56 : i32
      %ne3A_58 = arith.xori %lt3A_55, %lt3A_57 : i1
      %and3A_59 = arith.andi %ne3A_58, %ne3A_53 : i1
      %add3A_60 = arith.addi %rem3A_51, %select_n3A_50 : i32
      %select_n3A_61 = arith.select %and3A_59, %add3A_60, %rem3A_51 : i32
      %mul3A_62 = arith.constant 100000 : i32
      %mul3A_63 = arith.muli %add3A_45, %mul3A_62 : i32
      %jit3A_64 = arith.constant 4 : i32
      %eq3A_65 = arith.constant 0 : i32
      %eq3A_66 = arith.cmpi eq, %jit3A_64, %eq3A_65 : i32
      %jit3A_67 = arith.constant 1 : i32
      %select_n3A_68 = arith.select %eq3A_66, %jit3A_67, %jit3A_64 : i32
      %rem3A_69 = arith.remsi %add3A_45, %select_n3A_68 : i32
      %ne3A_70 = arith.constant 0 : i32
      %ne3A_71 = arith.cmpi ne, %rem3A_69, %ne3A_70 : i32
      %lt3A_72 = arith.constant 0 : i32
      %lt3A_73 = arith.cmpi slt, %rem3A_69, %lt3A_72 : i32
      %lt3A_74 = arith.constant 0 : i32
      %lt3A_75 = arith.cmpi slt, %select_n3A_68, %lt3A_74 : i32
      %ne3A_76 = arith.xori %lt3A_73, %lt3A_75 : i1
      %and3A_77 = arith.andi %ne3A_76, %ne3A_71 : i1
      %add3A_78 = arith.addi %rem3A_69, %select_n3A_68 : i32
      %select_n3A_79 = arith.select %and3A_77, %add3A_78, %rem3A_69 : i32
      %mul3A_80 = arith.constant 32 : i32
      %mul3A_81 = arith.muli %mul3A_80, %select_n3A_79 : i32
      %sub3A_82 = arith.subi %mul3A_63, %mul3A_81 : i32
      %mul3A_83 = arith.constant 6272 : i32
      %mul3A_84 = arith.muli %arg1, %mul3A_83 : i32
      %add3A_85 = arith.addi %sub3A_82, %mul3A_84 : i32
      %multiple_of3A_86 = tpu.assume_multiple %add3A_85, 128 : i32
      %eq3A_87 = arith.constant 25 : i32
      %eq3A_88 = arith.cmpi eq, %add3A_45, %eq3A_87 : i32
      %eq3A_89 = arith.constant 15 : i32
      %eq3A_90 = arith.cmpi eq, %arg1, %eq3A_89 : i32
      %and3A_91 = arith.andi %eq3A_88, %eq3A_90 : i1
      %jit3A_92 = arith.constant 5888 : i32
      %jit3A_93 = arith.constant 6272 : i32
      %select_n3A_94 = arith.select %and3A_91, %jit3A_92, %jit3A_93 : i32
      %mul3A_95 = arith.constant 4096 : i32
      %mul3A_96 = arith.muli %select_n3A_61, %mul3A_95 : i32
      %dma_wait3A = tpu.memref_slice %arg8[%mul3A_96] : memref<8192xi32, #tpu.memory_space<vmem>> -> memref<4096xi32, #tpu.memory_space<vmem>>
      %dma_wait3A_97 = arith.constant 0 : i32
      %dma_wait3A_98 = tpu.memref_slice %arg3[%dma_wait3A_97] : memref<106496xi32, #tpu.memory_space<hbm>> -> memref<4096xi32, #tpu.memory_space<hbm>>
      %dma_wait3A_99 = tpu.memref_slice %arg8[%mul3A_96] : memref<8192xi32, #tpu.memory_space<vmem>> -> memref<4096xi32, #tpu.memory_space<vmem>>
      %dma_wait3A_100 = arith.constant 0 : i32
      %dma_wait3A_101 = tpu.memref_slice %arg3[%dma_wait3A_100] : memref<106496xi32, #tpu.memory_space<hbm>> -> memref<4096xi32, #tpu.memory_space<hbm>>
      tpu.wait_dma2 semaphore(%arg16 : memref<!tpu.dma_semaphore, #tpu.memory_space<semaphore_mem>>) src(%dma_wait3A_101 : memref<4096xi32, #tpu.memory_space<hbm>>) dst(%dma_wait3A_99 : memref<4096xi32, #tpu.memory_space<vmem>>)
      %scan3A_102 = arith.constant 0 : i32
      %scan3A_103 = arith.constant 0 : i32
      %scan3A_104 = arith.constant 64 : i32
      %scan3A_105 = arith.addi %scan3A_103, %scan3A_104 : i32
      %scan3A_106 = arith.constant 1 : i32
      %scan3A_107 = scf.for %scan3A_195 = %scan3A_103 to %scan3A_105 step %scan3A_106 iter_args(%scan3A_196 = %scan3A_102) -> (i32)  : i32 {
        %mul3A_197 = arith.constant 4 : i32
        %mul3A_198 = arith.muli %scan3A_195, %mul3A_197 : i32
        %add3A_199 = arith.constant 0 : i32
        %add3A_200 = arith.addi %mul3A_198, %add3A_199 : i32
        %mul3A_201 = arith.constant 4096 : i32
        %mul3A_202 = arith.muli %select_n3A_61, %mul3A_201 : i32
        %mul3A_203 = arith.constant 16 : i32
        %mul3A_204 = arith.muli %add3A_200, %mul3A_203 : i32
        %add3A_205 = arith.addi %mul3A_202, %mul3A_204 : i32
        %get3A = arith.index_cast %add3A_205 : i32 to index
        %get3A_206 = tpu.vector_load %arg8[%get3A] {strides = array<i32>} : memref<8192xi32, #tpu.memory_space<vmem>>, vector<16xi32>,
        %sub3A_207 = vector.broadcast %multiple_of3A_86 : i32 to vector<16xi32>
        %sub3A_208 = arith.subi %get3A_206, %sub3A_207 : vector<16xi32>
        %ge3A = arith.constant 0 : i32
        %ge3A_209 = vector.broadcast %ge3A : i32 to vector<16xi32>
        %ge3A_210 = arith.cmpi sge, %sub3A_208, %ge3A_209 : vector<16xi32>
        %lt3A_211 = vector.broadcast %select_n3A_94 : i32 to vector<16xi32>
        %lt3A_212 = arith.cmpi slt, %sub3A_208, %lt3A_211 : vector<16xi32>
        %and3A_213 = arith.andi %ge3A_210, %lt3A_212 : vector<16xi1>
        %convert_element_type3A_214 = arith.extui %and3A_213 : vector<16xi1> to vector<16xi32>
        %reduce_sum3A = arith.constant true
        %reduce_sum3A_215 = vector.broadcast %reduce_sum3A : i1 to vector<16xi1>
        %reduce_sum3A_216 = tpu.scan <sum>, %convert_element_type3A_214 masked %reduce_sum3A_215 : vector<16xi32>, vector<16xi1> -> vector<16xi32>
        %reduce_sum3A_217 = vector.extract %reduce_sum3A_216[15] : i32 from vector<16xi32>
        %mul3A_218 = arith.constant 16 : i32
        %mul3A_219 = arith.muli %add3A_200, %mul3A_218 : i32
        %add3A_220 = vector.broadcast %mul3A_219 : i32 to vector<16xi32>
        %add3A_221 = arith.addi %add3A_220, %iota3A : vector<16xi32>
        %gt3A = arith.constant 0 : i32
        %gt3A_222 = arith.cmpi sgt, %reduce_sum3A_217, %gt3A : i32
        %convert_element_type3A_223 = arith.extui %gt3A_222 : i1 to i32
        %cond3A_224 = arith.constant 0 : i32
        %cond3A_225 = arith.cmpi ne, %convert_element_type3A_223, %cond3A_224 : i32
        scf.if %cond3A_225 {
          %swap3A_329 = arith.index_cast %scan3A_196 : i32 to index
          %swap3A_330 = tpu.vector_load %arg9[%swap3A_329] masked %and3A_213 {strides = array<i32>} : memref<4112xi32, #tpu.memory_space<vmem>>, vector<16xi32>, vector<16xi1>
          tpu.vector_store %arg9[%swap3A_329], %sub3A_208 masked %and3A_213 {strides = array<i32>} : memref<4112xi32, #tpu.memory_space<vmem>>, vector<16xi32>, vector<16xi1>
          %swap3A_331 = arith.index_cast %scan3A_196 : i32 to index
          %swap3A_332 = tpu.vector_load %arg10[%swap3A_331] masked %and3A_213 {strides = array<i32>} : memref<4112xi32, #tpu.memory_space<vmem>>, vector<16xi32>, vector<16xi1>
          tpu.vector_store %arg10[%swap3A_331], %add3A_221 masked %and3A_213 {strides = array<i32>} : memref<4112xi32, #tpu.memory_space<vmem>>, vector<16xi32>, vector<16xi1>
        } else {
        }
        %add3A_226 = arith.addi %scan3A_196, %reduce_sum3A_217 : i32
        %mul3A_227 = arith.constant 4 : i32
        %mul3A_228 = arith.muli %scan3A_195, %mul3A_227 : i32
        %add3A_229 = arith.constant 1 : i32
        %add3A_230 = arith.addi %mul3A_228, %add3A_229 : i32
        %mul3A_231 = arith.constant 4096 : i32
        %mul3A_232 = arith.muli %select_n3A_61, %mul3A_231 : i32
        %mul3A_233 = arith.constant 16 : i32
        %mul3A_234 = arith.muli %add3A_230, %mul3A_233 : i32
        %add3A_235 = arith.addi %mul3A_232, %mul3A_234 : i32
        %get3A_236 = arith.index_cast %add3A_235 : i32 to index
        %get3A_237 = tpu.vector_load %arg8[%get3A_236] {strides = array<i32>} : memref<8192xi32, #tpu.memory_space<vmem>>, vector<16xi32>,
        %sub3A_238 = vector.broadcast %multiple_of3A_86 : i32 to vector<16xi32>
        %sub3A_239 = arith.subi %get3A_237, %sub3A_238 : vector<16xi32>
        %ge3A_240 = arith.constant 0 : i32
        %ge3A_241 = vector.broadcast %ge3A_240 : i32 to vector<16xi32>
        %ge3A_242 = arith.cmpi sge, %sub3A_239, %ge3A_241 : vector<16xi32>
        %lt3A_243 = vector.broadcast %select_n3A_94 : i32 to vector<16xi32>
        %lt3A_244 = arith.cmpi slt, %sub3A_239, %lt3A_243 : vector<16xi32>
        %and3A_245 = arith.andi %ge3A_242, %lt3A_244 : vector<16xi1>
        %convert_element_type3A_246 = arith.extui %and3A_245 : vector<16xi1> to vector<16xi32>
        %reduce_sum3A_247 = arith.constant true
        %reduce_sum3A_248 = vector.broadcast %reduce_sum3A_247 : i1 to vector<16xi1>
        %reduce_sum3A_249 = tpu.scan <sum>, %convert_element_type3A_246 masked %reduce_sum3A_248 : vector<16xi32>, vector<16xi1> -> vector<16xi32>
        %reduce_sum3A_250 = vector.extract %reduce_sum3A_249[15] : i32 from vector<16xi32>
        %mul3A_251 = arith.constant 16 : i32
        %mul3A_252 = arith.muli %add3A_230, %mul3A_251 : i32
        %add3A_253 = vector.broadcast %mul3A_252 : i32 to vector<16xi32>
        %add3A_254 = arith.addi %add3A_253, %iota3A : vector<16xi32>
        %gt3A_255 = arith.constant 0 : i32
        %gt3A_256 = arith.cmpi sgt, %reduce_sum3A_250, %gt3A_255 : i32
        %convert_element_type3A_257 = arith.extui %gt3A_256 : i1 to i32
        %cond3A_258 = arith.constant 0 : i32
        %cond3A_259 = arith.cmpi ne, %convert_element_type3A_257, %cond3A_258 : i32
        scf.if %cond3A_259 {
          %swap3A_329 = arith.index_cast %add3A_226 : i32 to index
          %swap3A_330 = tpu.vector_load %arg9[%swap3A_329] masked %and3A_245 {strides = array<i32>} : memref<4112xi32, #tpu.memory_space<vmem>>, vector<16xi32>, vector<16xi1>
          tpu.vector_store %arg9[%swap3A_329], %sub3A_239 masked %and3A_245 {strides = array<i32>} : memref<4112xi32, #tpu.memory_space<vmem>>, vector<16xi32>, vector<16xi1>
          %swap3A_331 = arith.index_cast %add3A_226 : i32 to index
          %swap3A_332 = tpu.vector_load %arg10[%swap3A_331] masked %and3A_245 {strides = array<i32>} : memref<4112xi32, #tpu.memory_space<vmem>>, vector<16xi32>, vector<16xi1>
          tpu.vector_store %arg10[%swap3A_331], %add3A_254 masked %and3A_245 {strides = array<i32>} : memref<4112xi32, #tpu.memory_space<vmem>>, vector<16xi32>, vector<16xi1>
        } else {
        }
        %add3A_260 = arith.addi %add3A_226, %reduce_sum3A_250 : i32
        %mul3A_261 = arith.constant 4 : i32
        %mul3A_262 = arith.muli %scan3A_195, %mul3A_261 : i32
        %add3A_263 = arith.constant 2 : i32
        %add3A_264 = arith.addi %mul3A_262, %add3A_263 : i32
        %mul3A_265 = arith.constant 4096 : i32
        %mul3A_266 = arith.muli %select_n3A_61, %mul3A_265 : i32
        %mul3A_267 = arith.constant 16 : i32
        %mul3A_268 = arith.muli %add3A_264, %mul3A_267 : i32
        %add3A_269 = arith.addi %mul3A_266, %mul3A_268 : i32
        %get3A_270 = arith.index_cast %add3A_269 : i32 to index
        %get3A_271 = tpu.vector_load %arg8[%get3A_270] {strides = array<i32>} : memref<8192xi32, #tpu.memory_space<vmem>>, vector<16xi32>,
        %sub3A_272 = vector.broadcast %multiple_of3A_86 : i32 to vector<16xi32>
        %sub3A_273 = arith.subi %get3A_271, %sub3A_272 : vector<16xi32>
        %ge3A_274 = arith.constant 0 : i32
        %ge3A_275 = vector.broadcast %ge3A_274 : i32 to vector<16xi32>
        %ge3A_276 = arith.cmpi sge, %sub3A_273, %ge3A_275 : vector<16xi32>
        %lt3A_277 = vector.broadcast %select_n3A_94 : i32 to vector<16xi32>
        %lt3A_278 = arith.cmpi slt, %sub3A_273, %lt3A_277 : vector<16xi32>
        %and3A_279 = arith.andi %ge3A_276, %lt3A_278 : vector<16xi1>
        %convert_element_type3A_280 = arith.extui %and3A_279 : vector<16xi1> to vector<16xi32>
        %reduce_sum3A_281 = arith.constant true
        %reduce_sum3A_282 = vector.broadcast %reduce_sum3A_281 : i1 to vector<16xi1>
        %reduce_sum3A_283 = tpu.scan <sum>, %convert_element_type3A_280 masked %reduce_sum3A_282 : vector<16xi32>, vector<16xi1> -> vector<16xi32>
        %reduce_sum3A_284 = vector.extract %reduce_sum3A_283[15] : i32 from vector<16xi32>
        %mul3A_285 = arith.constant 16 : i32
        %mul3A_286 = arith.muli %add3A_264, %mul3A_285 : i32
        %add3A_287 = vector.broadcast %mul3A_286 : i32 to vector<16xi32>
        %add3A_288 = arith.addi %add3A_287, %iota3A : vector<16xi32>
        %gt3A_289 = arith.constant 0 : i32
        %gt3A_290 = arith.cmpi sgt, %reduce_sum3A_284, %gt3A_289 : i32
        %convert_element_type3A_291 = arith.extui %gt3A_290 : i1 to i32
        %cond3A_292 = arith.constant 0 : i32
        %cond3A_293 = arith.cmpi ne, %convert_element_type3A_291, %cond3A_292 : i32
        scf.if %cond3A_293 {
          %swap3A_329 = arith.index_cast %add3A_260 : i32 to index
          %swap3A_330 = tpu.vector_load %arg9[%swap3A_329] masked %and3A_279 {strides = array<i32>} : memref<4112xi32, #tpu.memory_space<vmem>>, vector<16xi32>, vector<16xi1>
          tpu.vector_store %arg9[%swap3A_329], %sub3A_273 masked %and3A_279 {strides = array<i32>} : memref<4112xi32, #tpu.memory_space<vmem>>, vector<16xi32>, vector<16xi1>
          %swap3A_331 = arith.index_cast %add3A_260 : i32 to index
          %swap3A_332 = tpu.vector_load %arg10[%swap3A_331] masked %and3A_279 {strides = array<i32>} : memref<4112xi32, #tpu.memory_space<vmem>>, vector<16xi32>, vector<16xi1>
          tpu.vector_store %arg10[%swap3A_331], %add3A_288 masked %and3A_279 {strides = array<i32>} : memref<4112xi32, #tpu.memory_space<vmem>>, vector<16xi32>, vector<16xi1>
        } else {
        }
        %add3A_294 = arith.addi %add3A_260, %reduce_sum3A_284 : i32
        %mul3A_295 = arith.constant 4 : i32
        %mul3A_296 = arith.muli %scan3A_195, %mul3A_295 : i32
        %add3A_297 = arith.constant 3 : i32
        %add3A_298 = arith.addi %mul3A_296, %add3A_297 : i32
        %mul3A_299 = arith.constant 4096 : i32
        %mul3A_300 = arith.muli %select_n3A_61, %mul3A_299 : i32
        %mul3A_301 = arith.constant 16 : i32
        %mul3A_302 = arith.muli %add3A_298, %mul3A_301 : i32
        %add3A_303 = arith.addi %mul3A_300, %mul3A_302 : i32
        %get3A_304 = arith.index_cast %add3A_303 : i32 to index
        %get3A_305 = tpu.vector_load %arg8[%get3A_304] {strides = array<i32>} : memref<8192xi32, #tpu.memory_space<vmem>>, vector<16xi32>,
        %sub3A_306 = vector.broadcast %multiple_of3A_86 : i32 to vector<16xi32>
        %sub3A_307 = arith.subi %get3A_305, %sub3A_306 : vector<16xi32>
        %ge3A_308 = arith.constant 0 : i32
        %ge3A_309 = vector.broadcast %ge3A_308 : i32 to vector<16xi32>
        %ge3A_310 = arith.cmpi sge, %sub3A_307, %ge3A_309 : vector<16xi32>
        %lt3A_311 = vector.broadcast %select_n3A_94 : i32 to vector<16xi32>
        %lt3A_312 = arith.cmpi slt, %sub3A_307, %lt3A_311 : vector<16xi32>
        %and3A_313 = arith.andi %ge3A_310, %lt3A_312 : vector<16xi1>
        %convert_element_type3A_314 = arith.extui %and3A_313 : vector<16xi1> to vector<16xi32>
        %reduce_sum3A_315 = arith.constant true
        %reduce_sum3A_316 = vector.broadcast %reduce_sum3A_315 : i1 to vector<16xi1>
        %reduce_sum3A_317 = tpu.scan <sum>, %convert_element_type3A_314 masked %reduce_sum3A_316 : vector<16xi32>, vector<16xi1> -> vector<16xi32>
        %reduce_sum3A_318 = vector.extract %reduce_sum3A_317[15] : i32 from vector<16xi32>
        %mul3A_319 = arith.constant 16 : i32
        %mul3A_320 = arith.muli %add3A_298, %mul3A_319 : i32
        %add3A_321 = vector.broadcast %mul3A_320 : i32 to vector<16xi32>
        %add3A_322 = arith.addi %add3A_321, %iota3A : vector<16xi32>
        %gt3A_323 = arith.constant 0 : i32
        %gt3A_324 = arith.cmpi sgt, %reduce_sum3A_318, %gt3A_323 : i32
        %convert_element_type3A_325 = arith.extui %gt3A_324 : i1 to i32
        %cond3A_326 = arith.constant 0 : i32
        %cond3A_327 = arith.cmpi ne, %convert_element_type3A_325, %cond3A_326 : i32
        scf.if %cond3A_327 {
          %swap3A_329 = arith.index_cast %add3A_294 : i32 to index
          %swap3A_330 = tpu.vector_load %arg9[%swap3A_329] masked %and3A_313 {strides = array<i32>} : memref<4112xi32, #tpu.memory_space<vmem>>, vector<16xi32>, vector<16xi1>
          tpu.vector_store %arg9[%swap3A_329], %sub3A_307 masked %and3A_313 {strides = array<i32>} : memref<4112xi32, #tpu.memory_space<vmem>>, vector<16xi32>, vector<16xi1>
          %swap3A_331 = arith.index_cast %add3A_294 : i32 to index
          %swap3A_332 = tpu.vector_load %arg10[%swap3A_331] masked %and3A_313 {strides = array<i32>} : memref<4112xi32, #tpu.memory_space<vmem>>, vector<16xi32>, vector<16xi1>
          tpu.vector_store %arg10[%swap3A_331], %add3A_322 masked %and3A_313 {strides = array<i32>} : memref<4112xi32, #tpu.memory_space<vmem>>, vector<16xi32>, vector<16xi1>
        } else {
        }
        %add3A_328 = arith.addi %add3A_294, %reduce_sum3A_318 : i32
        scf.yield %add3A_328 : i32
      }
      %scan3A_108 = arith.constant 64 : i32
      %lt3A_109 = arith.constant 12 : i32
      %lt3A_110 = arith.cmpi slt, %scan3A_42, %lt3A_109 : i32
      %convert_element_type3A_111 = arith.extui %lt3A_110 : i1 to i32
      %cond3A_112 = arith.constant 0 : i32
      %cond3A_113 = arith.cmpi ne, %convert_element_type3A_111, %cond3A_112 : i32
      scf.if %cond3A_113 {
        %add3A_195 = arith.constant 1 : i32
        %add3A_196 = arith.addi %add3A_45, %add3A_195 : i32
        %sub3A_197 = arith.constant 1 : i32
        %sub3A_198 = arith.subi %sub3A_197, %select_n3A_61 : i32
        %mul3A_199 = arith.constant 4096 : i32
        %mul3A_200 = arith.muli %add3A_196, %mul3A_199 : i32
        %mul3A_201 = arith.constant 4096 : i32
        %mul3A_202 = arith.muli %sub3A_198, %mul3A_201 : i32
        %dma_start3A_203 = tpu.memref_slice %arg8[%mul3A_202] : memref<8192xi32, #tpu.memory_space<vmem>> -> memref<4096xi32, #tpu.memory_space<vmem>>
        %dma_start3A_204 = tpu.memref_slice %arg3[%mul3A_200] : memref<106496xi32, #tpu.memory_space<hbm>> -> memref<4096xi32, #tpu.memory_space<hbm>>
        %dma_start3A_205 = tpu.memref_slice %arg8[%mul3A_202] : memref<8192xi32, #tpu.memory_space<vmem>> -> memref<4096xi32, #tpu.memory_space<vmem>>
        %dma_start3A_206 = tpu.memref_slice %arg3[%mul3A_200] : memref<106496xi32, #tpu.memory_space<hbm>> -> memref<4096xi32, #tpu.memory_space<hbm>>
        tpu.enqueue_dma source(%dma_start3A_206 : memref<4096xi32, #tpu.memory_space<hbm>>) target(%dma_start3A_205 : memref<4096xi32, #tpu.memory_space<vmem>>) target_semaphore(%arg16 : memref<!tpu.dma_semaphore, #tpu.memory_space<semaphore_mem>>)
      } else {
      }
      %dma_wait3A_114 = arith.constant 0 : i32
      %dma_wait3A_115 = arith.constant 0 : i32
      %dma_wait3A_116 = tpu.memref_slice %arg2[%dma_wait3A_114, %dma_wait3A_115] : memref<16x2600000xf32, #tpu.memory_space<hbm>> -> memref<16x3200xf32, #tpu.memory_space<hbm>>
      %dma_wait3A_117 = arith.constant 0 : i32
      %dma_wait3A_118 = arith.constant 0 : i32
      %dma_wait3A_119 = tpu.memref_slice %arg2[%dma_wait3A_117, %dma_wait3A_118] : memref<16x2600000xf32, #tpu.memory_space<hbm>> -> memref<16x3200xf32, #tpu.memory_space<hbm>>
      tpu.wait_dma2 semaphore(%arg14 : memref<!tpu.dma_semaphore, #tpu.memory_space<semaphore_mem>>) src(%dma_wait3A_119 : memref<16x3200xf32, #tpu.memory_space<hbm>>) dst(%arg5 : memref<16x3200xf32, #tpu.memory_space<vmem>>)
      %not3A_120 = arith.constant true
      %not3A_121 = arith.xori %and3A_91, %not3A_120 : i1
      %convert_element_type3A_122 = arith.extui %not3A_121 : i1 to i32
      %cond3A_123 = arith.constant 0 : i32
      %cond3A_124 = arith.cmpi ne, %convert_element_type3A_122, %cond3A_123 : i32
      scf.if %cond3A_124 {
        %dma_wait3A_195 = arith.constant 0 : i32
        %dma_wait3A_196 = arith.constant 0 : i32
        %dma_wait3A_197 = tpu.memref_slice %arg2[%dma_wait3A_195, %dma_wait3A_196] : memref<16x2600000xf32, #tpu.memory_space<hbm>> -> memref<16x3072xf32, #tpu.memory_space<hbm>>
        %dma_wait3A_198 = arith.constant 0 : i32
        %dma_wait3A_199 = arith.constant 0 : i32
        %dma_wait3A_200 = tpu.memref_slice %arg2[%dma_wait3A_198, %dma_wait3A_199] : memref<16x2600000xf32, #tpu.memory_space<hbm>> -> memref<16x3072xf32, #tpu.memory_space<hbm>>
        tpu.wait_dma2 semaphore(%arg15 : memref<!tpu.dma_semaphore, #tpu.memory_space<semaphore_mem>>) src(%dma_wait3A_200 : memref<16x3072xf32, #tpu.memory_space<hbm>>) dst(%arg6 : memref<16x3072xf32, #tpu.memory_space<vmem>>)
      } else {
      }
      %convert_element_type3A_125 = arith.extui %and3A_91 : i1 to i32
      %cond3A_126 = arith.constant 0 : i32
      %cond3A_127 = arith.cmpi ne, %convert_element_type3A_125, %cond3A_126 : i32
      scf.if %cond3A_127 {
        %dma_wait3A_195 = arith.constant 0 : i32
        %dma_wait3A_196 = arith.constant 0 : i32
        %dma_wait3A_197 = tpu.memref_slice %arg6[%dma_wait3A_195, %dma_wait3A_196] : memref<16x3072xf32, #tpu.memory_space<vmem>> -> memref<16x2688xf32, #tpu.memory_space<vmem>>
        %dma_wait3A_198 = arith.constant 0 : i32
        %dma_wait3A_199 = arith.constant 0 : i32
        %dma_wait3A_200 = tpu.memref_slice %arg2[%dma_wait3A_198, %dma_wait3A_199] : memref<16x2600000xf32, #tpu.memory_space<hbm>> -> memref<16x2688xf32, #tpu.memory_space<hbm>>
        %dma_wait3A_201 = arith.constant 0 : i32
        %dma_wait3A_202 = arith.constant 0 : i32
        %dma_wait3A_203 = tpu.memref_slice %arg6[%dma_wait3A_201, %dma_wait3A_202] : memref<16x3072xf32, #tpu.memory_space<vmem>> -> memref<16x2688xf32, #tpu.memory_space<vmem>>
        %dma_wait3A_204 = arith.constant 0 : i32
        %dma_wait3A_205 = arith.constant 0 : i32
        %dma_wait3A_206 = tpu.memref_slice %arg2[%dma_wait3A_204, %dma_wait3A_205] : memref<16x2600000xf32, #tpu.memory_space<hbm>> -> memref<16x2688xf32, #tpu.memory_space<hbm>>
        tpu.wait_dma2 semaphore(%arg15 : memref<!tpu.dma_semaphore, #tpu.memory_space<semaphore_mem>>) src(%dma_wait3A_206 : memref<16x2688xf32, #tpu.memory_space<hbm>>) dst(%dma_wait3A_203 : memref<16x2688xf32, #tpu.memory_space<vmem>>)
      } else {
      }
      %broadcast_in_dim3A = arith.constant 0 : i32
      %broadcast_in_dim3A_128 = vector.broadcast %broadcast_in_dim3A : i32 to vector<16xi32>
      %swap3A = arith.index_cast %scan3A_107 : i32 to index
      %swap3A_129 = tpu.vector_load %arg9[%swap3A] {strides = array<i32>} : memref<4112xi32, #tpu.memory_space<vmem>>, vector<16xi32>,
      tpu.vector_store %arg9[%swap3A], %broadcast_in_dim3A_128 {strides = array<i32>} : memref<4112xi32, #tpu.memory_space<vmem>>, vector<16xi32>,
      %broadcast_in_dim3A_130 = arith.constant 4096 : i32
      %broadcast_in_dim3A_131 = vector.broadcast %broadcast_in_dim3A_130 : i32 to vector<16xi32>
      %swap3A_132 = arith.index_cast %scan3A_107 : i32 to index
      %swap3A_133 = tpu.vector_load %arg10[%swap3A_132] {strides = array<i32>} : memref<4112xi32, #tpu.memory_space<vmem>>, vector<16xi32>,
      tpu.vector_store %arg10[%swap3A_132], %broadcast_in_dim3A_131 {strides = array<i32>} : memref<4112xi32, #tpu.memory_space<vmem>>, vector<16xi32>,
      %add3A_134 = arith.constant 15 : i32
      %add3A_135 = arith.addi %scan3A_107, %add3A_134 : i32
      %jit3A_136 = arith.constant 16 : i32
      %div3A = arith.divsi %add3A_135, %jit3A_136 : i32
      %sign3A = arith.constant 0 : i32
      %sign3A_137 = arith.cmpi sgt, %add3A_135, %sign3A : i32
      %sign3A_138 = arith.extui %sign3A_137 : i1 to i32
      %sign3A_139 = arith.constant 0 : i32
      %sign3A_140 = arith.cmpi slt, %add3A_135, %sign3A_139 : i32
      %sign3A_141 = arith.extui %sign3A_140 : i1 to i32
      %sign3A_142 = arith.subi %sign3A_138, %sign3A_141 : i32
      %sign3A_143 = arith.constant 0 : i32
      %sign3A_144 = arith.cmpi sgt, %jit3A_136, %sign3A_143 : i32
      %sign3A_145 = arith.extui %sign3A_144 : i1 to i32
      %sign3A_146 = arith.constant 0 : i32
      %sign3A_147 = arith.cmpi slt, %jit3A_136, %sign3A_146 : i32
      %sign3A_148 = arith.extui %sign3A_147 : i1 to i32
      %sign3A_149 = arith.subi %sign3A_145, %sign3A_148 : i32
      %ne3A_150 = arith.cmpi ne, %sign3A_142, %sign3A_149 : i32
      %rem3A_151 = arith.remsi %add3A_135, %jit3A_136 : i32
      %ne3A_152 = arith.constant 0 : i32
      %ne3A_153 = arith.cmpi ne, %rem3A_151, %ne3A_152 : i32
      %and3A_154 = arith.andi %ne3A_150, %ne3A_153 : i1
      %sub3A_155 = arith.constant 1 : i32
      %sub3A_156 = arith.subi %div3A, %sub3A_155 : i32
      %select_n3A_157 = arith.select %and3A_154, %sub3A_156, %div3A : i32
      %while3A = arith.constant 0 : i32
      %while3A_158 = arith.constant 0 : i32
      %while3A_159 = arith.subi %select_n3A_157, %while3A_158 : i32
      %while3A_160 = arith.addi %while3A_158, %while3A_159 : i32
      %while3A_161 = arith.constant 1 : i32
      %while3A_162 = arith.divsi %while3A_159, %while3A_161 : i32
      %while3A_163 = arith.muli %while3A_162, %while3A_161 : i32
      %while3A_164 = arith.addi %while3A_158, %while3A_163 : i32
      %while3A_165 = arith.constant 1 : i32
      scf.for %while3A_195 = %while3A_158 to %while3A_164 step %while3A_165  : i32 {
        %jit3A_196 = arith.constant 2 : i32
        %eq3A_197 = arith.constant 0 : i32
        %eq3A_198 = arith.cmpi eq, %jit3A_196, %eq3A_197 : i32
        %jit3A_199 = arith.constant 1 : i32
        %select_n3A_200 = arith.select %eq3A_198, %jit3A_199, %jit3A_196 : i32
        %rem3A_201 = arith.remsi %while3A_195, %select_n3A_200 : i32
        %ne3A_202 = arith.constant 0 : i32
        %ne3A_203 = arith.cmpi ne, %rem3A_201, %ne3A_202 : i32
        %lt3A_204 = arith.constant 0 : i32
        %lt3A_205 = arith.cmpi slt, %rem3A_201, %lt3A_204 : i32
        %lt3A_206 = arith.constant 0 : i32
        %lt3A_207 = arith.cmpi slt, %select_n3A_200, %lt3A_206 : i32
        %ne3A_208 = arith.xori %lt3A_205, %lt3A_207 : i1
        %and3A_209 = arith.andi %ne3A_208, %ne3A_203 : i1
        %add3A_210 = arith.addi %rem3A_201, %select_n3A_200 : i32
        %select_n3A_211 = arith.select %and3A_209, %add3A_210, %rem3A_201 : i32
        %mul3A_212 = arith.constant 256 : i32
        %mul3A_213 = arith.muli %select_n3A_211, %mul3A_212 : i32
        %jit3A_214 = arith.constant 2 : i32
        %eq3A_215 = arith.constant 0 : i32
        %eq3A_216 = arith.cmpi eq, %jit3A_214, %eq3A_215 : i32
        %jit3A_217 = arith.constant 1 : i32
        %select_n3A_218 = arith.select %eq3A_216, %jit3A_217, %jit3A_214 : i32
        %rem3A_219 = arith.remsi %while3A_195, %select_n3A_218 : i32
        %ne3A_220 = arith.constant 0 : i32
        %ne3A_221 = arith.cmpi ne, %rem3A_219, %ne3A_220 : i32
        %lt3A_222 = arith.constant 0 : i32
        %lt3A_223 = arith.cmpi slt, %rem3A_219, %lt3A_222 : i32
        %lt3A_224 = arith.constant 0 : i32
        %lt3A_225 = arith.cmpi slt, %select_n3A_218, %lt3A_224 : i32
        %ne3A_226 = arith.xori %lt3A_223, %lt3A_225 : i1
        %and3A_227 = arith.andi %ne3A_226, %ne3A_221 : i1
        %add3A_228 = arith.addi %rem3A_219, %select_n3A_218 : i32
        %select_n3A_229 = arith.select %and3A_227, %add3A_228, %rem3A_219 : i32
        %mul3A_230 = arith.constant 2 : i32
        %mul3A_231 = arith.muli %select_n3A_229, %mul3A_230 : i32
        %mul3A_232 = arith.constant 16 : i32
        %mul3A_233 = arith.muli %while3A_195, %mul3A_232 : i32
        %get3A = arith.index_cast %mul3A_233 : i32 to index
        %get3A_234 = tpu.vector_load %arg9[%get3A] {strides = array<i32>} : memref<4112xi32, #tpu.memory_space<vmem>>, vector<16xi32>,
        %mul3A_235 = arith.constant 16 : i32
        %mul3A_236 = arith.muli %while3A_195, %mul3A_235 : i32
        %get3A_237 = arith.index_cast %mul3A_236 : i32 to index
        %get3A_238 = tpu.vector_load %arg10[%get3A_237] {strides = array<i32>} : memref<4112xi32, #tpu.memory_space<vmem>>, vector<16xi32>,
        %ge3A = arith.constant 4096 : i32
        %ge3A_239 = vector.broadcast %ge3A : i32 to vector<16xi32>
        %ge3A_240 = arith.cmpi sge, %get3A_238, %ge3A_239 : vector<16xi32>
        %lt3A_241 = arith.constant 3200 : i32
        %lt3A_242 = vector.broadcast %lt3A_241 : i32 to vector<16xi32>
        %lt3A_243 = arith.cmpi slt, %get3A_234, %lt3A_242 : vector<16xi32>
        %min3A = arith.constant 3199 : i32
        %min3A_244 = vector.broadcast %min3A : i32 to vector<16xi32>
        %min3A_245 = arith.minsi %get3A_234, %min3A_244 : vector<16xi32>
        %sub3A_246 = arith.constant 3200 : i32
        %sub3A_247 = vector.broadcast %sub3A_246 : i32 to vector<16xi32>
        %sub3A_248 = arith.subi %get3A_234, %sub3A_247 : vector<16xi32>
        %max3A_249 = arith.constant 0 : i32
        %max3A_250 = vector.broadcast %max3A_249 : i32 to vector<16xi32>
        %max3A_251 = arith.maxsi %sub3A_248, %max3A_250 : vector<16xi32>
        %shift_right_arithmetic3A = arith.constant 7 : i32
        %shift_right_arithmetic3A_252 = vector.broadcast %shift_right_arithmetic3A : i32 to vector<16xi32>
        %shift_right_arithmetic3A_253 = arith.shrsi %get3A_238, %shift_right_arithmetic3A_252 : vector<16xi32>
        %shift_left3A = arith.constant 10 : i32
        %shift_left3A_254 = vector.broadcast %shift_left3A : i32 to vector<16xi32>
        %shift_left3A_255 = arith.shli %shift_right_arithmetic3A_253, %shift_left3A_254 : vector<16xi32>
        %and3A_256 = arith.constant 127 : i32
        %and3A_257 = vector.broadcast %and3A_256 : i32 to vector<16xi32>
        %and3A_258 = arith.andi %get3A_238, %and3A_257 : vector<16xi32>
        %add3A_259 = arith.addi %shift_left3A_255, %and3A_258 : vector<16xi32>
        %ge3A_260 = arith.constant 2 : i32
        %ge3A_261 = arith.cmpi sge, %while3A_195, %ge3A_260 : i32
        %convert_element_type3A_262 = arith.extui %ge3A_261 : i1 to i32
        %cond3A_263 = arith.constant 0 : i32
        %cond3A_264 = arith.cmpi ne, %convert_element_type3A_262, %cond3A_263 : i32
        scf.if %cond3A_264 {
          %dma_wait3A_664 = tpu.memref_slice %arg11[%mul3A_213] : memref<512xf32, #tpu.memory_space<vmem>> -> memref<128xf32, #tpu.memory_space<vmem>>
          %dma_wait3A_665 = arith.constant 0 : i32
          %dma_wait3A_666 = tpu.memref_slice %arg12[%mul3A_231, %dma_wait3A_665] : memref<4x128xi32, #tpu.memory_space<vmem>> -> memref<1x128xi32, #tpu.memory_space<vmem>>
          %dma_wait3A_667 = tpu.memref_squeeze %dma_wait3A_666 : memref<1x128xi32, #tpu.memory_space<vmem>> -> memref<128xi32, #tpu.memory_space<vmem>>
          %dma_wait3A_668 = arith.constant 0 : i32
          %dma_wait3A_669 = tpu.memref_slice %arg13[%dma_wait3A_668] : memref<65664xf32, #tpu.memory_space<vmem_shared>> -> memref<65664xf32, #tpu.memory_space<vmem_shared>>
          tpu.wait_indirect_dma semaphore(%arg17 : memref<!tpu.dma_semaphore, #tpu.memory_space<semaphore_mem>>) src(%dma_wait3A_664 : memref<128xf32, #tpu.memory_space<vmem>>) dst(%dma_wait3A_669 : memref<65664xf32, #tpu.memory_space<vmem_shared>>)
          %add3A_670 = arith.constant 128 : i32
          %add3A_671 = arith.addi %mul3A_213, %add3A_670 : i32
          %add3A_672 = arith.constant 1 : i32
          %add3A_673 = arith.addi %mul3A_231, %add3A_672 : i32
          %dma_wait3A_674 = tpu.memref_slice %arg11[%add3A_671] : memref<512xf32, #tpu.memory_space<vmem>> -> memref<128xf32, #tpu.memory_space<vmem>>
          %dma_wait3A_675 = arith.constant 0 : i32
          %dma_wait3A_676 = tpu.memref_slice %arg12[%add3A_673, %dma_wait3A_675] : memref<4x128xi32, #tpu.memory_space<vmem>> -> memref<1x128xi32, #tpu.memory_space<vmem>>
          %dma_wait3A_677 = tpu.memref_squeeze %dma_wait3A_676 : memref<1x128xi32, #tpu.memory_space<vmem>> -> memref<128xi32, #tpu.memory_space<vmem>>
          %dma_wait3A_678 = arith.constant 0 : i32
          %dma_wait3A_679 = tpu.memref_slice %arg13[%dma_wait3A_678] : memref<65664xf32, #tpu.memory_space<vmem_shared>> -> memref<65664xf32, #tpu.memory_space<vmem_shared>>
          tpu.wait_indirect_dma semaphore(%arg17 : memref<!tpu.dma_semaphore, #tpu.memory_space<semaphore_mem>>) src(%dma_wait3A_674 : memref<128xf32, #tpu.memory_space<vmem>>) dst(%dma_wait3A_679 : memref<65664xf32, #tpu.memory_space<vmem_shared>>)
        } else {
        }
        %broadcast_in_dim3A_265 = arith.constant 0 : i32
        %broadcast_in_dim3A_266 = vector.broadcast %broadcast_in_dim3A_265 : i32 to vector<16xi32>
        %gather3A = tpu.vector_load_idx %arg5[%broadcast_in_dim3A_266, %min3A_245] : memref<16x3200xf32, #tpu.memory_space<vmem>>[vector<16xi32>, vector<16xi32>], vector<16xf32>,
        %gather3A_267 = tpu.vector_load_idx %arg6[%broadcast_in_dim3A_266, %max3A_251] : memref<16x3072xf32, #tpu.memory_space<vmem>>[vector<16xi32>, vector<16xi32>], vector<16xf32>,
        %select_n3A_268 = arith.select %lt3A_243, %gather3A, %gather3A_267 : vector<16xi1>, vector<16xf32>
        %add3A_269 = arith.constant 65536 : i32
        %add3A_270 = vector.broadcast %add3A_269 : i32 to vector<16xi32>
        %add3A_271 = arith.addi %add3A_270, %iota3A : vector<16xi32>
        %add3A_272 = arith.constant 0 : i32
        %add3A_273 = vector.broadcast %add3A_272 : i32 to vector<16xi32>
        %add3A_274 = arith.addi %add3A_259, %add3A_273 : vector<16xi32>
        %select_n3A_275 = arith.select %ge3A_240, %add3A_271, %add3A_274 : vector<16xi1>, vector<16xi32>
        %add3A_276 = arith.constant 0 : i32
        %add3A_277 = arith.addi %mul3A_213, %add3A_276 : i32
        %swap3A_278 = arith.index_cast %add3A_277 : i32 to index
        %swap3A_279 = tpu.vector_load %arg11[%swap3A_278] {strides = array<i32>} : memref<512xf32, #tpu.memory_space<vmem>>, vector<16xf32>,
        tpu.vector_store %arg11[%swap3A_278], %select_n3A_268 {strides = array<i32>} : memref<512xf32, #tpu.memory_space<vmem>>, vector<16xf32>,
        %add3A_280 = arith.constant 0 : i32
        %add3A_281 = vector.broadcast %add3A_280 : i32 to vector<16xi32>
        %add3A_282 = arith.addi %select_n3A_275, %add3A_281 : vector<16xi32>
        %add3A_283 = arith.constant 0 : i32
        %add3A_284 = arith.addi %mul3A_231, %add3A_283 : i32
        %swap3A_285 = arith.index_cast %add3A_284 : i32 to index
        %swap3A_286 = arith.constant 0 : index
        %swap3A_287 = tpu.vector_load %arg12[%swap3A_285, %swap3A_286] {strides = array<i32>} : memref<4x128xi32, #tpu.memory_space<vmem>>, vector<16xi32>,
        tpu.vector_store %arg12[%swap3A_285, %swap3A_286], %add3A_282 {strides = array<i32>} : memref<4x128xi32, #tpu.memory_space<vmem>>, vector<16xi32>,
        %broadcast_in_dim3A_288 = arith.constant 1 : i32
        %broadcast_in_dim3A_289 = vector.broadcast %broadcast_in_dim3A_288 : i32 to vector<16xi32>
        %gather3A_290 = tpu.vector_load_idx %arg5[%broadcast_in_dim3A_289, %min3A_245] : memref<16x3200xf32, #tpu.memory_space<vmem>>[vector<16xi32>, vector<16xi32>], vector<16xf32>,
        %gather3A_291 = tpu.vector_load_idx %arg6[%broadcast_in_dim3A_289, %max3A_251] : memref<16x3072xf32, #tpu.memory_space<vmem>>[vector<16xi32>, vector<16xi32>], vector<16xf32>,
        %select_n3A_292 = arith.select %lt3A_243, %gather3A_290, %gather3A_291 : vector<16xi1>, vector<16xf32>
        %add3A_293 = arith.constant 65552 : i32
        %add3A_294 = vector.broadcast %add3A_293 : i32 to vector<16xi32>
        %add3A_295 = arith.addi %add3A_294, %iota3A : vector<16xi32>
        %add3A_296 = arith.constant 128 : i32
        %add3A_297 = vector.broadcast %add3A_296 : i32 to vector<16xi32>
        %add3A_298 = arith.addi %add3A_259, %add3A_297 : vector<16xi32>
        %select_n3A_299 = arith.select %ge3A_240, %add3A_295, %add3A_298 : vector<16xi1>, vector<16xi32>
        %add3A_300 = arith.constant 16 : i32
        %add3A_301 = arith.addi %mul3A_213, %add3A_300 : i32
        %swap3A_302 = arith.index_cast %add3A_301 : i32 to index
        %swap3A_303 = tpu.vector_load %arg11[%swap3A_302] {strides = array<i32>} : memref<512xf32, #tpu.memory_space<vmem>>, vector<16xf32>,
        tpu.vector_store %arg11[%swap3A_302], %select_n3A_292 {strides = array<i32>} : memref<512xf32, #tpu.memory_space<vmem>>, vector<16xf32>,
        %add3A_304 = arith.constant 0 : i32
        %add3A_305 = vector.broadcast %add3A_304 : i32 to vector<16xi32>
        %add3A_306 = arith.addi %select_n3A_299, %add3A_305 : vector<16xi32>
        %add3A_307 = arith.constant 0 : i32
        %add3A_308 = arith.addi %mul3A_231, %add3A_307 : i32
        %swap3A_309 = arith.index_cast %add3A_308 : i32 to index
        %swap3A_310 = arith.constant 16 : index
        %swap3A_311 = tpu.vector_load %arg12[%swap3A_309, %swap3A_310] {strides = array<i32>} : memref<4x128xi32, #tpu.memory_space<vmem>>, vector<16xi32>,
        tpu.vector_store %arg12[%swap3A_309, %swap3A_310], %add3A_306 {strides = array<i32>} : memref<4x128xi32, #tpu.memory_space<vmem>>, vector<16xi32>,
        %broadcast_in_dim3A_312 = arith.constant 2 : i32
        %broadcast_in_dim3A_313 = vector.broadcast %broadcast_in_dim3A_312 : i32 to vector<16xi32>
        %gather3A_314 = tpu.vector_load_idx %arg5[%broadcast_in_dim3A_313, %min3A_245] : memref<16x3200xf32, #tpu.memory_space<vmem>>[vector<16xi32>, vector<16xi32>], vector<16xf32>,
        %gather3A_315 = tpu.vector_load_idx %arg6[%broadcast_in_dim3A_313, %max3A_251] : memref<16x3072xf32, #tpu.memory_space<vmem>>[vector<16xi32>, vector<16xi32>], vector<16xf32>,
        %select_n3A_316 = arith.select %lt3A_243, %gather3A_314, %gather3A_315 : vector<16xi1>, vector<16xf32>
        %add3A_317 = arith.constant 65568 : i32
        %add3A_318 = vector.broadcast %add3A_317 : i32 to vector<16xi32>
        %add3A_319 = arith.addi %add3A_318, %iota3A : vector<16xi32>
        %add3A_320 = arith.constant 256 : i32
        %add3A_321 = vector.broadcast %add3A_320 : i32 to vector<16xi32>
        %add3A_322 = arith.addi %add3A_259, %add3A_321 : vector<16xi32>
        %select_n3A_323 = arith.select %ge3A_240, %add3A_319, %add3A_322 : vector<16xi1>, vector<16xi32>
        %add3A_324 = arith.constant 32 : i32
        %add3A_325 = arith.addi %mul3A_213, %add3A_324 : i32
        %swap3A_326 = arith.index_cast %add3A_325 : i32 to index
        %swap3A_327 = tpu.vector_load %arg11[%swap3A_326] {strides = array<i32>} : memref<512xf32, #tpu.memory_space<vmem>>, vector<16xf32>,
        tpu.vector_store %arg11[%swap3A_326], %select_n3A_316 {strides = array<i32>} : memref<512xf32, #tpu.memory_space<vmem>>, vector<16xf32>,
        %add3A_328 = arith.constant 0 : i32
        %add3A_329 = vector.broadcast %add3A_328 : i32 to vector<16xi32>
        %add3A_330 = arith.addi %select_n3A_323, %add3A_329 : vector<16xi32>
        %add3A_331 = arith.constant 0 : i32
        %add3A_332 = arith.addi %mul3A_231, %add3A_331 : i32
        %swap3A_333 = arith.index_cast %add3A_332 : i32 to index
        %swap3A_334 = arith.constant 32 : index
        %swap3A_335 = tpu.vector_load %arg12[%swap3A_333, %swap3A_334] {strides = array<i32>} : memref<4x128xi32, #tpu.memory_space<vmem>>, vector<16xi32>,
        tpu.vector_store %arg12[%swap3A_333, %swap3A_334], %add3A_330 {strides = array<i32>} : memref<4x128xi32, #tpu.memory_space<vmem>>, vector<16xi32>,
        %broadcast_in_dim3A_336 = arith.constant 3 : i32
        %broadcast_in_dim3A_337 = vector.broadcast %broadcast_in_dim3A_336 : i32 to vector<16xi32>
        %gather3A_338 = tpu.vector_load_idx %arg5[%broadcast_in_dim3A_337, %min3A_245] : memref<16x3200xf32, #tpu.memory_space<vmem>>[vector<16xi32>, vector<16xi32>], vector<16xf32>,
        %gather3A_339 = tpu.vector_load_idx %arg6[%broadcast_in_dim3A_337, %max3A_251] : memref<16x3072xf32, #tpu.memory_space<vmem>>[vector<16xi32>, vector<16xi32>], vector<16xf32>,
        %select_n3A_340 = arith.select %lt3A_243, %gather3A_338, %gather3A_339 : vector<16xi1>, vector<16xf32>
        %add3A_341 = arith.constant 65584 : i32
        %add3A_342 = vector.broadcast %add3A_341 : i32 to vector<16xi32>
        %add3A_343 = arith.addi %add3A_342, %iota3A : vector<16xi32>
        %add3A_344 = arith.constant 384 : i32
        %add3A_345 = vector.broadcast %add3A_344 : i32 to vector<16xi32>
        %add3A_346 = arith.addi %add3A_259, %add3A_345 : vector<16xi32>
        %select_n3A_347 = arith.select %ge3A_240, %add3A_343, %add3A_346 : vector<16xi1>, vector<16xi32>
        %add3A_348 = arith.constant 48 : i32
        %add3A_349 = arith.addi %mul3A_213, %add3A_348 : i32
        %swap3A_350 = arith.index_cast %add3A_349 : i32 to index
        %swap3A_351 = tpu.vector_load %arg11[%swap3A_350] {strides = array<i32>} : memref<512xf32, #tpu.memory_space<vmem>>, vector<16xf32>,
        tpu.vector_store %arg11[%swap3A_350], %select_n3A_340 {strides = array<i32>} : memref<512xf32, #tpu.memory_space<vmem>>, vector<16xf32>,
        %add3A_352 = arith.constant 0 : i32
        %add3A_353 = vector.broadcast %add3A_352 : i32 to vector<16xi32>
        %add3A_354 = arith.addi %select_n3A_347, %add3A_353 : vector<16xi32>
        %add3A_355 = arith.constant 0 : i32
        %add3A_356 = arith.addi %mul3A_231, %add3A_355 : i32
        %swap3A_357 = arith.index_cast %add3A_356 : i32 to index
        %swap3A_358 = arith.constant 48 : index
        %swap3A_359 = tpu.vector_load %arg12[%swap3A_357, %swap3A_358] {strides = array<i32>} : memref<4x128xi32, #tpu.memory_space<vmem>>, vector<16xi32>,
        tpu.vector_store %arg12[%swap3A_357, %swap3A_358], %add3A_354 {strides = array<i32>} : memref<4x128xi32, #tpu.memory_space<vmem>>, vector<16xi32>,
        %broadcast_in_dim3A_360 = arith.constant 4 : i32
        %broadcast_in_dim3A_361 = vector.broadcast %broadcast_in_dim3A_360 : i32 to vector<16xi32>
        %gather3A_362 = tpu.vector_load_idx %arg5[%broadcast_in_dim3A_361, %min3A_245] : memref<16x3200xf32, #tpu.memory_space<vmem>>[vector<16xi32>, vector<16xi32>], vector<16xf32>,
        %gather3A_363 = tpu.vector_load_idx %arg6[%broadcast_in_dim3A_361, %max3A_251] : memref<16x3072xf32, #tpu.memory_space<vmem>>[vector<16xi32>, vector<16xi32>], vector<16xf32>,
        %select_n3A_364 = arith.select %lt3A_243, %gather3A_362, %gather3A_363 : vector<16xi1>, vector<16xf32>
        %add3A_365 = arith.constant 65600 : i32
        %add3A_366 = vector.broadcast %add3A_365 : i32 to vector<16xi32>
        %add3A_367 = arith.addi %add3A_366, %iota3A : vector<16xi32>
        %add3A_368 = arith.constant 512 : i32
        %add3A_369 = vector.broadcast %add3A_368 : i32 to vector<16xi32>
        %add3A_370 = arith.addi %add3A_259, %add3A_369 : vector<16xi32>
        %select_n3A_371 = arith.select %ge3A_240, %add3A_367, %add3A_370 : vector<16xi1>, vector<16xi32>
        %add3A_372 = arith.constant 64 : i32
        %add3A_373 = arith.addi %mul3A_213, %add3A_372 : i32
        %swap3A_374 = arith.index_cast %add3A_373 : i32 to index
        %swap3A_375 = tpu.vector_load %arg11[%swap3A_374] {strides = array<i32>} : memref<512xf32, #tpu.memory_space<vmem>>, vector<16xf32>,
        tpu.vector_store %arg11[%swap3A_374], %select_n3A_364 {strides = array<i32>} : memref<512xf32, #tpu.memory_space<vmem>>, vector<16xf32>,
        %add3A_376 = arith.constant 0 : i32
        %add3A_377 = vector.broadcast %add3A_376 : i32 to vector<16xi32>
        %add3A_378 = arith.addi %select_n3A_371, %add3A_377 : vector<16xi32>
        %add3A_379 = arith.constant 0 : i32
        %add3A_380 = arith.addi %mul3A_231, %add3A_379 : i32
        %swap3A_381 = arith.index_cast %add3A_380 : i32 to index
        %swap3A_382 = arith.constant 64 : index
        %swap3A_383 = tpu.vector_load %arg12[%swap3A_381, %swap3A_382] {strides = array<i32>} : memref<4x128xi32, #tpu.memory_space<vmem>>, vector<16xi32>,
        tpu.vector_store %arg12[%swap3A_381, %swap3A_382], %add3A_378 {strides = array<i32>} : memref<4x128xi32, #tpu.memory_space<vmem>>, vector<16xi32>,
        %broadcast_in_dim3A_384 = arith.constant 5 : i32
        %broadcast_in_dim3A_385 = vector.broadcast %broadcast_in_dim3A_384 : i32 to vector<16xi32>
        %gather3A_386 = tpu.vector_load_idx %arg5[%broadcast_in_dim3A_385, %min3A_245] : memref<16x3200xf32, #tpu.memory_space<vmem>>[vector<16xi32>, vector<16xi32>], vector<16xf32>,
        %gather3A_387 = tpu.vector_load_idx %arg6[%broadcast_in_dim3A_385, %max3A_251] : memref<16x3072xf32, #tpu.memory_space<vmem>>[vector<16xi32>, vector<16xi32>], vector<16xf32>,
        %select_n3A_388 = arith.select %lt3A_243, %gather3A_386, %gather3A_387 : vector<16xi1>, vector<16xf32>
        %add3A_389 = arith.constant 65616 : i32
        %add3A_390 = vector.broadcast %add3A_389 : i32 to vector<16xi32>
        %add3A_391 = arith.addi %add3A_390, %iota3A : vector<16xi32>
        %add3A_392 = arith.constant 640 : i32
        %add3A_393 = vector.broadcast %add3A_392 : i32 to vector<16xi32>
        %add3A_394 = arith.addi %add3A_259, %add3A_393 : vector<16xi32>
        %select_n3A_395 = arith.select %ge3A_240, %add3A_391, %add3A_394 : vector<16xi1>, vector<16xi32>
        %add3A_396 = arith.constant 80 : i32
        %add3A_397 = arith.addi %mul3A_213, %add3A_396 : i32
        %swap3A_398 = arith.index_cast %add3A_397 : i32 to index
        %swap3A_399 = tpu.vector_load %arg11[%swap3A_398] {strides = array<i32>} : memref<512xf32, #tpu.memory_space<vmem>>, vector<16xf32>,
        tpu.vector_store %arg11[%swap3A_398], %select_n3A_388 {strides = array<i32>} : memref<512xf32, #tpu.memory_space<vmem>>, vector<16xf32>,
        %add3A_400 = arith.constant 0 : i32
        %add3A_401 = vector.broadcast %add3A_400 : i32 to vector<16xi32>
        %add3A_402 = arith.addi %select_n3A_395, %add3A_401 : vector<16xi32>
        %add3A_403 = arith.constant 0 : i32
        %add3A_404 = arith.addi %mul3A_231, %add3A_403 : i32
        %swap3A_405 = arith.index_cast %add3A_404 : i32 to index
        %swap3A_406 = arith.constant 80 : index
        %swap3A_407 = tpu.vector_load %arg12[%swap3A_405, %swap3A_406] {strides = array<i32>} : memref<4x128xi32, #tpu.memory_space<vmem>>, vector<16xi32>,
        tpu.vector_store %arg12[%swap3A_405, %swap3A_406], %add3A_402 {strides = array<i32>} : memref<4x128xi32, #tpu.memory_space<vmem>>, vector<16xi32>,
        %broadcast_in_dim3A_408 = arith.constant 6 : i32
        %broadcast_in_dim3A_409 = vector.broadcast %broadcast_in_dim3A_408 : i32 to vector<16xi32>
        %gather3A_410 = tpu.vector_load_idx %arg5[%broadcast_in_dim3A_409, %min3A_245] : memref<16x3200xf32, #tpu.memory_space<vmem>>[vector<16xi32>, vector<16xi32>], vector<16xf32>,
        %gather3A_411 = tpu.vector_load_idx %arg6[%broadcast_in_dim3A_409, %max3A_251] : memref<16x3072xf32, #tpu.memory_space<vmem>>[vector<16xi32>, vector<16xi32>], vector<16xf32>,
        %select_n3A_412 = arith.select %lt3A_243, %gather3A_410, %gather3A_411 : vector<16xi1>, vector<16xf32>
        %add3A_413 = arith.constant 65632 : i32
        %add3A_414 = vector.broadcast %add3A_413 : i32 to vector<16xi32>
        %add3A_415 = arith.addi %add3A_414, %iota3A : vector<16xi32>
        %add3A_416 = arith.constant 768 : i32
        %add3A_417 = vector.broadcast %add3A_416 : i32 to vector<16xi32>
        %add3A_418 = arith.addi %add3A_259, %add3A_417 : vector<16xi32>
        %select_n3A_419 = arith.select %ge3A_240, %add3A_415, %add3A_418 : vector<16xi1>, vector<16xi32>
        %add3A_420 = arith.constant 96 : i32
        %add3A_421 = arith.addi %mul3A_213, %add3A_420 : i32
        %swap3A_422 = arith.index_cast %add3A_421 : i32 to index
        %swap3A_423 = tpu.vector_load %arg11[%swap3A_422] {strides = array<i32>} : memref<512xf32, #tpu.memory_space<vmem>>, vector<16xf32>,
        tpu.vector_store %arg11[%swap3A_422], %select_n3A_412 {strides = array<i32>} : memref<512xf32, #tpu.memory_space<vmem>>, vector<16xf32>,
        %add3A_424 = arith.constant 0 : i32
        %add3A_425 = vector.broadcast %add3A_424 : i32 to vector<16xi32>
        %add3A_426 = arith.addi %select_n3A_419, %add3A_425 : vector<16xi32>
        %add3A_427 = arith.constant 0 : i32
        %add3A_428 = arith.addi %mul3A_231, %add3A_427 : i32
        %swap3A_429 = arith.index_cast %add3A_428 : i32 to index
        %swap3A_430 = arith.constant 96 : index
        %swap3A_431 = tpu.vector_load %arg12[%swap3A_429, %swap3A_430] {strides = array<i32>} : memref<4x128xi32, #tpu.memory_space<vmem>>, vector<16xi32>,
        tpu.vector_store %arg12[%swap3A_429, %swap3A_430], %add3A_426 {strides = array<i32>} : memref<4x128xi32, #tpu.memory_space<vmem>>, vector<16xi32>,
        %broadcast_in_dim3A_432 = arith.constant 7 : i32
        %broadcast_in_dim3A_433 = vector.broadcast %broadcast_in_dim3A_432 : i32 to vector<16xi32>
        %gather3A_434 = tpu.vector_load_idx %arg5[%broadcast_in_dim3A_433, %min3A_245] : memref<16x3200xf32, #tpu.memory_space<vmem>>[vector<16xi32>, vector<16xi32>], vector<16xf32>,
        %gather3A_435 = tpu.vector_load_idx %arg6[%broadcast_in_dim3A_433, %max3A_251] : memref<16x3072xf32, #tpu.memory_space<vmem>>[vector<16xi32>, vector<16xi32>], vector<16xf32>,
        %select_n3A_436 = arith.select %lt3A_243, %gather3A_434, %gather3A_435 : vector<16xi1>, vector<16xf32>
        %add3A_437 = arith.constant 65648 : i32
        %add3A_438 = vector.broadcast %add3A_437 : i32 to vector<16xi32>
        %add3A_439 = arith.addi %add3A_438, %iota3A : vector<16xi32>
        %add3A_440 = arith.constant 896 : i32
        %add3A_441 = vector.broadcast %add3A_440 : i32 to vector<16xi32>
        %add3A_442 = arith.addi %add3A_259, %add3A_441 : vector<16xi32>
        %select_n3A_443 = arith.select %ge3A_240, %add3A_439, %add3A_442 : vector<16xi1>, vector<16xi32>
        %add3A_444 = arith.constant 112 : i32
        %add3A_445 = arith.addi %mul3A_213, %add3A_444 : i32
        %swap3A_446 = arith.index_cast %add3A_445 : i32 to index
        %swap3A_447 = tpu.vector_load %arg11[%swap3A_446] {strides = array<i32>} : memref<512xf32, #tpu.memory_space<vmem>>, vector<16xf32>,
        tpu.vector_store %arg11[%swap3A_446], %select_n3A_436 {strides = array<i32>} : memref<512xf32, #tpu.memory_space<vmem>>, vector<16xf32>,
        %add3A_448 = arith.constant 0 : i32
        %add3A_449 = vector.broadcast %add3A_448 : i32 to vector<16xi32>
        %add3A_450 = arith.addi %select_n3A_443, %add3A_449 : vector<16xi32>
        %add3A_451 = arith.constant 0 : i32
        %add3A_452 = arith.addi %mul3A_231, %add3A_451 : i32
        %swap3A_453 = arith.index_cast %add3A_452 : i32 to index
        %swap3A_454 = arith.constant 112 : index
        %swap3A_455 = tpu.vector_load %arg12[%swap3A_453, %swap3A_454] {strides = array<i32>} : memref<4x128xi32, #tpu.memory_space<vmem>>, vector<16xi32>,
        tpu.vector_store %arg12[%swap3A_453, %swap3A_454], %add3A_450 {strides = array<i32>} : memref<4x128xi32, #tpu.memory_space<vmem>>, vector<16xi32>,
        %broadcast_in_dim3A_456 = arith.constant 8 : i32
        %broadcast_in_dim3A_457 = vector.broadcast %broadcast_in_dim3A_456 : i32 to vector<16xi32>
        %gather3A_458 = tpu.vector_load_idx %arg5[%broadcast_in_dim3A_457, %min3A_245] : memref<16x3200xf32, #tpu.memory_space<vmem>>[vector<16xi32>, vector<16xi32>], vector<16xf32>,
        %gather3A_459 = tpu.vector_load_idx %arg6[%broadcast_in_dim3A_457, %max3A_251] : memref<16x3072xf32, #tpu.memory_space<vmem>>[vector<16xi32>, vector<16xi32>], vector<16xf32>,
        %select_n3A_460 = arith.select %lt3A_243, %gather3A_458, %gather3A_459 : vector<16xi1>, vector<16xf32>
        %add3A_461 = arith.constant 65536 : i32
        %add3A_462 = vector.broadcast %add3A_461 : i32 to vector<16xi32>
        %add3A_463 = arith.addi %add3A_462, %iota3A : vector<16xi32>
        %add3A_464 = arith.constant 32768 : i32
        %add3A_465 = vector.broadcast %add3A_464 : i32 to vector<16xi32>
        %add3A_466 = arith.addi %add3A_259, %add3A_465 : vector<16xi32>
        %select_n3A_467 = arith.select %ge3A_240, %add3A_463, %add3A_466 : vector<16xi1>, vector<16xi32>
        %add3A_468 = arith.constant 128 : i32
        %add3A_469 = arith.addi %mul3A_213, %add3A_468 : i32
        %swap3A_470 = arith.index_cast %add3A_469 : i32 to index
        %swap3A_471 = tpu.vector_load %arg11[%swap3A_470] {strides = array<i32>} : memref<512xf32, #tpu.memory_space<vmem>>, vector<16xf32>,
        tpu.vector_store %arg11[%swap3A_470], %select_n3A_460 {strides = array<i32>} : memref<512xf32, #tpu.memory_space<vmem>>, vector<16xf32>,
        %add3A_472 = arith.constant 0 : i32
        %add3A_473 = vector.broadcast %add3A_472 : i32 to vector<16xi32>
        %add3A_474 = arith.addi %select_n3A_467, %add3A_473 : vector<16xi32>
        %add3A_475 = arith.constant 1 : i32
        %add3A_476 = arith.addi %mul3A_231, %add3A_475 : i32
        %swap3A_477 = arith.index_cast %add3A_476 : i32 to index
        %swap3A_478 = arith.constant 0 : index
        %swap3A_479 = tpu.vector_load %arg12[%swap3A_477, %swap3A_478] {strides = array<i32>} : memref<4x128xi32, #tpu.memory_space<vmem>>, vector<16xi32>,
        tpu.vector_store %arg12[%swap3A_477, %swap3A_478], %add3A_474 {strides = array<i32>} : memref<4x128xi32, #tpu.memory_space<vmem>>, vector<16xi32>,
        %broadcast_in_dim3A_480 = arith.constant 9 : i32
        %broadcast_in_dim3A_481 = vector.broadcast %broadcast_in_dim3A_480 : i32 to vector<16xi32>
        %gather3A_482 = tpu.vector_load_idx %arg5[%broadcast_in_dim3A_481, %min3A_245] : memref<16x3200xf32, #tpu.memory_space<vmem>>[vector<16xi32>, vector<16xi32>], vector<16xf32>,
        %gather3A_483 = tpu.vector_load_idx %arg6[%broadcast_in_dim3A_481, %max3A_251] : memref<16x3072xf32, #tpu.memory_space<vmem>>[vector<16xi32>, vector<16xi32>], vector<16xf32>,
        %select_n3A_484 = arith.select %lt3A_243, %gather3A_482, %gather3A_483 : vector<16xi1>, vector<16xf32>
        %add3A_485 = arith.constant 65552 : i32
        %add3A_486 = vector.broadcast %add3A_485 : i32 to vector<16xi32>
        %add3A_487 = arith.addi %add3A_486, %iota3A : vector<16xi32>
        %add3A_488 = arith.constant 32896 : i32
        %add3A_489 = vector.broadcast %add3A_488 : i32 to vector<16xi32>
        %add3A_490 = arith.addi %add3A_259, %add3A_489 : vector<16xi32>
        %select_n3A_491 = arith.select %ge3A_240, %add3A_487, %add3A_490 : vector<16xi1>, vector<16xi32>
        %add3A_492 = arith.constant 144 : i32
        %add3A_493 = arith.addi %mul3A_213, %add3A_492 : i32
        %swap3A_494 = arith.index_cast %add3A_493 : i32 to index
        %swap3A_495 = tpu.vector_load %arg11[%swap3A_494] {strides = array<i32>} : memref<512xf32, #tpu.memory_space<vmem>>, vector<16xf32>,
        tpu.vector_store %arg11[%swap3A_494], %select_n3A_484 {strides = array<i32>} : memref<512xf32, #tpu.memory_space<vmem>>, vector<16xf32>,
        %add3A_496 = arith.constant 0 : i32
        %add3A_497 = vector.broadcast %add3A_496 : i32 to vector<16xi32>
        %add3A_498 = arith.addi %select_n3A_491, %add3A_497 : vector<16xi32>
        %add3A_499 = arith.constant 1 : i32
        %add3A_500 = arith.addi %mul3A_231, %add3A_499 : i32
        %swap3A_501 = arith.index_cast %add3A_500 : i32 to index
        %swap3A_502 = arith.constant 16 : index
        %swap3A_503 = tpu.vector_load %arg12[%swap3A_501, %swap3A_502] {strides = array<i32>} : memref<4x128xi32, #tpu.memory_space<vmem>>, vector<16xi32>,
        tpu.vector_store %arg12[%swap3A_501, %swap3A_502], %add3A_498 {strides = array<i32>} : memref<4x128xi32, #tpu.memory_space<vmem>>, vector<16xi32>,
        %broadcast_in_dim3A_504 = arith.constant 10 : i32
        %broadcast_in_dim3A_505 = vector.broadcast %broadcast_in_dim3A_504 : i32 to vector<16xi32>
        %gather3A_506 = tpu.vector_load_idx %arg5[%broadcast_in_dim3A_505, %min3A_245] : memref<16x3200xf32, #tpu.memory_space<vmem>>[vector<16xi32>, vector<16xi32>], vector<16xf32>,
        %gather3A_507 = tpu.vector_load_idx %arg6[%broadcast_in_dim3A_505, %max3A_251] : memref<16x3072xf32, #tpu.memory_space<vmem>>[vector<16xi32>, vector<16xi32>], vector<16xf32>,
        %select_n3A_508 = arith.select %lt3A_243, %gather3A_506, %gather3A_507 : vector<16xi1>, vector<16xf32>
        %add3A_509 = arith.constant 65568 : i32
        %add3A_510 = vector.broadcast %add3A_509 : i32 to vector<16xi32>
        %add3A_511 = arith.addi %add3A_510, %iota3A : vector<16xi32>
        %add3A_512 = arith.constant 33024 : i32
        %add3A_513 = vector.broadcast %add3A_512 : i32 to vector<16xi32>
        %add3A_514 = arith.addi %add3A_259, %add3A_513 : vector<16xi32>
        %select_n3A_515 = arith.select %ge3A_240, %add3A_511, %add3A_514 : vector<16xi1>, vector<16xi32>
        %add3A_516 = arith.constant 160 : i32
        %add3A_517 = arith.addi %mul3A_213, %add3A_516 : i32
        %swap3A_518 = arith.index_cast %add3A_517 : i32 to index
        %swap3A_519 = tpu.vector_load %arg11[%swap3A_518] {strides = array<i32>} : memref<512xf32, #tpu.memory_space<vmem>>, vector<16xf32>,
        tpu.vector_store %arg11[%swap3A_518], %select_n3A_508 {strides = array<i32>} : memref<512xf32, #tpu.memory_space<vmem>>, vector<16xf32>,
        %add3A_520 = arith.constant 0 : i32
        %add3A_521 = vector.broadcast %add3A_520 : i32 to vector<16xi32>
        %add3A_522 = arith.addi %select_n3A_515, %add3A_521 : vector<16xi32>
        %add3A_523 = arith.constant 1 : i32
        %add3A_524 = arith.addi %mul3A_231, %add3A_523 : i32
        %swap3A_525 = arith.index_cast %add3A_524 : i32 to index
        %swap3A_526 = arith.constant 32 : index
        %swap3A_527 = tpu.vector_load %arg12[%swap3A_525, %swap3A_526] {strides = array<i32>} : memref<4x128xi32, #tpu.memory_space<vmem>>, vector<16xi32>,
        tpu.vector_store %arg12[%swap3A_525, %swap3A_526], %add3A_522 {strides = array<i32>} : memref<4x128xi32, #tpu.memory_space<vmem>>, vector<16xi32>,
        %broadcast_in_dim3A_528 = arith.constant 11 : i32
        %broadcast_in_dim3A_529 = vector.broadcast %broadcast_in_dim3A_528 : i32 to vector<16xi32>
        %gather3A_530 = tpu.vector_load_idx %arg5[%broadcast_in_dim3A_529, %min3A_245] : memref<16x3200xf32, #tpu.memory_space<vmem>>[vector<16xi32>, vector<16xi32>], vector<16xf32>,
        %gather3A_531 = tpu.vector_load_idx %arg6[%broadcast_in_dim3A_529, %max3A_251] : memref<16x3072xf32, #tpu.memory_space<vmem>>[vector<16xi32>, vector<16xi32>], vector<16xf32>,
        %select_n3A_532 = arith.select %lt3A_243, %gather3A_530, %gather3A_531 : vector<16xi1>, vector<16xf32>
        %add3A_533 = arith.constant 65584 : i32
        %add3A_534 = vector.broadcast %add3A_533 : i32 to vector<16xi32>
        %add3A_535 = arith.addi %add3A_534, %iota3A : vector<16xi32>
        %add3A_536 = arith.constant 33152 : i32
        %add3A_537 = vector.broadcast %add3A_536 : i32 to vector<16xi32>
        %add3A_538 = arith.addi %add3A_259, %add3A_537 : vector<16xi32>
        %select_n3A_539 = arith.select %ge3A_240, %add3A_535, %add3A_538 : vector<16xi1>, vector<16xi32>
        %add3A_540 = arith.constant 176 : i32
        %add3A_541 = arith.addi %mul3A_213, %add3A_540 : i32
        %swap3A_542 = arith.index_cast %add3A_541 : i32 to index
        %swap3A_543 = tpu.vector_load %arg11[%swap3A_542] {strides = array<i32>} : memref<512xf32, #tpu.memory_space<vmem>>, vector<16xf32>,
        tpu.vector_store %arg11[%swap3A_542], %select_n3A_532 {strides = array<i32>} : memref<512xf32, #tpu.memory_space<vmem>>, vector<16xf32>,
        %add3A_544 = arith.constant 0 : i32
        %add3A_545 = vector.broadcast %add3A_544 : i32 to vector<16xi32>
        %add3A_546 = arith.addi %select_n3A_539, %add3A_545 : vector<16xi32>
        %add3A_547 = arith.constant 1 : i32
        %add3A_548 = arith.addi %mul3A_231, %add3A_547 : i32
        %swap3A_549 = arith.index_cast %add3A_548 : i32 to index
        %swap3A_550 = arith.constant 48 : index
        %swap3A_551 = tpu.vector_load %arg12[%swap3A_549, %swap3A_550] {strides = array<i32>} : memref<4x128xi32, #tpu.memory_space<vmem>>, vector<16xi32>,
        tpu.vector_store %arg12[%swap3A_549, %swap3A_550], %add3A_546 {strides = array<i32>} : memref<4x128xi32, #tpu.memory_space<vmem>>, vector<16xi32>,
        %broadcast_in_dim3A_552 = arith.constant 12 : i32
        %broadcast_in_dim3A_553 = vector.broadcast %broadcast_in_dim3A_552 : i32 to vector<16xi32>
        %gather3A_554 = tpu.vector_load_idx %arg5[%broadcast_in_dim3A_553, %min3A_245] : memref<16x3200xf32, #tpu.memory_space<vmem>>[vector<16xi32>, vector<16xi32>], vector<16xf32>,
        %gather3A_555 = tpu.vector_load_idx %arg6[%broadcast_in_dim3A_553, %max3A_251] : memref<16x3072xf32, #tpu.memory_space<vmem>>[vector<16xi32>, vector<16xi32>], vector<16xf32>,
        %select_n3A_556 = arith.select %lt3A_243, %gather3A_554, %gather3A_555 : vector<16xi1>, vector<16xf32>
        %add3A_557 = arith.constant 65600 : i32
        %add3A_558 = vector.broadcast %add3A_557 : i32 to vector<16xi32>
        %add3A_559 = arith.addi %add3A_558, %iota3A : vector<16xi32>
        %add3A_560 = arith.constant 33280 : i32
        %add3A_561 = vector.broadcast %add3A_560 : i32 to vector<16xi32>
        %add3A_562 = arith.addi %add3A_259, %add3A_561 : vector<16xi32>
        %select_n3A_563 = arith.select %ge3A_240, %add3A_559, %add3A_562 : vector<16xi1>, vector<16xi32>
        %add3A_564 = arith.constant 192 : i32
        %add3A_565 = arith.addi %mul3A_213, %add3A_564 : i32
        %swap3A_566 = arith.index_cast %add3A_565 : i32 to index
        %swap3A_567 = tpu.vector_load %arg11[%swap3A_566] {strides = array<i32>} : memref<512xf32, #tpu.memory_space<vmem>>, vector<16xf32>,
        tpu.vector_store %arg11[%swap3A_566], %select_n3A_556 {strides = array<i32>} : memref<512xf32, #tpu.memory_space<vmem>>, vector<16xf32>,
        %add3A_568 = arith.constant 0 : i32
        %add3A_569 = vector.broadcast %add3A_568 : i32 to vector<16xi32>
        %add3A_570 = arith.addi %select_n3A_563, %add3A_569 : vector<16xi32>
        %add3A_571 = arith.constant 1 : i32
        %add3A_572 = arith.addi %mul3A_231, %add3A_571 : i32
        %swap3A_573 = arith.index_cast %add3A_572 : i32 to index
        %swap3A_574 = arith.constant 64 : index
        %swap3A_575 = tpu.vector_load %arg12[%swap3A_573, %swap3A_574] {strides = array<i32>} : memref<4x128xi32, #tpu.memory_space<vmem>>, vector<16xi32>,
        tpu.vector_store %arg12[%swap3A_573, %swap3A_574], %add3A_570 {strides = array<i32>} : memref<4x128xi32, #tpu.memory_space<vmem>>, vector<16xi32>,
        %broadcast_in_dim3A_576 = arith.constant 13 : i32
        %broadcast_in_dim3A_577 = vector.broadcast %broadcast_in_dim3A_576 : i32 to vector<16xi32>
        %gather3A_578 = tpu.vector_load_idx %arg5[%broadcast_in_dim3A_577, %min3A_245] : memref<16x3200xf32, #tpu.memory_space<vmem>>[vector<16xi32>, vector<16xi32>], vector<16xf32>,
        %gather3A_579 = tpu.vector_load_idx %arg6[%broadcast_in_dim3A_577, %max3A_251] : memref<16x3072xf32, #tpu.memory_space<vmem>>[vector<16xi32>, vector<16xi32>], vector<16xf32>,
        %select_n3A_580 = arith.select %lt3A_243, %gather3A_578, %gather3A_579 : vector<16xi1>, vector<16xf32>
        %add3A_581 = arith.constant 65616 : i32
        %add3A_582 = vector.broadcast %add3A_581 : i32 to vector<16xi32>
        %add3A_583 = arith.addi %add3A_582, %iota3A : vector<16xi32>
        %add3A_584 = arith.constant 33408 : i32
        %add3A_585 = vector.broadcast %add3A_584 : i32 to vector<16xi32>
        %add3A_586 = arith.addi %add3A_259, %add3A_585 : vector<16xi32>
        %select_n3A_587 = arith.select %ge3A_240, %add3A_583, %add3A_586 : vector<16xi1>, vector<16xi32>
        %add3A_588 = arith.constant 208 : i32
        %add3A_589 = arith.addi %mul3A_213, %add3A_588 : i32
        %swap3A_590 = arith.index_cast %add3A_589 : i32 to index
        %swap3A_591 = tpu.vector_load %arg11[%swap3A_590] {strides = array<i32>} : memref<512xf32, #tpu.memory_space<vmem>>, vector<16xf32>,
        tpu.vector_store %arg11[%swap3A_590], %select_n3A_580 {strides = array<i32>} : memref<512xf32, #tpu.memory_space<vmem>>, vector<16xf32>,
        %add3A_592 = arith.constant 0 : i32
        %add3A_593 = vector.broadcast %add3A_592 : i32 to vector<16xi32>
        %add3A_594 = arith.addi %select_n3A_587, %add3A_593 : vector<16xi32>
        %add3A_595 = arith.constant 1 : i32
        %add3A_596 = arith.addi %mul3A_231, %add3A_595 : i32
        %swap3A_597 = arith.index_cast %add3A_596 : i32 to index
        %swap3A_598 = arith.constant 80 : index
        %swap3A_599 = tpu.vector_load %arg12[%swap3A_597, %swap3A_598] {strides = array<i32>} : memref<4x128xi32, #tpu.memory_space<vmem>>, vector<16xi32>,
        tpu.vector_store %arg12[%swap3A_597, %swap3A_598], %add3A_594 {strides = array<i32>} : memref<4x128xi32, #tpu.memory_space<vmem>>, vector<16xi32>,
        %broadcast_in_dim3A_600 = arith.constant 14 : i32
        %broadcast_in_dim3A_601 = vector.broadcast %broadcast_in_dim3A_600 : i32 to vector<16xi32>
        %gather3A_602 = tpu.vector_load_idx %arg5[%broadcast_in_dim3A_601, %min3A_245] : memref<16x3200xf32, #tpu.memory_space<vmem>>[vector<16xi32>, vector<16xi32>], vector<16xf32>,
        %gather3A_603 = tpu.vector_load_idx %arg6[%broadcast_in_dim3A_601, %max3A_251] : memref<16x3072xf32, #tpu.memory_space<vmem>>[vector<16xi32>, vector<16xi32>], vector<16xf32>,
        %select_n3A_604 = arith.select %lt3A_243, %gather3A_602, %gather3A_603 : vector<16xi1>, vector<16xf32>
        %add3A_605 = arith.constant 65632 : i32
        %add3A_606 = vector.broadcast %add3A_605 : i32 to vector<16xi32>
        %add3A_607 = arith.addi %add3A_606, %iota3A : vector<16xi32>
        %add3A_608 = arith.constant 33536 : i32
        %add3A_609 = vector.broadcast %add3A_608 : i32 to vector<16xi32>
        %add3A_610 = arith.addi %add3A_259, %add3A_609 : vector<16xi32>
        %select_n3A_611 = arith.select %ge3A_240, %add3A_607, %add3A_610 : vector<16xi1>, vector<16xi32>
        %add3A_612 = arith.constant 224 : i32
        %add3A_613 = arith.addi %mul3A_213, %add3A_612 : i32
        %swap3A_614 = arith.index_cast %add3A_613 : i32 to index
        %swap3A_615 = tpu.vector_load %arg11[%swap3A_614] {strides = array<i32>} : memref<512xf32, #tpu.memory_space<vmem>>, vector<16xf32>,
        tpu.vector_store %arg11[%swap3A_614], %select_n3A_604 {strides = array<i32>} : memref<512xf32, #tpu.memory_space<vmem>>, vector<16xf32>,
        %add3A_616 = arith.constant 0 : i32
        %add3A_617 = vector.broadcast %add3A_616 : i32 to vector<16xi32>
        %add3A_618 = arith.addi %select_n3A_611, %add3A_617 : vector<16xi32>
        %add3A_619 = arith.constant 1 : i32
        %add3A_620 = arith.addi %mul3A_231, %add3A_619 : i32
        %swap3A_621 = arith.index_cast %add3A_620 : i32 to index
        %swap3A_622 = arith.constant 96 : index
        %swap3A_623 = tpu.vector_load %arg12[%swap3A_621, %swap3A_622] {strides = array<i32>} : memref<4x128xi32, #tpu.memory_space<vmem>>, vector<16xi32>,
        tpu.vector_store %arg12[%swap3A_621, %swap3A_622], %add3A_618 {strides = array<i32>} : memref<4x128xi32, #tpu.memory_space<vmem>>, vector<16xi32>,
        %broadcast_in_dim3A_624 = arith.constant 15 : i32
        %broadcast_in_dim3A_625 = vector.broadcast %broadcast_in_dim3A_624 : i32 to vector<16xi32>
        %gather3A_626 = tpu.vector_load_idx %arg5[%broadcast_in_dim3A_625, %min3A_245] : memref<16x3200xf32, #tpu.memory_space<vmem>>[vector<16xi32>, vector<16xi32>], vector<16xf32>,
        %gather3A_627 = tpu.vector_load_idx %arg6[%broadcast_in_dim3A_625, %max3A_251] : memref<16x3072xf32, #tpu.memory_space<vmem>>[vector<16xi32>, vector<16xi32>], vector<16xf32>,
        %select_n3A_628 = arith.select %lt3A_243, %gather3A_626, %gather3A_627 : vector<16xi1>, vector<16xf32>
        %add3A_629 = arith.constant 65648 : i32
        %add3A_630 = vector.broadcast %add3A_629 : i32 to vector<16xi32>
        %add3A_631 = arith.addi %add3A_630, %iota3A : vector<16xi32>
        %add3A_632 = arith.constant 33664 : i32
        %add3A_633 = vector.broadcast %add3A_632 : i32 to vector<16xi32>
        %add3A_634 = arith.addi %add3A_259, %add3A_633 : vector<16xi32>
        %select_n3A_635 = arith.select %ge3A_240, %add3A_631, %add3A_634 : vector<16xi1>, vector<16xi32>
        %add3A_636 = arith.constant 240 : i32
        %add3A_637 = arith.addi %mul3A_213, %add3A_636 : i32
        %swap3A_638 = arith.index_cast %add3A_637 : i32 to index
        %swap3A_639 = tpu.vector_load %arg11[%swap3A_638] {strides = array<i32>} : memref<512xf32, #tpu.memory_space<vmem>>, vector<16xf32>,
        tpu.vector_store %arg11[%swap3A_638], %select_n3A_628 {strides = array<i32>} : memref<512xf32, #tpu.memory_space<vmem>>, vector<16xf32>,
        %add3A_640 = arith.constant 0 : i32
        %add3A_641 = vector.broadcast %add3A_640 : i32 to vector<16xi32>
        %add3A_642 = arith.addi %select_n3A_635, %add3A_641 : vector<16xi32>
        %add3A_643 = arith.constant 1 : i32
        %add3A_644 = arith.addi %mul3A_231, %add3A_643 : i32
        %swap3A_645 = arith.index_cast %add3A_644 : i32 to index
        %swap3A_646 = arith.constant 112 : index
        %swap3A_647 = tpu.vector_load %arg12[%swap3A_645, %swap3A_646] {strides = array<i32>} : memref<4x128xi32, #tpu.memory_space<vmem>>, vector<16xi32>,
        tpu.vector_store %arg12[%swap3A_645, %swap3A_646], %add3A_642 {strides = array<i32>} : memref<4x128xi32, #tpu.memory_space<vmem>>, vector<16xi32>,
        %dma_start3A_648 = tpu.memref_slice %arg11[%mul3A_213] : memref<512xf32, #tpu.memory_space<vmem>> -> memref<128xf32, #tpu.memory_space<vmem>>
        %dma_start3A_649 = arith.constant 0 : i32
        %dma_start3A_650 = tpu.memref_slice %arg12[%mul3A_231, %dma_start3A_649] : memref<4x128xi32, #tpu.memory_space<vmem>> -> memref<1x128xi32, #tpu.memory_space<vmem>>
        %dma_start3A_651 = tpu.memref_squeeze %dma_start3A_650 : memref<1x128xi32, #tpu.memory_space<vmem>> -> memref<128xi32, #tpu.memory_space<vmem>>
        %dma_start3A_652 = arith.constant 0 : i32
        %dma_start3A_653 = tpu.memref_slice %arg13[%dma_start3A_652] : memref<65664xf32, #tpu.memory_space<vmem_shared>> -> memref<65664xf32, #tpu.memory_space<vmem_shared>>
        tpu.enqueue_indirect_dma source(%dma_start3A_648 : memref<128xf32, #tpu.memory_space<vmem>>) target(%dma_start3A_653 : memref<65664xf32, #tpu.memory_space<vmem_shared>>) offsets(%dma_start3A_651 : memref<128xi32, #tpu.memory_space<vmem>>) semaphore(%arg17 : memref<!tpu.dma_semaphore, #tpu.memory_space<semaphore_mem>>)
        %add3A_654 = arith.constant 128 : i32
        %add3A_655 = arith.addi %mul3A_213, %add3A_654 : i32
        %add3A_656 = arith.constant 1 : i32
        %add3A_657 = arith.addi %mul3A_231, %add3A_656 : i32
        %dma_start3A_658 = tpu.memref_slice %arg11[%add3A_655] : memref<512xf32, #tpu.memory_space<vmem>> -> memref<128xf32, #tpu.memory_space<vmem>>
        %dma_start3A_659 = arith.constant 0 : i32
        %dma_start3A_660 = tpu.memref_slice %arg12[%add3A_657, %dma_start3A_659] : memref<4x128xi32, #tpu.memory_space<vmem>> -> memref<1x128xi32, #tpu.memory_space<vmem>>
        %dma_start3A_661 = tpu.memref_squeeze %dma_start3A_660 : memref<1x128xi32, #tpu.memory_space<vmem>> -> memref<128xi32, #tpu.memory_space<vmem>>
        %dma_start3A_662 = arith.constant 0 : i32
        %dma_start3A_663 = tpu.memref_slice %arg13[%dma_start3A_662] : memref<65664xf32, #tpu.memory_space<vmem_shared>> -> memref<65664xf32, #tpu.memory_space<vmem_shared>>
        tpu.enqueue_indirect_dma source(%dma_start3A_658 : memref<128xf32, #tpu.memory_space<vmem>>) target(%dma_start3A_663 : memref<65664xf32, #tpu.memory_space<vmem_shared>>) offsets(%dma_start3A_661 : memref<128xi32, #tpu.memory_space<vmem>>) semaphore(%arg17 : memref<!tpu.dma_semaphore, #tpu.memory_space<semaphore_mem>>)
      }
      %while3A_166 = arith.constant 1 : i32
      scf.for %while3A_195 = %while3A_164 to %while3A_160 step %while3A_166  : i32 {
        %jit3A_196 = arith.constant 2 : i32
        %eq3A_197 = arith.constant 0 : i32
        %eq3A_198 = arith.cmpi eq, %jit3A_196, %eq3A_197 : i32
        %jit3A_199 = arith.constant 1 : i32
        %select_n3A_200 = arith.select %eq3A_198, %jit3A_199, %jit3A_196 : i32
        %rem3A_201 = arith.remsi %while3A_195, %select_n3A_200 : i32
        %ne3A_202 = arith.constant 0 : i32
        %ne3A_203 = arith.cmpi ne, %rem3A_201, %ne3A_202 : i32
        %lt3A_204 = arith.constant 0 : i32
        %lt3A_205 = arith.cmpi slt, %rem3A_201, %lt3A_204 : i32
        %lt3A_206 = arith.constant 0 : i32
        %lt3A_207 = arith.cmpi slt, %select_n3A_200, %lt3A_206 : i32
        %ne3A_208 = arith.xori %lt3A_205, %lt3A_207 : i1
        %and3A_209 = arith.andi %ne3A_208, %ne3A_203 : i1
        %add3A_210 = arith.addi %rem3A_201, %select_n3A_200 : i32
        %select_n3A_211 = arith.select %and3A_209, %add3A_210, %rem3A_201 : i32
        %mul3A_212 = arith.constant 256 : i32
        %mul3A_213 = arith.muli %select_n3A_211, %mul3A_212 : i32
        %jit3A_214 = arith.constant 2 : i32
        %eq3A_215 = arith.constant 0 : i32
        %eq3A_216 = arith.cmpi eq, %jit3A_214, %eq3A_215 : i32
        %jit3A_217 = arith.constant 1 : i32
        %select_n3A_218 = arith.select %eq3A_216, %jit3A_217, %jit3A_214 : i32
        %rem3A_219 = arith.remsi %while3A_195, %select_n3A_218 : i32
        %ne3A_220 = arith.constant 0 : i32
        %ne3A_221 = arith.cmpi ne, %rem3A_219, %ne3A_220 : i32
        %lt3A_222 = arith.constant 0 : i32
        %lt3A_223 = arith.cmpi slt, %rem3A_219, %lt3A_222 : i32
        %lt3A_224 = arith.constant 0 : i32
        %lt3A_225 = arith.cmpi slt, %select_n3A_218, %lt3A_224 : i32
        %ne3A_226 = arith.xori %lt3A_223, %lt3A_225 : i1
        %and3A_227 = arith.andi %ne3A_226, %ne3A_221 : i1
        %add3A_228 = arith.addi %rem3A_219, %select_n3A_218 : i32
        %select_n3A_229 = arith.select %and3A_227, %add3A_228, %rem3A_219 : i32
        %mul3A_230 = arith.constant 2 : i32
        %mul3A_231 = arith.muli %select_n3A_229, %mul3A_230 : i32
        %mul3A_232 = arith.constant 16 : i32
        %mul3A_233 = arith.muli %while3A_195, %mul3A_232 : i32
        %get3A = arith.index_cast %mul3A_233 : i32 to index
        %get3A_234 = tpu.vector_load %arg9[%get3A] {strides = array<i32>} : memref<4112xi32, #tpu.memory_space<vmem>>, vector<16xi32>,
        %mul3A_235 = arith.constant 16 : i32
        %mul3A_236 = arith.muli %while3A_195, %mul3A_235 : i32
        %get3A_237 = arith.index_cast %mul3A_236 : i32 to index
        %get3A_238 = tpu.vector_load %arg10[%get3A_237] {strides = array<i32>} : memref<4112xi32, #tpu.memory_space<vmem>>, vector<16xi32>,
        %ge3A = arith.constant 4096 : i32
        %ge3A_239 = vector.broadcast %ge3A : i32 to vector<16xi32>
        %ge3A_240 = arith.cmpi sge, %get3A_238, %ge3A_239 : vector<16xi32>
        %lt3A_241 = arith.constant 3200 : i32
        %lt3A_242 = vector.broadcast %lt3A_241 : i32 to vector<16xi32>
        %lt3A_243 = arith.cmpi slt, %get3A_234, %lt3A_242 : vector<16xi32>
        %min3A = arith.constant 3199 : i32
        %min3A_244 = vector.broadcast %min3A : i32 to vector<16xi32>
        %min3A_245 = arith.minsi %get3A_234, %min3A_244 : vector<16xi32>
        %sub3A_246 = arith.constant 3200 : i32
        %sub3A_247 = vector.broadcast %sub3A_246 : i32 to vector<16xi32>
        %sub3A_248 = arith.subi %get3A_234, %sub3A_247 : vector<16xi32>
        %max3A_249 = arith.constant 0 : i32
        %max3A_250 = vector.broadcast %max3A_249 : i32 to vector<16xi32>
        %max3A_251 = arith.maxsi %sub3A_248, %max3A_250 : vector<16xi32>
        %shift_right_arithmetic3A = arith.constant 7 : i32
        %shift_right_arithmetic3A_252 = vector.broadcast %shift_right_arithmetic3A : i32 to vector<16xi32>
        %shift_right_arithmetic3A_253 = arith.shrsi %get3A_238, %shift_right_arithmetic3A_252 : vector<16xi32>
        %shift_left3A = arith.constant 10 : i32
        %shift_left3A_254 = vector.broadcast %shift_left3A : i32 to vector<16xi32>
        %shift_left3A_255 = arith.shli %shift_right_arithmetic3A_253, %shift_left3A_254 : vector<16xi32>
        %and3A_256 = arith.constant 127 : i32
        %and3A_257 = vector.broadcast %and3A_256 : i32 to vector<16xi32>
        %and3A_258 = arith.andi %get3A_238, %and3A_257 : vector<16xi32>
        %add3A_259 = arith.addi %shift_left3A_255, %and3A_258 : vector<16xi32>
        %ge3A_260 = arith.constant 2 : i32
        %ge3A_261 = arith.cmpi sge, %while3A_195, %ge3A_260 : i32
        %convert_element_type3A_262 = arith.extui %ge3A_261 : i1 to i32
        %cond3A_263 = arith.constant 0 : i32
        %cond3A_264 = arith.cmpi ne, %convert_element_type3A_262, %cond3A_263 : i32
        scf.if %cond3A_264 {
          %dma_wait3A_664 = tpu.memref_slice %arg11[%mul3A_213] : memref<512xf32, #tpu.memory_space<vmem>> -> memref<128xf32, #tpu.memory_space<vmem>>
          %dma_wait3A_665 = arith.constant 0 : i32
          %dma_wait3A_666 = tpu.memref_slice %arg12[%mul3A_231, %dma_wait3A_665] : memref<4x128xi32, #tpu.memory_space<vmem>> -> memref<1x128xi32, #tpu.memory_space<vmem>>
          %dma_wait3A_667 = tpu.memref_squeeze %dma_wait3A_666 : memref<1x128xi32, #tpu.memory_space<vmem>> -> memref<128xi32, #tpu.memory_space<vmem>>
          %dma_wait3A_668 = arith.constant 0 : i32
          %dma_wait3A_669 = tpu.memref_slice %arg13[%dma_wait3A_668] : memref<65664xf32, #tpu.memory_space<vmem_shared>> -> memref<65664xf32, #tpu.memory_space<vmem_shared>>
          tpu.wait_indirect_dma semaphore(%arg17 : memref<!tpu.dma_semaphore, #tpu.memory_space<semaphore_mem>>) src(%dma_wait3A_664 : memref<128xf32, #tpu.memory_space<vmem>>) dst(%dma_wait3A_669 : memref<65664xf32, #tpu.memory_space<vmem_shared>>)
          %add3A_670 = arith.constant 128 : i32
          %add3A_671 = arith.addi %mul3A_213, %add3A_670 : i32
          %add3A_672 = arith.constant 1 : i32
          %add3A_673 = arith.addi %mul3A_231, %add3A_672 : i32
          %dma_wait3A_674 = tpu.memref_slice %arg11[%add3A_671] : memref<512xf32, #tpu.memory_space<vmem>> -> memref<128xf32, #tpu.memory_space<vmem>>
          %dma_wait3A_675 = arith.constant 0 : i32
          %dma_wait3A_676 = tpu.memref_slice %arg12[%add3A_673, %dma_wait3A_675] : memref<4x128xi32, #tpu.memory_space<vmem>> -> memref<1x128xi32, #tpu.memory_space<vmem>>
          %dma_wait3A_677 = tpu.memref_squeeze %dma_wait3A_676 : memref<1x128xi32, #tpu.memory_space<vmem>> -> memref<128xi32, #tpu.memory_space<vmem>>
          %dma_wait3A_678 = arith.constant 0 : i32
          %dma_wait3A_679 = tpu.memref_slice %arg13[%dma_wait3A_678] : memref<65664xf32, #tpu.memory_space<vmem_shared>> -> memref<65664xf32, #tpu.memory_space<vmem_shared>>
          tpu.wait_indirect_dma semaphore(%arg17 : memref<!tpu.dma_semaphore, #tpu.memory_space<semaphore_mem>>) src(%dma_wait3A_674 : memref<128xf32, #tpu.memory_space<vmem>>) dst(%dma_wait3A_679 : memref<65664xf32, #tpu.memory_space<vmem_shared>>)
        } else {
        }
        %broadcast_in_dim3A_265 = arith.constant 0 : i32
        %broadcast_in_dim3A_266 = vector.broadcast %broadcast_in_dim3A_265 : i32 to vector<16xi32>
        %gather3A = tpu.vector_load_idx %arg5[%broadcast_in_dim3A_266, %min3A_245] : memref<16x3200xf32, #tpu.memory_space<vmem>>[vector<16xi32>, vector<16xi32>], vector<16xf32>,
        %gather3A_267 = tpu.vector_load_idx %arg6[%broadcast_in_dim3A_266, %max3A_251] : memref<16x3072xf32, #tpu.memory_space<vmem>>[vector<16xi32>, vector<16xi32>], vector<16xf32>,
        %select_n3A_268 = arith.select %lt3A_243, %gather3A, %gather3A_267 : vector<16xi1>, vector<16xf32>
        %add3A_269 = arith.constant 65536 : i32
        %add3A_270 = vector.broadcast %add3A_269 : i32 to vector<16xi32>
        %add3A_271 = arith.addi %add3A_270, %iota3A : vector<16xi32>
        %add3A_272 = arith.constant 0 : i32
        %add3A_273 = vector.broadcast %add3A_272 : i32 to vector<16xi32>
        %add3A_274 = arith.addi %add3A_259, %add3A_273 : vector<16xi32>
        %select_n3A_275 = arith.select %ge3A_240, %add3A_271, %add3A_274 : vector<16xi1>, vector<16xi32>
        %add3A_276 = arith.constant 0 : i32
        %add3A_277 = arith.addi %mul3A_213, %add3A_276 : i32
        %swap3A_278 = arith.index_cast %add3A_277 : i32 to index
        %swap3A_279 = tpu.vector_load %arg11[%swap3A_278] {strides = array<i32>} : memref<512xf32, #tpu.memory_space<vmem>>, vector<16xf32>,
        tpu.vector_store %arg11[%swap3A_278], %select_n3A_268 {strides = array<i32>} : memref<512xf32, #tpu.memory_space<vmem>>, vector<16xf32>,
        %add3A_280 = arith.constant 0 : i32
        %add3A_281 = vector.broadcast %add3A_280 : i32 to vector<16xi32>
        %add3A_282 = arith.addi %select_n3A_275, %add3A_281 : vector<16xi32>
        %add3A_283 = arith.constant 0 : i32
        %add3A_284 = arith.addi %mul3A_231, %add3A_283 : i32
        %swap3A_285 = arith.index_cast %add3A_284 : i32 to index
        %swap3A_286 = arith.constant 0 : index
        %swap3A_287 = tpu.vector_load %arg12[%swap3A_285, %swap3A_286] {strides = array<i32>} : memref<4x128xi32, #tpu.memory_space<vmem>>, vector<16xi32>,
        tpu.vector_store %arg12[%swap3A_285, %swap3A_286], %add3A_282 {strides = array<i32>} : memref<4x128xi32, #tpu.memory_space<vmem>>, vector<16xi32>,
        %broadcast_in_dim3A_288 = arith.constant 1 : i32
        %broadcast_in_dim3A_289 = vector.broadcast %broadcast_in_dim3A_288 : i32 to vector<16xi32>
        %gather3A_290 = tpu.vector_load_idx %arg5[%broadcast_in_dim3A_289, %min3A_245] : memref<16x3200xf32, #tpu.memory_space<vmem>>[vector<16xi32>, vector<16xi32>], vector<16xf32>,
        %gather3A_291 = tpu.vector_load_idx %arg6[%broadcast_in_dim3A_289, %max3A_251] : memref<16x3072xf32, #tpu.memory_space<vmem>>[vector<16xi32>, vector<16xi32>], vector<16xf32>,
        %select_n3A_292 = arith.select %lt3A_243, %gather3A_290, %gather3A_291 : vector<16xi1>, vector<16xf32>
        %add3A_293 = arith.constant 65552 : i32
        %add3A_294 = vector.broadcast %add3A_293 : i32 to vector<16xi32>
        %add3A_295 = arith.addi %add3A_294, %iota3A : vector<16xi32>
        %add3A_296 = arith.constant 128 : i32
        %add3A_297 = vector.broadcast %add3A_296 : i32 to vector<16xi32>
        %add3A_298 = arith.addi %add3A_259, %add3A_297 : vector<16xi32>
        %select_n3A_299 = arith.select %ge3A_240, %add3A_295, %add3A_298 : vector<16xi1>, vector<16xi32>
        %add3A_300 = arith.constant 16 : i32
        %add3A_301 = arith.addi %mul3A_213, %add3A_300 : i32
        %swap3A_302 = arith.index_cast %add3A_301 : i32 to index
        %swap3A_303 = tpu.vector_load %arg11[%swap3A_302] {strides = array<i32>} : memref<512xf32, #tpu.memory_space<vmem>>, vector<16xf32>,
        tpu.vector_store %arg11[%swap3A_302], %select_n3A_292 {strides = array<i32>} : memref<512xf32, #tpu.memory_space<vmem>>, vector<16xf32>,
        %add3A_304 = arith.constant 0 : i32
        %add3A_305 = vector.broadcast %add3A_304 : i32 to vector<16xi32>
        %add3A_306 = arith.addi %select_n3A_299, %add3A_305 : vector<16xi32>
        %add3A_307 = arith.constant 0 : i32
        %add3A_308 = arith.addi %mul3A_231, %add3A_307 : i32
        %swap3A_309 = arith.index_cast %add3A_308 : i32 to index
        %swap3A_310 = arith.constant 16 : index
        %swap3A_311 = tpu.vector_load %arg12[%swap3A_309, %swap3A_310] {strides = array<i32>} : memref<4x128xi32, #tpu.memory_space<vmem>>, vector<16xi32>,
        tpu.vector_store %arg12[%swap3A_309, %swap3A_310], %add3A_306 {strides = array<i32>} : memref<4x128xi32, #tpu.memory_space<vmem>>, vector<16xi32>,
        %broadcast_in_dim3A_312 = arith.constant 2 : i32
        %broadcast_in_dim3A_313 = vector.broadcast %broadcast_in_dim3A_312 : i32 to vector<16xi32>
        %gather3A_314 = tpu.vector_load_idx %arg5[%broadcast_in_dim3A_313, %min3A_245] : memref<16x3200xf32, #tpu.memory_space<vmem>>[vector<16xi32>, vector<16xi32>], vector<16xf32>,
        %gather3A_315 = tpu.vector_load_idx %arg6[%broadcast_in_dim3A_313, %max3A_251] : memref<16x3072xf32, #tpu.memory_space<vmem>>[vector<16xi32>, vector<16xi32>], vector<16xf32>,
        %select_n3A_316 = arith.select %lt3A_243, %gather3A_314, %gather3A_315 : vector<16xi1>, vector<16xf32>
        %add3A_317 = arith.constant 65568 : i32
        %add3A_318 = vector.broadcast %add3A_317 : i32 to vector<16xi32>
        %add3A_319 = arith.addi %add3A_318, %iota3A : vector<16xi32>
        %add3A_320 = arith.constant 256 : i32
        %add3A_321 = vector.broadcast %add3A_320 : i32 to vector<16xi32>
        %add3A_322 = arith.addi %add3A_259, %add3A_321 : vector<16xi32>
        %select_n3A_323 = arith.select %ge3A_240, %add3A_319, %add3A_322 : vector<16xi1>, vector<16xi32>
        %add3A_324 = arith.constant 32 : i32
        %add3A_325 = arith.addi %mul3A_213, %add3A_324 : i32
        %swap3A_326 = arith.index_cast %add3A_325 : i32 to index
        %swap3A_327 = tpu.vector_load %arg11[%swap3A_326] {strides = array<i32>} : memref<512xf32, #tpu.memory_space<vmem>>, vector<16xf32>,
        tpu.vector_store %arg11[%swap3A_326], %select_n3A_316 {strides = array<i32>} : memref<512xf32, #tpu.memory_space<vmem>>, vector<16xf32>,
        %add3A_328 = arith.constant 0 : i32
        %add3A_329 = vector.broadcast %add3A_328 : i32 to vector<16xi32>
        %add3A_330 = arith.addi %select_n3A_323, %add3A_329 : vector<16xi32>
        %add3A_331 = arith.constant 0 : i32
        %add3A_332 = arith.addi %mul3A_231, %add3A_331 : i32
        %swap3A_333 = arith.index_cast %add3A_332 : i32 to index
        %swap3A_334 = arith.constant 32 : index
        %swap3A_335 = tpu.vector_load %arg12[%swap3A_333, %swap3A_334] {strides = array<i32>} : memref<4x128xi32, #tpu.memory_space<vmem>>, vector<16xi32>,
        tpu.vector_store %arg12[%swap3A_333, %swap3A_334], %add3A_330 {strides = array<i32>} : memref<4x128xi32, #tpu.memory_space<vmem>>, vector<16xi32>,
        %broadcast_in_dim3A_336 = arith.constant 3 : i32
        %broadcast_in_dim3A_337 = vector.broadcast %broadcast_in_dim3A_336 : i32 to vector<16xi32>
        %gather3A_338 = tpu.vector_load_idx %arg5[%broadcast_in_dim3A_337, %min3A_245] : memref<16x3200xf32, #tpu.memory_space<vmem>>[vector<16xi32>, vector<16xi32>], vector<16xf32>,
        %gather3A_339 = tpu.vector_load_idx %arg6[%broadcast_in_dim3A_337, %max3A_251] : memref<16x3072xf32, #tpu.memory_space<vmem>>[vector<16xi32>, vector<16xi32>], vector<16xf32>,
        %select_n3A_340 = arith.select %lt3A_243, %gather3A_338, %gather3A_339 : vector<16xi1>, vector<16xf32>
        %add3A_341 = arith.constant 65584 : i32
        %add3A_342 = vector.broadcast %add3A_341 : i32 to vector<16xi32>
        %add3A_343 = arith.addi %add3A_342, %iota3A : vector<16xi32>
        %add3A_344 = arith.constant 384 : i32
        %add3A_345 = vector.broadcast %add3A_344 : i32 to vector<16xi32>
        %add3A_346 = arith.addi %add3A_259, %add3A_345 : vector<16xi32>
        %select_n3A_347 = arith.select %ge3A_240, %add3A_343, %add3A_346 : vector<16xi1>, vector<16xi32>
        %add3A_348 = arith.constant 48 : i32
        %add3A_349 = arith.addi %mul3A_213, %add3A_348 : i32
        %swap3A_350 = arith.index_cast %add3A_349 : i32 to index
        %swap3A_351 = tpu.vector_load %arg11[%swap3A_350] {strides = array<i32>} : memref<512xf32, #tpu.memory_space<vmem>>, vector<16xf32>,
        tpu.vector_store %arg11[%swap3A_350], %select_n3A_340 {strides = array<i32>} : memref<512xf32, #tpu.memory_space<vmem>>, vector<16xf32>,
        %add3A_352 = arith.constant 0 : i32
        %add3A_353 = vector.broadcast %add3A_352 : i32 to vector<16xi32>
        %add3A_354 = arith.addi %select_n3A_347, %add3A_353 : vector<16xi32>
        %add3A_355 = arith.constant 0 : i32
        %add3A_356 = arith.addi %mul3A_231, %add3A_355 : i32
        %swap3A_357 = arith.index_cast %add3A_356 : i32 to index
        %swap3A_358 = arith.constant 48 : index
        %swap3A_359 = tpu.vector_load %arg12[%swap3A_357, %swap3A_358] {strides = array<i32>} : memref<4x128xi32, #tpu.memory_space<vmem>>, vector<16xi32>,
        tpu.vector_store %arg12[%swap3A_357, %swap3A_358], %add3A_354 {strides = array<i32>} : memref<4x128xi32, #tpu.memory_space<vmem>>, vector<16xi32>,
        %broadcast_in_dim3A_360 = arith.constant 4 : i32
        %broadcast_in_dim3A_361 = vector.broadcast %broadcast_in_dim3A_360 : i32 to vector<16xi32>
        %gather3A_362 = tpu.vector_load_idx %arg5[%broadcast_in_dim3A_361, %min3A_245] : memref<16x3200xf32, #tpu.memory_space<vmem>>[vector<16xi32>, vector<16xi32>], vector<16xf32>,
        %gather3A_363 = tpu.vector_load_idx %arg6[%broadcast_in_dim3A_361, %max3A_251] : memref<16x3072xf32, #tpu.memory_space<vmem>>[vector<16xi32>, vector<16xi32>], vector<16xf32>,
        %select_n3A_364 = arith.select %lt3A_243, %gather3A_362, %gather3A_363 : vector<16xi1>, vector<16xf32>
        %add3A_365 = arith.constant 65600 : i32
        %add3A_366 = vector.broadcast %add3A_365 : i32 to vector<16xi32>
        %add3A_367 = arith.addi %add3A_366, %iota3A : vector<16xi32>
        %add3A_368 = arith.constant 512 : i32
        %add3A_369 = vector.broadcast %add3A_368 : i32 to vector<16xi32>
        %add3A_370 = arith.addi %add3A_259, %add3A_369 : vector<16xi32>
        %select_n3A_371 = arith.select %ge3A_240, %add3A_367, %add3A_370 : vector<16xi1>, vector<16xi32>
        %add3A_372 = arith.constant 64 : i32
        %add3A_373 = arith.addi %mul3A_213, %add3A_372 : i32
        %swap3A_374 = arith.index_cast %add3A_373 : i32 to index
        %swap3A_375 = tpu.vector_load %arg11[%swap3A_374] {strides = array<i32>} : memref<512xf32, #tpu.memory_space<vmem>>, vector<16xf32>,
        tpu.vector_store %arg11[%swap3A_374], %select_n3A_364 {strides = array<i32>} : memref<512xf32, #tpu.memory_space<vmem>>, vector<16xf32>,
        %add3A_376 = arith.constant 0 : i32
        %add3A_377 = vector.broadcast %add3A_376 : i32 to vector<16xi32>
        %add3A_378 = arith.addi %select_n3A_371, %add3A_377 : vector<16xi32>
        %add3A_379 = arith.constant 0 : i32
        %add3A_380 = arith.addi %mul3A_231, %add3A_379 : i32
        %swap3A_381 = arith.index_cast %add3A_380 : i32 to index
        %swap3A_382 = arith.constant 64 : index
        %swap3A_383 = tpu.vector_load %arg12[%swap3A_381, %swap3A_382] {strides = array<i32>} : memref<4x128xi32, #tpu.memory_space<vmem>>, vector<16xi32>,
        tpu.vector_store %arg12[%swap3A_381, %swap3A_382], %add3A_378 {strides = array<i32>} : memref<4x128xi32, #tpu.memory_space<vmem>>, vector<16xi32>,
        %broadcast_in_dim3A_384 = arith.constant 5 : i32
        %broadcast_in_dim3A_385 = vector.broadcast %broadcast_in_dim3A_384 : i32 to vector<16xi32>
        %gather3A_386 = tpu.vector_load_idx %arg5[%broadcast_in_dim3A_385, %min3A_245] : memref<16x3200xf32, #tpu.memory_space<vmem>>[vector<16xi32>, vector<16xi32>], vector<16xf32>,
        %gather3A_387 = tpu.vector_load_idx %arg6[%broadcast_in_dim3A_385, %max3A_251] : memref<16x3072xf32, #tpu.memory_space<vmem>>[vector<16xi32>, vector<16xi32>], vector<16xf32>,
        %select_n3A_388 = arith.select %lt3A_243, %gather3A_386, %gather3A_387 : vector<16xi1>, vector<16xf32>
        %add3A_389 = arith.constant 65616 : i32
        %add3A_390 = vector.broadcast %add3A_389 : i32 to vector<16xi32>
        %add3A_391 = arith.addi %add3A_390, %iota3A : vector<16xi32>
        %add3A_392 = arith.constant 640 : i32
        %add3A_393 = vector.broadcast %add3A_392 : i32 to vector<16xi32>
        %add3A_394 = arith.addi %add3A_259, %add3A_393 : vector<16xi32>
        %select_n3A_395 = arith.select %ge3A_240, %add3A_391, %add3A_394 : vector<16xi1>, vector<16xi32>
        %add3A_396 = arith.constant 80 : i32
        %add3A_397 = arith.addi %mul3A_213, %add3A_396 : i32
        %swap3A_398 = arith.index_cast %add3A_397 : i32 to index
        %swap3A_399 = tpu.vector_load %arg11[%swap3A_398] {strides = array<i32>} : memref<512xf32, #tpu.memory_space<vmem>>, vector<16xf32>,
        tpu.vector_store %arg11[%swap3A_398], %select_n3A_388 {strides = array<i32>} : memref<512xf32, #tpu.memory_space<vmem>>, vector<16xf32>,
        %add3A_400 = arith.constant 0 : i32
        %add3A_401 = vector.broadcast %add3A_400 : i32 to vector<16xi32>
        %add3A_402 = arith.addi %select_n3A_395, %add3A_401 : vector<16xi32>
        %add3A_403 = arith.constant 0 : i32
        %add3A_404 = arith.addi %mul3A_231, %add3A_403 : i32
        %swap3A_405 = arith.index_cast %add3A_404 : i32 to index
        %swap3A_406 = arith.constant 80 : index
        %swap3A_407 = tpu.vector_load %arg12[%swap3A_405, %swap3A_406] {strides = array<i32>} : memref<4x128xi32, #tpu.memory_space<vmem>>, vector<16xi32>,
        tpu.vector_store %arg12[%swap3A_405, %swap3A_406], %add3A_402 {strides = array<i32>} : memref<4x128xi32, #tpu.memory_space<vmem>>, vector<16xi32>,
        %broadcast_in_dim3A_408 = arith.constant 6 : i32
        %broadcast_in_dim3A_409 = vector.broadcast %broadcast_in_dim3A_408 : i32 to vector<16xi32>
        %gather3A_410 = tpu.vector_load_idx %arg5[%broadcast_in_dim3A_409, %min3A_245] : memref<16x3200xf32, #tpu.memory_space<vmem>>[vector<16xi32>, vector<16xi32>], vector<16xf32>,
        %gather3A_411 = tpu.vector_load_idx %arg6[%broadcast_in_dim3A_409, %max3A_251] : memref<16x3072xf32, #tpu.memory_space<vmem>>[vector<16xi32>, vector<16xi32>], vector<16xf32>,
        %select_n3A_412 = arith.select %lt3A_243, %gather3A_410, %gather3A_411 : vector<16xi1>, vector<16xf32>
        %add3A_413 = arith.constant 65632 : i32
        %add3A_414 = vector.broadcast %add3A_413 : i32 to vector<16xi32>
        %add3A_415 = arith.addi %add3A_414, %iota3A : vector<16xi32>
        %add3A_416 = arith.constant 768 : i32
        %add3A_417 = vector.broadcast %add3A_416 : i32 to vector<16xi32>
        %add3A_418 = arith.addi %add3A_259, %add3A_417 : vector<16xi32>
        %select_n3A_419 = arith.select %ge3A_240, %add3A_415, %add3A_418 : vector<16xi1>, vector<16xi32>
        %add3A_420 = arith.constant 96 : i32
        %add3A_421 = arith.addi %mul3A_213, %add3A_420 : i32
        %swap3A_422 = arith.index_cast %add3A_421 : i32 to index
        %swap3A_423 = tpu.vector_load %arg11[%swap3A_422] {strides = array<i32>} : memref<512xf32, #tpu.memory_space<vmem>>, vector<16xf32>,
        tpu.vector_store %arg11[%swap3A_422], %select_n3A_412 {strides = array<i32>} : memref<512xf32, #tpu.memory_space<vmem>>, vector<16xf32>,
        %add3A_424 = arith.constant 0 : i32
        %add3A_425 = vector.broadcast %add3A_424 : i32 to vector<16xi32>
        %add3A_426 = arith.addi %select_n3A_419, %add3A_425 : vector<16xi32>
        %add3A_427 = arith.constant 0 : i32
        %add3A_428 = arith.addi %mul3A_231, %add3A_427 : i32
        %swap3A_429 = arith.index_cast %add3A_428 : i32 to index
        %swap3A_430 = arith.constant 96 : index
        %swap3A_431 = tpu.vector_load %arg12[%swap3A_429, %swap3A_430] {strides = array<i32>} : memref<4x128xi32, #tpu.memory_space<vmem>>, vector<16xi32>,
        tpu.vector_store %arg12[%swap3A_429, %swap3A_430], %add3A_426 {strides = array<i32>} : memref<4x128xi32, #tpu.memory_space<vmem>>, vector<16xi32>,
        %broadcast_in_dim3A_432 = arith.constant 7 : i32
        %broadcast_in_dim3A_433 = vector.broadcast %broadcast_in_dim3A_432 : i32 to vector<16xi32>
        %gather3A_434 = tpu.vector_load_idx %arg5[%broadcast_in_dim3A_433, %min3A_245] : memref<16x3200xf32, #tpu.memory_space<vmem>>[vector<16xi32>, vector<16xi32>], vector<16xf32>,
        %gather3A_435 = tpu.vector_load_idx %arg6[%broadcast_in_dim3A_433, %max3A_251] : memref<16x3072xf32, #tpu.memory_space<vmem>>[vector<16xi32>, vector<16xi32>], vector<16xf32>,
        %select_n3A_436 = arith.select %lt3A_243, %gather3A_434, %gather3A_435 : vector<16xi1>, vector<16xf32>
        %add3A_437 = arith.constant 65648 : i32
        %add3A_438 = vector.broadcast %add3A_437 : i32 to vector<16xi32>
        %add3A_439 = arith.addi %add3A_438, %iota3A : vector<16xi32>
        %add3A_440 = arith.constant 896 : i32
        %add3A_441 = vector.broadcast %add3A_440 : i32 to vector<16xi32>
        %add3A_442 = arith.addi %add3A_259, %add3A_441 : vector<16xi32>
        %select_n3A_443 = arith.select %ge3A_240, %add3A_439, %add3A_442 : vector<16xi1>, vector<16xi32>
        %add3A_444 = arith.constant 112 : i32
        %add3A_445 = arith.addi %mul3A_213, %add3A_444 : i32
        %swap3A_446 = arith.index_cast %add3A_445 : i32 to index
        %swap3A_447 = tpu.vector_load %arg11[%swap3A_446] {strides = array<i32>} : memref<512xf32, #tpu.memory_space<vmem>>, vector<16xf32>,
        tpu.vector_store %arg11[%swap3A_446], %select_n3A_436 {strides = array<i32>} : memref<512xf32, #tpu.memory_space<vmem>>, vector<16xf32>,
        %add3A_448 = arith.constant 0 : i32
        %add3A_449 = vector.broadcast %add3A_448 : i32 to vector<16xi32>
        %add3A_450 = arith.addi %select_n3A_443, %add3A_449 : vector<16xi32>
        %add3A_451 = arith.constant 0 : i32
        %add3A_452 = arith.addi %mul3A_231, %add3A_451 : i32
        %swap3A_453 = arith.index_cast %add3A_452 : i32 to index
        %swap3A_454 = arith.constant 112 : index
        %swap3A_455 = tpu.vector_load %arg12[%swap3A_453, %swap3A_454] {strides = array<i32>} : memref<4x128xi32, #tpu.memory_space<vmem>>, vector<16xi32>,
        tpu.vector_store %arg12[%swap3A_453, %swap3A_454], %add3A_450 {strides = array<i32>} : memref<4x128xi32, #tpu.memory_space<vmem>>, vector<16xi32>,
        %broadcast_in_dim3A_456 = arith.constant 8 : i32
        %broadcast_in_dim3A_457 = vector.broadcast %broadcast_in_dim3A_456 : i32 to vector<16xi32>
        %gather3A_458 = tpu.vector_load_idx %arg5[%broadcast_in_dim3A_457, %min3A_245] : memref<16x3200xf32, #tpu.memory_space<vmem>>[vector<16xi32>, vector<16xi32>], vector<16xf32>,
        %gather3A_459 = tpu.vector_load_idx %arg6[%broadcast_in_dim3A_457, %max3A_251] : memref<16x3072xf32, #tpu.memory_space<vmem>>[vector<16xi32>, vector<16xi32>], vector<16xf32>,
        %select_n3A_460 = arith.select %lt3A_243, %gather3A_458, %gather3A_459 : vector<16xi1>, vector<16xf32>
        %add3A_461 = arith.constant 65536 : i32
        %add3A_462 = vector.broadcast %add3A_461 : i32 to vector<16xi32>
        %add3A_463 = arith.addi %add3A_462, %iota3A : vector<16xi32>
        %add3A_464 = arith.constant 32768 : i32
        %add3A_465 = vector.broadcast %add3A_464 : i32 to vector<16xi32>
        %add3A_466 = arith.addi %add3A_259, %add3A_465 : vector<16xi32>
        %select_n3A_467 = arith.select %ge3A_240, %add3A_463, %add3A_466 : vector<16xi1>, vector<16xi32>
        %add3A_468 = arith.constant 128 : i32
        %add3A_469 = arith.addi %mul3A_213, %add3A_468 : i32
        %swap3A_470 = arith.index_cast %add3A_469 : i32 to index
        %swap3A_471 = tpu.vector_load %arg11[%swap3A_470] {strides = array<i32>} : memref<512xf32, #tpu.memory_space<vmem>>, vector<16xf32>,
        tpu.vector_store %arg11[%swap3A_470], %select_n3A_460 {strides = array<i32>} : memref<512xf32, #tpu.memory_space<vmem>>, vector<16xf32>,
        %add3A_472 = arith.constant 0 : i32
        %add3A_473 = vector.broadcast %add3A_472 : i32 to vector<16xi32>
        %add3A_474 = arith.addi %select_n3A_467, %add3A_473 : vector<16xi32>
        %add3A_475 = arith.constant 1 : i32
        %add3A_476 = arith.addi %mul3A_231, %add3A_475 : i32
        %swap3A_477 = arith.index_cast %add3A_476 : i32 to index
        %swap3A_478 = arith.constant 0 : index
        %swap3A_479 = tpu.vector_load %arg12[%swap3A_477, %swap3A_478] {strides = array<i32>} : memref<4x128xi32, #tpu.memory_space<vmem>>, vector<16xi32>,
        tpu.vector_store %arg12[%swap3A_477, %swap3A_478], %add3A_474 {strides = array<i32>} : memref<4x128xi32, #tpu.memory_space<vmem>>, vector<16xi32>,
        %broadcast_in_dim3A_480 = arith.constant 9 : i32
        %broadcast_in_dim3A_481 = vector.broadcast %broadcast_in_dim3A_480 : i32 to vector<16xi32>
        %gather3A_482 = tpu.vector_load_idx %arg5[%broadcast_in_dim3A_481, %min3A_245] : memref<16x3200xf32, #tpu.memory_space<vmem>>[vector<16xi32>, vector<16xi32>], vector<16xf32>,
        %gather3A_483 = tpu.vector_load_idx %arg6[%broadcast_in_dim3A_481, %max3A_251] : memref<16x3072xf32, #tpu.memory_space<vmem>>[vector<16xi32>, vector<16xi32>], vector<16xf32>,
        %select_n3A_484 = arith.select %lt3A_243, %gather3A_482, %gather3A_483 : vector<16xi1>, vector<16xf32>
        %add3A_485 = arith.constant 65552 : i32
        %add3A_486 = vector.broadcast %add3A_485 : i32 to vector<16xi32>
        %add3A_487 = arith.addi %add3A_486, %iota3A : vector<16xi32>
        %add3A_488 = arith.constant 32896 : i32
        %add3A_489 = vector.broadcast %add3A_488 : i32 to vector<16xi32>
        %add3A_490 = arith.addi %add3A_259, %add3A_489 : vector<16xi32>
        %select_n3A_491 = arith.select %ge3A_240, %add3A_487, %add3A_490 : vector<16xi1>, vector<16xi32>
        %add3A_492 = arith.constant 144 : i32
        %add3A_493 = arith.addi %mul3A_213, %add3A_492 : i32
        %swap3A_494 = arith.index_cast %add3A_493 : i32 to index
        %swap3A_495 = tpu.vector_load %arg11[%swap3A_494] {strides = array<i32>} : memref<512xf32, #tpu.memory_space<vmem>>, vector<16xf32>,
        tpu.vector_store %arg11[%swap3A_494], %select_n3A_484 {strides = array<i32>} : memref<512xf32, #tpu.memory_space<vmem>>, vector<16xf32>,
        %add3A_496 = arith.constant 0 : i32
        %add3A_497 = vector.broadcast %add3A_496 : i32 to vector<16xi32>
        %add3A_498 = arith.addi %select_n3A_491, %add3A_497 : vector<16xi32>
        %add3A_499 = arith.constant 1 : i32
        %add3A_500 = arith.addi %mul3A_231, %add3A_499 : i32
        %swap3A_501 = arith.index_cast %add3A_500 : i32 to index
        %swap3A_502 = arith.constant 16 : index
        %swap3A_503 = tpu.vector_load %arg12[%swap3A_501, %swap3A_502] {strides = array<i32>} : memref<4x128xi32, #tpu.memory_space<vmem>>, vector<16xi32>,
        tpu.vector_store %arg12[%swap3A_501, %swap3A_502], %add3A_498 {strides = array<i32>} : memref<4x128xi32, #tpu.memory_space<vmem>>, vector<16xi32>,
        %broadcast_in_dim3A_504 = arith.constant 10 : i32
        %broadcast_in_dim3A_505 = vector.broadcast %broadcast_in_dim3A_504 : i32 to vector<16xi32>
        %gather3A_506 = tpu.vector_load_idx %arg5[%broadcast_in_dim3A_505, %min3A_245] : memref<16x3200xf32, #tpu.memory_space<vmem>>[vector<16xi32>, vector<16xi32>], vector<16xf32>,
        %gather3A_507 = tpu.vector_load_idx %arg6[%broadcast_in_dim3A_505, %max3A_251] : memref<16x3072xf32, #tpu.memory_space<vmem>>[vector<16xi32>, vector<16xi32>], vector<16xf32>,
        %select_n3A_508 = arith.select %lt3A_243, %gather3A_506, %gather3A_507 : vector<16xi1>, vector<16xf32>
        %add3A_509 = arith.constant 65568 : i32
        %add3A_510 = vector.broadcast %add3A_509 : i32 to vector<16xi32>
        %add3A_511 = arith.addi %add3A_510, %iota3A : vector<16xi32>
        %add3A_512 = arith.constant 33024 : i32
        %add3A_513 = vector.broadcast %add3A_512 : i32 to vector<16xi32>
        %add3A_514 = arith.addi %add3A_259, %add3A_513 : vector<16xi32>
        %select_n3A_515 = arith.select %ge3A_240, %add3A_511, %add3A_514 : vector<16xi1>, vector<16xi32>
        %add3A_516 = arith.constant 160 : i32
        %add3A_517 = arith.addi %mul3A_213, %add3A_516 : i32
        %swap3A_518 = arith.index_cast %add3A_517 : i32 to index
        %swap3A_519 = tpu.vector_load %arg11[%swap3A_518] {strides = array<i32>} : memref<512xf32, #tpu.memory_space<vmem>>, vector<16xf32>,
        tpu.vector_store %arg11[%swap3A_518], %select_n3A_508 {strides = array<i32>} : memref<512xf32, #tpu.memory_space<vmem>>, vector<16xf32>,
        %add3A_520 = arith.constant 0 : i32
        %add3A_521 = vector.broadcast %add3A_520 : i32 to vector<16xi32>
        %add3A_522 = arith.addi %select_n3A_515, %add3A_521 : vector<16xi32>
        %add3A_523 = arith.constant 1 : i32
        %add3A_524 = arith.addi %mul3A_231, %add3A_523 : i32
        %swap3A_525 = arith.index_cast %add3A_524 : i32 to index
        %swap3A_526 = arith.constant 32 : index
        %swap3A_527 = tpu.vector_load %arg12[%swap3A_525, %swap3A_526] {strides = array<i32>} : memref<4x128xi32, #tpu.memory_space<vmem>>, vector<16xi32>,
        tpu.vector_store %arg12[%swap3A_525, %swap3A_526], %add3A_522 {strides = array<i32>} : memref<4x128xi32, #tpu.memory_space<vmem>>, vector<16xi32>,
        %broadcast_in_dim3A_528 = arith.constant 11 : i32
        %broadcast_in_dim3A_529 = vector.broadcast %broadcast_in_dim3A_528 : i32 to vector<16xi32>
        %gather3A_530 = tpu.vector_load_idx %arg5[%broadcast_in_dim3A_529, %min3A_245] : memref<16x3200xf32, #tpu.memory_space<vmem>>[vector<16xi32>, vector<16xi32>], vector<16xf32>,
        %gather3A_531 = tpu.vector_load_idx %arg6[%broadcast_in_dim3A_529, %max3A_251] : memref<16x3072xf32, #tpu.memory_space<vmem>>[vector<16xi32>, vector<16xi32>], vector<16xf32>,
        %select_n3A_532 = arith.select %lt3A_243, %gather3A_530, %gather3A_531 : vector<16xi1>, vector<16xf32>
        %add3A_533 = arith.constant 65584 : i32
        %add3A_534 = vector.broadcast %add3A_533 : i32 to vector<16xi32>
        %add3A_535 = arith.addi %add3A_534, %iota3A : vector<16xi32>
        %add3A_536 = arith.constant 33152 : i32
        %add3A_537 = vector.broadcast %add3A_536 : i32 to vector<16xi32>
        %add3A_538 = arith.addi %add3A_259, %add3A_537 : vector<16xi32>
        %select_n3A_539 = arith.select %ge3A_240, %add3A_535, %add3A_538 : vector<16xi1>, vector<16xi32>
        %add3A_540 = arith.constant 176 : i32
        %add3A_541 = arith.addi %mul3A_213, %add3A_540 : i32
        %swap3A_542 = arith.index_cast %add3A_541 : i32 to index
        %swap3A_543 = tpu.vector_load %arg11[%swap3A_542] {strides = array<i32>} : memref<512xf32, #tpu.memory_space<vmem>>, vector<16xf32>,
        tpu.vector_store %arg11[%swap3A_542], %select_n3A_532 {strides = array<i32>} : memref<512xf32, #tpu.memory_space<vmem>>, vector<16xf32>,
        %add3A_544 = arith.constant 0 : i32
        %add3A_545 = vector.broadcast %add3A_544 : i32 to vector<16xi32>
        %add3A_546 = arith.addi %select_n3A_539, %add3A_545 : vector<16xi32>
        %add3A_547 = arith.constant 1 : i32
        %add3A_548 = arith.addi %mul3A_231, %add3A_547 : i32
        %swap3A_549 = arith.index_cast %add3A_548 : i32 to index
        %swap3A_550 = arith.constant 48 : index
        %swap3A_551 = tpu.vector_load %arg12[%swap3A_549, %swap3A_550] {strides = array<i32>} : memref<4x128xi32, #tpu.memory_space<vmem>>, vector<16xi32>,
        tpu.vector_store %arg12[%swap3A_549, %swap3A_550], %add3A_546 {strides = array<i32>} : memref<4x128xi32, #tpu.memory_space<vmem>>, vector<16xi32>,
        %broadcast_in_dim3A_552 = arith.constant 12 : i32
        %broadcast_in_dim3A_553 = vector.broadcast %broadcast_in_dim3A_552 : i32 to vector<16xi32>
        %gather3A_554 = tpu.vector_load_idx %arg5[%broadcast_in_dim3A_553, %min3A_245] : memref<16x3200xf32, #tpu.memory_space<vmem>>[vector<16xi32>, vector<16xi32>], vector<16xf32>,
        %gather3A_555 = tpu.vector_load_idx %arg6[%broadcast_in_dim3A_553, %max3A_251] : memref<16x3072xf32, #tpu.memory_space<vmem>>[vector<16xi32>, vector<16xi32>], vector<16xf32>,
        %select_n3A_556 = arith.select %lt3A_243, %gather3A_554, %gather3A_555 : vector<16xi1>, vector<16xf32>
        %add3A_557 = arith.constant 65600 : i32
        %add3A_558 = vector.broadcast %add3A_557 : i32 to vector<16xi32>
        %add3A_559 = arith.addi %add3A_558, %iota3A : vector<16xi32>
        %add3A_560 = arith.constant 33280 : i32
        %add3A_561 = vector.broadcast %add3A_560 : i32 to vector<16xi32>
        %add3A_562 = arith.addi %add3A_259, %add3A_561 : vector<16xi32>
        %select_n3A_563 = arith.select %ge3A_240, %add3A_559, %add3A_562 : vector<16xi1>, vector<16xi32>
        %add3A_564 = arith.constant 192 : i32
        %add3A_565 = arith.addi %mul3A_213, %add3A_564 : i32
        %swap3A_566 = arith.index_cast %add3A_565 : i32 to index
        %swap3A_567 = tpu.vector_load %arg11[%swap3A_566] {strides = array<i32>} : memref<512xf32, #tpu.memory_space<vmem>>, vector<16xf32>,
        tpu.vector_store %arg11[%swap3A_566], %select_n3A_556 {strides = array<i32>} : memref<512xf32, #tpu.memory_space<vmem>>, vector<16xf32>,
        %add3A_568 = arith.constant 0 : i32
        %add3A_569 = vector.broadcast %add3A_568 : i32 to vector<16xi32>
        %add3A_570 = arith.addi %select_n3A_563, %add3A_569 : vector<16xi32>
        %add3A_571 = arith.constant 1 : i32
        %add3A_572 = arith.addi %mul3A_231, %add3A_571 : i32
        %swap3A_573 = arith.index_cast %add3A_572 : i32 to index
        %swap3A_574 = arith.constant 64 : index
        %swap3A_575 = tpu.vector_load %arg12[%swap3A_573, %swap3A_574] {strides = array<i32>} : memref<4x128xi32, #tpu.memory_space<vmem>>, vector<16xi32>,
        tpu.vector_store %arg12[%swap3A_573, %swap3A_574], %add3A_570 {strides = array<i32>} : memref<4x128xi32, #tpu.memory_space<vmem>>, vector<16xi32>,
        %broadcast_in_dim3A_576 = arith.constant 13 : i32
        %broadcast_in_dim3A_577 = vector.broadcast %broadcast_in_dim3A_576 : i32 to vector<16xi32>
        %gather3A_578 = tpu.vector_load_idx %arg5[%broadcast_in_dim3A_577, %min3A_245] : memref<16x3200xf32, #tpu.memory_space<vmem>>[vector<16xi32>, vector<16xi32>], vector<16xf32>,
        %gather3A_579 = tpu.vector_load_idx %arg6[%broadcast_in_dim3A_577, %max3A_251] : memref<16x3072xf32, #tpu.memory_space<vmem>>[vector<16xi32>, vector<16xi32>], vector<16xf32>,
        %select_n3A_580 = arith.select %lt3A_243, %gather3A_578, %gather3A_579 : vector<16xi1>, vector<16xf32>
        %add3A_581 = arith.constant 65616 : i32
        %add3A_582 = vector.broadcast %add3A_581 : i32 to vector<16xi32>
        %add3A_583 = arith.addi %add3A_582, %iota3A : vector<16xi32>
        %add3A_584 = arith.constant 33408 : i32
        %add3A_585 = vector.broadcast %add3A_584 : i32 to vector<16xi32>
        %add3A_586 = arith.addi %add3A_259, %add3A_585 : vector<16xi32>
        %select_n3A_587 = arith.select %ge3A_240, %add3A_583, %add3A_586 : vector<16xi1>, vector<16xi32>
        %add3A_588 = arith.constant 208 : i32
        %add3A_589 = arith.addi %mul3A_213, %add3A_588 : i32
        %swap3A_590 = arith.index_cast %add3A_589 : i32 to index
        %swap3A_591 = tpu.vector_load %arg11[%swap3A_590] {strides = array<i32>} : memref<512xf32, #tpu.memory_space<vmem>>, vector<16xf32>,
        tpu.vector_store %arg11[%swap3A_590], %select_n3A_580 {strides = array<i32>} : memref<512xf32, #tpu.memory_space<vmem>>, vector<16xf32>,
        %add3A_592 = arith.constant 0 : i32
        %add3A_593 = vector.broadcast %add3A_592 : i32 to vector<16xi32>
        %add3A_594 = arith.addi %select_n3A_587, %add3A_593 : vector<16xi32>
        %add3A_595 = arith.constant 1 : i32
        %add3A_596 = arith.addi %mul3A_231, %add3A_595 : i32
        %swap3A_597 = arith.index_cast %add3A_596 : i32 to index
        %swap3A_598 = arith.constant 80 : index
        %swap3A_599 = tpu.vector_load %arg12[%swap3A_597, %swap3A_598] {strides = array<i32>} : memref<4x128xi32, #tpu.memory_space<vmem>>, vector<16xi32>,
        tpu.vector_store %arg12[%swap3A_597, %swap3A_598], %add3A_594 {strides = array<i32>} : memref<4x128xi32, #tpu.memory_space<vmem>>, vector<16xi32>,
        %broadcast_in_dim3A_600 = arith.constant 14 : i32
        %broadcast_in_dim3A_601 = vector.broadcast %broadcast_in_dim3A_600 : i32 to vector<16xi32>
        %gather3A_602 = tpu.vector_load_idx %arg5[%broadcast_in_dim3A_601, %min3A_245] : memref<16x3200xf32, #tpu.memory_space<vmem>>[vector<16xi32>, vector<16xi32>], vector<16xf32>,
        %gather3A_603 = tpu.vector_load_idx %arg6[%broadcast_in_dim3A_601, %max3A_251] : memref<16x3072xf32, #tpu.memory_space<vmem>>[vector<16xi32>, vector<16xi32>], vector<16xf32>,
        %select_n3A_604 = arith.select %lt3A_243, %gather3A_602, %gather3A_603 : vector<16xi1>, vector<16xf32>
        %add3A_605 = arith.constant 65632 : i32
        %add3A_606 = vector.broadcast %add3A_605 : i32 to vector<16xi32>
        %add3A_607 = arith.addi %add3A_606, %iota3A : vector<16xi32>
        %add3A_608 = arith.constant 33536 : i32
        %add3A_609 = vector.broadcast %add3A_608 : i32 to vector<16xi32>
        %add3A_610 = arith.addi %add3A_259, %add3A_609 : vector<16xi32>
        %select_n3A_611 = arith.select %ge3A_240, %add3A_607, %add3A_610 : vector<16xi1>, vector<16xi32>
        %add3A_612 = arith.constant 224 : i32
        %add3A_613 = arith.addi %mul3A_213, %add3A_612 : i32
        %swap3A_614 = arith.index_cast %add3A_613 : i32 to index
        %swap3A_615 = tpu.vector_load %arg11[%swap3A_614] {strides = array<i32>} : memref<512xf32, #tpu.memory_space<vmem>>, vector<16xf32>,
        tpu.vector_store %arg11[%swap3A_614], %select_n3A_604 {strides = array<i32>} : memref<512xf32, #tpu.memory_space<vmem>>, vector<16xf32>,
        %add3A_616 = arith.constant 0 : i32
        %add3A_617 = vector.broadcast %add3A_616 : i32 to vector<16xi32>
        %add3A_618 = arith.addi %select_n3A_611, %add3A_617 : vector<16xi32>
        %add3A_619 = arith.constant 1 : i32
        %add3A_620 = arith.addi %mul3A_231, %add3A_619 : i32
        %swap3A_621 = arith.index_cast %add3A_620 : i32 to index
        %swap3A_622 = arith.constant 96 : index
        %swap3A_623 = tpu.vector_load %arg12[%swap3A_621, %swap3A_622] {strides = array<i32>} : memref<4x128xi32, #tpu.memory_space<vmem>>, vector<16xi32>,
        tpu.vector_store %arg12[%swap3A_621, %swap3A_622], %add3A_618 {strides = array<i32>} : memref<4x128xi32, #tpu.memory_space<vmem>>, vector<16xi32>,
        %broadcast_in_dim3A_624 = arith.constant 15 : i32
        %broadcast_in_dim3A_625 = vector.broadcast %broadcast_in_dim3A_624 : i32 to vector<16xi32>
        %gather3A_626 = tpu.vector_load_idx %arg5[%broadcast_in_dim3A_625, %min3A_245] : memref<16x3200xf32, #tpu.memory_space<vmem>>[vector<16xi32>, vector<16xi32>], vector<16xf32>,
        %gather3A_627 = tpu.vector_load_idx %arg6[%broadcast_in_dim3A_625, %max3A_251] : memref<16x3072xf32, #tpu.memory_space<vmem>>[vector<16xi32>, vector<16xi32>], vector<16xf32>,
        %select_n3A_628 = arith.select %lt3A_243, %gather3A_626, %gather3A_627 : vector<16xi1>, vector<16xf32>
        %add3A_629 = arith.constant 65648 : i32
        %add3A_630 = vector.broadcast %add3A_629 : i32 to vector<16xi32>
        %add3A_631 = arith.addi %add3A_630, %iota3A : vector<16xi32>
        %add3A_632 = arith.constant 33664 : i32
        %add3A_633 = vector.broadcast %add3A_632 : i32 to vector<16xi32>
        %add3A_634 = arith.addi %add3A_259, %add3A_633 : vector<16xi32>
        %select_n3A_635 = arith.select %ge3A_240, %add3A_631, %add3A_634 : vector<16xi1>, vector<16xi32>
        %add3A_636 = arith.constant 240 : i32
        %add3A_637 = arith.addi %mul3A_213, %add3A_636 : i32
        %swap3A_638 = arith.index_cast %add3A_637 : i32 to index
        %swap3A_639 = tpu.vector_load %arg11[%swap3A_638] {strides = array<i32>} : memref<512xf32, #tpu.memory_space<vmem>>, vector<16xf32>,
        tpu.vector_store %arg11[%swap3A_638], %select_n3A_628 {strides = array<i32>} : memref<512xf32, #tpu.memory_space<vmem>>, vector<16xf32>,
        %add3A_640 = arith.constant 0 : i32
        %add3A_641 = vector.broadcast %add3A_640 : i32 to vector<16xi32>
        %add3A_642 = arith.addi %select_n3A_635, %add3A_641 : vector<16xi32>
        %add3A_643 = arith.constant 1 : i32
        %add3A_644 = arith.addi %mul3A_231, %add3A_643 : i32
        %swap3A_645 = arith.index_cast %add3A_644 : i32 to index
        %swap3A_646 = arith.constant 112 : index
        %swap3A_647 = tpu.vector_load %arg12[%swap3A_645, %swap3A_646] {strides = array<i32>} : memref<4x128xi32, #tpu.memory_space<vmem>>, vector<16xi32>,
        tpu.vector_store %arg12[%swap3A_645, %swap3A_646], %add3A_642 {strides = array<i32>} : memref<4x128xi32, #tpu.memory_space<vmem>>, vector<16xi32>,
        %dma_start3A_648 = tpu.memref_slice %arg11[%mul3A_213] : memref<512xf32, #tpu.memory_space<vmem>> -> memref<128xf32, #tpu.memory_space<vmem>>
        %dma_start3A_649 = arith.constant 0 : i32
        %dma_start3A_650 = tpu.memref_slice %arg12[%mul3A_231, %dma_start3A_649] : memref<4x128xi32, #tpu.memory_space<vmem>> -> memref<1x128xi32, #tpu.memory_space<vmem>>
        %dma_start3A_651 = tpu.memref_squeeze %dma_start3A_650 : memref<1x128xi32, #tpu.memory_space<vmem>> -> memref<128xi32, #tpu.memory_space<vmem>>
        %dma_start3A_652 = arith.constant 0 : i32
        %dma_start3A_653 = tpu.memref_slice %arg13[%dma_start3A_652] : memref<65664xf32, #tpu.memory_space<vmem_shared>> -> memref<65664xf32, #tpu.memory_space<vmem_shared>>
        tpu.enqueue_indirect_dma source(%dma_start3A_648 : memref<128xf32, #tpu.memory_space<vmem>>) target(%dma_start3A_653 : memref<65664xf32, #tpu.memory_space<vmem_shared>>) offsets(%dma_start3A_651 : memref<128xi32, #tpu.memory_space<vmem>>) semaphore(%arg17 : memref<!tpu.dma_semaphore, #tpu.memory_space<semaphore_mem>>)
        %add3A_654 = arith.constant 128 : i32
        %add3A_655 = arith.addi %mul3A_213, %add3A_654 : i32
        %add3A_656 = arith.constant 1 : i32
        %add3A_657 = arith.addi %mul3A_231, %add3A_656 : i32
        %dma_start3A_658 = tpu.memref_slice %arg11[%add3A_655] : memref<512xf32, #tpu.memory_space<vmem>> -> memref<128xf32, #tpu.memory_space<vmem>>
        %dma_start3A_659 = arith.constant 0 : i32
        %dma_start3A_660 = tpu.memref_slice %arg12[%add3A_657, %dma_start3A_659] : memref<4x128xi32, #tpu.memory_space<vmem>> -> memref<1x128xi32, #tpu.memory_space<vmem>>
        %dma_start3A_661 = tpu.memref_squeeze %dma_start3A_660 : memref<1x128xi32, #tpu.memory_space<vmem>> -> memref<128xi32, #tpu.memory_space<vmem>>
        %dma_start3A_662 = arith.constant 0 : i32
        %dma_start3A_663 = tpu.memref_slice %arg13[%dma_start3A_662] : memref<65664xf32, #tpu.memory_space<vmem_shared>> -> memref<65664xf32, #tpu.memory_space<vmem_shared>>
        tpu.enqueue_indirect_dma source(%dma_start3A_658 : memref<128xf32, #tpu.memory_space<vmem>>) target(%dma_start3A_663 : memref<65664xf32, #tpu.memory_space<vmem_shared>>) offsets(%dma_start3A_661 : memref<128xi32, #tpu.memory_space<vmem>>) semaphore(%arg17 : memref<!tpu.dma_semaphore, #tpu.memory_space<semaphore_mem>>)
      }
      %sub3A_167 = arith.constant 2 : i32
      %sub3A_168 = arith.subi %select_n3A_157, %sub3A_167 : i32
      %max3A = arith.constant 0 : i32
      %max3A_169 = arith.maxsi %sub3A_168, %max3A : i32
      %while3A_170 = arith.constant 0 : i32
      %while3A_171 = arith.subi %select_n3A_157, %max3A_169 : i32
      %while3A_172 = arith.addi %max3A_169, %while3A_171 : i32
      %while3A_173 = arith.constant 1 : i32
      %while3A_174 = arith.divsi %while3A_171, %while3A_173 : i32
      %while3A_175 = arith.muli %while3A_174, %while3A_173 : i32
      %while3A_176 = arith.addi %max3A_169, %while3A_175 : i32
      %while3A_177 = arith.constant 1 : i32
      scf.for %while3A_195 = %max3A_169 to %while3A_176 step %while3A_177  : i32 {
        %jit3A_196 = arith.constant 2 : i32
        %eq3A_197 = arith.constant 0 : i32
        %eq3A_198 = arith.cmpi eq, %jit3A_196, %eq3A_197 : i32
        %jit3A_199 = arith.constant 1 : i32
        %select_n3A_200 = arith.select %eq3A_198, %jit3A_199, %jit3A_196 : i32
        %rem3A_201 = arith.remsi %while3A_195, %select_n3A_200 : i32
        %ne3A_202 = arith.constant 0 : i32
        %ne3A_203 = arith.cmpi ne, %rem3A_201, %ne3A_202 : i32
        %lt3A_204 = arith.constant 0 : i32
        %lt3A_205 = arith.cmpi slt, %rem3A_201, %lt3A_204 : i32
        %lt3A_206 = arith.constant 0 : i32
        %lt3A_207 = arith.cmpi slt, %select_n3A_200, %lt3A_206 : i32
        %ne3A_208 = arith.xori %lt3A_205, %lt3A_207 : i1
        %and3A_209 = arith.andi %ne3A_208, %ne3A_203 : i1
        %add3A_210 = arith.addi %rem3A_201, %select_n3A_200 : i32
        %select_n3A_211 = arith.select %and3A_209, %add3A_210, %rem3A_201 : i32
        %mul3A_212 = arith.constant 256 : i32
        %mul3A_213 = arith.muli %select_n3A_211, %mul3A_212 : i32
        %jit3A_214 = arith.constant 2 : i32
        %eq3A_215 = arith.constant 0 : i32
        %eq3A_216 = arith.cmpi eq, %jit3A_214, %eq3A_215 : i32
        %jit3A_217 = arith.constant 1 : i32
        %select_n3A_218 = arith.select %eq3A_216, %jit3A_217, %jit3A_214 : i32
        %rem3A_219 = arith.remsi %while3A_195, %select_n3A_218 : i32
        %ne3A_220 = arith.constant 0 : i32
        %ne3A_221 = arith.cmpi ne, %rem3A_219, %ne3A_220 : i32
        %lt3A_222 = arith.constant 0 : i32
        %lt3A_223 = arith.cmpi slt, %rem3A_219, %lt3A_222 : i32
        %lt3A_224 = arith.constant 0 : i32
        %lt3A_225 = arith.cmpi slt, %select_n3A_218, %lt3A_224 : i32
        %ne3A_226 = arith.xori %lt3A_223, %lt3A_225 : i1
        %and3A_227 = arith.andi %ne3A_226, %ne3A_221 : i1
        %add3A_228 = arith.addi %rem3A_219, %select_n3A_218 : i32
        %select_n3A_229 = arith.select %and3A_227, %add3A_228, %rem3A_219 : i32
        %mul3A_230 = arith.constant 2 : i32
        %mul3A_231 = arith.muli %select_n3A_229, %mul3A_230 : i32
        %dma_wait3A_232 = tpu.memref_slice %arg11[%mul3A_213] : memref<512xf32, #tpu.memory_space<vmem>> -> memref<128xf32, #tpu.memory_space<vmem>>
        %dma_wait3A_233 = arith.constant 0 : i32
        %dma_wait3A_234 = tpu.memref_slice %arg12[%mul3A_231, %dma_wait3A_233] : memref<4x128xi32, #tpu.memory_space<vmem>> -> memref<1x128xi32, #tpu.memory_space<vmem>>
        %dma_wait3A_235 = tpu.memref_squeeze %dma_wait3A_234 : memref<1x128xi32, #tpu.memory_space<vmem>> -> memref<128xi32, #tpu.memory_space<vmem>>
        %dma_wait3A_236 = arith.constant 0 : i32
        %dma_wait3A_237 = tpu.memref_slice %arg13[%dma_wait3A_236] : memref<65664xf32, #tpu.memory_space<vmem_shared>> -> memref<65664xf32, #tpu.memory_space<vmem_shared>>
        tpu.wait_indirect_dma semaphore(%arg17 : memref<!tpu.dma_semaphore, #tpu.memory_space<semaphore_mem>>) src(%dma_wait3A_232 : memref<128xf32, #tpu.memory_space<vmem>>) dst(%dma_wait3A_237 : memref<65664xf32, #tpu.memory_space<vmem_shared>>)
        %add3A_238 = arith.constant 128 : i32
        %add3A_239 = arith.addi %mul3A_213, %add3A_238 : i32
        %add3A_240 = arith.constant 1 : i32
        %add3A_241 = arith.addi %mul3A_231, %add3A_240 : i32
        %dma_wait3A_242 = tpu.memref_slice %arg11[%add3A_239] : memref<512xf32, #tpu.memory_space<vmem>> -> memref<128xf32, #tpu.memory_space<vmem>>
        %dma_wait3A_243 = arith.constant 0 : i32
        %dma_wait3A_244 = tpu.memref_slice %arg12[%add3A_241, %dma_wait3A_243] : memref<4x128xi32, #tpu.memory_space<vmem>> -> memref<1x128xi32, #tpu.memory_space<vmem>>
        %dma_wait3A_245 = tpu.memref_squeeze %dma_wait3A_244 : memref<1x128xi32, #tpu.memory_space<vmem>> -> memref<128xi32, #tpu.memory_space<vmem>>
        %dma_wait3A_246 = arith.constant 0 : i32
        %dma_wait3A_247 = tpu.memref_slice %arg13[%dma_wait3A_246] : memref<65664xf32, #tpu.memory_space<vmem_shared>> -> memref<65664xf32, #tpu.memory_space<vmem_shared>>
        tpu.wait_indirect_dma semaphore(%arg17 : memref<!tpu.dma_semaphore, #tpu.memory_space<semaphore_mem>>) src(%dma_wait3A_242 : memref<128xf32, #tpu.memory_space<vmem>>) dst(%dma_wait3A_247 : memref<65664xf32, #tpu.memory_space<vmem_shared>>)
      }
      %while3A_178 = arith.constant 1 : i32
      scf.for %while3A_195 = %while3A_176 to %while3A_172 step %while3A_178  : i32 {
        %jit3A_196 = arith.constant 2 : i32
        %eq3A_197 = arith.constant 0 : i32
        %eq3A_198 = arith.cmpi eq, %jit3A_196, %eq3A_197 : i32
        %jit3A_199 = arith.constant 1 : i32
        %select_n3A_200 = arith.select %eq3A_198, %jit3A_199, %jit3A_196 : i32
        %rem3A_201 = arith.remsi %while3A_195, %select_n3A_200 : i32
        %ne3A_202 = arith.constant 0 : i32
        %ne3A_203 = arith.cmpi ne, %rem3A_201, %ne3A_202 : i32
        %lt3A_204 = arith.constant 0 : i32
        %lt3A_205 = arith.cmpi slt, %rem3A_201, %lt3A_204 : i32
        %lt3A_206 = arith.constant 0 : i32
        %lt3A_207 = arith.cmpi slt, %select_n3A_200, %lt3A_206 : i32
        %ne3A_208 = arith.xori %lt3A_205, %lt3A_207 : i1
        %and3A_209 = arith.andi %ne3A_208, %ne3A_203 : i1
        %add3A_210 = arith.addi %rem3A_201, %select_n3A_200 : i32
        %select_n3A_211 = arith.select %and3A_209, %add3A_210, %rem3A_201 : i32
        %mul3A_212 = arith.constant 256 : i32
        %mul3A_213 = arith.muli %select_n3A_211, %mul3A_212 : i32
        %jit3A_214 = arith.constant 2 : i32
        %eq3A_215 = arith.constant 0 : i32
        %eq3A_216 = arith.cmpi eq, %jit3A_214, %eq3A_215 : i32
        %jit3A_217 = arith.constant 1 : i32
        %select_n3A_218 = arith.select %eq3A_216, %jit3A_217, %jit3A_214 : i32
        %rem3A_219 = arith.remsi %while3A_195, %select_n3A_218 : i32
        %ne3A_220 = arith.constant 0 : i32
        %ne3A_221 = arith.cmpi ne, %rem3A_219, %ne3A_220 : i32
        %lt3A_222 = arith.constant 0 : i32
        %lt3A_223 = arith.cmpi slt, %rem3A_219, %lt3A_222 : i32
        %lt3A_224 = arith.constant 0 : i32
        %lt3A_225 = arith.cmpi slt, %select_n3A_218, %lt3A_224 : i32
        %ne3A_226 = arith.xori %lt3A_223, %lt3A_225 : i1
        %and3A_227 = arith.andi %ne3A_226, %ne3A_221 : i1
        %add3A_228 = arith.addi %rem3A_219, %select_n3A_218 : i32
        %select_n3A_229 = arith.select %and3A_227, %add3A_228, %rem3A_219 : i32
        %mul3A_230 = arith.constant 2 : i32
        %mul3A_231 = arith.muli %select_n3A_229, %mul3A_230 : i32
        %dma_wait3A_232 = tpu.memref_slice %arg11[%mul3A_213] : memref<512xf32, #tpu.memory_space<vmem>> -> memref<128xf32, #tpu.memory_space<vmem>>
        %dma_wait3A_233 = arith.constant 0 : i32
        %dma_wait3A_234 = tpu.memref_slice %arg12[%mul3A_231, %dma_wait3A_233] : memref<4x128xi32, #tpu.memory_space<vmem>> -> memref<1x128xi32, #tpu.memory_space<vmem>>
        %dma_wait3A_235 = tpu.memref_squeeze %dma_wait3A_234 : memref<1x128xi32, #tpu.memory_space<vmem>> -> memref<128xi32, #tpu.memory_space<vmem>>
        %dma_wait3A_236 = arith.constant 0 : i32
        %dma_wait3A_237 = tpu.memref_slice %arg13[%dma_wait3A_236] : memref<65664xf32, #tpu.memory_space<vmem_shared>> -> memref<65664xf32, #tpu.memory_space<vmem_shared>>
        tpu.wait_indirect_dma semaphore(%arg17 : memref<!tpu.dma_semaphore, #tpu.memory_space<semaphore_mem>>) src(%dma_wait3A_232 : memref<128xf32, #tpu.memory_space<vmem>>) dst(%dma_wait3A_237 : memref<65664xf32, #tpu.memory_space<vmem_shared>>)
        %add3A_238 = arith.constant 128 : i32
        %add3A_239 = arith.addi %mul3A_213, %add3A_238 : i32
        %add3A_240 = arith.constant 1 : i32
        %add3A_241 = arith.addi %mul3A_231, %add3A_240 : i32
        %dma_wait3A_242 = tpu.memref_slice %arg11[%add3A_239] : memref<512xf32, #tpu.memory_space<vmem>> -> memref<128xf32, #tpu.memory_space<vmem>>
        %dma_wait3A_243 = arith.constant 0 : i32
        %dma_wait3A_244 = tpu.memref_slice %arg12[%add3A_241, %dma_wait3A_243] : memref<4x128xi32, #tpu.memory_space<vmem>> -> memref<1x128xi32, #tpu.memory_space<vmem>>
        %dma_wait3A_245 = tpu.memref_squeeze %dma_wait3A_244 : memref<1x128xi32, #tpu.memory_space<vmem>> -> memref<128xi32, #tpu.memory_space<vmem>>
        %dma_wait3A_246 = arith.constant 0 : i32
        %dma_wait3A_247 = tpu.memref_slice %arg13[%dma_wait3A_246] : memref<65664xf32, #tpu.memory_space<vmem_shared>> -> memref<65664xf32, #tpu.memory_space<vmem_shared>>
        tpu.wait_indirect_dma semaphore(%arg17 : memref<!tpu.dma_semaphore, #tpu.memory_space<semaphore_mem>>) src(%dma_wait3A_242 : memref<128xf32, #tpu.memory_space<vmem>>) dst(%dma_wait3A_247 : memref<65664xf32, #tpu.memory_space<vmem_shared>>)
      }
      %convert_element_type3A_179 = arith.extui %and3A_91 : i1 to i32
      %cond3A_180 = arith.constant 0 : i32
      %cond3A_181 = arith.cmpi ne, %convert_element_type3A_179, %cond3A_180 : i32
      scf.if %cond3A_181 {
        %scan3A_195 = arith.constant 0 : i32
        %scan3A_196 = arith.constant 0 : i32
        %scan3A_197 = arith.constant 256 : i32
        %scan3A_198 = arith.addi %scan3A_196, %scan3A_197 : i32
        %scan3A_199 = arith.constant 1 : i32
        %scan3A_200 = scf.for %scan3A_259 = %scan3A_196 to %scan3A_198 step %scan3A_199 iter_args(%scan3A_260 = %scan3A_195) -> (i32)  : i32 {
          %mul3A_261 = arith.constant 4096 : i32
          %mul3A_262 = arith.muli %select_n3A_61, %mul3A_261 : i32
          %mul3A_263 = arith.constant 16 : i32
          %mul3A_264 = arith.muli %scan3A_259, %mul3A_263 : i32
          %add3A_265 = arith.addi %mul3A_262, %mul3A_264 : i32
          %get3A = arith.index_cast %add3A_265 : i32 to index
          %get3A_266 = tpu.vector_load %arg8[%get3A] {strides = array<i32>} : memref<8192xi32, #tpu.memory_space<vmem>>, vector<16xi32>,
          %sub3A_267 = arith.constant 2599936 : i32
          %sub3A_268 = vector.broadcast %sub3A_267 : i32 to vector<16xi32>
          %sub3A_269 = arith.subi %get3A_266, %sub3A_268 : vector<16xi32>
          %ge3A = arith.constant 0 : i32
          %ge3A_270 = vector.broadcast %ge3A : i32 to vector<16xi32>
          %ge3A_271 = arith.cmpi sge, %sub3A_269, %ge3A_270 : vector<16xi32>
          %lt3A_272 = arith.constant 64 : i32
          %lt3A_273 = vector.broadcast %lt3A_272 : i32 to vector<16xi32>
          %lt3A_274 = arith.cmpi slt, %sub3A_269, %lt3A_273 : vector<16xi32>
          %and3A_275 = arith.andi %ge3A_271, %lt3A_274 : vector<16xi1>
          %convert_element_type3A_276 = arith.extui %and3A_275 : vector<16xi1> to vector<16xi32>
          %reduce_sum3A = arith.constant true
          %reduce_sum3A_277 = vector.broadcast %reduce_sum3A : i1 to vector<16xi1>
          %reduce_sum3A_278 = tpu.scan <sum>, %convert_element_type3A_276 masked %reduce_sum3A_277 : vector<16xi32>, vector<16xi1> -> vector<16xi32>
          %reduce_sum3A_279 = vector.extract %reduce_sum3A_278[15] : i32 from vector<16xi32>
          %gt3A = arith.constant 0 : i32
          %gt3A_280 = arith.cmpi sgt, %reduce_sum3A_279, %gt3A : i32
          %convert_element_type3A_281 = arith.extui %gt3A_280 : i1 to i32
          %cond3A_282 = arith.constant 0 : i32
          %cond3A_283 = arith.cmpi ne, %convert_element_type3A_281, %cond3A_282 : i32
          scf.if %cond3A_283 {
            %swap3A_285 = arith.index_cast %scan3A_260 : i32 to index
            %swap3A_286 = tpu.vector_load %arg9[%swap3A_285] masked %and3A_275 {strides = array<i32>} : memref<4112xi32, #tpu.memory_space<vmem>>, vector<16xi32>, vector<16xi1>
            tpu.vector_store %arg9[%swap3A_285], %sub3A_269 masked %and3A_275 {strides = array<i32>} : memref<4112xi32, #tpu.memory_space<vmem>>, vector<16xi32>, vector<16xi1>
            %mul3A_287 = arith.constant 16 : i32
            %mul3A_288 = arith.muli %scan3A_259, %mul3A_287 : i32
            %add3A_289 = vector.broadcast %mul3A_288 : i32 to vector<16xi32>
            %add3A_290 = arith.addi %add3A_289, %iota3A : vector<16xi32>
            %swap3A_291 = arith.index_cast %scan3A_260 : i32 to index
            %swap3A_292 = tpu.vector_load %arg10[%swap3A_291] masked %and3A_275 {strides = array<i32>} : memref<4112xi32, #tpu.memory_space<vmem>>, vector<16xi32>, vector<16xi1>
            tpu.vector_store %arg10[%swap3A_291], %add3A_290 masked %and3A_275 {strides = array<i32>} : memref<4112xi32, #tpu.memory_space<vmem>>, vector<16xi32>, vector<16xi1>
          } else {
          }
          %add3A_284 = arith.addi %scan3A_260, %reduce_sum3A_279 : i32
          scf.yield %add3A_284 : i32
        }
        %scan3A_201 = arith.constant 256 : i32
        %broadcast_in_dim3A_202 = arith.constant 0 : i32
        %broadcast_in_dim3A_203 = vector.broadcast %broadcast_in_dim3A_202 : i32 to vector<16xi32>
        %swap3A_204 = arith.index_cast %scan3A_200 : i32 to index
        %swap3A_205 = tpu.vector_load %arg9[%swap3A_204] {strides = array<i32>} : memref<4112xi32, #tpu.memory_space<vmem>>, vector<16xi32>,
        tpu.vector_store %arg9[%swap3A_204], %broadcast_in_dim3A_203 {strides = array<i32>} : memref<4112xi32, #tpu.memory_space<vmem>>, vector<16xi32>,
        %broadcast_in_dim3A_206 = arith.constant 4096 : i32
        %broadcast_in_dim3A_207 = vector.broadcast %broadcast_in_dim3A_206 : i32 to vector<16xi32>
        %swap3A_208 = arith.index_cast %scan3A_200 : i32 to index
        %swap3A_209 = tpu.vector_load %arg10[%swap3A_208] {strides = array<i32>} : memref<4112xi32, #tpu.memory_space<vmem>>, vector<16xi32>,
        tpu.vector_store %arg10[%swap3A_208], %broadcast_in_dim3A_207 {strides = array<i32>} : memref<4112xi32, #tpu.memory_space<vmem>>, vector<16xi32>,
        %add3A_210 = arith.constant 15 : i32
        %add3A_211 = arith.addi %scan3A_200, %add3A_210 : i32
        %jit3A_212 = arith.constant 16 : i32
        %div3A_213 = arith.divsi %add3A_211, %jit3A_212 : i32
        %sign3A_214 = arith.constant 0 : i32
        %sign3A_215 = arith.cmpi sgt, %add3A_211, %sign3A_214 : i32
        %sign3A_216 = arith.extui %sign3A_215 : i1 to i32
        %sign3A_217 = arith.constant 0 : i32
        %sign3A_218 = arith.cmpi slt, %add3A_211, %sign3A_217 : i32
        %sign3A_219 = arith.extui %sign3A_218 : i1 to i32
        %sign3A_220 = arith.subi %sign3A_216, %sign3A_219 : i32
        %sign3A_221 = arith.constant 0 : i32
        %sign3A_222 = arith.cmpi sgt, %jit3A_212, %sign3A_221 : i32
        %sign3A_223 = arith.extui %sign3A_222 : i1 to i32
        %sign3A_224 = arith.constant 0 : i32
        %sign3A_225 = arith.cmpi slt, %jit3A_212, %sign3A_224 : i32
        %sign3A_226 = arith.extui %sign3A_225 : i1 to i32
        %sign3A_227 = arith.subi %sign3A_223, %sign3A_226 : i32
        %ne3A_228 = arith.cmpi ne, %sign3A_220, %sign3A_227 : i32
        %rem3A_229 = arith.remsi %add3A_211, %jit3A_212 : i32
        %ne3A_230 = arith.constant 0 : i32
        %ne3A_231 = arith.cmpi ne, %rem3A_229, %ne3A_230 : i32
        %and3A_232 = arith.andi %ne3A_228, %ne3A_231 : i1
        %sub3A_233 = arith.constant 1 : i32
        %sub3A_234 = arith.subi %div3A_213, %sub3A_233 : i32
        %select_n3A_235 = arith.select %and3A_232, %sub3A_234, %div3A_213 : i32
        %while3A_236 = arith.constant 0 : i32
        %while3A_237 = arith.constant 0 : i32
        %while3A_238 = arith.subi %select_n3A_235, %while3A_237 : i32
        %while3A_239 = arith.addi %while3A_237, %while3A_238 : i32
        %while3A_240 = arith.constant 1 : i32
        %while3A_241 = arith.divsi %while3A_238, %while3A_240 : i32
        %while3A_242 = arith.muli %while3A_241, %while3A_240 : i32
        %while3A_243 = arith.addi %while3A_237, %while3A_242 : i32
        %while3A_244 = arith.constant 1 : i32
        scf.for %while3A_259 = %while3A_237 to %while3A_243 step %while3A_244  : i32 {
          %jit3A_260 = arith.constant 2 : i32
          %eq3A_261 = arith.constant 0 : i32
          %eq3A_262 = arith.cmpi eq, %jit3A_260, %eq3A_261 : i32
          %jit3A_263 = arith.constant 1 : i32
          %select_n3A_264 = arith.select %eq3A_262, %jit3A_263, %jit3A_260 : i32
          %rem3A_265 = arith.remsi %while3A_259, %select_n3A_264 : i32
          %ne3A_266 = arith.constant 0 : i32
          %ne3A_267 = arith.cmpi ne, %rem3A_265, %ne3A_266 : i32
          %lt3A_268 = arith.constant 0 : i32
          %lt3A_269 = arith.cmpi slt, %rem3A_265, %lt3A_268 : i32
          %lt3A_270 = arith.constant 0 : i32
          %lt3A_271 = arith.cmpi slt, %select_n3A_264, %lt3A_270 : i32
          %ne3A_272 = arith.xori %lt3A_269, %lt3A_271 : i1
          %and3A_273 = arith.andi %ne3A_272, %ne3A_267 : i1
          %add3A_274 = arith.addi %rem3A_265, %select_n3A_264 : i32
          %select_n3A_275 = arith.select %and3A_273, %add3A_274, %rem3A_265 : i32
          %mul3A_276 = arith.constant 256 : i32
          %mul3A_277 = arith.muli %select_n3A_275, %mul3A_276 : i32
          %jit3A_278 = arith.constant 2 : i32
          %eq3A_279 = arith.constant 0 : i32
          %eq3A_280 = arith.cmpi eq, %jit3A_278, %eq3A_279 : i32
          %jit3A_281 = arith.constant 1 : i32
          %select_n3A_282 = arith.select %eq3A_280, %jit3A_281, %jit3A_278 : i32
          %rem3A_283 = arith.remsi %while3A_259, %select_n3A_282 : i32
          %ne3A_284 = arith.constant 0 : i32
          %ne3A_285 = arith.cmpi ne, %rem3A_283, %ne3A_284 : i32
          %lt3A_286 = arith.constant 0 : i32
          %lt3A_287 = arith.cmpi slt, %rem3A_283, %lt3A_286 : i32
          %lt3A_288 = arith.constant 0 : i32
          %lt3A_289 = arith.cmpi slt, %select_n3A_282, %lt3A_288 : i32
          %ne3A_290 = arith.xori %lt3A_287, %lt3A_289 : i1
          %and3A_291 = arith.andi %ne3A_290, %ne3A_285 : i1
          %add3A_292 = arith.addi %rem3A_283, %select_n3A_282 : i32
          %select_n3A_293 = arith.select %and3A_291, %add3A_292, %rem3A_283 : i32
          %mul3A_294 = arith.constant 2 : i32
          %mul3A_295 = arith.muli %select_n3A_293, %mul3A_294 : i32
          %mul3A_296 = arith.constant 16 : i32
          %mul3A_297 = arith.muli %while3A_259, %mul3A_296 : i32
          %get3A = arith.index_cast %mul3A_297 : i32 to index
          %get3A_298 = tpu.vector_load %arg9[%get3A] {strides = array<i32>} : memref<4112xi32, #tpu.memory_space<vmem>>, vector<16xi32>,
          %mul3A_299 = arith.constant 16 : i32
          %mul3A_300 = arith.muli %while3A_259, %mul3A_299 : i32
          %get3A_301 = arith.index_cast %mul3A_300 : i32 to index
          %get3A_302 = tpu.vector_load %arg10[%get3A_301] {strides = array<i32>} : memref<4112xi32, #tpu.memory_space<vmem>>, vector<16xi32>,
          %ge3A = arith.constant 4096 : i32
          %ge3A_303 = vector.broadcast %ge3A : i32 to vector<16xi32>
          %ge3A_304 = arith.cmpi sge, %get3A_302, %ge3A_303 : vector<16xi32>
          %lt3A_305 = arith.constant 3200 : i32
          %lt3A_306 = vector.broadcast %lt3A_305 : i32 to vector<16xi32>
          %lt3A_307 = arith.cmpi slt, %get3A_298, %lt3A_306 : vector<16xi32>
          %min3A = arith.constant 3199 : i32
          %min3A_308 = vector.broadcast %min3A : i32 to vector<16xi32>
          %min3A_309 = arith.minsi %get3A_298, %min3A_308 : vector<16xi32>
          %sub3A_310 = arith.constant 3200 : i32
          %sub3A_311 = vector.broadcast %sub3A_310 : i32 to vector<16xi32>
          %sub3A_312 = arith.subi %get3A_298, %sub3A_311 : vector<16xi32>
          %max3A_313 = arith.constant 0 : i32
          %max3A_314 = vector.broadcast %max3A_313 : i32 to vector<16xi32>
          %max3A_315 = arith.maxsi %sub3A_312, %max3A_314 : vector<16xi32>
          %shift_right_arithmetic3A = arith.constant 7 : i32
          %shift_right_arithmetic3A_316 = vector.broadcast %shift_right_arithmetic3A : i32 to vector<16xi32>
          %shift_right_arithmetic3A_317 = arith.shrsi %get3A_302, %shift_right_arithmetic3A_316 : vector<16xi32>
          %shift_left3A = arith.constant 10 : i32
          %shift_left3A_318 = vector.broadcast %shift_left3A : i32 to vector<16xi32>
          %shift_left3A_319 = arith.shli %shift_right_arithmetic3A_317, %shift_left3A_318 : vector<16xi32>
          %and3A_320 = arith.constant 127 : i32
          %and3A_321 = vector.broadcast %and3A_320 : i32 to vector<16xi32>
          %and3A_322 = arith.andi %get3A_302, %and3A_321 : vector<16xi32>
          %add3A_323 = arith.addi %shift_left3A_319, %and3A_322 : vector<16xi32>
          %ge3A_324 = arith.constant 2 : i32
          %ge3A_325 = arith.cmpi sge, %while3A_259, %ge3A_324 : i32
          %convert_element_type3A_326 = arith.extui %ge3A_325 : i1 to i32
          %cond3A_327 = arith.constant 0 : i32
          %cond3A_328 = arith.cmpi ne, %convert_element_type3A_326, %cond3A_327 : i32
          scf.if %cond3A_328 {
            %dma_wait3A_728 = tpu.memref_slice %arg11[%mul3A_277] : memref<512xf32, #tpu.memory_space<vmem>> -> memref<128xf32, #tpu.memory_space<vmem>>
            %dma_wait3A_729 = arith.constant 0 : i32
            %dma_wait3A_730 = tpu.memref_slice %arg12[%mul3A_295, %dma_wait3A_729] : memref<4x128xi32, #tpu.memory_space<vmem>> -> memref<1x128xi32, #tpu.memory_space<vmem>>
            %dma_wait3A_731 = tpu.memref_squeeze %dma_wait3A_730 : memref<1x128xi32, #tpu.memory_space<vmem>> -> memref<128xi32, #tpu.memory_space<vmem>>
            %dma_wait3A_732 = arith.constant 0 : i32
            %dma_wait3A_733 = tpu.memref_slice %arg13[%dma_wait3A_732] : memref<65664xf32, #tpu.memory_space<vmem_shared>> -> memref<65664xf32, #tpu.memory_space<vmem_shared>>
            tpu.wait_indirect_dma semaphore(%arg17 : memref<!tpu.dma_semaphore, #tpu.memory_space<semaphore_mem>>) src(%dma_wait3A_728 : memref<128xf32, #tpu.memory_space<vmem>>) dst(%dma_wait3A_733 : memref<65664xf32, #tpu.memory_space<vmem_shared>>)
            %add3A_734 = arith.constant 128 : i32
            %add3A_735 = arith.addi %mul3A_277, %add3A_734 : i32
            %add3A_736 = arith.constant 1 : i32
            %add3A_737 = arith.addi %mul3A_295, %add3A_736 : i32
            %dma_wait3A_738 = tpu.memref_slice %arg11[%add3A_735] : memref<512xf32, #tpu.memory_space<vmem>> -> memref<128xf32, #tpu.memory_space<vmem>>
            %dma_wait3A_739 = arith.constant 0 : i32
            %dma_wait3A_740 = tpu.memref_slice %arg12[%add3A_737, %dma_wait3A_739] : memref<4x128xi32, #tpu.memory_space<vmem>> -> memref<1x128xi32, #tpu.memory_space<vmem>>
            %dma_wait3A_741 = tpu.memref_squeeze %dma_wait3A_740 : memref<1x128xi32, #tpu.memory_space<vmem>> -> memref<128xi32, #tpu.memory_space<vmem>>
            %dma_wait3A_742 = arith.constant 0 : i32
            %dma_wait3A_743 = tpu.memref_slice %arg13[%dma_wait3A_742] : memref<65664xf32, #tpu.memory_space<vmem_shared>> -> memref<65664xf32, #tpu.memory_space<vmem_shared>>
            tpu.wait_indirect_dma semaphore(%arg17 : memref<!tpu.dma_semaphore, #tpu.memory_space<semaphore_mem>>) src(%dma_wait3A_738 : memref<128xf32, #tpu.memory_space<vmem>>) dst(%dma_wait3A_743 : memref<65664xf32, #tpu.memory_space<vmem_shared>>)
          } else {
          }
          %broadcast_in_dim3A_329 = arith.constant 0 : i32
          %broadcast_in_dim3A_330 = vector.broadcast %broadcast_in_dim3A_329 : i32 to vector<16xi32>
          %gather3A = tpu.vector_load_idx %arg7[%broadcast_in_dim3A_330, %min3A_309] : memref<16x64xf32, #tpu.memory_space<vmem>>[vector<16xi32>, vector<16xi32>], vector<16xf32>,
          %gather3A_331 = tpu.vector_load_idx %arg7[%broadcast_in_dim3A_330, %max3A_315] : memref<16x64xf32, #tpu.memory_space<vmem>>[vector<16xi32>, vector<16xi32>], vector<16xf32>,
          %select_n3A_332 = arith.select %lt3A_307, %gather3A, %gather3A_331 : vector<16xi1>, vector<16xf32>
          %add3A_333 = arith.constant 65536 : i32
          %add3A_334 = vector.broadcast %add3A_333 : i32 to vector<16xi32>
          %add3A_335 = arith.addi %add3A_334, %iota3A : vector<16xi32>
          %add3A_336 = arith.constant 0 : i32
          %add3A_337 = vector.broadcast %add3A_336 : i32 to vector<16xi32>
          %add3A_338 = arith.addi %add3A_323, %add3A_337 : vector<16xi32>
          %select_n3A_339 = arith.select %ge3A_304, %add3A_335, %add3A_338 : vector<16xi1>, vector<16xi32>
          %add3A_340 = arith.constant 0 : i32
          %add3A_341 = arith.addi %mul3A_277, %add3A_340 : i32
          %swap3A_342 = arith.index_cast %add3A_341 : i32 to index
          %swap3A_343 = tpu.vector_load %arg11[%swap3A_342] {strides = array<i32>} : memref<512xf32, #tpu.memory_space<vmem>>, vector<16xf32>,
          tpu.vector_store %arg11[%swap3A_342], %select_n3A_332 {strides = array<i32>} : memref<512xf32, #tpu.memory_space<vmem>>, vector<16xf32>,
          %add3A_344 = arith.constant 0 : i32
          %add3A_345 = vector.broadcast %add3A_344 : i32 to vector<16xi32>
          %add3A_346 = arith.addi %select_n3A_339, %add3A_345 : vector<16xi32>
          %add3A_347 = arith.constant 0 : i32
          %add3A_348 = arith.addi %mul3A_295, %add3A_347 : i32
          %swap3A_349 = arith.index_cast %add3A_348 : i32 to index
          %swap3A_350 = arith.constant 0 : index
          %swap3A_351 = tpu.vector_load %arg12[%swap3A_349, %swap3A_350] {strides = array<i32>} : memref<4x128xi32, #tpu.memory_space<vmem>>, vector<16xi32>,
          tpu.vector_store %arg12[%swap3A_349, %swap3A_350], %add3A_346 {strides = array<i32>} : memref<4x128xi32, #tpu.memory_space<vmem>>, vector<16xi32>,
          %broadcast_in_dim3A_352 = arith.constant 1 : i32
          %broadcast_in_dim3A_353 = vector.broadcast %broadcast_in_dim3A_352 : i32 to vector<16xi32>
          %gather3A_354 = tpu.vector_load_idx %arg7[%broadcast_in_dim3A_353, %min3A_309] : memref<16x64xf32, #tpu.memory_space<vmem>>[vector<16xi32>, vector<16xi32>], vector<16xf32>,
          %gather3A_355 = tpu.vector_load_idx %arg7[%broadcast_in_dim3A_353, %max3A_315] : memref<16x64xf32, #tpu.memory_space<vmem>>[vector<16xi32>, vector<16xi32>], vector<16xf32>,
          %select_n3A_356 = arith.select %lt3A_307, %gather3A_354, %gather3A_355 : vector<16xi1>, vector<16xf32>
          %add3A_357 = arith.constant 65552 : i32
          %add3A_358 = vector.broadcast %add3A_357 : i32 to vector<16xi32>
          %add3A_359 = arith.addi %add3A_358, %iota3A : vector<16xi32>
          %add3A_360 = arith.constant 128 : i32
          %add3A_361 = vector.broadcast %add3A_360 : i32 to vector<16xi32>
          %add3A_362 = arith.addi %add3A_323, %add3A_361 : vector<16xi32>
          %select_n3A_363 = arith.select %ge3A_304, %add3A_359, %add3A_362 : vector<16xi1>, vector<16xi32>
          %add3A_364 = arith.constant 16 : i32
          %add3A_365 = arith.addi %mul3A_277, %add3A_364 : i32
          %swap3A_366 = arith.index_cast %add3A_365 : i32 to index
          %swap3A_367 = tpu.vector_load %arg11[%swap3A_366] {strides = array<i32>} : memref<512xf32, #tpu.memory_space<vmem>>, vector<16xf32>,
          tpu.vector_store %arg11[%swap3A_366], %select_n3A_356 {strides = array<i32>} : memref<512xf32, #tpu.memory_space<vmem>>, vector<16xf32>,
          %add3A_368 = arith.constant 0 : i32
          %add3A_369 = vector.broadcast %add3A_368 : i32 to vector<16xi32>
          %add3A_370 = arith.addi %select_n3A_363, %add3A_369 : vector<16xi32>
          %add3A_371 = arith.constant 0 : i32
          %add3A_372 = arith.addi %mul3A_295, %add3A_371 : i32
          %swap3A_373 = arith.index_cast %add3A_372 : i32 to index
          %swap3A_374 = arith.constant 16 : index
          %swap3A_375 = tpu.vector_load %arg12[%swap3A_373, %swap3A_374] {strides = array<i32>} : memref<4x128xi32, #tpu.memory_space<vmem>>, vector<16xi32>,
          tpu.vector_store %arg12[%swap3A_373, %swap3A_374], %add3A_370 {strides = array<i32>} : memref<4x128xi32, #tpu.memory_space<vmem>>, vector<16xi32>,
          %broadcast_in_dim3A_376 = arith.constant 2 : i32
          %broadcast_in_dim3A_377 = vector.broadcast %broadcast_in_dim3A_376 : i32 to vector<16xi32>
          %gather3A_378 = tpu.vector_load_idx %arg7[%broadcast_in_dim3A_377, %min3A_309] : memref<16x64xf32, #tpu.memory_space<vmem>>[vector<16xi32>, vector<16xi32>], vector<16xf32>,
          %gather3A_379 = tpu.vector_load_idx %arg7[%broadcast_in_dim3A_377, %max3A_315] : memref<16x64xf32, #tpu.memory_space<vmem>>[vector<16xi32>, vector<16xi32>], vector<16xf32>,
          %select_n3A_380 = arith.select %lt3A_307, %gather3A_378, %gather3A_379 : vector<16xi1>, vector<16xf32>
          %add3A_381 = arith.constant 65568 : i32
          %add3A_382 = vector.broadcast %add3A_381 : i32 to vector<16xi32>
          %add3A_383 = arith.addi %add3A_382, %iota3A : vector<16xi32>
          %add3A_384 = arith.constant 256 : i32
          %add3A_385 = vector.broadcast %add3A_384 : i32 to vector<16xi32>
          %add3A_386 = arith.addi %add3A_323, %add3A_385 : vector<16xi32>
          %select_n3A_387 = arith.select %ge3A_304, %add3A_383, %add3A_386 : vector<16xi1>, vector<16xi32>
          %add3A_388 = arith.constant 32 : i32
          %add3A_389 = arith.addi %mul3A_277, %add3A_388 : i32
          %swap3A_390 = arith.index_cast %add3A_389 : i32 to index
          %swap3A_391 = tpu.vector_load %arg11[%swap3A_390] {strides = array<i32>} : memref<512xf32, #tpu.memory_space<vmem>>, vector<16xf32>,
          tpu.vector_store %arg11[%swap3A_390], %select_n3A_380 {strides = array<i32>} : memref<512xf32, #tpu.memory_space<vmem>>, vector<16xf32>,
          %add3A_392 = arith.constant 0 : i32
          %add3A_393 = vector.broadcast %add3A_392 : i32 to vector<16xi32>
          %add3A_394 = arith.addi %select_n3A_387, %add3A_393 : vector<16xi32>
          %add3A_395 = arith.constant 0 : i32
          %add3A_396 = arith.addi %mul3A_295, %add3A_395 : i32
          %swap3A_397 = arith.index_cast %add3A_396 : i32 to index
          %swap3A_398 = arith.constant 32 : index
          %swap3A_399 = tpu.vector_load %arg12[%swap3A_397, %swap3A_398] {strides = array<i32>} : memref<4x128xi32, #tpu.memory_space<vmem>>, vector<16xi32>,
          tpu.vector_store %arg12[%swap3A_397, %swap3A_398], %add3A_394 {strides = array<i32>} : memref<4x128xi32, #tpu.memory_space<vmem>>, vector<16xi32>,
          %broadcast_in_dim3A_400 = arith.constant 3 : i32
          %broadcast_in_dim3A_401 = vector.broadcast %broadcast_in_dim3A_400 : i32 to vector<16xi32>
          %gather3A_402 = tpu.vector_load_idx %arg7[%broadcast_in_dim3A_401, %min3A_309] : memref<16x64xf32, #tpu.memory_space<vmem>>[vector<16xi32>, vector<16xi32>], vector<16xf32>,
          %gather3A_403 = tpu.vector_load_idx %arg7[%broadcast_in_dim3A_401, %max3A_315] : memref<16x64xf32, #tpu.memory_space<vmem>>[vector<16xi32>, vector<16xi32>], vector<16xf32>,
          %select_n3A_404 = arith.select %lt3A_307, %gather3A_402, %gather3A_403 : vector<16xi1>, vector<16xf32>
          %add3A_405 = arith.constant 65584 : i32
          %add3A_406 = vector.broadcast %add3A_405 : i32 to vector<16xi32>
          %add3A_407 = arith.addi %add3A_406, %iota3A : vector<16xi32>
          %add3A_408 = arith.constant 384 : i32
          %add3A_409 = vector.broadcast %add3A_408 : i32 to vector<16xi32>
          %add3A_410 = arith.addi %add3A_323, %add3A_409 : vector<16xi32>
          %select_n3A_411 = arith.select %ge3A_304, %add3A_407, %add3A_410 : vector<16xi1>, vector<16xi32>
          %add3A_412 = arith.constant 48 : i32
          %add3A_413 = arith.addi %mul3A_277, %add3A_412 : i32
          %swap3A_414 = arith.index_cast %add3A_413 : i32 to index
          %swap3A_415 = tpu.vector_load %arg11[%swap3A_414] {strides = array<i32>} : memref<512xf32, #tpu.memory_space<vmem>>, vector<16xf32>,
          tpu.vector_store %arg11[%swap3A_414], %select_n3A_404 {strides = array<i32>} : memref<512xf32, #tpu.memory_space<vmem>>, vector<16xf32>,
          %add3A_416 = arith.constant 0 : i32
          %add3A_417 = vector.broadcast %add3A_416 : i32 to vector<16xi32>
          %add3A_418 = arith.addi %select_n3A_411, %add3A_417 : vector<16xi32>
          %add3A_419 = arith.constant 0 : i32
          %add3A_420 = arith.addi %mul3A_295, %add3A_419 : i32
          %swap3A_421 = arith.index_cast %add3A_420 : i32 to index
          %swap3A_422 = arith.constant 48 : index
          %swap3A_423 = tpu.vector_load %arg12[%swap3A_421, %swap3A_422] {strides = array<i32>} : memref<4x128xi32, #tpu.memory_space<vmem>>, vector<16xi32>,
          tpu.vector_store %arg12[%swap3A_421, %swap3A_422], %add3A_418 {strides = array<i32>} : memref<4x128xi32, #tpu.memory_space<vmem>>, vector<16xi32>,
          %broadcast_in_dim3A_424 = arith.constant 4 : i32
          %broadcast_in_dim3A_425 = vector.broadcast %broadcast_in_dim3A_424 : i32 to vector<16xi32>
          %gather3A_426 = tpu.vector_load_idx %arg7[%broadcast_in_dim3A_425, %min3A_309] : memref<16x64xf32, #tpu.memory_space<vmem>>[vector<16xi32>, vector<16xi32>], vector<16xf32>,
          %gather3A_427 = tpu.vector_load_idx %arg7[%broadcast_in_dim3A_425, %max3A_315] : memref<16x64xf32, #tpu.memory_space<vmem>>[vector<16xi32>, vector<16xi32>], vector<16xf32>,
          %select_n3A_428 = arith.select %lt3A_307, %gather3A_426, %gather3A_427 : vector<16xi1>, vector<16xf32>
          %add3A_429 = arith.constant 65600 : i32
          %add3A_430 = vector.broadcast %add3A_429 : i32 to vector<16xi32>
          %add3A_431 = arith.addi %add3A_430, %iota3A : vector<16xi32>
          %add3A_432 = arith.constant 512 : i32
          %add3A_433 = vector.broadcast %add3A_432 : i32 to vector<16xi32>
          %add3A_434 = arith.addi %add3A_323, %add3A_433 : vector<16xi32>
          %select_n3A_435 = arith.select %ge3A_304, %add3A_431, %add3A_434 : vector<16xi1>, vector<16xi32>
          %add3A_436 = arith.constant 64 : i32
          %add3A_437 = arith.addi %mul3A_277, %add3A_436 : i32
          %swap3A_438 = arith.index_cast %add3A_437 : i32 to index
          %swap3A_439 = tpu.vector_load %arg11[%swap3A_438] {strides = array<i32>} : memref<512xf32, #tpu.memory_space<vmem>>, vector<16xf32>,
          tpu.vector_store %arg11[%swap3A_438], %select_n3A_428 {strides = array<i32>} : memref<512xf32, #tpu.memory_space<vmem>>, vector<16xf32>,
          %add3A_440 = arith.constant 0 : i32
          %add3A_441 = vector.broadcast %add3A_440 : i32 to vector<16xi32>
          %add3A_442 = arith.addi %select_n3A_435, %add3A_441 : vector<16xi32>
          %add3A_443 = arith.constant 0 : i32
          %add3A_444 = arith.addi %mul3A_295, %add3A_443 : i32
          %swap3A_445 = arith.index_cast %add3A_444 : i32 to index
          %swap3A_446 = arith.constant 64 : index
          %swap3A_447 = tpu.vector_load %arg12[%swap3A_445, %swap3A_446] {strides = array<i32>} : memref<4x128xi32, #tpu.memory_space<vmem>>, vector<16xi32>,
          tpu.vector_store %arg12[%swap3A_445, %swap3A_446], %add3A_442 {strides = array<i32>} : memref<4x128xi32, #tpu.memory_space<vmem>>, vector<16xi32>,
          %broadcast_in_dim3A_448 = arith.constant 5 : i32
          %broadcast_in_dim3A_449 = vector.broadcast %broadcast_in_dim3A_448 : i32 to vector<16xi32>
          %gather3A_450 = tpu.vector_load_idx %arg7[%broadcast_in_dim3A_449, %min3A_309] : memref<16x64xf32, #tpu.memory_space<vmem>>[vector<16xi32>, vector<16xi32>], vector<16xf32>,
          %gather3A_451 = tpu.vector_load_idx %arg7[%broadcast_in_dim3A_449, %max3A_315] : memref<16x64xf32, #tpu.memory_space<vmem>>[vector<16xi32>, vector<16xi32>], vector<16xf32>,
          %select_n3A_452 = arith.select %lt3A_307, %gather3A_450, %gather3A_451 : vector<16xi1>, vector<16xf32>
          %add3A_453 = arith.constant 65616 : i32
          %add3A_454 = vector.broadcast %add3A_453 : i32 to vector<16xi32>
          %add3A_455 = arith.addi %add3A_454, %iota3A : vector<16xi32>
          %add3A_456 = arith.constant 640 : i32
          %add3A_457 = vector.broadcast %add3A_456 : i32 to vector<16xi32>
          %add3A_458 = arith.addi %add3A_323, %add3A_457 : vector<16xi32>
          %select_n3A_459 = arith.select %ge3A_304, %add3A_455, %add3A_458 : vector<16xi1>, vector<16xi32>
          %add3A_460 = arith.constant 80 : i32
          %add3A_461 = arith.addi %mul3A_277, %add3A_460 : i32
          %swap3A_462 = arith.index_cast %add3A_461 : i32 to index
          %swap3A_463 = tpu.vector_load %arg11[%swap3A_462] {strides = array<i32>} : memref<512xf32, #tpu.memory_space<vmem>>, vector<16xf32>,
          tpu.vector_store %arg11[%swap3A_462], %select_n3A_452 {strides = array<i32>} : memref<512xf32, #tpu.memory_space<vmem>>, vector<16xf32>,
          %add3A_464 = arith.constant 0 : i32
          %add3A_465 = vector.broadcast %add3A_464 : i32 to vector<16xi32>
          %add3A_466 = arith.addi %select_n3A_459, %add3A_465 : vector<16xi32>
          %add3A_467 = arith.constant 0 : i32
          %add3A_468 = arith.addi %mul3A_295, %add3A_467 : i32
          %swap3A_469 = arith.index_cast %add3A_468 : i32 to index
          %swap3A_470 = arith.constant 80 : index
          %swap3A_471 = tpu.vector_load %arg12[%swap3A_469, %swap3A_470] {strides = array<i32>} : memref<4x128xi32, #tpu.memory_space<vmem>>, vector<16xi32>,
          tpu.vector_store %arg12[%swap3A_469, %swap3A_470], %add3A_466 {strides = array<i32>} : memref<4x128xi32, #tpu.memory_space<vmem>>, vector<16xi32>,
          %broadcast_in_dim3A_472 = arith.constant 6 : i32
          %broadcast_in_dim3A_473 = vector.broadcast %broadcast_in_dim3A_472 : i32 to vector<16xi32>
          %gather3A_474 = tpu.vector_load_idx %arg7[%broadcast_in_dim3A_473, %min3A_309] : memref<16x64xf32, #tpu.memory_space<vmem>>[vector<16xi32>, vector<16xi32>], vector<16xf32>,
          %gather3A_475 = tpu.vector_load_idx %arg7[%broadcast_in_dim3A_473, %max3A_315] : memref<16x64xf32, #tpu.memory_space<vmem>>[vector<16xi32>, vector<16xi32>], vector<16xf32>,
          %select_n3A_476 = arith.select %lt3A_307, %gather3A_474, %gather3A_475 : vector<16xi1>, vector<16xf32>
          %add3A_477 = arith.constant 65632 : i32
          %add3A_478 = vector.broadcast %add3A_477 : i32 to vector<16xi32>
          %add3A_479 = arith.addi %add3A_478, %iota3A : vector<16xi32>
          %add3A_480 = arith.constant 768 : i32
          %add3A_481 = vector.broadcast %add3A_480 : i32 to vector<16xi32>
          %add3A_482 = arith.addi %add3A_323, %add3A_481 : vector<16xi32>
          %select_n3A_483 = arith.select %ge3A_304, %add3A_479, %add3A_482 : vector<16xi1>, vector<16xi32>
          %add3A_484 = arith.constant 96 : i32
          %add3A_485 = arith.addi %mul3A_277, %add3A_484 : i32
          %swap3A_486 = arith.index_cast %add3A_485 : i32 to index
          %swap3A_487 = tpu.vector_load %arg11[%swap3A_486] {strides = array<i32>} : memref<512xf32, #tpu.memory_space<vmem>>, vector<16xf32>,
          tpu.vector_store %arg11[%swap3A_486], %select_n3A_476 {strides = array<i32>} : memref<512xf32, #tpu.memory_space<vmem>>, vector<16xf32>,
          %add3A_488 = arith.constant 0 : i32
          %add3A_489 = vector.broadcast %add3A_488 : i32 to vector<16xi32>
          %add3A_490 = arith.addi %select_n3A_483, %add3A_489 : vector<16xi32>
          %add3A_491 = arith.constant 0 : i32
          %add3A_492 = arith.addi %mul3A_295, %add3A_491 : i32
          %swap3A_493 = arith.index_cast %add3A_492 : i32 to index
          %swap3A_494 = arith.constant 96 : index
          %swap3A_495 = tpu.vector_load %arg12[%swap3A_493, %swap3A_494] {strides = array<i32>} : memref<4x128xi32, #tpu.memory_space<vmem>>, vector<16xi32>,
          tpu.vector_store %arg12[%swap3A_493, %swap3A_494], %add3A_490 {strides = array<i32>} : memref<4x128xi32, #tpu.memory_space<vmem>>, vector<16xi32>,
          %broadcast_in_dim3A_496 = arith.constant 7 : i32
          %broadcast_in_dim3A_497 = vector.broadcast %broadcast_in_dim3A_496 : i32 to vector<16xi32>
          %gather3A_498 = tpu.vector_load_idx %arg7[%broadcast_in_dim3A_497, %min3A_309] : memref<16x64xf32, #tpu.memory_space<vmem>>[vector<16xi32>, vector<16xi32>], vector<16xf32>,
          %gather3A_499 = tpu.vector_load_idx %arg7[%broadcast_in_dim3A_497, %max3A_315] : memref<16x64xf32, #tpu.memory_space<vmem>>[vector<16xi32>, vector<16xi32>], vector<16xf32>,
          %select_n3A_500 = arith.select %lt3A_307, %gather3A_498, %gather3A_499 : vector<16xi1>, vector<16xf32>
          %add3A_501 = arith.constant 65648 : i32
          %add3A_502 = vector.broadcast %add3A_501 : i32 to vector<16xi32>
          %add3A_503 = arith.addi %add3A_502, %iota3A : vector<16xi32>
          %add3A_504 = arith.constant 896 : i32
          %add3A_505 = vector.broadcast %add3A_504 : i32 to vector<16xi32>
          %add3A_506 = arith.addi %add3A_323, %add3A_505 : vector<16xi32>
          %select_n3A_507 = arith.select %ge3A_304, %add3A_503, %add3A_506 : vector<16xi1>, vector<16xi32>
          %add3A_508 = arith.constant 112 : i32
          %add3A_509 = arith.addi %mul3A_277, %add3A_508 : i32
          %swap3A_510 = arith.index_cast %add3A_509 : i32 to index
          %swap3A_511 = tpu.vector_load %arg11[%swap3A_510] {strides = array<i32>} : memref<512xf32, #tpu.memory_space<vmem>>, vector<16xf32>,
          tpu.vector_store %arg11[%swap3A_510], %select_n3A_500 {strides = array<i32>} : memref<512xf32, #tpu.memory_space<vmem>>, vector<16xf32>,
          %add3A_512 = arith.constant 0 : i32
          %add3A_513 = vector.broadcast %add3A_512 : i32 to vector<16xi32>
          %add3A_514 = arith.addi %select_n3A_507, %add3A_513 : vector<16xi32>
          %add3A_515 = arith.constant 0 : i32
          %add3A_516 = arith.addi %mul3A_295, %add3A_515 : i32
          %swap3A_517 = arith.index_cast %add3A_516 : i32 to index
          %swap3A_518 = arith.constant 112 : index
          %swap3A_519 = tpu.vector_load %arg12[%swap3A_517, %swap3A_518] {strides = array<i32>} : memref<4x128xi32, #tpu.memory_space<vmem>>, vector<16xi32>,
          tpu.vector_store %arg12[%swap3A_517, %swap3A_518], %add3A_514 {strides = array<i32>} : memref<4x128xi32, #tpu.memory_space<vmem>>, vector<16xi32>,
          %broadcast_in_dim3A_520 = arith.constant 8 : i32
          %broadcast_in_dim3A_521 = vector.broadcast %broadcast_in_dim3A_520 : i32 to vector<16xi32>
          %gather3A_522 = tpu.vector_load_idx %arg7[%broadcast_in_dim3A_521, %min3A_309] : memref<16x64xf32, #tpu.memory_space<vmem>>[vector<16xi32>, vector<16xi32>], vector<16xf32>,
          %gather3A_523 = tpu.vector_load_idx %arg7[%broadcast_in_dim3A_521, %max3A_315] : memref<16x64xf32, #tpu.memory_space<vmem>>[vector<16xi32>, vector<16xi32>], vector<16xf32>,
          %select_n3A_524 = arith.select %lt3A_307, %gather3A_522, %gather3A_523 : vector<16xi1>, vector<16xf32>
          %add3A_525 = arith.constant 65536 : i32
          %add3A_526 = vector.broadcast %add3A_525 : i32 to vector<16xi32>
          %add3A_527 = arith.addi %add3A_526, %iota3A : vector<16xi32>
          %add3A_528 = arith.constant 32768 : i32
          %add3A_529 = vector.broadcast %add3A_528 : i32 to vector<16xi32>
          %add3A_530 = arith.addi %add3A_323, %add3A_529 : vector<16xi32>
          %select_n3A_531 = arith.select %ge3A_304, %add3A_527, %add3A_530 : vector<16xi1>, vector<16xi32>
          %add3A_532 = arith.constant 128 : i32
          %add3A_533 = arith.addi %mul3A_277, %add3A_532 : i32
          %swap3A_534 = arith.index_cast %add3A_533 : i32 to index
          %swap3A_535 = tpu.vector_load %arg11[%swap3A_534] {strides = array<i32>} : memref<512xf32, #tpu.memory_space<vmem>>, vector<16xf32>,
          tpu.vector_store %arg11[%swap3A_534], %select_n3A_524 {strides = array<i32>} : memref<512xf32, #tpu.memory_space<vmem>>, vector<16xf32>,
          %add3A_536 = arith.constant 0 : i32
          %add3A_537 = vector.broadcast %add3A_536 : i32 to vector<16xi32>
          %add3A_538 = arith.addi %select_n3A_531, %add3A_537 : vector<16xi32>
          %add3A_539 = arith.constant 1 : i32
          %add3A_540 = arith.addi %mul3A_295, %add3A_539 : i32
          %swap3A_541 = arith.index_cast %add3A_540 : i32 to index
          %swap3A_542 = arith.constant 0 : index
          %swap3A_543 = tpu.vector_load %arg12[%swap3A_541, %swap3A_542] {strides = array<i32>} : memref<4x128xi32, #tpu.memory_space<vmem>>, vector<16xi32>,
          tpu.vector_store %arg12[%swap3A_541, %swap3A_542], %add3A_538 {strides = array<i32>} : memref<4x128xi32, #tpu.memory_space<vmem>>, vector<16xi32>,
          %broadcast_in_dim3A_544 = arith.constant 9 : i32
          %broadcast_in_dim3A_545 = vector.broadcast %broadcast_in_dim3A_544 : i32 to vector<16xi32>
          %gather3A_546 = tpu.vector_load_idx %arg7[%broadcast_in_dim3A_545, %min3A_309] : memref<16x64xf32, #tpu.memory_space<vmem>>[vector<16xi32>, vector<16xi32>], vector<16xf32>,
          %gather3A_547 = tpu.vector_load_idx %arg7[%broadcast_in_dim3A_545, %max3A_315] : memref<16x64xf32, #tpu.memory_space<vmem>>[vector<16xi32>, vector<16xi32>], vector<16xf32>,
          %select_n3A_548 = arith.select %lt3A_307, %gather3A_546, %gather3A_547 : vector<16xi1>, vector<16xf32>
          %add3A_549 = arith.constant 65552 : i32
          %add3A_550 = vector.broadcast %add3A_549 : i32 to vector<16xi32>
          %add3A_551 = arith.addi %add3A_550, %iota3A : vector<16xi32>
          %add3A_552 = arith.constant 32896 : i32
          %add3A_553 = vector.broadcast %add3A_552 : i32 to vector<16xi32>
          %add3A_554 = arith.addi %add3A_323, %add3A_553 : vector<16xi32>
          %select_n3A_555 = arith.select %ge3A_304, %add3A_551, %add3A_554 : vector<16xi1>, vector<16xi32>
          %add3A_556 = arith.constant 144 : i32
          %add3A_557 = arith.addi %mul3A_277, %add3A_556 : i32
          %swap3A_558 = arith.index_cast %add3A_557 : i32 to index
          %swap3A_559 = tpu.vector_load %arg11[%swap3A_558] {strides = array<i32>} : memref<512xf32, #tpu.memory_space<vmem>>, vector<16xf32>,
          tpu.vector_store %arg11[%swap3A_558], %select_n3A_548 {strides = array<i32>} : memref<512xf32, #tpu.memory_space<vmem>>, vector<16xf32>,
          %add3A_560 = arith.constant 0 : i32
          %add3A_561 = vector.broadcast %add3A_560 : i32 to vector<16xi32>
          %add3A_562 = arith.addi %select_n3A_555, %add3A_561 : vector<16xi32>
          %add3A_563 = arith.constant 1 : i32
          %add3A_564 = arith.addi %mul3A_295, %add3A_563 : i32
          %swap3A_565 = arith.index_cast %add3A_564 : i32 to index
          %swap3A_566 = arith.constant 16 : index
          %swap3A_567 = tpu.vector_load %arg12[%swap3A_565, %swap3A_566] {strides = array<i32>} : memref<4x128xi32, #tpu.memory_space<vmem>>, vector<16xi32>,
          tpu.vector_store %arg12[%swap3A_565, %swap3A_566], %add3A_562 {strides = array<i32>} : memref<4x128xi32, #tpu.memory_space<vmem>>, vector<16xi32>,
          %broadcast_in_dim3A_568 = arith.constant 10 : i32
          %broadcast_in_dim3A_569 = vector.broadcast %broadcast_in_dim3A_568 : i32 to vector<16xi32>
          %gather3A_570 = tpu.vector_load_idx %arg7[%broadcast_in_dim3A_569, %min3A_309] : memref<16x64xf32, #tpu.memory_space<vmem>>[vector<16xi32>, vector<16xi32>], vector<16xf32>,
          %gather3A_571 = tpu.vector_load_idx %arg7[%broadcast_in_dim3A_569, %max3A_315] : memref<16x64xf32, #tpu.memory_space<vmem>>[vector<16xi32>, vector<16xi32>], vector<16xf32>,
          %select_n3A_572 = arith.select %lt3A_307, %gather3A_570, %gather3A_571 : vector<16xi1>, vector<16xf32>
          %add3A_573 = arith.constant 65568 : i32
          %add3A_574 = vector.broadcast %add3A_573 : i32 to vector<16xi32>
          %add3A_575 = arith.addi %add3A_574, %iota3A : vector<16xi32>
          %add3A_576 = arith.constant 33024 : i32
          %add3A_577 = vector.broadcast %add3A_576 : i32 to vector<16xi32>
          %add3A_578 = arith.addi %add3A_323, %add3A_577 : vector<16xi32>
          %select_n3A_579 = arith.select %ge3A_304, %add3A_575, %add3A_578 : vector<16xi1>, vector<16xi32>
          %add3A_580 = arith.constant 160 : i32
          %add3A_581 = arith.addi %mul3A_277, %add3A_580 : i32
          %swap3A_582 = arith.index_cast %add3A_581 : i32 to index
          %swap3A_583 = tpu.vector_load %arg11[%swap3A_582] {strides = array<i32>} : memref<512xf32, #tpu.memory_space<vmem>>, vector<16xf32>,
          tpu.vector_store %arg11[%swap3A_582], %select_n3A_572 {strides = array<i32>} : memref<512xf32, #tpu.memory_space<vmem>>, vector<16xf32>,
          %add3A_584 = arith.constant 0 : i32
          %add3A_585 = vector.broadcast %add3A_584 : i32 to vector<16xi32>
          %add3A_586 = arith.addi %select_n3A_579, %add3A_585 : vector<16xi32>
          %add3A_587 = arith.constant 1 : i32
          %add3A_588 = arith.addi %mul3A_295, %add3A_587 : i32
          %swap3A_589 = arith.index_cast %add3A_588 : i32 to index
          %swap3A_590 = arith.constant 32 : index
          %swap3A_591 = tpu.vector_load %arg12[%swap3A_589, %swap3A_590] {strides = array<i32>} : memref<4x128xi32, #tpu.memory_space<vmem>>, vector<16xi32>,
          tpu.vector_store %arg12[%swap3A_589, %swap3A_590], %add3A_586 {strides = array<i32>} : memref<4x128xi32, #tpu.memory_space<vmem>>, vector<16xi32>,
          %broadcast_in_dim3A_592 = arith.constant 11 : i32
          %broadcast_in_dim3A_593 = vector.broadcast %broadcast_in_dim3A_592 : i32 to vector<16xi32>
          %gather3A_594 = tpu.vector_load_idx %arg7[%broadcast_in_dim3A_593, %min3A_309] : memref<16x64xf32, #tpu.memory_space<vmem>>[vector<16xi32>, vector<16xi32>], vector<16xf32>,
          %gather3A_595 = tpu.vector_load_idx %arg7[%broadcast_in_dim3A_593, %max3A_315] : memref<16x64xf32, #tpu.memory_space<vmem>>[vector<16xi32>, vector<16xi32>], vector<16xf32>,
          %select_n3A_596 = arith.select %lt3A_307, %gather3A_594, %gather3A_595 : vector<16xi1>, vector<16xf32>
          %add3A_597 = arith.constant 65584 : i32
          %add3A_598 = vector.broadcast %add3A_597 : i32 to vector<16xi32>
          %add3A_599 = arith.addi %add3A_598, %iota3A : vector<16xi32>
          %add3A_600 = arith.constant 33152 : i32
          %add3A_601 = vector.broadcast %add3A_600 : i32 to vector<16xi32>
          %add3A_602 = arith.addi %add3A_323, %add3A_601 : vector<16xi32>
          %select_n3A_603 = arith.select %ge3A_304, %add3A_599, %add3A_602 : vector<16xi1>, vector<16xi32>
          %add3A_604 = arith.constant 176 : i32
          %add3A_605 = arith.addi %mul3A_277, %add3A_604 : i32
          %swap3A_606 = arith.index_cast %add3A_605 : i32 to index
          %swap3A_607 = tpu.vector_load %arg11[%swap3A_606] {strides = array<i32>} : memref<512xf32, #tpu.memory_space<vmem>>, vector<16xf32>,
          tpu.vector_store %arg11[%swap3A_606], %select_n3A_596 {strides = array<i32>} : memref<512xf32, #tpu.memory_space<vmem>>, vector<16xf32>,
          %add3A_608 = arith.constant 0 : i32
          %add3A_609 = vector.broadcast %add3A_608 : i32 to vector<16xi32>
          %add3A_610 = arith.addi %select_n3A_603, %add3A_609 : vector<16xi32>
          %add3A_611 = arith.constant 1 : i32
          %add3A_612 = arith.addi %mul3A_295, %add3A_611 : i32
          %swap3A_613 = arith.index_cast %add3A_612 : i32 to index
          %swap3A_614 = arith.constant 48 : index
          %swap3A_615 = tpu.vector_load %arg12[%swap3A_613, %swap3A_614] {strides = array<i32>} : memref<4x128xi32, #tpu.memory_space<vmem>>, vector<16xi32>,
          tpu.vector_store %arg12[%swap3A_613, %swap3A_614], %add3A_610 {strides = array<i32>} : memref<4x128xi32, #tpu.memory_space<vmem>>, vector<16xi32>,
          %broadcast_in_dim3A_616 = arith.constant 12 : i32
          %broadcast_in_dim3A_617 = vector.broadcast %broadcast_in_dim3A_616 : i32 to vector<16xi32>
          %gather3A_618 = tpu.vector_load_idx %arg7[%broadcast_in_dim3A_617, %min3A_309] : memref<16x64xf32, #tpu.memory_space<vmem>>[vector<16xi32>, vector<16xi32>], vector<16xf32>,
          %gather3A_619 = tpu.vector_load_idx %arg7[%broadcast_in_dim3A_617, %max3A_315] : memref<16x64xf32, #tpu.memory_space<vmem>>[vector<16xi32>, vector<16xi32>], vector<16xf32>,
          %select_n3A_620 = arith.select %lt3A_307, %gather3A_618, %gather3A_619 : vector<16xi1>, vector<16xf32>
          %add3A_621 = arith.constant 65600 : i32
          %add3A_622 = vector.broadcast %add3A_621 : i32 to vector<16xi32>
          %add3A_623 = arith.addi %add3A_622, %iota3A : vector<16xi32>
          %add3A_624 = arith.constant 33280 : i32
          %add3A_625 = vector.broadcast %add3A_624 : i32 to vector<16xi32>
          %add3A_626 = arith.addi %add3A_323, %add3A_625 : vector<16xi32>
          %select_n3A_627 = arith.select %ge3A_304, %add3A_623, %add3A_626 : vector<16xi1>, vector<16xi32>
          %add3A_628 = arith.constant 192 : i32
          %add3A_629 = arith.addi %mul3A_277, %add3A_628 : i32
          %swap3A_630 = arith.index_cast %add3A_629 : i32 to index
          %swap3A_631 = tpu.vector_load %arg11[%swap3A_630] {strides = array<i32>} : memref<512xf32, #tpu.memory_space<vmem>>, vector<16xf32>,
          tpu.vector_store %arg11[%swap3A_630], %select_n3A_620 {strides = array<i32>} : memref<512xf32, #tpu.memory_space<vmem>>, vector<16xf32>,
          %add3A_632 = arith.constant 0 : i32
          %add3A_633 = vector.broadcast %add3A_632 : i32 to vector<16xi32>
          %add3A_634 = arith.addi %select_n3A_627, %add3A_633 : vector<16xi32>
          %add3A_635 = arith.constant 1 : i32
          %add3A_636 = arith.addi %mul3A_295, %add3A_635 : i32
          %swap3A_637 = arith.index_cast %add3A_636 : i32 to index
          %swap3A_638 = arith.constant 64 : index
          %swap3A_639 = tpu.vector_load %arg12[%swap3A_637, %swap3A_638] {strides = array<i32>} : memref<4x128xi32, #tpu.memory_space<vmem>>, vector<16xi32>,
          tpu.vector_store %arg12[%swap3A_637, %swap3A_638], %add3A_634 {strides = array<i32>} : memref<4x128xi32, #tpu.memory_space<vmem>>, vector<16xi32>,
          %broadcast_in_dim3A_640 = arith.constant 13 : i32
          %broadcast_in_dim3A_641 = vector.broadcast %broadcast_in_dim3A_640 : i32 to vector<16xi32>
          %gather3A_642 = tpu.vector_load_idx %arg7[%broadcast_in_dim3A_641, %min3A_309] : memref<16x64xf32, #tpu.memory_space<vmem>>[vector<16xi32>, vector<16xi32>], vector<16xf32>,
          %gather3A_643 = tpu.vector_load_idx %arg7[%broadcast_in_dim3A_641, %max3A_315] : memref<16x64xf32, #tpu.memory_space<vmem>>[vector<16xi32>, vector<16xi32>], vector<16xf32>,
          %select_n3A_644 = arith.select %lt3A_307, %gather3A_642, %gather3A_643 : vector<16xi1>, vector<16xf32>
          %add3A_645 = arith.constant 65616 : i32
          %add3A_646 = vector.broadcast %add3A_645 : i32 to vector<16xi32>
          %add3A_647 = arith.addi %add3A_646, %iota3A : vector<16xi32>
          %add3A_648 = arith.constant 33408 : i32
          %add3A_649 = vector.broadcast %add3A_648 : i32 to vector<16xi32>
          %add3A_650 = arith.addi %add3A_323, %add3A_649 : vector<16xi32>
          %select_n3A_651 = arith.select %ge3A_304, %add3A_647, %add3A_650 : vector<16xi1>, vector<16xi32>
          %add3A_652 = arith.constant 208 : i32
          %add3A_653 = arith.addi %mul3A_277, %add3A_652 : i32
          %swap3A_654 = arith.index_cast %add3A_653 : i32 to index
          %swap3A_655 = tpu.vector_load %arg11[%swap3A_654] {strides = array<i32>} : memref<512xf32, #tpu.memory_space<vmem>>, vector<16xf32>,
          tpu.vector_store %arg11[%swap3A_654], %select_n3A_644 {strides = array<i32>} : memref<512xf32, #tpu.memory_space<vmem>>, vector<16xf32>,
          %add3A_656 = arith.constant 0 : i32
          %add3A_657 = vector.broadcast %add3A_656 : i32 to vector<16xi32>
          %add3A_658 = arith.addi %select_n3A_651, %add3A_657 : vector<16xi32>
          %add3A_659 = arith.constant 1 : i32
          %add3A_660 = arith.addi %mul3A_295, %add3A_659 : i32
          %swap3A_661 = arith.index_cast %add3A_660 : i32 to index
          %swap3A_662 = arith.constant 80 : index
          %swap3A_663 = tpu.vector_load %arg12[%swap3A_661, %swap3A_662] {strides = array<i32>} : memref<4x128xi32, #tpu.memory_space<vmem>>, vector<16xi32>,
          tpu.vector_store %arg12[%swap3A_661, %swap3A_662], %add3A_658 {strides = array<i32>} : memref<4x128xi32, #tpu.memory_space<vmem>>, vector<16xi32>,
          %broadcast_in_dim3A_664 = arith.constant 14 : i32
          %broadcast_in_dim3A_665 = vector.broadcast %broadcast_in_dim3A_664 : i32 to vector<16xi32>
          %gather3A_666 = tpu.vector_load_idx %arg7[%broadcast_in_dim3A_665, %min3A_309] : memref<16x64xf32, #tpu.memory_space<vmem>>[vector<16xi32>, vector<16xi32>], vector<16xf32>,
          %gather3A_667 = tpu.vector_load_idx %arg7[%broadcast_in_dim3A_665, %max3A_315] : memref<16x64xf32, #tpu.memory_space<vmem>>[vector<16xi32>, vector<16xi32>], vector<16xf32>,
          %select_n3A_668 = arith.select %lt3A_307, %gather3A_666, %gather3A_667 : vector<16xi1>, vector<16xf32>
          %add3A_669 = arith.constant 65632 : i32
          %add3A_670 = vector.broadcast %add3A_669 : i32 to vector<16xi32>
          %add3A_671 = arith.addi %add3A_670, %iota3A : vector<16xi32>
          %add3A_672 = arith.constant 33536 : i32
          %add3A_673 = vector.broadcast %add3A_672 : i32 to vector<16xi32>
          %add3A_674 = arith.addi %add3A_323, %add3A_673 : vector<16xi32>
          %select_n3A_675 = arith.select %ge3A_304, %add3A_671, %add3A_674 : vector<16xi1>, vector<16xi32>
          %add3A_676 = arith.constant 224 : i32
          %add3A_677 = arith.addi %mul3A_277, %add3A_676 : i32
          %swap3A_678 = arith.index_cast %add3A_677 : i32 to index
          %swap3A_679 = tpu.vector_load %arg11[%swap3A_678] {strides = array<i32>} : memref<512xf32, #tpu.memory_space<vmem>>, vector<16xf32>,
          tpu.vector_store %arg11[%swap3A_678], %select_n3A_668 {strides = array<i32>} : memref<512xf32, #tpu.memory_space<vmem>>, vector<16xf32>,
          %add3A_680 = arith.constant 0 : i32
          %add3A_681 = vector.broadcast %add3A_680 : i32 to vector<16xi32>
          %add3A_682 = arith.addi %select_n3A_675, %add3A_681 : vector<16xi32>
          %add3A_683 = arith.constant 1 : i32
          %add3A_684 = arith.addi %mul3A_295, %add3A_683 : i32
          %swap3A_685 = arith.index_cast %add3A_684 : i32 to index
          %swap3A_686 = arith.constant 96 : index
          %swap3A_687 = tpu.vector_load %arg12[%swap3A_685, %swap3A_686] {strides = array<i32>} : memref<4x128xi32, #tpu.memory_space<vmem>>, vector<16xi32>,
          tpu.vector_store %arg12[%swap3A_685, %swap3A_686], %add3A_682 {strides = array<i32>} : memref<4x128xi32, #tpu.memory_space<vmem>>, vector<16xi32>,
          %broadcast_in_dim3A_688 = arith.constant 15 : i32
          %broadcast_in_dim3A_689 = vector.broadcast %broadcast_in_dim3A_688 : i32 to vector<16xi32>
          %gather3A_690 = tpu.vector_load_idx %arg7[%broadcast_in_dim3A_689, %min3A_309] : memref<16x64xf32, #tpu.memory_space<vmem>>[vector<16xi32>, vector<16xi32>], vector<16xf32>,
          %gather3A_691 = tpu.vector_load_idx %arg7[%broadcast_in_dim3A_689, %max3A_315] : memref<16x64xf32, #tpu.memory_space<vmem>>[vector<16xi32>, vector<16xi32>], vector<16xf32>,
          %select_n3A_692 = arith.select %lt3A_307, %gather3A_690, %gather3A_691 : vector<16xi1>, vector<16xf32>
          %add3A_693 = arith.constant 65648 : i32
          %add3A_694 = vector.broadcast %add3A_693 : i32 to vector<16xi32>
          %add3A_695 = arith.addi %add3A_694, %iota3A : vector<16xi32>
          %add3A_696 = arith.constant 33664 : i32
          %add3A_697 = vector.broadcast %add3A_696 : i32 to vector<16xi32>
          %add3A_698 = arith.addi %add3A_323, %add3A_697 : vector<16xi32>
          %select_n3A_699 = arith.select %ge3A_304, %add3A_695, %add3A_698 : vector<16xi1>, vector<16xi32>
          %add3A_700 = arith.constant 240 : i32
          %add3A_701 = arith.addi %mul3A_277, %add3A_700 : i32
          %swap3A_702 = arith.index_cast %add3A_701 : i32 to index
          %swap3A_703 = tpu.vector_load %arg11[%swap3A_702] {strides = array<i32>} : memref<512xf32, #tpu.memory_space<vmem>>, vector<16xf32>,
          tpu.vector_store %arg11[%swap3A_702], %select_n3A_692 {strides = array<i32>} : memref<512xf32, #tpu.memory_space<vmem>>, vector<16xf32>,
          %add3A_704 = arith.constant 0 : i32
          %add3A_705 = vector.broadcast %add3A_704 : i32 to vector<16xi32>
          %add3A_706 = arith.addi %select_n3A_699, %add3A_705 : vector<16xi32>
          %add3A_707 = arith.constant 1 : i32
          %add3A_708 = arith.addi %mul3A_295, %add3A_707 : i32
          %swap3A_709 = arith.index_cast %add3A_708 : i32 to index
          %swap3A_710 = arith.constant 112 : index
          %swap3A_711 = tpu.vector_load %arg12[%swap3A_709, %swap3A_710] {strides = array<i32>} : memref<4x128xi32, #tpu.memory_space<vmem>>, vector<16xi32>,
          tpu.vector_store %arg12[%swap3A_709, %swap3A_710], %add3A_706 {strides = array<i32>} : memref<4x128xi32, #tpu.memory_space<vmem>>, vector<16xi32>,
          %dma_start3A_712 = tpu.memref_slice %arg11[%mul3A_277] : memref<512xf32, #tpu.memory_space<vmem>> -> memref<128xf32, #tpu.memory_space<vmem>>
          %dma_start3A_713 = arith.constant 0 : i32
          %dma_start3A_714 = tpu.memref_slice %arg12[%mul3A_295, %dma_start3A_713] : memref<4x128xi32, #tpu.memory_space<vmem>> -> memref<1x128xi32, #tpu.memory_space<vmem>>
          %dma_start3A_715 = tpu.memref_squeeze %dma_start3A_714 : memref<1x128xi32, #tpu.memory_space<vmem>> -> memref<128xi32, #tpu.memory_space<vmem>>
          %dma_start3A_716 = arith.constant 0 : i32
          %dma_start3A_717 = tpu.memref_slice %arg13[%dma_start3A_716] : memref<65664xf32, #tpu.memory_space<vmem_shared>> -> memref<65664xf32, #tpu.memory_space<vmem_shared>>
          tpu.enqueue_indirect_dma source(%dma_start3A_712 : memref<128xf32, #tpu.memory_space<vmem>>) target(%dma_start3A_717 : memref<65664xf32, #tpu.memory_space<vmem_shared>>) offsets(%dma_start3A_715 : memref<128xi32, #tpu.memory_space<vmem>>) semaphore(%arg17 : memref<!tpu.dma_semaphore, #tpu.memory_space<semaphore_mem>>)
          %add3A_718 = arith.constant 128 : i32
          %add3A_719 = arith.addi %mul3A_277, %add3A_718 : i32
          %add3A_720 = arith.constant 1 : i32
          %add3A_721 = arith.addi %mul3A_295, %add3A_720 : i32
          %dma_start3A_722 = tpu.memref_slice %arg11[%add3A_719] : memref<512xf32, #tpu.memory_space<vmem>> -> memref<128xf32, #tpu.memory_space<vmem>>
          %dma_start3A_723 = arith.constant 0 : i32
          %dma_start3A_724 = tpu.memref_slice %arg12[%add3A_721, %dma_start3A_723] : memref<4x128xi32, #tpu.memory_space<vmem>> -> memref<1x128xi32, #tpu.memory_space<vmem>>
          %dma_start3A_725 = tpu.memref_squeeze %dma_start3A_724 : memref<1x128xi32, #tpu.memory_space<vmem>> -> memref<128xi32, #tpu.memory_space<vmem>>
          %dma_start3A_726 = arith.constant 0 : i32
          %dma_start3A_727 = tpu.memref_slice %arg13[%dma_start3A_726] : memref<65664xf32, #tpu.memory_space<vmem_shared>> -> memref<65664xf32, #tpu.memory_space<vmem_shared>>
          tpu.enqueue_indirect_dma source(%dma_start3A_722 : memref<128xf32, #tpu.memory_space<vmem>>) target(%dma_start3A_727 : memref<65664xf32, #tpu.memory_space<vmem_shared>>) offsets(%dma_start3A_725 : memref<128xi32, #tpu.memory_space<vmem>>) semaphore(%arg17 : memref<!tpu.dma_semaphore, #tpu.memory_space<semaphore_mem>>)
        }
        %while3A_245 = arith.constant 1 : i32
        scf.for %while3A_259 = %while3A_243 to %while3A_239 step %while3A_245  : i32 {
          %jit3A_260 = arith.constant 2 : i32
          %eq3A_261 = arith.constant 0 : i32
          %eq3A_262 = arith.cmpi eq, %jit3A_260, %eq3A_261 : i32
          %jit3A_263 = arith.constant 1 : i32
          %select_n3A_264 = arith.select %eq3A_262, %jit3A_263, %jit3A_260 : i32
          %rem3A_265 = arith.remsi %while3A_259, %select_n3A_264 : i32
          %ne3A_266 = arith.constant 0 : i32
          %ne3A_267 = arith.cmpi ne, %rem3A_265, %ne3A_266 : i32
          %lt3A_268 = arith.constant 0 : i32
          %lt3A_269 = arith.cmpi slt, %rem3A_265, %lt3A_268 : i32
          %lt3A_270 = arith.constant 0 : i32
          %lt3A_271 = arith.cmpi slt, %select_n3A_264, %lt3A_270 : i32
          %ne3A_272 = arith.xori %lt3A_269, %lt3A_271 : i1
          %and3A_273 = arith.andi %ne3A_272, %ne3A_267 : i1
          %add3A_274 = arith.addi %rem3A_265, %select_n3A_264 : i32
          %select_n3A_275 = arith.select %and3A_273, %add3A_274, %rem3A_265 : i32
          %mul3A_276 = arith.constant 256 : i32
          %mul3A_277 = arith.muli %select_n3A_275, %mul3A_276 : i32
          %jit3A_278 = arith.constant 2 : i32
          %eq3A_279 = arith.constant 0 : i32
          %eq3A_280 = arith.cmpi eq, %jit3A_278, %eq3A_279 : i32
          %jit3A_281 = arith.constant 1 : i32
          %select_n3A_282 = arith.select %eq3A_280, %jit3A_281, %jit3A_278 : i32
          %rem3A_283 = arith.remsi %while3A_259, %select_n3A_282 : i32
          %ne3A_284 = arith.constant 0 : i32
          %ne3A_285 = arith.cmpi ne, %rem3A_283, %ne3A_284 : i32
          %lt3A_286 = arith.constant 0 : i32
          %lt3A_287 = arith.cmpi slt, %rem3A_283, %lt3A_286 : i32
          %lt3A_288 = arith.constant 0 : i32
          %lt3A_289 = arith.cmpi slt, %select_n3A_282, %lt3A_288 : i32
          %ne3A_290 = arith.xori %lt3A_287, %lt3A_289 : i1
          %and3A_291 = arith.andi %ne3A_290, %ne3A_285 : i1
          %add3A_292 = arith.addi %rem3A_283, %select_n3A_282 : i32
          %select_n3A_293 = arith.select %and3A_291, %add3A_292, %rem3A_283 : i32
          %mul3A_294 = arith.constant 2 : i32
          %mul3A_295 = arith.muli %select_n3A_293, %mul3A_294 : i32
          %mul3A_296 = arith.constant 16 : i32
          %mul3A_297 = arith.muli %while3A_259, %mul3A_296 : i32
          %get3A = arith.index_cast %mul3A_297 : i32 to index
          %get3A_298 = tpu.vector_load %arg9[%get3A] {strides = array<i32>} : memref<4112xi32, #tpu.memory_space<vmem>>, vector<16xi32>,
          %mul3A_299 = arith.constant 16 : i32
          %mul3A_300 = arith.muli %while3A_259, %mul3A_299 : i32
          %get3A_301 = arith.index_cast %mul3A_300 : i32 to index
          %get3A_302 = tpu.vector_load %arg10[%get3A_301] {strides = array<i32>} : memref<4112xi32, #tpu.memory_space<vmem>>, vector<16xi32>,
          %ge3A = arith.constant 4096 : i32
          %ge3A_303 = vector.broadcast %ge3A : i32 to vector<16xi32>
          %ge3A_304 = arith.cmpi sge, %get3A_302, %ge3A_303 : vector<16xi32>
          %lt3A_305 = arith.constant 3200 : i32
          %lt3A_306 = vector.broadcast %lt3A_305 : i32 to vector<16xi32>
          %lt3A_307 = arith.cmpi slt, %get3A_298, %lt3A_306 : vector<16xi32>
          %min3A = arith.constant 3199 : i32
          %min3A_308 = vector.broadcast %min3A : i32 to vector<16xi32>
          %min3A_309 = arith.minsi %get3A_298, %min3A_308 : vector<16xi32>
          %sub3A_310 = arith.constant 3200 : i32
          %sub3A_311 = vector.broadcast %sub3A_310 : i32 to vector<16xi32>
          %sub3A_312 = arith.subi %get3A_298, %sub3A_311 : vector<16xi32>
          %max3A_313 = arith.constant 0 : i32
          %max3A_314 = vector.broadcast %max3A_313 : i32 to vector<16xi32>
          %max3A_315 = arith.maxsi %sub3A_312, %max3A_314 : vector<16xi32>
          %shift_right_arithmetic3A = arith.constant 7 : i32
          %shift_right_arithmetic3A_316 = vector.broadcast %shift_right_arithmetic3A : i32 to vector<16xi32>
          %shift_right_arithmetic3A_317 = arith.shrsi %get3A_302, %shift_right_arithmetic3A_316 : vector<16xi32>
          %shift_left3A = arith.constant 10 : i32
          %shift_left3A_318 = vector.broadcast %shift_left3A : i32 to vector<16xi32>
          %shift_left3A_319 = arith.shli %shift_right_arithmetic3A_317, %shift_left3A_318 : vector<16xi32>
          %and3A_320 = arith.constant 127 : i32
          %and3A_321 = vector.broadcast %and3A_320 : i32 to vector<16xi32>
          %and3A_322 = arith.andi %get3A_302, %and3A_321 : vector<16xi32>
          %add3A_323 = arith.addi %shift_left3A_319, %and3A_322 : vector<16xi32>
          %ge3A_324 = arith.constant 2 : i32
          %ge3A_325 = arith.cmpi sge, %while3A_259, %ge3A_324 : i32
          %convert_element_type3A_326 = arith.extui %ge3A_325 : i1 to i32
          %cond3A_327 = arith.constant 0 : i32
          %cond3A_328 = arith.cmpi ne, %convert_element_type3A_326, %cond3A_327 : i32
          scf.if %cond3A_328 {
            %dma_wait3A_728 = tpu.memref_slice %arg11[%mul3A_277] : memref<512xf32, #tpu.memory_space<vmem>> -> memref<128xf32, #tpu.memory_space<vmem>>
            %dma_wait3A_729 = arith.constant 0 : i32
            %dma_wait3A_730 = tpu.memref_slice %arg12[%mul3A_295, %dma_wait3A_729] : memref<4x128xi32, #tpu.memory_space<vmem>> -> memref<1x128xi32, #tpu.memory_space<vmem>>
            %dma_wait3A_731 = tpu.memref_squeeze %dma_wait3A_730 : memref<1x128xi32, #tpu.memory_space<vmem>> -> memref<128xi32, #tpu.memory_space<vmem>>
            %dma_wait3A_732 = arith.constant 0 : i32
            %dma_wait3A_733 = tpu.memref_slice %arg13[%dma_wait3A_732] : memref<65664xf32, #tpu.memory_space<vmem_shared>> -> memref<65664xf32, #tpu.memory_space<vmem_shared>>
            tpu.wait_indirect_dma semaphore(%arg17 : memref<!tpu.dma_semaphore, #tpu.memory_space<semaphore_mem>>) src(%dma_wait3A_728 : memref<128xf32, #tpu.memory_space<vmem>>) dst(%dma_wait3A_733 : memref<65664xf32, #tpu.memory_space<vmem_shared>>)
            %add3A_734 = arith.constant 128 : i32
            %add3A_735 = arith.addi %mul3A_277, %add3A_734 : i32
            %add3A_736 = arith.constant 1 : i32
            %add3A_737 = arith.addi %mul3A_295, %add3A_736 : i32
            %dma_wait3A_738 = tpu.memref_slice %arg11[%add3A_735] : memref<512xf32, #tpu.memory_space<vmem>> -> memref<128xf32, #tpu.memory_space<vmem>>
            %dma_wait3A_739 = arith.constant 0 : i32
            %dma_wait3A_740 = tpu.memref_slice %arg12[%add3A_737, %dma_wait3A_739] : memref<4x128xi32, #tpu.memory_space<vmem>> -> memref<1x128xi32, #tpu.memory_space<vmem>>
            %dma_wait3A_741 = tpu.memref_squeeze %dma_wait3A_740 : memref<1x128xi32, #tpu.memory_space<vmem>> -> memref<128xi32, #tpu.memory_space<vmem>>
            %dma_wait3A_742 = arith.constant 0 : i32
            %dma_wait3A_743 = tpu.memref_slice %arg13[%dma_wait3A_742] : memref<65664xf32, #tpu.memory_space<vmem_shared>> -> memref<65664xf32, #tpu.memory_space<vmem_shared>>
            tpu.wait_indirect_dma semaphore(%arg17 : memref<!tpu.dma_semaphore, #tpu.memory_space<semaphore_mem>>) src(%dma_wait3A_738 : memref<128xf32, #tpu.memory_space<vmem>>) dst(%dma_wait3A_743 : memref<65664xf32, #tpu.memory_space<vmem_shared>>)
          } else {
          }
          %broadcast_in_dim3A_329 = arith.constant 0 : i32
          %broadcast_in_dim3A_330 = vector.broadcast %broadcast_in_dim3A_329 : i32 to vector<16xi32>
          %gather3A = tpu.vector_load_idx %arg7[%broadcast_in_dim3A_330, %min3A_309] : memref<16x64xf32, #tpu.memory_space<vmem>>[vector<16xi32>, vector<16xi32>], vector<16xf32>,
          %gather3A_331 = tpu.vector_load_idx %arg7[%broadcast_in_dim3A_330, %max3A_315] : memref<16x64xf32, #tpu.memory_space<vmem>>[vector<16xi32>, vector<16xi32>], vector<16xf32>,
          %select_n3A_332 = arith.select %lt3A_307, %gather3A, %gather3A_331 : vector<16xi1>, vector<16xf32>
          %add3A_333 = arith.constant 65536 : i32
          %add3A_334 = vector.broadcast %add3A_333 : i32 to vector<16xi32>
          %add3A_335 = arith.addi %add3A_334, %iota3A : vector<16xi32>
          %add3A_336 = arith.constant 0 : i32
          %add3A_337 = vector.broadcast %add3A_336 : i32 to vector<16xi32>
          %add3A_338 = arith.addi %add3A_323, %add3A_337 : vector<16xi32>
          %select_n3A_339 = arith.select %ge3A_304, %add3A_335, %add3A_338 : vector<16xi1>, vector<16xi32>
          %add3A_340 = arith.constant 0 : i32
          %add3A_341 = arith.addi %mul3A_277, %add3A_340 : i32
          %swap3A_342 = arith.index_cast %add3A_341 : i32 to index
          %swap3A_343 = tpu.vector_load %arg11[%swap3A_342] {strides = array<i32>} : memref<512xf32, #tpu.memory_space<vmem>>, vector<16xf32>,
          tpu.vector_store %arg11[%swap3A_342], %select_n3A_332 {strides = array<i32>} : memref<512xf32, #tpu.memory_space<vmem>>, vector<16xf32>,
          %add3A_344 = arith.constant 0 : i32
          %add3A_345 = vector.broadcast %add3A_344 : i32 to vector<16xi32>
          %add3A_346 = arith.addi %select_n3A_339, %add3A_345 : vector<16xi32>
          %add3A_347 = arith.constant 0 : i32
          %add3A_348 = arith.addi %mul3A_295, %add3A_347 : i32
          %swap3A_349 = arith.index_cast %add3A_348 : i32 to index
          %swap3A_350 = arith.constant 0 : index
          %swap3A_351 = tpu.vector_load %arg12[%swap3A_349, %swap3A_350] {strides = array<i32>} : memref<4x128xi32, #tpu.memory_space<vmem>>, vector<16xi32>,
          tpu.vector_store %arg12[%swap3A_349, %swap3A_350], %add3A_346 {strides = array<i32>} : memref<4x128xi32, #tpu.memory_space<vmem>>, vector<16xi32>,
          %broadcast_in_dim3A_352 = arith.constant 1 : i32
          %broadcast_in_dim3A_353 = vector.broadcast %broadcast_in_dim3A_352 : i32 to vector<16xi32>
          %gather3A_354 = tpu.vector_load_idx %arg7[%broadcast_in_dim3A_353, %min3A_309] : memref<16x64xf32, #tpu.memory_space<vmem>>[vector<16xi32>, vector<16xi32>], vector<16xf32>,
          %gather3A_355 = tpu.vector_load_idx %arg7[%broadcast_in_dim3A_353, %max3A_315] : memref<16x64xf32, #tpu.memory_space<vmem>>[vector<16xi32>, vector<16xi32>], vector<16xf32>,
          %select_n3A_356 = arith.select %lt3A_307, %gather3A_354, %gather3A_355 : vector<16xi1>, vector<16xf32>
          %add3A_357 = arith.constant 65552 : i32
          %add3A_358 = vector.broadcast %add3A_357 : i32 to vector<16xi32>
          %add3A_359 = arith.addi %add3A_358, %iota3A : vector<16xi32>
          %add3A_360 = arith.constant 128 : i32
          %add3A_361 = vector.broadcast %add3A_360 : i32 to vector<16xi32>
          %add3A_362 = arith.addi %add3A_323, %add3A_361 : vector<16xi32>
          %select_n3A_363 = arith.select %ge3A_304, %add3A_359, %add3A_362 : vector<16xi1>, vector<16xi32>
          %add3A_364 = arith.constant 16 : i32
          %add3A_365 = arith.addi %mul3A_277, %add3A_364 : i32
          %swap3A_366 = arith.index_cast %add3A_365 : i32 to index
          %swap3A_367 = tpu.vector_load %arg11[%swap3A_366] {strides = array<i32>} : memref<512xf32, #tpu.memory_space<vmem>>, vector<16xf32>,
          tpu.vector_store %arg11[%swap3A_366], %select_n3A_356 {strides = array<i32>} : memref<512xf32, #tpu.memory_space<vmem>>, vector<16xf32>,
          %add3A_368 = arith.constant 0 : i32
          %add3A_369 = vector.broadcast %add3A_368 : i32 to vector<16xi32>
          %add3A_370 = arith.addi %select_n3A_363, %add3A_369 : vector<16xi32>
          %add3A_371 = arith.constant 0 : i32
          %add3A_372 = arith.addi %mul3A_295, %add3A_371 : i32
          %swap3A_373 = arith.index_cast %add3A_372 : i32 to index
          %swap3A_374 = arith.constant 16 : index
          %swap3A_375 = tpu.vector_load %arg12[%swap3A_373, %swap3A_374] {strides = array<i32>} : memref<4x128xi32, #tpu.memory_space<vmem>>, vector<16xi32>,
          tpu.vector_store %arg12[%swap3A_373, %swap3A_374], %add3A_370 {strides = array<i32>} : memref<4x128xi32, #tpu.memory_space<vmem>>, vector<16xi32>,
          %broadcast_in_dim3A_376 = arith.constant 2 : i32
          %broadcast_in_dim3A_377 = vector.broadcast %broadcast_in_dim3A_376 : i32 to vector<16xi32>
          %gather3A_378 = tpu.vector_load_idx %arg7[%broadcast_in_dim3A_377, %min3A_309] : memref<16x64xf32, #tpu.memory_space<vmem>>[vector<16xi32>, vector<16xi32>], vector<16xf32>,
          %gather3A_379 = tpu.vector_load_idx %arg7[%broadcast_in_dim3A_377, %max3A_315] : memref<16x64xf32, #tpu.memory_space<vmem>>[vector<16xi32>, vector<16xi32>], vector<16xf32>,
          %select_n3A_380 = arith.select %lt3A_307, %gather3A_378, %gather3A_379 : vector<16xi1>, vector<16xf32>
          %add3A_381 = arith.constant 65568 : i32
          %add3A_382 = vector.broadcast %add3A_381 : i32 to vector<16xi32>
          %add3A_383 = arith.addi %add3A_382, %iota3A : vector<16xi32>
          %add3A_384 = arith.constant 256 : i32
          %add3A_385 = vector.broadcast %add3A_384 : i32 to vector<16xi32>
          %add3A_386 = arith.addi %add3A_323, %add3A_385 : vector<16xi32>
          %select_n3A_387 = arith.select %ge3A_304, %add3A_383, %add3A_386 : vector<16xi1>, vector<16xi32>
          %add3A_388 = arith.constant 32 : i32
          %add3A_389 = arith.addi %mul3A_277, %add3A_388 : i32
          %swap3A_390 = arith.index_cast %add3A_389 : i32 to index
          %swap3A_391 = tpu.vector_load %arg11[%swap3A_390] {strides = array<i32>} : memref<512xf32, #tpu.memory_space<vmem>>, vector<16xf32>,
          tpu.vector_store %arg11[%swap3A_390], %select_n3A_380 {strides = array<i32>} : memref<512xf32, #tpu.memory_space<vmem>>, vector<16xf32>,
          %add3A_392 = arith.constant 0 : i32
          %add3A_393 = vector.broadcast %add3A_392 : i32 to vector<16xi32>
          %add3A_394 = arith.addi %select_n3A_387, %add3A_393 : vector<16xi32>
          %add3A_395 = arith.constant 0 : i32
          %add3A_396 = arith.addi %mul3A_295, %add3A_395 : i32
          %swap3A_397 = arith.index_cast %add3A_396 : i32 to index
          %swap3A_398 = arith.constant 32 : index
          %swap3A_399 = tpu.vector_load %arg12[%swap3A_397, %swap3A_398] {strides = array<i32>} : memref<4x128xi32, #tpu.memory_space<vmem>>, vector<16xi32>,
          tpu.vector_store %arg12[%swap3A_397, %swap3A_398], %add3A_394 {strides = array<i32>} : memref<4x128xi32, #tpu.memory_space<vmem>>, vector<16xi32>,
          %broadcast_in_dim3A_400 = arith.constant 3 : i32
          %broadcast_in_dim3A_401 = vector.broadcast %broadcast_in_dim3A_400 : i32 to vector<16xi32>
          %gather3A_402 = tpu.vector_load_idx %arg7[%broadcast_in_dim3A_401, %min3A_309] : memref<16x64xf32, #tpu.memory_space<vmem>>[vector<16xi32>, vector<16xi32>], vector<16xf32>,
          %gather3A_403 = tpu.vector_load_idx %arg7[%broadcast_in_dim3A_401, %max3A_315] : memref<16x64xf32, #tpu.memory_space<vmem>>[vector<16xi32>, vector<16xi32>], vector<16xf32>,
          %select_n3A_404 = arith.select %lt3A_307, %gather3A_402, %gather3A_403 : vector<16xi1>, vector<16xf32>
          %add3A_405 = arith.constant 65584 : i32
          %add3A_406 = vector.broadcast %add3A_405 : i32 to vector<16xi32>
          %add3A_407 = arith.addi %add3A_406, %iota3A : vector<16xi32>
          %add3A_408 = arith.constant 384 : i32
          %add3A_409 = vector.broadcast %add3A_408 : i32 to vector<16xi32>
          %add3A_410 = arith.addi %add3A_323, %add3A_409 : vector<16xi32>
          %select_n3A_411 = arith.select %ge3A_304, %add3A_407, %add3A_410 : vector<16xi1>, vector<16xi32>
          %add3A_412 = arith.constant 48 : i32
          %add3A_413 = arith.addi %mul3A_277, %add3A_412 : i32
          %swap3A_414 = arith.index_cast %add3A_413 : i32 to index
          %swap3A_415 = tpu.vector_load %arg11[%swap3A_414] {strides = array<i32>} : memref<512xf32, #tpu.memory_space<vmem>>, vector<16xf32>,
          tpu.vector_store %arg11[%swap3A_414], %select_n3A_404 {strides = array<i32>} : memref<512xf32, #tpu.memory_space<vmem>>, vector<16xf32>,
          %add3A_416 = arith.constant 0 : i32
          %add3A_417 = vector.broadcast %add3A_416 : i32 to vector<16xi32>
          %add3A_418 = arith.addi %select_n3A_411, %add3A_417 : vector<16xi32>
          %add3A_419 = arith.constant 0 : i32
          %add3A_420 = arith.addi %mul3A_295, %add3A_419 : i32
          %swap3A_421 = arith.index_cast %add3A_420 : i32 to index
          %swap3A_422 = arith.constant 48 : index
          %swap3A_423 = tpu.vector_load %arg12[%swap3A_421, %swap3A_422] {strides = array<i32>} : memref<4x128xi32, #tpu.memory_space<vmem>>, vector<16xi32>,
          tpu.vector_store %arg12[%swap3A_421, %swap3A_422], %add3A_418 {strides = array<i32>} : memref<4x128xi32, #tpu.memory_space<vmem>>, vector<16xi32>,
          %broadcast_in_dim3A_424 = arith.constant 4 : i32
          %broadcast_in_dim3A_425 = vector.broadcast %broadcast_in_dim3A_424 : i32 to vector<16xi32>
          %gather3A_426 = tpu.vector_load_idx %arg7[%broadcast_in_dim3A_425, %min3A_309] : memref<16x64xf32, #tpu.memory_space<vmem>>[vector<16xi32>, vector<16xi32>], vector<16xf32>,
          %gather3A_427 = tpu.vector_load_idx %arg7[%broadcast_in_dim3A_425, %max3A_315] : memref<16x64xf32, #tpu.memory_space<vmem>>[vector<16xi32>, vector<16xi32>], vector<16xf32>,
          %select_n3A_428 = arith.select %lt3A_307, %gather3A_426, %gather3A_427 : vector<16xi1>, vector<16xf32>
          %add3A_429 = arith.constant 65600 : i32
          %add3A_430 = vector.broadcast %add3A_429 : i32 to vector<16xi32>
          %add3A_431 = arith.addi %add3A_430, %iota3A : vector<16xi32>
          %add3A_432 = arith.constant 512 : i32
          %add3A_433 = vector.broadcast %add3A_432 : i32 to vector<16xi32>
          %add3A_434 = arith.addi %add3A_323, %add3A_433 : vector<16xi32>
          %select_n3A_435 = arith.select %ge3A_304, %add3A_431, %add3A_434 : vector<16xi1>, vector<16xi32>
          %add3A_436 = arith.constant 64 : i32
          %add3A_437 = arith.addi %mul3A_277, %add3A_436 : i32
          %swap3A_438 = arith.index_cast %add3A_437 : i32 to index
          %swap3A_439 = tpu.vector_load %arg11[%swap3A_438] {strides = array<i32>} : memref<512xf32, #tpu.memory_space<vmem>>, vector<16xf32>,
          tpu.vector_store %arg11[%swap3A_438], %select_n3A_428 {strides = array<i32>} : memref<512xf32, #tpu.memory_space<vmem>>, vector<16xf32>,
          %add3A_440 = arith.constant 0 : i32
          %add3A_441 = vector.broadcast %add3A_440 : i32 to vector<16xi32>
          %add3A_442 = arith.addi %select_n3A_435, %add3A_441 : vector<16xi32>
          %add3A_443 = arith.constant 0 : i32
          %add3A_444 = arith.addi %mul3A_295, %add3A_443 : i32
          %swap3A_445 = arith.index_cast %add3A_444 : i32 to index
          %swap3A_446 = arith.constant 64 : index
          %swap3A_447 = tpu.vector_load %arg12[%swap3A_445, %swap3A_446] {strides = array<i32>} : memref<4x128xi32, #tpu.memory_space<vmem>>, vector<16xi32>,
          tpu.vector_store %arg12[%swap3A_445, %swap3A_446], %add3A_442 {strides = array<i32>} : memref<4x128xi32, #tpu.memory_space<vmem>>, vector<16xi32>,
          %broadcast_in_dim3A_448 = arith.constant 5 : i32
          %broadcast_in_dim3A_449 = vector.broadcast %broadcast_in_dim3A_448 : i32 to vector<16xi32>
          %gather3A_450 = tpu.vector_load_idx %arg7[%broadcast_in_dim3A_449, %min3A_309] : memref<16x64xf32, #tpu.memory_space<vmem>>[vector<16xi32>, vector<16xi32>], vector<16xf32>,
          %gather3A_451 = tpu.vector_load_idx %arg7[%broadcast_in_dim3A_449, %max3A_315] : memref<16x64xf32, #tpu.memory_space<vmem>>[vector<16xi32>, vector<16xi32>], vector<16xf32>,
          %select_n3A_452 = arith.select %lt3A_307, %gather3A_450, %gather3A_451 : vector<16xi1>, vector<16xf32>
          %add3A_453 = arith.constant 65616 : i32
          %add3A_454 = vector.broadcast %add3A_453 : i32 to vector<16xi32>
          %add3A_455 = arith.addi %add3A_454, %iota3A : vector<16xi32>
          %add3A_456 = arith.constant 640 : i32
          %add3A_457 = vector.broadcast %add3A_456 : i32 to vector<16xi32>
          %add3A_458 = arith.addi %add3A_323, %add3A_457 : vector<16xi32>
          %select_n3A_459 = arith.select %ge3A_304, %add3A_455, %add3A_458 : vector<16xi1>, vector<16xi32>
          %add3A_460 = arith.constant 80 : i32
          %add3A_461 = arith.addi %mul3A_277, %add3A_460 : i32
          %swap3A_462 = arith.index_cast %add3A_461 : i32 to index
          %swap3A_463 = tpu.vector_load %arg11[%swap3A_462] {strides = array<i32>} : memref<512xf32, #tpu.memory_space<vmem>>, vector<16xf32>,
          tpu.vector_store %arg11[%swap3A_462], %select_n3A_452 {strides = array<i32>} : memref<512xf32, #tpu.memory_space<vmem>>, vector<16xf32>,
          %add3A_464 = arith.constant 0 : i32
          %add3A_465 = vector.broadcast %add3A_464 : i32 to vector<16xi32>
          %add3A_466 = arith.addi %select_n3A_459, %add3A_465 : vector<16xi32>
          %add3A_467 = arith.constant 0 : i32
          %add3A_468 = arith.addi %mul3A_295, %add3A_467 : i32
          %swap3A_469 = arith.index_cast %add3A_468 : i32 to index
          %swap3A_470 = arith.constant 80 : index
          %swap3A_471 = tpu.vector_load %arg12[%swap3A_469, %swap3A_470] {strides = array<i32>} : memref<4x128xi32, #tpu.memory_space<vmem>>, vector<16xi32>,
          tpu.vector_store %arg12[%swap3A_469, %swap3A_470], %add3A_466 {strides = array<i32>} : memref<4x128xi32, #tpu.memory_space<vmem>>, vector<16xi32>,
          %broadcast_in_dim3A_472 = arith.constant 6 : i32
          %broadcast_in_dim3A_473 = vector.broadcast %broadcast_in_dim3A_472 : i32 to vector<16xi32>
          %gather3A_474 = tpu.vector_load_idx %arg7[%broadcast_in_dim3A_473, %min3A_309] : memref<16x64xf32, #tpu.memory_space<vmem>>[vector<16xi32>, vector<16xi32>], vector<16xf32>,
          %gather3A_475 = tpu.vector_load_idx %arg7[%broadcast_in_dim3A_473, %max3A_315] : memref<16x64xf32, #tpu.memory_space<vmem>>[vector<16xi32>, vector<16xi32>], vector<16xf32>,
          %select_n3A_476 = arith.select %lt3A_307, %gather3A_474, %gather3A_475 : vector<16xi1>, vector<16xf32>
          %add3A_477 = arith.constant 65632 : i32
          %add3A_478 = vector.broadcast %add3A_477 : i32 to vector<16xi32>
          %add3A_479 = arith.addi %add3A_478, %iota3A : vector<16xi32>
          %add3A_480 = arith.constant 768 : i32
          %add3A_481 = vector.broadcast %add3A_480 : i32 to vector<16xi32>
          %add3A_482 = arith.addi %add3A_323, %add3A_481 : vector<16xi32>
          %select_n3A_483 = arith.select %ge3A_304, %add3A_479, %add3A_482 : vector<16xi1>, vector<16xi32>
          %add3A_484 = arith.constant 96 : i32
          %add3A_485 = arith.addi %mul3A_277, %add3A_484 : i32
          %swap3A_486 = arith.index_cast %add3A_485 : i32 to index
          %swap3A_487 = tpu.vector_load %arg11[%swap3A_486] {strides = array<i32>} : memref<512xf32, #tpu.memory_space<vmem>>, vector<16xf32>,
          tpu.vector_store %arg11[%swap3A_486], %select_n3A_476 {strides = array<i32>} : memref<512xf32, #tpu.memory_space<vmem>>, vector<16xf32>,
          %add3A_488 = arith.constant 0 : i32
          %add3A_489 = vector.broadcast %add3A_488 : i32 to vector<16xi32>
          %add3A_490 = arith.addi %select_n3A_483, %add3A_489 : vector<16xi32>
          %add3A_491 = arith.constant 0 : i32
          %add3A_492 = arith.addi %mul3A_295, %add3A_491 : i32
          %swap3A_493 = arith.index_cast %add3A_492 : i32 to index
          %swap3A_494 = arith.constant 96 : index
          %swap3A_495 = tpu.vector_load %arg12[%swap3A_493, %swap3A_494] {strides = array<i32>} : memref<4x128xi32, #tpu.memory_space<vmem>>, vector<16xi32>,
          tpu.vector_store %arg12[%swap3A_493, %swap3A_494], %add3A_490 {strides = array<i32>} : memref<4x128xi32, #tpu.memory_space<vmem>>, vector<16xi32>,
          %broadcast_in_dim3A_496 = arith.constant 7 : i32
          %broadcast_in_dim3A_497 = vector.broadcast %broadcast_in_dim3A_496 : i32 to vector<16xi32>
          %gather3A_498 = tpu.vector_load_idx %arg7[%broadcast_in_dim3A_497, %min3A_309] : memref<16x64xf32, #tpu.memory_space<vmem>>[vector<16xi32>, vector<16xi32>], vector<16xf32>,
          %gather3A_499 = tpu.vector_load_idx %arg7[%broadcast_in_dim3A_497, %max3A_315] : memref<16x64xf32, #tpu.memory_space<vmem>>[vector<16xi32>, vector<16xi32>], vector<16xf32>,
          %select_n3A_500 = arith.select %lt3A_307, %gather3A_498, %gather3A_499 : vector<16xi1>, vector<16xf32>
          %add3A_501 = arith.constant 65648 : i32
          %add3A_502 = vector.broadcast %add3A_501 : i32 to vector<16xi32>
          %add3A_503 = arith.addi %add3A_502, %iota3A : vector<16xi32>
          %add3A_504 = arith.constant 896 : i32
          %add3A_505 = vector.broadcast %add3A_504 : i32 to vector<16xi32>
          %add3A_506 = arith.addi %add3A_323, %add3A_505 : vector<16xi32>
          %select_n3A_507 = arith.select %ge3A_304, %add3A_503, %add3A_506 : vector<16xi1>, vector<16xi32>
          %add3A_508 = arith.constant 112 : i32
          %add3A_509 = arith.addi %mul3A_277, %add3A_508 : i32
          %swap3A_510 = arith.index_cast %add3A_509 : i32 to index
          %swap3A_511 = tpu.vector_load %arg11[%swap3A_510] {strides = array<i32>} : memref<512xf32, #tpu.memory_space<vmem>>, vector<16xf32>,
          tpu.vector_store %arg11[%swap3A_510], %select_n3A_500 {strides = array<i32>} : memref<512xf32, #tpu.memory_space<vmem>>, vector<16xf32>,
          %add3A_512 = arith.constant 0 : i32
          %add3A_513 = vector.broadcast %add3A_512 : i32 to vector<16xi32>
          %add3A_514 = arith.addi %select_n3A_507, %add3A_513 : vector<16xi32>
          %add3A_515 = arith.constant 0 : i32
          %add3A_516 = arith.addi %mul3A_295, %add3A_515 : i32
          %swap3A_517 = arith.index_cast %add3A_516 : i32 to index
          %swap3A_518 = arith.constant 112 : index
          %swap3A_519 = tpu.vector_load %arg12[%swap3A_517, %swap3A_518] {strides = array<i32>} : memref<4x128xi32, #tpu.memory_space<vmem>>, vector<16xi32>,
          tpu.vector_store %arg12[%swap3A_517, %swap3A_518], %add3A_514 {strides = array<i32>} : memref<4x128xi32, #tpu.memory_space<vmem>>, vector<16xi32>,
          %broadcast_in_dim3A_520 = arith.constant 8 : i32
          %broadcast_in_dim3A_521 = vector.broadcast %broadcast_in_dim3A_520 : i32 to vector<16xi32>
          %gather3A_522 = tpu.vector_load_idx %arg7[%broadcast_in_dim3A_521, %min3A_309] : memref<16x64xf32, #tpu.memory_space<vmem>>[vector<16xi32>, vector<16xi32>], vector<16xf32>,
          %gather3A_523 = tpu.vector_load_idx %arg7[%broadcast_in_dim3A_521, %max3A_315] : memref<16x64xf32, #tpu.memory_space<vmem>>[vector<16xi32>, vector<16xi32>], vector<16xf32>,
          %select_n3A_524 = arith.select %lt3A_307, %gather3A_522, %gather3A_523 : vector<16xi1>, vector<16xf32>
          %add3A_525 = arith.constant 65536 : i32
          %add3A_526 = vector.broadcast %add3A_525 : i32 to vector<16xi32>
          %add3A_527 = arith.addi %add3A_526, %iota3A : vector<16xi32>
          %add3A_528 = arith.constant 32768 : i32
          %add3A_529 = vector.broadcast %add3A_528 : i32 to vector<16xi32>
          %add3A_530 = arith.addi %add3A_323, %add3A_529 : vector<16xi32>
          %select_n3A_531 = arith.select %ge3A_304, %add3A_527, %add3A_530 : vector<16xi1>, vector<16xi32>
          %add3A_532 = arith.constant 128 : i32
          %add3A_533 = arith.addi %mul3A_277, %add3A_532 : i32
          %swap3A_534 = arith.index_cast %add3A_533 : i32 to index
          %swap3A_535 = tpu.vector_load %arg11[%swap3A_534] {strides = array<i32>} : memref<512xf32, #tpu.memory_space<vmem>>, vector<16xf32>,
          tpu.vector_store %arg11[%swap3A_534], %select_n3A_524 {strides = array<i32>} : memref<512xf32, #tpu.memory_space<vmem>>, vector<16xf32>,
          %add3A_536 = arith.constant 0 : i32
          %add3A_537 = vector.broadcast %add3A_536 : i32 to vector<16xi32>
          %add3A_538 = arith.addi %select_n3A_531, %add3A_537 : vector<16xi32>
          %add3A_539 = arith.constant 1 : i32
          %add3A_540 = arith.addi %mul3A_295, %add3A_539 : i32
          %swap3A_541 = arith.index_cast %add3A_540 : i32 to index
          %swap3A_542 = arith.constant 0 : index
          %swap3A_543 = tpu.vector_load %arg12[%swap3A_541, %swap3A_542] {strides = array<i32>} : memref<4x128xi32, #tpu.memory_space<vmem>>, vector<16xi32>,
          tpu.vector_store %arg12[%swap3A_541, %swap3A_542], %add3A_538 {strides = array<i32>} : memref<4x128xi32, #tpu.memory_space<vmem>>, vector<16xi32>,
          %broadcast_in_dim3A_544 = arith.constant 9 : i32
          %broadcast_in_dim3A_545 = vector.broadcast %broadcast_in_dim3A_544 : i32 to vector<16xi32>
          %gather3A_546 = tpu.vector_load_idx %arg7[%broadcast_in_dim3A_545, %min3A_309] : memref<16x64xf32, #tpu.memory_space<vmem>>[vector<16xi32>, vector<16xi32>], vector<16xf32>,
          %gather3A_547 = tpu.vector_load_idx %arg7[%broadcast_in_dim3A_545, %max3A_315] : memref<16x64xf32, #tpu.memory_space<vmem>>[vector<16xi32>, vector<16xi32>], vector<16xf32>,
          %select_n3A_548 = arith.select %lt3A_307, %gather3A_546, %gather3A_547 : vector<16xi1>, vector<16xf32>
          %add3A_549 = arith.constant 65552 : i32
          %add3A_550 = vector.broadcast %add3A_549 : i32 to vector<16xi32>
          %add3A_551 = arith.addi %add3A_550, %iota3A : vector<16xi32>
          %add3A_552 = arith.constant 32896 : i32
          %add3A_553 = vector.broadcast %add3A_552 : i32 to vector<16xi32>
          %add3A_554 = arith.addi %add3A_323, %add3A_553 : vector<16xi32>
          %select_n3A_555 = arith.select %ge3A_304, %add3A_551, %add3A_554 : vector<16xi1>, vector<16xi32>
          %add3A_556 = arith.constant 144 : i32
          %add3A_557 = arith.addi %mul3A_277, %add3A_556 : i32
          %swap3A_558 = arith.index_cast %add3A_557 : i32 to index
          %swap3A_559 = tpu.vector_load %arg11[%swap3A_558] {strides = array<i32>} : memref<512xf32, #tpu.memory_space<vmem>>, vector<16xf32>,
          tpu.vector_store %arg11[%swap3A_558], %select_n3A_548 {strides = array<i32>} : memref<512xf32, #tpu.memory_space<vmem>>, vector<16xf32>,
          %add3A_560 = arith.constant 0 : i32
          %add3A_561 = vector.broadcast %add3A_560 : i32 to vector<16xi32>
          %add3A_562 = arith.addi %select_n3A_555, %add3A_561 : vector<16xi32>
          %add3A_563 = arith.constant 1 : i32
          %add3A_564 = arith.addi %mul3A_295, %add3A_563 : i32
          %swap3A_565 = arith.index_cast %add3A_564 : i32 to index
          %swap3A_566 = arith.constant 16 : index
          %swap3A_567 = tpu.vector_load %arg12[%swap3A_565, %swap3A_566] {strides = array<i32>} : memref<4x128xi32, #tpu.memory_space<vmem>>, vector<16xi32>,
          tpu.vector_store %arg12[%swap3A_565, %swap3A_566], %add3A_562 {strides = array<i32>} : memref<4x128xi32, #tpu.memory_space<vmem>>, vector<16xi32>,
          %broadcast_in_dim3A_568 = arith.constant 10 : i32
          %broadcast_in_dim3A_569 = vector.broadcast %broadcast_in_dim3A_568 : i32 to vector<16xi32>
          %gather3A_570 = tpu.vector_load_idx %arg7[%broadcast_in_dim3A_569, %min3A_309] : memref<16x64xf32, #tpu.memory_space<vmem>>[vector<16xi32>, vector<16xi32>], vector<16xf32>,
          %gather3A_571 = tpu.vector_load_idx %arg7[%broadcast_in_dim3A_569, %max3A_315] : memref<16x64xf32, #tpu.memory_space<vmem>>[vector<16xi32>, vector<16xi32>], vector<16xf32>,
          %select_n3A_572 = arith.select %lt3A_307, %gather3A_570, %gather3A_571 : vector<16xi1>, vector<16xf32>
          %add3A_573 = arith.constant 65568 : i32
          %add3A_574 = vector.broadcast %add3A_573 : i32 to vector<16xi32>
          %add3A_575 = arith.addi %add3A_574, %iota3A : vector<16xi32>
          %add3A_576 = arith.constant 33024 : i32
          %add3A_577 = vector.broadcast %add3A_576 : i32 to vector<16xi32>
          %add3A_578 = arith.addi %add3A_323, %add3A_577 : vector<16xi32>
          %select_n3A_579 = arith.select %ge3A_304, %add3A_575, %add3A_578 : vector<16xi1>, vector<16xi32>
          %add3A_580 = arith.constant 160 : i32
          %add3A_581 = arith.addi %mul3A_277, %add3A_580 : i32
          %swap3A_582 = arith.index_cast %add3A_581 : i32 to index
          %swap3A_583 = tpu.vector_load %arg11[%swap3A_582] {strides = array<i32>} : memref<512xf32, #tpu.memory_space<vmem>>, vector<16xf32>,
          tpu.vector_store %arg11[%swap3A_582], %select_n3A_572 {strides = array<i32>} : memref<512xf32, #tpu.memory_space<vmem>>, vector<16xf32>,
          %add3A_584 = arith.constant 0 : i32
          %add3A_585 = vector.broadcast %add3A_584 : i32 to vector<16xi32>
          %add3A_586 = arith.addi %select_n3A_579, %add3A_585 : vector<16xi32>
          %add3A_587 = arith.constant 1 : i32
          %add3A_588 = arith.addi %mul3A_295, %add3A_587 : i32
          %swap3A_589 = arith.index_cast %add3A_588 : i32 to index
          %swap3A_590 = arith.constant 32 : index
          %swap3A_591 = tpu.vector_load %arg12[%swap3A_589, %swap3A_590] {strides = array<i32>} : memref<4x128xi32, #tpu.memory_space<vmem>>, vector<16xi32>,
          tpu.vector_store %arg12[%swap3A_589, %swap3A_590], %add3A_586 {strides = array<i32>} : memref<4x128xi32, #tpu.memory_space<vmem>>, vector<16xi32>,
          %broadcast_in_dim3A_592 = arith.constant 11 : i32
          %broadcast_in_dim3A_593 = vector.broadcast %broadcast_in_dim3A_592 : i32 to vector<16xi32>
          %gather3A_594 = tpu.vector_load_idx %arg7[%broadcast_in_dim3A_593, %min3A_309] : memref<16x64xf32, #tpu.memory_space<vmem>>[vector<16xi32>, vector<16xi32>], vector<16xf32>,
          %gather3A_595 = tpu.vector_load_idx %arg7[%broadcast_in_dim3A_593, %max3A_315] : memref<16x64xf32, #tpu.memory_space<vmem>>[vector<16xi32>, vector<16xi32>], vector<16xf32>,
          %select_n3A_596 = arith.select %lt3A_307, %gather3A_594, %gather3A_595 : vector<16xi1>, vector<16xf32>
          %add3A_597 = arith.constant 65584 : i32
          %add3A_598 = vector.broadcast %add3A_597 : i32 to vector<16xi32>
          %add3A_599 = arith.addi %add3A_598, %iota3A : vector<16xi32>
          %add3A_600 = arith.constant 33152 : i32
          %add3A_601 = vector.broadcast %add3A_600 : i32 to vector<16xi32>
          %add3A_602 = arith.addi %add3A_323, %add3A_601 : vector<16xi32>
          %select_n3A_603 = arith.select %ge3A_304, %add3A_599, %add3A_602 : vector<16xi1>, vector<16xi32>
          %add3A_604 = arith.constant 176 : i32
          %add3A_605 = arith.addi %mul3A_277, %add3A_604 : i32
          %swap3A_606 = arith.index_cast %add3A_605 : i32 to index
          %swap3A_607 = tpu.vector_load %arg11[%swap3A_606] {strides = array<i32>} : memref<512xf32, #tpu.memory_space<vmem>>, vector<16xf32>,
          tpu.vector_store %arg11[%swap3A_606], %select_n3A_596 {strides = array<i32>} : memref<512xf32, #tpu.memory_space<vmem>>, vector<16xf32>,
          %add3A_608 = arith.constant 0 : i32
          %add3A_609 = vector.broadcast %add3A_608 : i32 to vector<16xi32>
          %add3A_610 = arith.addi %select_n3A_603, %add3A_609 : vector<16xi32>
          %add3A_611 = arith.constant 1 : i32
          %add3A_612 = arith.addi %mul3A_295, %add3A_611 : i32
          %swap3A_613 = arith.index_cast %add3A_612 : i32 to index
          %swap3A_614 = arith.constant 48 : index
          %swap3A_615 = tpu.vector_load %arg12[%swap3A_613, %swap3A_614] {strides = array<i32>} : memref<4x128xi32, #tpu.memory_space<vmem>>, vector<16xi32>,
          tpu.vector_store %arg12[%swap3A_613, %swap3A_614], %add3A_610 {strides = array<i32>} : memref<4x128xi32, #tpu.memory_space<vmem>>, vector<16xi32>,
          %broadcast_in_dim3A_616 = arith.constant 12 : i32
          %broadcast_in_dim3A_617 = vector.broadcast %broadcast_in_dim3A_616 : i32 to vector<16xi32>
          %gather3A_618 = tpu.vector_load_idx %arg7[%broadcast_in_dim3A_617, %min3A_309] : memref<16x64xf32, #tpu.memory_space<vmem>>[vector<16xi32>, vector<16xi32>], vector<16xf32>,
          %gather3A_619 = tpu.vector_load_idx %arg7[%broadcast_in_dim3A_617, %max3A_315] : memref<16x64xf32, #tpu.memory_space<vmem>>[vector<16xi32>, vector<16xi32>], vector<16xf32>,
          %select_n3A_620 = arith.select %lt3A_307, %gather3A_618, %gather3A_619 : vector<16xi1>, vector<16xf32>
          %add3A_621 = arith.constant 65600 : i32
          %add3A_622 = vector.broadcast %add3A_621 : i32 to vector<16xi32>
          %add3A_623 = arith.addi %add3A_622, %iota3A : vector<16xi32>
          %add3A_624 = arith.constant 33280 : i32
          %add3A_625 = vector.broadcast %add3A_624 : i32 to vector<16xi32>
          %add3A_626 = arith.addi %add3A_323, %add3A_625 : vector<16xi32>
          %select_n3A_627 = arith.select %ge3A_304, %add3A_623, %add3A_626 : vector<16xi1>, vector<16xi32>
          %add3A_628 = arith.constant 192 : i32
          %add3A_629 = arith.addi %mul3A_277, %add3A_628 : i32
          %swap3A_630 = arith.index_cast %add3A_629 : i32 to index
          %swap3A_631 = tpu.vector_load %arg11[%swap3A_630] {strides = array<i32>} : memref<512xf32, #tpu.memory_space<vmem>>, vector<16xf32>,
          tpu.vector_store %arg11[%swap3A_630], %select_n3A_620 {strides = array<i32>} : memref<512xf32, #tpu.memory_space<vmem>>, vector<16xf32>,
          %add3A_632 = arith.constant 0 : i32
          %add3A_633 = vector.broadcast %add3A_632 : i32 to vector<16xi32>
          %add3A_634 = arith.addi %select_n3A_627, %add3A_633 : vector<16xi32>
          %add3A_635 = arith.constant 1 : i32
          %add3A_636 = arith.addi %mul3A_295, %add3A_635 : i32
          %swap3A_637 = arith.index_cast %add3A_636 : i32 to index
          %swap3A_638 = arith.constant 64 : index
          %swap3A_639 = tpu.vector_load %arg12[%swap3A_637, %swap3A_638] {strides = array<i32>} : memref<4x128xi32, #tpu.memory_space<vmem>>, vector<16xi32>,
          tpu.vector_store %arg12[%swap3A_637, %swap3A_638], %add3A_634 {strides = array<i32>} : memref<4x128xi32, #tpu.memory_space<vmem>>, vector<16xi32>,
          %broadcast_in_dim3A_640 = arith.constant 13 : i32
          %broadcast_in_dim3A_641 = vector.broadcast %broadcast_in_dim3A_640 : i32 to vector<16xi32>
          %gather3A_642 = tpu.vector_load_idx %arg7[%broadcast_in_dim3A_641, %min3A_309] : memref<16x64xf32, #tpu.memory_space<vmem>>[vector<16xi32>, vector<16xi32>], vector<16xf32>,
          %gather3A_643 = tpu.vector_load_idx %arg7[%broadcast_in_dim3A_641, %max3A_315] : memref<16x64xf32, #tpu.memory_space<vmem>>[vector<16xi32>, vector<16xi32>], vector<16xf32>,
          %select_n3A_644 = arith.select %lt3A_307, %gather3A_642, %gather3A_643 : vector<16xi1>, vector<16xf32>
          %add3A_645 = arith.constant 65616 : i32
          %add3A_646 = vector.broadcast %add3A_645 : i32 to vector<16xi32>
          %add3A_647 = arith.addi %add3A_646, %iota3A : vector<16xi32>
          %add3A_648 = arith.constant 33408 : i32
          %add3A_649 = vector.broadcast %add3A_648 : i32 to vector<16xi32>
          %add3A_650 = arith.addi %add3A_323, %add3A_649 : vector<16xi32>
          %select_n3A_651 = arith.select %ge3A_304, %add3A_647, %add3A_650 : vector<16xi1>, vector<16xi32>
          %add3A_652 = arith.constant 208 : i32
          %add3A_653 = arith.addi %mul3A_277, %add3A_652 : i32
          %swap3A_654 = arith.index_cast %add3A_653 : i32 to index
          %swap3A_655 = tpu.vector_load %arg11[%swap3A_654] {strides = array<i32>} : memref<512xf32, #tpu.memory_space<vmem>>, vector<16xf32>,
          tpu.vector_store %arg11[%swap3A_654], %select_n3A_644 {strides = array<i32>} : memref<512xf32, #tpu.memory_space<vmem>>, vector<16xf32>,
          %add3A_656 = arith.constant 0 : i32
          %add3A_657 = vector.broadcast %add3A_656 : i32 to vector<16xi32>
          %add3A_658 = arith.addi %select_n3A_651, %add3A_657 : vector<16xi32>
          %add3A_659 = arith.constant 1 : i32
          %add3A_660 = arith.addi %mul3A_295, %add3A_659 : i32
          %swap3A_661 = arith.index_cast %add3A_660 : i32 to index
          %swap3A_662 = arith.constant 80 : index
          %swap3A_663 = tpu.vector_load %arg12[%swap3A_661, %swap3A_662] {strides = array<i32>} : memref<4x128xi32, #tpu.memory_space<vmem>>, vector<16xi32>,
          tpu.vector_store %arg12[%swap3A_661, %swap3A_662], %add3A_658 {strides = array<i32>} : memref<4x128xi32, #tpu.memory_space<vmem>>, vector<16xi32>,
          %broadcast_in_dim3A_664 = arith.constant 14 : i32
          %broadcast_in_dim3A_665 = vector.broadcast %broadcast_in_dim3A_664 : i32 to vector<16xi32>
          %gather3A_666 = tpu.vector_load_idx %arg7[%broadcast_in_dim3A_665, %min3A_309] : memref<16x64xf32, #tpu.memory_space<vmem>>[vector<16xi32>, vector<16xi32>], vector<16xf32>,
          %gather3A_667 = tpu.vector_load_idx %arg7[%broadcast_in_dim3A_665, %max3A_315] : memref<16x64xf32, #tpu.memory_space<vmem>>[vector<16xi32>, vector<16xi32>], vector<16xf32>,
          %select_n3A_668 = arith.select %lt3A_307, %gather3A_666, %gather3A_667 : vector<16xi1>, vector<16xf32>
          %add3A_669 = arith.constant 65632 : i32
          %add3A_670 = vector.broadcast %add3A_669 : i32 to vector<16xi32>
          %add3A_671 = arith.addi %add3A_670, %iota3A : vector<16xi32>
          %add3A_672 = arith.constant 33536 : i32
          %add3A_673 = vector.broadcast %add3A_672 : i32 to vector<16xi32>
          %add3A_674 = arith.addi %add3A_323, %add3A_673 : vector<16xi32>
          %select_n3A_675 = arith.select %ge3A_304, %add3A_671, %add3A_674 : vector<16xi1>, vector<16xi32>
          %add3A_676 = arith.constant 224 : i32
          %add3A_677 = arith.addi %mul3A_277, %add3A_676 : i32
          %swap3A_678 = arith.index_cast %add3A_677 : i32 to index
          %swap3A_679 = tpu.vector_load %arg11[%swap3A_678] {strides = array<i32>} : memref<512xf32, #tpu.memory_space<vmem>>, vector<16xf32>,
          tpu.vector_store %arg11[%swap3A_678], %select_n3A_668 {strides = array<i32>} : memref<512xf32, #tpu.memory_space<vmem>>, vector<16xf32>,
          %add3A_680 = arith.constant 0 : i32
          %add3A_681 = vector.broadcast %add3A_680 : i32 to vector<16xi32>
          %add3A_682 = arith.addi %select_n3A_675, %add3A_681 : vector<16xi32>
          %add3A_683 = arith.constant 1 : i32
          %add3A_684 = arith.addi %mul3A_295, %add3A_683 : i32
          %swap3A_685 = arith.index_cast %add3A_684 : i32 to index
          %swap3A_686 = arith.constant 96 : index
          %swap3A_687 = tpu.vector_load %arg12[%swap3A_685, %swap3A_686] {strides = array<i32>} : memref<4x128xi32, #tpu.memory_space<vmem>>, vector<16xi32>,
          tpu.vector_store %arg12[%swap3A_685, %swap3A_686], %add3A_682 {strides = array<i32>} : memref<4x128xi32, #tpu.memory_space<vmem>>, vector<16xi32>,
          %broadcast_in_dim3A_688 = arith.constant 15 : i32
          %broadcast_in_dim3A_689 = vector.broadcast %broadcast_in_dim3A_688 : i32 to vector<16xi32>
          %gather3A_690 = tpu.vector_load_idx %arg7[%broadcast_in_dim3A_689, %min3A_309] : memref<16x64xf32, #tpu.memory_space<vmem>>[vector<16xi32>, vector<16xi32>], vector<16xf32>,
          %gather3A_691 = tpu.vector_load_idx %arg7[%broadcast_in_dim3A_689, %max3A_315] : memref<16x64xf32, #tpu.memory_space<vmem>>[vector<16xi32>, vector<16xi32>], vector<16xf32>,
          %select_n3A_692 = arith.select %lt3A_307, %gather3A_690, %gather3A_691 : vector<16xi1>, vector<16xf32>
          %add3A_693 = arith.constant 65648 : i32
          %add3A_694 = vector.broadcast %add3A_693 : i32 to vector<16xi32>
          %add3A_695 = arith.addi %add3A_694, %iota3A : vector<16xi32>
          %add3A_696 = arith.constant 33664 : i32
          %add3A_697 = vector.broadcast %add3A_696 : i32 to vector<16xi32>
          %add3A_698 = arith.addi %add3A_323, %add3A_697 : vector<16xi32>
          %select_n3A_699 = arith.select %ge3A_304, %add3A_695, %add3A_698 : vector<16xi1>, vector<16xi32>
          %add3A_700 = arith.constant 240 : i32
          %add3A_701 = arith.addi %mul3A_277, %add3A_700 : i32
          %swap3A_702 = arith.index_cast %add3A_701 : i32 to index
          %swap3A_703 = tpu.vector_load %arg11[%swap3A_702] {strides = array<i32>} : memref<512xf32, #tpu.memory_space<vmem>>, vector<16xf32>,
          tpu.vector_store %arg11[%swap3A_702], %select_n3A_692 {strides = array<i32>} : memref<512xf32, #tpu.memory_space<vmem>>, vector<16xf32>,
          %add3A_704 = arith.constant 0 : i32
          %add3A_705 = vector.broadcast %add3A_704 : i32 to vector<16xi32>
          %add3A_706 = arith.addi %select_n3A_699, %add3A_705 : vector<16xi32>
          %add3A_707 = arith.constant 1 : i32
          %add3A_708 = arith.addi %mul3A_295, %add3A_707 : i32
          %swap3A_709 = arith.index_cast %add3A_708 : i32 to index
          %swap3A_710 = arith.constant 112 : index
          %swap3A_711 = tpu.vector_load %arg12[%swap3A_709, %swap3A_710] {strides = array<i32>} : memref<4x128xi32, #tpu.memory_space<vmem>>, vector<16xi32>,
          tpu.vector_store %arg12[%swap3A_709, %swap3A_710], %add3A_706 {strides = array<i32>} : memref<4x128xi32, #tpu.memory_space<vmem>>, vector<16xi32>,
          %dma_start3A_712 = tpu.memref_slice %arg11[%mul3A_277] : memref<512xf32, #tpu.memory_space<vmem>> -> memref<128xf32, #tpu.memory_space<vmem>>
          %dma_start3A_713 = arith.constant 0 : i32
          %dma_start3A_714 = tpu.memref_slice %arg12[%mul3A_295, %dma_start3A_713] : memref<4x128xi32, #tpu.memory_space<vmem>> -> memref<1x128xi32, #tpu.memory_space<vmem>>
          %dma_start3A_715 = tpu.memref_squeeze %dma_start3A_714 : memref<1x128xi32, #tpu.memory_space<vmem>> -> memref<128xi32, #tpu.memory_space<vmem>>
          %dma_start3A_716 = arith.constant 0 : i32
          %dma_start3A_717 = tpu.memref_slice %arg13[%dma_start3A_716] : memref<65664xf32, #tpu.memory_space<vmem_shared>> -> memref<65664xf32, #tpu.memory_space<vmem_shared>>
          tpu.enqueue_indirect_dma source(%dma_start3A_712 : memref<128xf32, #tpu.memory_space<vmem>>) target(%dma_start3A_717 : memref<65664xf32, #tpu.memory_space<vmem_shared>>) offsets(%dma_start3A_715 : memref<128xi32, #tpu.memory_space<vmem>>) semaphore(%arg17 : memref<!tpu.dma_semaphore, #tpu.memory_space<semaphore_mem>>)
          %add3A_718 = arith.constant 128 : i32
          %add3A_719 = arith.addi %mul3A_277, %add3A_718 : i32
          %add3A_720 = arith.constant 1 : i32
          %add3A_721 = arith.addi %mul3A_295, %add3A_720 : i32
          %dma_start3A_722 = tpu.memref_slice %arg11[%add3A_719] : memref<512xf32, #tpu.memory_space<vmem>> -> memref<128xf32, #tpu.memory_space<vmem>>
          %dma_start3A_723 = arith.constant 0 : i32
          %dma_start3A_724 = tpu.memref_slice %arg12[%add3A_721, %dma_start3A_723] : memref<4x128xi32, #tpu.memory_space<vmem>> -> memref<1x128xi32, #tpu.memory_space<vmem>>
          %dma_start3A_725 = tpu.memref_squeeze %dma_start3A_724 : memref<1x128xi32, #tpu.memory_space<vmem>> -> memref<128xi32, #tpu.memory_space<vmem>>
          %dma_start3A_726 = arith.constant 0 : i32
          %dma_start3A_727 = tpu.memref_slice %arg13[%dma_start3A_726] : memref<65664xf32, #tpu.memory_space<vmem_shared>> -> memref<65664xf32, #tpu.memory_space<vmem_shared>>
          tpu.enqueue_indirect_dma source(%dma_start3A_722 : memref<128xf32, #tpu.memory_space<vmem>>) target(%dma_start3A_727 : memref<65664xf32, #tpu.memory_space<vmem_shared>>) offsets(%dma_start3A_725 : memref<128xi32, #tpu.memory_space<vmem>>) semaphore(%arg17 : memref<!tpu.dma_semaphore, #tpu.memory_space<semaphore_mem>>)
        }
        %sub3A_246 = arith.constant 2 : i32
        %sub3A_247 = arith.subi %select_n3A_235, %sub3A_246 : i32
        %max3A_248 = arith.constant 0 : i32
        %max3A_249 = arith.maxsi %sub3A_247, %max3A_248 : i32
        %while3A_250 = arith.constant 0 : i32
        %while3A_251 = arith.subi %select_n3A_235, %max3A_249 : i32
        %while3A_252 = arith.addi %max3A_249, %while3A_251 : i32
        %while3A_253 = arith.constant 1 : i32
        %while3A_254 = arith.divsi %while3A_251, %while3A_253 : i32
        %while3A_255 = arith.muli %while3A_254, %while3A_253 : i32
        %while3A_256 = arith.addi %max3A_249, %while3A_255 : i32
        %while3A_257 = arith.constant 1 : i32
        scf.for %while3A_259 = %max3A_249 to %while3A_256 step %while3A_257  : i32 {
          %jit3A_260 = arith.constant 2 : i32
          %eq3A_261 = arith.constant 0 : i32
          %eq3A_262 = arith.cmpi eq, %jit3A_260, %eq3A_261 : i32
          %jit3A_263 = arith.constant 1 : i32
          %select_n3A_264 = arith.select %eq3A_262, %jit3A_263, %jit3A_260 : i32
          %rem3A_265 = arith.remsi %while3A_259, %select_n3A_264 : i32
          %ne3A_266 = arith.constant 0 : i32
          %ne3A_267 = arith.cmpi ne, %rem3A_265, %ne3A_266 : i32
          %lt3A_268 = arith.constant 0 : i32
          %lt3A_269 = arith.cmpi slt, %rem3A_265, %lt3A_268 : i32
          %lt3A_270 = arith.constant 0 : i32
          %lt3A_271 = arith.cmpi slt, %select_n3A_264, %lt3A_270 : i32
          %ne3A_272 = arith.xori %lt3A_269, %lt3A_271 : i1
          %and3A_273 = arith.andi %ne3A_272, %ne3A_267 : i1
          %add3A_274 = arith.addi %rem3A_265, %select_n3A_264 : i32
          %select_n3A_275 = arith.select %and3A_273, %add3A_274, %rem3A_265 : i32
          %mul3A_276 = arith.constant 256 : i32
          %mul3A_277 = arith.muli %select_n3A_275, %mul3A_276 : i32
          %jit3A_278 = arith.constant 2 : i32
          %eq3A_279 = arith.constant 0 : i32
          %eq3A_280 = arith.cmpi eq, %jit3A_278, %eq3A_279 : i32
          %jit3A_281 = arith.constant 1 : i32
          %select_n3A_282 = arith.select %eq3A_280, %jit3A_281, %jit3A_278 : i32
          %rem3A_283 = arith.remsi %while3A_259, %select_n3A_282 : i32
          %ne3A_284 = arith.constant 0 : i32
          %ne3A_285 = arith.cmpi ne, %rem3A_283, %ne3A_284 : i32
          %lt3A_286 = arith.constant 0 : i32
          %lt3A_287 = arith.cmpi slt, %rem3A_283, %lt3A_286 : i32
          %lt3A_288 = arith.constant 0 : i32
          %lt3A_289 = arith.cmpi slt, %select_n3A_282, %lt3A_288 : i32
          %ne3A_290 = arith.xori %lt3A_287, %lt3A_289 : i1
          %and3A_291 = arith.andi %ne3A_290, %ne3A_285 : i1
          %add3A_292 = arith.addi %rem3A_283, %select_n3A_282 : i32
          %select_n3A_293 = arith.select %and3A_291, %add3A_292, %rem3A_283 : i32
          %mul3A_294 = arith.constant 2 : i32
          %mul3A_295 = arith.muli %select_n3A_293, %mul3A_294 : i32
          %dma_wait3A_296 = tpu.memref_slice %arg11[%mul3A_277] : memref<512xf32, #tpu.memory_space<vmem>> -> memref<128xf32, #tpu.memory_space<vmem>>
          %dma_wait3A_297 = arith.constant 0 : i32
          %dma_wait3A_298 = tpu.memref_slice %arg12[%mul3A_295, %dma_wait3A_297] : memref<4x128xi32, #tpu.memory_space<vmem>> -> memref<1x128xi32, #tpu.memory_space<vmem>>
          %dma_wait3A_299 = tpu.memref_squeeze %dma_wait3A_298 : memref<1x128xi32, #tpu.memory_space<vmem>> -> memref<128xi32, #tpu.memory_space<vmem>>
          %dma_wait3A_300 = arith.constant 0 : i32
          %dma_wait3A_301 = tpu.memref_slice %arg13[%dma_wait3A_300] : memref<65664xf32, #tpu.memory_space<vmem_shared>> -> memref<65664xf32, #tpu.memory_space<vmem_shared>>
          tpu.wait_indirect_dma semaphore(%arg17 : memref<!tpu.dma_semaphore, #tpu.memory_space<semaphore_mem>>) src(%dma_wait3A_296 : memref<128xf32, #tpu.memory_space<vmem>>) dst(%dma_wait3A_301 : memref<65664xf32, #tpu.memory_space<vmem_shared>>)
          %add3A_302 = arith.constant 128 : i32
          %add3A_303 = arith.addi %mul3A_277, %add3A_302 : i32
          %add3A_304 = arith.constant 1 : i32
          %add3A_305 = arith.addi %mul3A_295, %add3A_304 : i32
          %dma_wait3A_306 = tpu.memref_slice %arg11[%add3A_303] : memref<512xf32, #tpu.memory_space<vmem>> -> memref<128xf32, #tpu.memory_space<vmem>>
          %dma_wait3A_307 = arith.constant 0 : i32
          %dma_wait3A_308 = tpu.memref_slice %arg12[%add3A_305, %dma_wait3A_307] : memref<4x128xi32, #tpu.memory_space<vmem>> -> memref<1x128xi32, #tpu.memory_space<vmem>>
          %dma_wait3A_309 = tpu.memref_squeeze %dma_wait3A_308 : memref<1x128xi32, #tpu.memory_space<vmem>> -> memref<128xi32, #tpu.memory_space<vmem>>
          %dma_wait3A_310 = arith.constant 0 : i32
          %dma_wait3A_311 = tpu.memref_slice %arg13[%dma_wait3A_310] : memref<65664xf32, #tpu.memory_space<vmem_shared>> -> memref<65664xf32, #tpu.memory_space<vmem_shared>>
          tpu.wait_indirect_dma semaphore(%arg17 : memref<!tpu.dma_semaphore, #tpu.memory_space<semaphore_mem>>) src(%dma_wait3A_306 : memref<128xf32, #tpu.memory_space<vmem>>) dst(%dma_wait3A_311 : memref<65664xf32, #tpu.memory_space<vmem_shared>>)
        }
        %while3A_258 = arith.constant 1 : i32
        scf.for %while3A_259 = %while3A_256 to %while3A_252 step %while3A_258  : i32 {
          %jit3A_260 = arith.constant 2 : i32
          %eq3A_261 = arith.constant 0 : i32
          %eq3A_262 = arith.cmpi eq, %jit3A_260, %eq3A_261 : i32
          %jit3A_263 = arith.constant 1 : i32
          %select_n3A_264 = arith.select %eq3A_262, %jit3A_263, %jit3A_260 : i32
          %rem3A_265 = arith.remsi %while3A_259, %select_n3A_264 : i32
          %ne3A_266 = arith.constant 0 : i32
          %ne3A_267 = arith.cmpi ne, %rem3A_265, %ne3A_266 : i32
          %lt3A_268 = arith.constant 0 : i32
          %lt3A_269 = arith.cmpi slt, %rem3A_265, %lt3A_268 : i32
          %lt3A_270 = arith.constant 0 : i32
          %lt3A_271 = arith.cmpi slt, %select_n3A_264, %lt3A_270 : i32
          %ne3A_272 = arith.xori %lt3A_269, %lt3A_271 : i1
          %and3A_273 = arith.andi %ne3A_272, %ne3A_267 : i1
          %add3A_274 = arith.addi %rem3A_265, %select_n3A_264 : i32
          %select_n3A_275 = arith.select %and3A_273, %add3A_274, %rem3A_265 : i32
          %mul3A_276 = arith.constant 256 : i32
          %mul3A_277 = arith.muli %select_n3A_275, %mul3A_276 : i32
          %jit3A_278 = arith.constant 2 : i32
          %eq3A_279 = arith.constant 0 : i32
          %eq3A_280 = arith.cmpi eq, %jit3A_278, %eq3A_279 : i32
          %jit3A_281 = arith.constant 1 : i32
          %select_n3A_282 = arith.select %eq3A_280, %jit3A_281, %jit3A_278 : i32
          %rem3A_283 = arith.remsi %while3A_259, %select_n3A_282 : i32
          %ne3A_284 = arith.constant 0 : i32
          %ne3A_285 = arith.cmpi ne, %rem3A_283, %ne3A_284 : i32
          %lt3A_286 = arith.constant 0 : i32
          %lt3A_287 = arith.cmpi slt, %rem3A_283, %lt3A_286 : i32
          %lt3A_288 = arith.constant 0 : i32
          %lt3A_289 = arith.cmpi slt, %select_n3A_282, %lt3A_288 : i32
          %ne3A_290 = arith.xori %lt3A_287, %lt3A_289 : i1
          %and3A_291 = arith.andi %ne3A_290, %ne3A_285 : i1
          %add3A_292 = arith.addi %rem3A_283, %select_n3A_282 : i32
          %select_n3A_293 = arith.select %and3A_291, %add3A_292, %rem3A_283 : i32
          %mul3A_294 = arith.constant 2 : i32
          %mul3A_295 = arith.muli %select_n3A_293, %mul3A_294 : i32
          %dma_wait3A_296 = tpu.memref_slice %arg11[%mul3A_277] : memref<512xf32, #tpu.memory_space<vmem>> -> memref<128xf32, #tpu.memory_space<vmem>>
          %dma_wait3A_297 = arith.constant 0 : i32
          %dma_wait3A_298 = tpu.memref_slice %arg12[%mul3A_295, %dma_wait3A_297] : memref<4x128xi32, #tpu.memory_space<vmem>> -> memref<1x128xi32, #tpu.memory_space<vmem>>
          %dma_wait3A_299 = tpu.memref_squeeze %dma_wait3A_298 : memref<1x128xi32, #tpu.memory_space<vmem>> -> memref<128xi32, #tpu.memory_space<vmem>>
          %dma_wait3A_300 = arith.constant 0 : i32
          %dma_wait3A_301 = tpu.memref_slice %arg13[%dma_wait3A_300] : memref<65664xf32, #tpu.memory_space<vmem_shared>> -> memref<65664xf32, #tpu.memory_space<vmem_shared>>
          tpu.wait_indirect_dma semaphore(%arg17 : memref<!tpu.dma_semaphore, #tpu.memory_space<semaphore_mem>>) src(%dma_wait3A_296 : memref<128xf32, #tpu.memory_space<vmem>>) dst(%dma_wait3A_301 : memref<65664xf32, #tpu.memory_space<vmem_shared>>)
          %add3A_302 = arith.constant 128 : i32
          %add3A_303 = arith.addi %mul3A_277, %add3A_302 : i32
          %add3A_304 = arith.constant 1 : i32
          %add3A_305 = arith.addi %mul3A_295, %add3A_304 : i32
          %dma_wait3A_306 = tpu.memref_slice %arg11[%add3A_303] : memref<512xf32, #tpu.memory_space<vmem>> -> memref<128xf32, #tpu.memory_space<vmem>>
          %dma_wait3A_307 = arith.constant 0 : i32
          %dma_wait3A_308 = tpu.memref_slice %arg12[%add3A_305, %dma_wait3A_307] : memref<4x128xi32, #tpu.memory_space<vmem>> -> memref<1x128xi32, #tpu.memory_space<vmem>>
          %dma_wait3A_309 = tpu.memref_squeeze %dma_wait3A_308 : memref<1x128xi32, #tpu.memory_space<vmem>> -> memref<128xi32, #tpu.memory_space<vmem>>
          %dma_wait3A_310 = arith.constant 0 : i32
          %dma_wait3A_311 = tpu.memref_slice %arg13[%dma_wait3A_310] : memref<65664xf32, #tpu.memory_space<vmem_shared>> -> memref<65664xf32, #tpu.memory_space<vmem_shared>>
          tpu.wait_indirect_dma semaphore(%arg17 : memref<!tpu.dma_semaphore, #tpu.memory_space<semaphore_mem>>) src(%dma_wait3A_306 : memref<128xf32, #tpu.memory_space<vmem>>) dst(%dma_wait3A_311 : memref<65664xf32, #tpu.memory_space<vmem_shared>>)
        }
      } else {
      }
      %lt3A_182 = arith.constant 12 : i32
      %lt3A_183 = arith.cmpi slt, %scan3A_42, %lt3A_182 : i32
      %convert_element_type3A_184 = arith.extui %lt3A_183 : i1 to i32
      %cond3A_185 = arith.constant 0 : i32
      %cond3A_186 = arith.cmpi ne, %convert_element_type3A_184, %cond3A_185 : i32
      scf.if %cond3A_186 {
        %add3A_195 = arith.constant 1 : i32
        %add3A_196 = arith.addi %add3A_45, %add3A_195 : i32
        %eq3A_197 = arith.constant 25 : i32
        %eq3A_198 = arith.cmpi eq, %add3A_196, %eq3A_197 : i32
        %eq3A_199 = arith.constant 15 : i32
        %eq3A_200 = arith.cmpi eq, %arg1, %eq3A_199 : i32
        %and3A_201 = arith.andi %eq3A_198, %eq3A_200 : i1
        %mul3A_202 = arith.constant 100000 : i32
        %mul3A_203 = arith.muli %add3A_196, %mul3A_202 : i32
        %jit3A_204 = arith.constant 4 : i32
        %eq3A_205 = arith.constant 0 : i32
        %eq3A_206 = arith.cmpi eq, %jit3A_204, %eq3A_205 : i32
        %jit3A_207 = arith.constant 1 : i32
        %select_n3A_208 = arith.select %eq3A_206, %jit3A_207, %jit3A_204 : i32
        %rem3A_209 = arith.remsi %add3A_196, %select_n3A_208 : i32
        %ne3A_210 = arith.constant 0 : i32
        %ne3A_211 = arith.cmpi ne, %rem3A_209, %ne3A_210 : i32
        %lt3A_212 = arith.constant 0 : i32
        %lt3A_213 = arith.cmpi slt, %rem3A_209, %lt3A_212 : i32
        %lt3A_214 = arith.constant 0 : i32
        %lt3A_215 = arith.cmpi slt, %select_n3A_208, %lt3A_214 : i32
        %ne3A_216 = arith.xori %lt3A_213, %lt3A_215 : i1
        %and3A_217 = arith.andi %ne3A_216, %ne3A_211 : i1
        %add3A_218 = arith.addi %rem3A_209, %select_n3A_208 : i32
        %select_n3A_219 = arith.select %and3A_217, %add3A_218, %rem3A_209 : i32
        %mul3A_220 = arith.constant 32 : i32
        %mul3A_221 = arith.muli %mul3A_220, %select_n3A_219 : i32
        %sub3A_222 = arith.subi %mul3A_203, %mul3A_221 : i32
        %mul3A_223 = arith.constant 6272 : i32
        %mul3A_224 = arith.muli %arg1, %mul3A_223 : i32
        %add3A_225 = arith.addi %sub3A_222, %mul3A_224 : i32
        %multiple_of3A_226 = tpu.assume_multiple %add3A_225, 128 : i32
        %dma_start3A_227 = arith.constant 0 : i32
        %dma_start3A_228 = tpu.memref_slice %arg2[%dma_start3A_227, %multiple_of3A_226] : memref<16x2600000xf32, #tpu.memory_space<hbm>> -> memref<16x3200xf32, #tpu.memory_space<hbm>>
        %dma_start3A_229 = arith.constant 0 : i32
        %dma_start3A_230 = tpu.memref_slice %arg2[%dma_start3A_229, %multiple_of3A_226] : memref<16x2600000xf32, #tpu.memory_space<hbm>> -> memref<16x3200xf32, #tpu.memory_space<hbm>>
        tpu.enqueue_dma source(%dma_start3A_230 : memref<16x3200xf32, #tpu.memory_space<hbm>>) target(%arg5 : memref<16x3200xf32, #tpu.memory_space<vmem>>) target_semaphore(%arg14 : memref<!tpu.dma_semaphore, #tpu.memory_space<semaphore_mem>>)
        %not3A_231 = arith.constant true
        %not3A_232 = arith.xori %and3A_201, %not3A_231 : i1
        %convert_element_type3A_233 = arith.extui %not3A_232 : i1 to i32
        %cond3A_234 = arith.constant 0 : i32
        %cond3A_235 = arith.cmpi ne, %convert_element_type3A_233, %cond3A_234 : i32
        scf.if %cond3A_235 {
          %add3A_239 = arith.constant 3200 : i32
          %add3A_240 = arith.addi %multiple_of3A_226, %add3A_239 : i32
          %dma_start3A_241 = arith.constant 0 : i32
          %dma_start3A_242 = tpu.memref_slice %arg2[%dma_start3A_241, %add3A_240] : memref<16x2600000xf32, #tpu.memory_space<hbm>> -> memref<16x3072xf32, #tpu.memory_space<hbm>>
          %dma_start3A_243 = arith.constant 0 : i32
          %dma_start3A_244 = tpu.memref_slice %arg2[%dma_start3A_243, %add3A_240] : memref<16x2600000xf32, #tpu.memory_space<hbm>> -> memref<16x3072xf32, #tpu.memory_space<hbm>>
          tpu.enqueue_dma source(%dma_start3A_244 : memref<16x3072xf32, #tpu.memory_space<hbm>>) target(%arg6 : memref<16x3072xf32, #tpu.memory_space<vmem>>) target_semaphore(%arg15 : memref<!tpu.dma_semaphore, #tpu.memory_space<semaphore_mem>>)
        } else {
        }
        %convert_element_type3A_236 = arith.extui %and3A_201 : i1 to i32
        %cond3A_237 = arith.constant 0 : i32
        %cond3A_238 = arith.cmpi ne, %convert_element_type3A_236, %cond3A_237 : i32
        scf.if %cond3A_238 {
          %dma_start3A_239 = arith.constant 0 : i32
          %dma_start3A_240 = arith.constant 0 : i32
          %dma_start3A_241 = tpu.memref_slice %arg6[%dma_start3A_239, %dma_start3A_240] : memref<16x3072xf32, #tpu.memory_space<vmem>> -> memref<16x2688xf32, #tpu.memory_space<vmem>>
          %dma_start3A_242 = arith.constant 0 : i32
          %dma_start3A_243 = arith.constant 2597248 : i32
          %dma_start3A_244 = tpu.memref_slice %arg2[%dma_start3A_242, %dma_start3A_243] : memref<16x2600000xf32, #tpu.memory_space<hbm>> -> memref<16x2688xf32, #tpu.memory_space<hbm>>
          %dma_start3A_245 = arith.constant 0 : i32
          %dma_start3A_246 = arith.constant 0 : i32
          %dma_start3A_247 = tpu.memref_slice %arg6[%dma_start3A_245, %dma_start3A_246] : memref<16x3072xf32, #tpu.memory_space<vmem>> -> memref<16x2688xf32, #tpu.memory_space<vmem>>
          %dma_start3A_248 = arith.constant 0 : i32
          %dma_start3A_249 = arith.constant 2597248 : i32
          %dma_start3A_250 = tpu.memref_slice %arg2[%dma_start3A_248, %dma_start3A_249] : memref<16x2600000xf32, #tpu.memory_space<hbm>> -> memref<16x2688xf32, #tpu.memory_space<hbm>>
          tpu.enqueue_dma source(%dma_start3A_250 : memref<16x2688xf32, #tpu.memory_space<hbm>>) target(%dma_start3A_247 : memref<16x2688xf32, #tpu.memory_space<vmem>>) target_semaphore(%arg15 : memref<!tpu.dma_semaphore, #tpu.memory_space<semaphore_mem>>)
        } else {
        }
      } else {
      }
      %barrier3A = arith.constant 0 : index
      tpu.barrier barrier_id(%barrier3A)
      %mul3A_187 = arith.constant 4096 : i32
      %mul3A_188 = arith.muli %arg1, %mul3A_187 : i32
      %mul3A_189 = arith.constant 65536 : i32
      %mul3A_190 = arith.muli %add3A_45, %mul3A_189 : i32
      %mul3A_191 = arith.constant 4096 : i32
      %mul3A_192 = arith.muli %arg1, %mul3A_191 : i32
      %add3A_193 = arith.addi %mul3A_190, %mul3A_192 : i32
      "tpu.region"() ({
        %run_scoped3A = tpu.sem_alloc : memref<!tpu.dma_semaphore, #tpu.memory_space<semaphore_mem>>
        %dma_start3A_195 = tpu.memref_slice %arg4[%add3A_193] : memref<1703936xf32, #tpu.memory_space<hbm>> -> memref<4096xf32, #tpu.memory_space<hbm>>
        %dma_start3A_196 = tpu.memref_slice %arg13[%mul3A_188] : memref<65664xf32, #tpu.memory_space<vmem_shared>> -> memref<4096xf32, #tpu.memory_space<vmem_shared>>
        tpu.enqueue_dma source(%dma_start3A_196 : memref<4096xf32, #tpu.memory_space<vmem_shared>>) target(%dma_start3A_195 : memref<4096xf32, #tpu.memory_space<hbm>>) target_semaphore(%run_scoped3A : memref<!tpu.dma_semaphore, #tpu.memory_space<semaphore_mem>>)
        %dma_wait3A_197 = tpu.memref_slice %arg4[%add3A_193] : memref<1703936xf32, #tpu.memory_space<hbm>> -> memref<4096xf32, #tpu.memory_space<hbm>>
        %dma_wait3A_198 = tpu.memref_slice %arg13[%mul3A_188] : memref<65664xf32, #tpu.memory_space<vmem_shared>> -> memref<4096xf32, #tpu.memory_space<vmem_shared>>
        tpu.wait_dma2 semaphore(%run_scoped3A : memref<!tpu.dma_semaphore, #tpu.memory_space<semaphore_mem>>) src(%dma_wait3A_198 : memref<4096xf32, #tpu.memory_space<vmem_shared>>) dst(%dma_wait3A_197 : memref<4096xf32, #tpu.memory_space<hbm>>)
        tpu.yield
      }) : () -> ()
      %barrier3A_194 = arith.constant 0 : index
      tpu.barrier barrier_id(%barrier3A_194)
    }
    %scan3A_41 = arith.constant 13 : i32
    return
  }
}

module attributes {stable_mosaic.version = 14 : i64} {
  func.func @_tc_body(%arg0: memref<416x4096xf32, #tpu.memory_space<vmem>>, %arg1: memref<26x4096xf32, #tpu.memory_space<vmem>>, %arg2: memref<1x1xf32, #tpu.memory_space<vmem>>, %arg3: memref<416x128xf32, #tpu.memory_space<vmem>>, %arg4: memref<128x1xf32, #tpu.memory_space<vmem>>, %arg5: memref<128x1xf32, #tpu.memory_space<vmem>>, %arg6: memref<128x1xf32, #tpu.memory_space<vmem>>, %arg7: memref<1x1xf32, #tpu.memory_space<vmem>>, %arg8: memref<128x64xf32, #tpu.memory_space<vmem>>, %arg9: memref<64x1xf32, #tpu.memory_space<vmem>>, %arg10: memref<64x1xf32, #tpu.memory_space<vmem>>, %arg11: memref<64x1xf32, #tpu.memory_space<vmem>>, %arg12: memref<1x1xf32, #tpu.memory_space<vmem>>, %arg13: memref<64x1xf32, #tpu.memory_space<vmem>>, %arg14: memref<1x1xf32, #tpu.memory_space<vmem>>, %arg15: memref<1x4096xf32, #tpu.memory_space<vmem>>) attributes {dimension_semantics = [], scalar_prefetch = 0 : i64, scratch_operands = 0 : i64, tpu.core_type = #tpu.core_type<tc>} {
    %get3A = arith.constant 0 : index
    %get3A_0 = arith.constant 0 : index
    %get3A_1 = vector.load %arg0[%get3A, %get3A_0] : memref<416x4096xf32, #tpu.memory_space<vmem>>, vector<416x4096xf32>
    %iota3A = tpu.iota {dimensions = array<i32: 0>} : vector<416x16xi32>
    %iota3A_2 = tpu.iota {dimensions = array<i32: 1>} : vector<416x16xi32>
    %jit3A = arith.constant 16 : i32
    %eq3A = arith.constant 0 : i32
    %eq3A_3 = arith.cmpi eq, %jit3A, %eq3A : i32
    %jit3A_4 = arith.constant 1 : i32
    %select_n3A = arith.select %eq3A_3, %jit3A_4, %jit3A : i32
    %rem3A = vector.broadcast %select_n3A : i32 to vector<416x16xi32>
    %rem3A_5 = arith.remsi %iota3A, %rem3A : vector<416x16xi32>
    %ne3A = arith.constant 0 : i32
    %ne3A_6 = vector.broadcast %ne3A : i32 to vector<416x16xi32>
    %ne3A_7 = arith.cmpi ne, %rem3A_5, %ne3A_6 : vector<416x16xi32>
    %lt3A = arith.constant 0 : i32
    %lt3A_8 = vector.broadcast %lt3A : i32 to vector<416x16xi32>
    %lt3A_9 = arith.cmpi slt, %rem3A_5, %lt3A_8 : vector<416x16xi32>
    %lt3A_10 = arith.constant 0 : i32
    %lt3A_11 = arith.cmpi slt, %select_n3A, %lt3A_10 : i32
    %ne3A_12 = vector.broadcast %lt3A_11 : i1 to vector<416x16xi1>
    %ne3A_13 = vector.broadcast %ne3A_12 : vector<416x16xi1> to vector<416x16xi1>
    %ne3A_14 = arith.xori %lt3A_9, %ne3A_13 : vector<416x16xi1>
    %and3A = arith.andi %ne3A_14, %ne3A_7 : vector<416x16xi1>
    %add3A = vector.broadcast %select_n3A : i32 to vector<416x16xi32>
    %add3A_15 = arith.addi %rem3A_5, %add3A : vector<416x16xi32>
    %select_n3A_16 = arith.select %and3A, %add3A_15, %rem3A_5 : vector<416x16xi1>, vector<416x16xi32>
    %eq3A_17 = arith.cmpi eq, %select_n3A_16, %iota3A_2 : vector<416x16xi32>
    %convert_element_type3A = arith.extui %eq3A_17 : vector<416x16xi1> to vector<416x16xi32>
    %convert_element_type3A_18 = arith.sitofp %convert_element_type3A : vector<416x16xi32> to vector<416x16xf32>
    %dot_general3A = arith.constant dense<0.000000e+00> : vector<16x4096xf32>
    %dot_general3A_19 = tpu.matmul %convert_element_type3A_18, %get3A_1, %dot_general3A {dimension_numbers = #tpu.dot_dimension_numbers<[0], [0], [1], [1], [0, 1, 1, 1], [], []>, transpose_lhs_hint = false} : vector<416x16xf32>, vector<416x4096xf32>, vector<16x4096xf32> -> vector<16x4096xf32>
    %mul3A = arith.mulf %get3A_1, %get3A_1 : vector<416x4096xf32>
    %dot_general3A_20 = arith.constant dense<0.000000e+00> : vector<16x4096xf32>
    %dot_general3A_21 = tpu.matmul %convert_element_type3A_18, %mul3A, %dot_general3A_20 {dimension_numbers = #tpu.dot_dimension_numbers<[0], [0], [1], [1], [0, 1, 1, 1], [], []>, transpose_lhs_hint = false} : vector<416x16xf32>, vector<416x4096xf32>, vector<16x4096xf32> -> vector<16x4096xf32>
    %mul3A_22 = arith.mulf %dot_general3A_19, %dot_general3A_19 : vector<16x4096xf32>
    %sub3A = arith.subf %mul3A_22, %dot_general3A_21 : vector<16x4096xf32>
    %reduce_sum3A = arith.constant dense<0.000000e+00> : vector<4096xf32>
    %reduce_sum3A_23 = vector.multi_reduction <add>, %sub3A, %reduce_sum3A [0] : vector<16x4096xf32> to vector<4096xf32>
    %broadcast_in_dim3A = vector.shape_cast %reduce_sum3A_23 : vector<4096xf32> to vector<1x4096xf32>
    %mul3A_24 = arith.constant 5.000000e-01 : f32
    %mul3A_25 = vector.broadcast %mul3A_24 : f32 to vector<1x4096xf32>
    %mul3A_26 = arith.mulf %mul3A_25, %broadcast_in_dim3A : vector<1x4096xf32>
    %get3A_27 = arith.constant 0 : index
    %get3A_28 = arith.constant 0 : index
    %get3A_29 = vector.load %arg1[%get3A_27, %get3A_28] : memref<26x4096xf32, #tpu.memory_space<vmem>>, vector<26x4096xf32>
    %reduce_sum3A_30 = arith.constant dense<0.000000e+00> : vector<4096xf32>
    %reduce_sum3A_31 = vector.multi_reduction <add>, %get3A_29, %reduce_sum3A_30 [0] : vector<26x4096xf32> to vector<4096xf32>
    %broadcast_in_dim3A_32 = vector.shape_cast %reduce_sum3A_31 : vector<4096xf32> to vector<1x4096xf32>
    %get3A_33 = arith.constant 0 : index
    %get3A_34 = arith.constant 0 : index
    %get3A_35 = vector.load %arg2[%get3A_33, %get3A_34] : memref<1x1xf32, #tpu.memory_space<vmem>>, vector<1x1xf32>
    %get3A_36 = vector.extract %get3A_35[0, 0] : f32 from vector<1x1xf32>
    %add3A_37 = vector.broadcast %get3A_36 : f32 to vector<1x4096xf32>
    %add3A_38 = arith.addf %broadcast_in_dim3A_32, %add3A_37 : vector<1x4096xf32>
    %get3A_39 = arith.constant 0 : index
    %get3A_40 = arith.constant 0 : index
    %get3A_41 = vector.load %arg3[%get3A_39, %get3A_40] : memref<416x128xf32, #tpu.memory_space<vmem>>, vector<416x128xf32>
    %dot_general3A_42 = arith.constant dense<0.000000e+00> : vector<128x4096xf32>
    %dot_general3A_43 = tpu.matmul %get3A_41, %get3A_1, %dot_general3A_42 {dimension_numbers = #tpu.dot_dimension_numbers<[0], [0], [1], [1], [0, 1, 1, 1], [], []>, transpose_lhs_hint = false} : vector<416x128xf32>, vector<416x4096xf32>, vector<128x4096xf32> -> vector<128x4096xf32>
    %get3A_44 = arith.constant 0 : index
    %get3A_45 = arith.constant 0 : index
    %get3A_46 = vector.load %arg4[%get3A_44, %get3A_45] : memref<128x1xf32, #tpu.memory_space<vmem>>, vector<128x1xf32>
    %add3A_47 = vector.broadcast %get3A_46 : vector<128x1xf32> to vector<128x4096xf32>
    %add3A_48 = arith.addf %dot_general3A_43, %add3A_47 : vector<128x4096xf32>
    %get3A_49 = arith.constant 0 : index
    %get3A_50 = arith.constant 0 : index
    %get3A_51 = vector.load %arg5[%get3A_49, %get3A_50] : memref<128x1xf32, #tpu.memory_space<vmem>>, vector<128x1xf32>
    %get3A_52 = arith.constant 0 : index
    %get3A_53 = arith.constant 0 : index
    %get3A_54 = vector.load %arg6[%get3A_52, %get3A_53] : memref<128x1xf32, #tpu.memory_space<vmem>>, vector<128x1xf32>
    %get3A_55 = arith.constant 0 : index
    %get3A_56 = arith.constant 0 : index
    %get3A_57 = vector.load %arg7[%get3A_55, %get3A_56] : memref<1x1xf32, #tpu.memory_space<vmem>>, vector<1x1xf32>
    %get3A_58 = vector.extract %get3A_57[0, 0] : f32 from vector<1x1xf32>
    %reduce_sum3A_59 = arith.constant dense<0.000000e+00> : vector<128xf32>
    %reduce_sum3A_60 = vector.multi_reduction <add>, %add3A_48, %reduce_sum3A_59 [1] : vector<128x4096xf32> to vector<128xf32>
    %broadcast_in_dim3A_61 = vector.shape_cast %reduce_sum3A_60 : vector<128xf32> to vector<128x1xf32>
    %div3A = arith.constant 4.096000e+03 : f32
    %div3A_62 = vector.broadcast %div3A : f32 to vector<128x1xf32>
    %div3A_63 = arith.divf %broadcast_in_dim3A_61, %div3A_62 : vector<128x1xf32>
    %mul3A_64 = arith.mulf %add3A_48, %add3A_48 : vector<128x4096xf32>
    %reduce_sum3A_65 = arith.constant dense<0.000000e+00> : vector<128xf32>
    %reduce_sum3A_66 = vector.multi_reduction <add>, %mul3A_64, %reduce_sum3A_65 [1] : vector<128x4096xf32> to vector<128xf32>
    %broadcast_in_dim3A_67 = vector.shape_cast %reduce_sum3A_66 : vector<128xf32> to vector<128x1xf32>
    %div3A_68 = arith.constant 4.096000e+03 : f32
    %div3A_69 = vector.broadcast %div3A_68 : f32 to vector<128x1xf32>
    %div3A_70 = arith.divf %broadcast_in_dim3A_67, %div3A_69 : vector<128x1xf32>
    %mul3A_71 = arith.mulf %div3A_63, %div3A_63 : vector<128x1xf32>
    %sub3A_72 = arith.subf %div3A_70, %mul3A_71 : vector<128x1xf32>
    %sub3A_73 = vector.broadcast %div3A_63 : vector<128x1xf32> to vector<128x4096xf32>
    %sub3A_74 = arith.subf %add3A_48, %sub3A_73 : vector<128x4096xf32>
    %add3A_75 = arith.constant 9.99999974E-6 : f32
    %add3A_76 = vector.broadcast %add3A_75 : f32 to vector<128x1xf32>
    %add3A_77 = arith.addf %sub3A_72, %add3A_76 : vector<128x1xf32>
    %rsqrt3A = math.rsqrt %add3A_77 : vector<128x1xf32>
    %mul3A_78 = vector.broadcast %rsqrt3A : vector<128x1xf32> to vector<128x4096xf32>
    %mul3A_79 = arith.mulf %sub3A_74, %mul3A_78 : vector<128x4096xf32>
    %mul3A_80 = vector.broadcast %get3A_51 : vector<128x1xf32> to vector<128x4096xf32>
    %mul3A_81 = arith.mulf %mul3A_79, %mul3A_80 : vector<128x4096xf32>
    %add3A_82 = vector.broadcast %get3A_54 : vector<128x1xf32> to vector<128x4096xf32>
    %add3A_83 = arith.addf %mul3A_81, %add3A_82 : vector<128x4096xf32>
    %max3A = arith.constant 0.000000e+00 : f32
    %max3A_84 = vector.broadcast %max3A : f32 to vector<128x4096xf32>
    %max3A_85 = arith.maximumf %add3A_83, %max3A_84 : vector<128x4096xf32>
    %min3A = arith.constant 0.000000e+00 : f32
    %min3A_86 = vector.broadcast %min3A : f32 to vector<128x4096xf32>
    %min3A_87 = arith.minimumf %add3A_83, %min3A_86 : vector<128x4096xf32>
    %mul3A_88 = vector.broadcast %get3A_58 : f32 to vector<128x4096xf32>
    %mul3A_89 = arith.mulf %mul3A_88, %min3A_87 : vector<128x4096xf32>
    %add3A_90 = arith.addf %max3A_85, %mul3A_89 : vector<128x4096xf32>
    %get3A_91 = arith.constant 0 : index
    %get3A_92 = arith.constant 0 : index
    %get3A_93 = vector.load %arg8[%get3A_91, %get3A_92] : memref<128x64xf32, #tpu.memory_space<vmem>>, vector<128x64xf32>
    %dot_general3A_94 = arith.constant dense<0.000000e+00> : vector<64x4096xf32>
    %dot_general3A_95 = tpu.matmul %get3A_93, %add3A_90, %dot_general3A_94 {dimension_numbers = #tpu.dot_dimension_numbers<[0], [0], [1], [1], [0, 1, 1, 1], [], []>, transpose_lhs_hint = false} : vector<128x64xf32>, vector<128x4096xf32>, vector<64x4096xf32> -> vector<64x4096xf32>
    %get3A_96 = arith.constant 0 : index
    %get3A_97 = arith.constant 0 : index
    %get3A_98 = vector.load %arg9[%get3A_96, %get3A_97] : memref<64x1xf32, #tpu.memory_space<vmem>>, vector<64x1xf32>
    %add3A_99 = vector.broadcast %get3A_98 : vector<64x1xf32> to vector<64x4096xf32>
    %add3A_100 = arith.addf %dot_general3A_95, %add3A_99 : vector<64x4096xf32>
    %get3A_101 = arith.constant 0 : index
    %get3A_102 = arith.constant 0 : index
    %get3A_103 = vector.load %arg10[%get3A_101, %get3A_102] : memref<64x1xf32, #tpu.memory_space<vmem>>, vector<64x1xf32>
    %get3A_104 = arith.constant 0 : index
    %get3A_105 = arith.constant 0 : index
    %get3A_106 = vector.load %arg11[%get3A_104, %get3A_105] : memref<64x1xf32, #tpu.memory_space<vmem>>, vector<64x1xf32>
    %get3A_107 = arith.constant 0 : index
    %get3A_108 = arith.constant 0 : index
    %get3A_109 = vector.load %arg12[%get3A_107, %get3A_108] : memref<1x1xf32, #tpu.memory_space<vmem>>, vector<1x1xf32>
    %get3A_110 = vector.extract %get3A_109[0, 0] : f32 from vector<1x1xf32>
    %reduce_sum3A_111 = arith.constant dense<0.000000e+00> : vector<64xf32>
    %reduce_sum3A_112 = vector.multi_reduction <add>, %add3A_100, %reduce_sum3A_111 [1] : vector<64x4096xf32> to vector<64xf32>
    %broadcast_in_dim3A_113 = vector.shape_cast %reduce_sum3A_112 : vector<64xf32> to vector<64x1xf32>
    %div3A_114 = arith.constant 4.096000e+03 : f32
    %div3A_115 = vector.broadcast %div3A_114 : f32 to vector<64x1xf32>
    %div3A_116 = arith.divf %broadcast_in_dim3A_113, %div3A_115 : vector<64x1xf32>
    %mul3A_117 = arith.mulf %add3A_100, %add3A_100 : vector<64x4096xf32>
    %reduce_sum3A_118 = arith.constant dense<0.000000e+00> : vector<64xf32>
    %reduce_sum3A_119 = vector.multi_reduction <add>, %mul3A_117, %reduce_sum3A_118 [1] : vector<64x4096xf32> to vector<64xf32>
    %broadcast_in_dim3A_120 = vector.shape_cast %reduce_sum3A_119 : vector<64xf32> to vector<64x1xf32>
    %div3A_121 = arith.constant 4.096000e+03 : f32
    %div3A_122 = vector.broadcast %div3A_121 : f32 to vector<64x1xf32>
    %div3A_123 = arith.divf %broadcast_in_dim3A_120, %div3A_122 : vector<64x1xf32>
    %mul3A_124 = arith.mulf %div3A_116, %div3A_116 : vector<64x1xf32>
    %sub3A_125 = arith.subf %div3A_123, %mul3A_124 : vector<64x1xf32>
    %sub3A_126 = vector.broadcast %div3A_116 : vector<64x1xf32> to vector<64x4096xf32>
    %sub3A_127 = arith.subf %add3A_100, %sub3A_126 : vector<64x4096xf32>
    %add3A_128 = arith.constant 9.99999974E-6 : f32
    %add3A_129 = vector.broadcast %add3A_128 : f32 to vector<64x1xf32>
    %add3A_130 = arith.addf %sub3A_125, %add3A_129 : vector<64x1xf32>
    %rsqrt3A_131 = math.rsqrt %add3A_130 : vector<64x1xf32>
    %mul3A_132 = vector.broadcast %rsqrt3A_131 : vector<64x1xf32> to vector<64x4096xf32>
    %mul3A_133 = arith.mulf %sub3A_127, %mul3A_132 : vector<64x4096xf32>
    %mul3A_134 = vector.broadcast %get3A_103 : vector<64x1xf32> to vector<64x4096xf32>
    %mul3A_135 = arith.mulf %mul3A_133, %mul3A_134 : vector<64x4096xf32>
    %add3A_136 = vector.broadcast %get3A_106 : vector<64x1xf32> to vector<64x4096xf32>
    %add3A_137 = arith.addf %mul3A_135, %add3A_136 : vector<64x4096xf32>
    %max3A_138 = arith.constant 0.000000e+00 : f32
    %max3A_139 = vector.broadcast %max3A_138 : f32 to vector<64x4096xf32>
    %max3A_140 = arith.maximumf %add3A_137, %max3A_139 : vector<64x4096xf32>
    %min3A_141 = arith.constant 0.000000e+00 : f32
    %min3A_142 = vector.broadcast %min3A_141 : f32 to vector<64x4096xf32>
    %min3A_143 = arith.minimumf %add3A_137, %min3A_142 : vector<64x4096xf32>
    %mul3A_144 = vector.broadcast %get3A_110 : f32 to vector<64x4096xf32>
    %mul3A_145 = arith.mulf %mul3A_144, %min3A_143 : vector<64x4096xf32>
    %add3A_146 = arith.addf %max3A_140, %mul3A_145 : vector<64x4096xf32>
    %get3A_147 = arith.constant 0 : index
    %get3A_148 = arith.constant 0 : index
    %get3A_149 = vector.load %arg13[%get3A_147, %get3A_148] : memref<64x1xf32, #tpu.memory_space<vmem>>, vector<64x1xf32>
    %dot_general3A_150 = arith.constant dense<0.000000e+00> : vector<1x4096xf32>
    %dot_general3A_151 = tpu.matmul %get3A_149, %add3A_146, %dot_general3A_150 {dimension_numbers = #tpu.dot_dimension_numbers<[0], [0], [1], [1], [0, 1, 1, 1], [], []>, transpose_lhs_hint = false} : vector<64x1xf32>, vector<64x4096xf32>, vector<1x4096xf32> -> vector<1x4096xf32>
    %get3A_152 = arith.constant 0 : index
    %get3A_153 = arith.constant 0 : index
    %get3A_154 = vector.load %arg14[%get3A_152, %get3A_153] : memref<1x1xf32, #tpu.memory_space<vmem>>, vector<1x1xf32>
    %get3A_155 = vector.extract %get3A_154[0, 0] : f32 from vector<1x1xf32>
    %add3A_156 = vector.broadcast %get3A_155 : f32 to vector<1x4096xf32>
    %add3A_157 = arith.addf %dot_general3A_151, %add3A_156 : vector<1x4096xf32>
    %add3A_158 = arith.addf %add3A_38, %mul3A_26 : vector<1x4096xf32>
    %add3A_159 = arith.addf %add3A_158, %add3A_157 : vector<1x4096xf32>
    %max3A_160 = arith.constant 0.000000e+00 : f32
    %max3A_161 = vector.broadcast %max3A_160 : f32 to vector<1x4096xf32>
    %max3A_162 = arith.maximumf %add3A_159, %max3A_161 : vector<1x4096xf32>
    %swap3A = arith.constant 0 : index
    %swap3A_163 = arith.constant 0 : index
    %swap3A_164 = vector.load %arg15[%swap3A, %swap3A_163] : memref<1x4096xf32, #tpu.memory_space<vmem>>, vector<1x4096xf32>
    tpu.vector_store %arg15[%swap3A, %swap3A_163], %max3A_162 {strides = array<i32>} : memref<1x4096xf32, #tpu.memory_space<vmem>>, vector<1x4096xf32>,
    return
  }
}

</mosaic_0001>

<sc_bundles>
// kernel: kernel.5.cloned.1.call-start
scs
__scs_entry_jumppad:
0x0: {  	(pc) =	sbr.rel $0x88, $3  }
0x1: {  	(tag) =	ssettag $0x0;
	lr =	simm.s32 $0x1  }
0x2: {  	[smem:$0x3F91] =	sst lr;
	_ =	strace $0xD0000000  }
0x3: {  	_ = 	snop  }
0x4: {  	_ = 	snop  }
0x5: {  	_ = 	snop  }
0x6: {  	_ = 	snop  }
0x7: {  	_ = 	snop  }
__scs_overlays_trampoline_lowered:
0x8: {  	[smem:$0x3FA0] =	sst s0  }
0x9: {  	[smem:$0x3FA1] =	sst s1  }
0xa: {  	[smem:$0x3FA2] =	sst s2  }
0xb: {  	[smem:$0x3FA3] =	sst s3  }
0xc: {  	[smem:$0x3FA4] =	sst s4  }
0xd: {  	[smem:$0x3FA5] =	sst s5  }
0xe: {  	[smem:$0x3FA6] =	sst s6  }
0xf: {  	[smem:$0x3FA7] =	sst s7  }
0x10: {  	[smem:$0x3FA8] =	sst s8  }
0x11: {  	[smem:$0x3FA9] =	sst s9;
	s0 =	simm.s32 @!p0 $0x0  }
0x12: {  	s1 =	sld [smem:$0x3F8F];
	s0 =	simm.s32 @p0 $0x1  }
0x13: {  	[smem:$0x3FAA] =	sst s0;
	s0 =	simm.s32 @!p1 $0x0  }
0x14: {  	s2 =	sld [smem:$0x3F8E];
	s0 =	simm.s32 @p1 $0x1  }
0x15: {  	[smem:$0x3FAB] =	sst s0;
	s0 =	simm.s32 @!p2 $0x0  }
0x16: {  	s3 =	sld [smem:$0x3FDB];
	s0 =	simm.s32 @p2 $0x1  }
0x17: {  	s4 =	simm.s32 $0x1BF5;
	[smem:$0x3FAD] =	sst s0  }
0x18: {  	s0 =	sld [smem:$0x3F90];
	_ =	swait.ge [sflag:s4], $0x0  }
0x19: {  	s7 =	sld [smem:$0x3F91]  }
0x1a: {  	s8 =	sadd.s32 $0xFFFFE003, lr  }
0x1b: {  	s9 =	sadd.s32 $0xFFFFFEF7, lr;
	s5 =	simm.s32 $0xFFFFFFFF;
	p2 =	slt.u32 s8, $0xFFFFF086  }
0x1c: {  	p1 =	slt.u32 s9, $0xF7A;
	s5 =	simm.s32 @!p2 $0x0  }
0x1d: {  	s5 =	simm.s32 @p1 $0x1;
	p0 =	seq.s32 s7, s2  }
0x1e: {  	s7 =	smul.u32 @!p0 $0xF7A, s2;
	p2 =	seq.s32 @!p0 s5, $0x0  }
0x1f: {  	s9 =	smul.u32 $0xF7A, s1;
	s8 =	simm.s32 @!p0 $0x1BF5;
	p2 =	por !p2, p0  }
0x20: {  	[sflag:s8] =	ssyncset.s32 @!p0 $0xFFFFF086;
	s6 =	sadd.s32 @!p0 s3, s7;
	s7 =	simm.s32 @!p0 $0x108  }
0x21: {  	s3 =	sadd.s32 s3, s9;
	s6 =	sadd.s32 @!p0 $0x88, s6;
	s7 =	simm.s32 @p2 $0x1082  }
0x22: {  	[simem:s7], [sflag:s8] =	dma.local @!p0 [hbm:s6], $0xF7A  }
0x23: {  	s9 =	sor.u32 $0xD0000000, s2;
	s6 =	simm.s32 $0x108;
	_ =	swait.ge @!p0 [sflag:s8], $0x0  }
0x24: {  	s3 =	sadd.s32 $0x88, s3;
	s6 =	simm.s32 @!p1 $0x1082;
	[sflag:s4] =	ssyncset.s32 $0xFFFFF086  }
0x25: {  	[simem:s6], [sflag:s4] =	dma.local [hbm:s3], $0xF7A  }
0x26: {  	[smem:$0x3F91] =	sst s1;
	(tag) =	ssettag s2;
	_ =	strace s9  }
0x27: {  	s1 =	sld [smem:$0x3FA1]  }
0x28: {  	s2 =	sld [smem:$0x3FA2]  }
0x29: {  	s4 =	sld [smem:$0x3FA4]  }
0x2a: {  	p0 =	seq.s32 s5, $0x0;
	s5 =	sld [smem:$0x3FA5]  }
0x2b: {  	s6 =	sld [smem:$0x3FA6]  }
0x2c: {  	s7 =	sld [smem:$0x3FA7]  }
0x2d: {  	s3 =	simm.s32 $0x108;
	s8 =	sld [smem:$0x3FA8]  }
0x2e: {  	s3 =	simm.s32 @!p0 $0x1082;
	s9 =	sld [smem:$0x3FA9]  }
0x2f: {  	lr =	sadd.s32 s0, s3;
	s0 =	sld [smem:$0x3FA0]  }
0x30: {  	s3 =	sld [smem:$0x3FA3]  }
0x31: {  	[smem:$0x3FAC] =	sst s10  }
0x32: {  	s10 =	sld [smem:$0x3FAA];
	_ =	sdelay $0x3  }
0x33: {  	p0 =	seq.s32 s10, $0x1;
	s10 =	sld [smem:$0x3FAC];
	_ =	sdelay $0x3  }
0x34: {  	[smem:$0x3FAC] =	sst s10  }
0x35: {  	s10 =	sld [smem:$0x3FAB];
	_ =	sdelay $0x3  }
0x36: {  	p1 =	seq.s32 s10, $0x1;
	s10 =	sld [smem:$0x3FAC];
	_ =	sdelay $0x3  }
0x37: {  	[smem:$0x3FAC] =	sst s10  }
0x38: {  	s10 =	sld [smem:$0x3FAD]  }
0x39: {  	_ = 	snop;
	(pc) =	sbr.ind lr, $3  }
0x3a: {  	_ = 	snop  }
0x3b: {  	_ = 	snop  }
0x3c: {  	p2 =	seq.s32 s10, $0x1;
	s10 =	sld [smem:$0x3FAC]  }
0x3d: {  	_ =	shalt  }
0x3e: {  	_ =	shalt  }
0x3f: {  	_ =	shalt  }
0x40: {  	_ =	shalt  }
0x41: {  	_ =	shalt  }
0x42: {  	_ =	shalt  }
0x43: {  	_ =	shalt  }
0x44: {  	_ =	shalt  }
0x45: {  	_ =	shalt  }
0x46: {  	_ =	shalt  }
0x47: {  	_ =	shalt  }
0x48: {  	_ =	shalt  }
0x49: {  	_ =	shalt  }
0x4a: {  	_ =	shalt  }
0x4b: {  	_ =	shalt  }
0x4c: {  	_ =	shalt  }
0x4d: {  	_ =	shalt  }
0x4e: {  	_ =	shalt  }
0x4f: {  	_ =	shalt  }
0x50: {  	_ =	shalt  }
0x51: {  	_ =	shalt  }
0x52: {  	_ =	shalt  }
0x53: {  	_ =	shalt  }
0x54: {  	_ =	shalt  }
0x55: {  	_ =	shalt  }
0x56: {  	_ =	shalt  }
0x57: {  	_ =	shalt  }
0x58: {  	_ =	shalt  }
0x59: {  	_ =	shalt  }
0x5a: {  	_ =	shalt  }
0x5b: {  	_ =	shalt  }
0x5c: {  	_ =	shalt  }
0x5d: {  	_ =	shalt  }
0x5e: {  	_ =	shalt  }
0x5f: {  	_ =	shalt  }
0x60: {  	_ =	shalt  }
0x61: {  	_ =	shalt  }
0x62: {  	_ =	shalt  }
0x63: {  	_ =	shalt  }
0x64: {  	_ =	shalt  }
0x65: {  	_ =	shalt  }
0x66: {  	_ =	shalt  }
0x67: {  	_ =	shalt  }
0x68: {  	_ =	shalt  }
0x69: {  	_ =	shalt  }
0x6a: {  	_ =	shalt  }
0x6b: {  	_ =	shalt  }
0x6c: {  	_ =	shalt  }
0x6d: {  	_ =	shalt  }
0x6e: {  	_ =	shalt  }
0x6f: {  	_ =	shalt  }
0x70: {  	_ =	shalt  }
0x71: {  	_ =	shalt  }
0x72: {  	_ =	shalt  }
0x73: {  	_ =	shalt  }
0x74: {  	_ =	shalt  }
0x75: {  	_ =	shalt  }
0x76: {  	_ =	shalt  }
0x77: {  	_ =	shalt  }
0x78: {  	_ =	shalt  }
0x79: {  	_ =	shalt  }
0x7a: {  	_ =	shalt  }
0x7b: {  	_ =	shalt  }
0x7c: {  	_ =	shalt  }
0x7d: {  	_ =	shalt  }
0x7e: {  	_ =	shalt  }
0x7f: {  	_ =	shalt  }
0x80: {  	_ =	shalt  }
0x81: {  	_ =	shalt  }
0x82: {  	_ =	shalt  }
0x83: {  	_ =	shalt  }
0x84: {  	_ =	shalt  }
0x85: {  	_ =	shalt  }
0x86: {  	_ =	shalt  }
0x87: {  	_ =	shalt  }
.Lfunc_end0:
.L_simem_size_0:
called_computation_lowered:
.L_overlay_start_0:
0x88: {  	s2 =	sld [smem:$0x3FD9]  }
0x89: {  	s3 =	sld [smem:$0x3FFE];
	_ =	sdelay $0x1  }
0x8a: {  	s1 =	srdreg.scid  }
0x8b: {  	s0 =	sand.u32 $0x1, s1  }
0x8c: {  	s17 =	sshll.u32 s0, $0xA;
	s2 =	sadd.s32 s3, s2  }
0x8d: {  	s2 =	sadd.s32 s2, s17  }
0x8e: {  	[smem:$0x3FB8] =	sst s2  }
0x8f: {  	_ = 	snop  }
0x90: {  	s18 =	sld [smem:$0x3FC8];
	(tm) =	ssettm $0x1  }
0x91: {  	s19 =	sld [smem:$0x3FFB];
	_ =	sdelay $0x3  }
0x92: {  	_ =	strace s19  }
0x93: {  	s2 =	sld [smem:$0x3FFC];
	_ =	sdelay $0x3  }
0x94: {  	_ =	strace s2  }
0x95: {  	s2 =	sld [smem:$0x3FFD];
	_ =	sdelay $0x3  }
0x96: {  	_ =	strace s2  }
0x97: {  	_ =	strace $0x8FFFFFFF  }
0x98: {  	s20 =	sld [smem:$0x3FDB];
	_ =	sdelay $0x1  }
0x99: {  	s4 =	simm.s32 $_scs_section_size  }
0x9a: {  	s5 =	simm.s32 $_size__tile_overlayer_lowered;
	s6 =	simm.s32 $_tile_overlayer_lowered  }
0x9b: {  	s7 =	simm.s32 $0x1BFF;
	s21 =	sshll.u32 s6, $0x1;
	s4 =	sadd.s32 s4, s20  }
0x9c: {  	s22 =	simm.s32 $0x0;
	s5 =	sshll.u32 s5, $0x1;
	s6 =	sadd.s32 s21, s4  }
0x9d: {  	[timem:s22], [sflag:s7] =	dma.local [hbm:s6], s5  }
0x9e: {  	_ =	swait.ge [sflag:s7], s5  }
0x9f: {  	s5 =	ssub.s32 $0x0, s5;
	[sflag:s7] =	ssyncset.done $0x0  }
0xa0: {  	[sflag:s7] =	ssyncadd.s32 s5;
	_ =	sdelay $0x1  }
0xa1: {  	s23 =	simm.s32 $0x1B8B  }
0xa2: {  	_ =	swait.ge [sflag:s23], $0x1  }
0xa3: {  	[sflag:s23] =	ssyncset.done $0x0  }
0xa4: {  	[sflag:s23] =	ssyncadd.s32 $0xFFFFFFFF  }
0xa5: {  	s5 =	sld [smem:$0x0]  }
0xa6: {  	s6 =	sand.u32 $0xFFFFFFFE, s1  }
0xa7: {  	p0 =	sne.s32 s1, s6  }
0xa8: {  	s6 =	sshll.u32 @p0 s6, $0xE  }
0xa9: {  	s6 =	sadd.s32 @p0 $0x11B8D, s6;
	s7 =	sshll.u32 @p0 s5, $0x11  }
0xaa: {  	s6 =	sor.u32 @p0 s7, s6  }
0xab: {  	[sflag:s6] =	ssyncadd.remote.s32 @p0 $0x1;
	_ =	sdelay $0x1  }
0xac: {  	s6 =	simm.s32 @p0 $0x1B8D  }
0xad: {  	_ =	swait.eq @p0 [sflag:s6], $0x1  }
0xae: {  	[sflag:s6] =	ssyncadd.s32 @p0 $0xFFFFFFFF  }
0xaf: {  	s7 =	sshll.u32 @!p0 s1, $0xE  }
0xb0: {  	s7 =	sor.u32 @!p0 $0x4000, s7;
	s6 =	simm.s32 @!p0 $0x1B8D  }
0xb1: {  	s5 =	sshll.u32 @!p0 s5, $0x11;
	s7 =	sadd.s32 @!p0 $0x11B8D, s7;
	_ =	swait.eq @!p0 [sflag:s6], $0x1  }
0xb2: {  	s5 =	sor.u32 @!p0 s5, s7;
	[sflag:s6] =	ssyncadd.s32 @!p0 $0xFFFFFFFF  }
0xb3: {  	s25 =	simm.s32 $0x1B8E;
	s24 =	sld [smem:$0x3FFE];
	[sflag:s5] =	ssyncadd.remote.s32 @!p0 $0x1  }
0xb4: {  	s26 =	simm.s32 $execute0_lowered;
	[smem:$0x3FD2] =	sst s25  }
0xb5: {  	s6 =	sshll.u32 s26, $0x1;
	_ =	strace $0x80000049;
	[dreg:$0x1] =	wrdreg $0xFFFFFFFF  }
0xb6: {  	s28 =	simm.s32 $_size_execute0_lowered;
	s4 =	sadd.s32 s4, s6;
	[dreg:$0x0] =	wrdreg $0x0  }
0xb7: {  	s6 =	sshll.u32 s28, $0x1;
	[dreg:$0x2] =	wrdreg s4  }
0xb8: {  	[dreg:$0x3] =	wrdreg s6  }
0xb9: {  	[dreg:$0x4] =	wrdreg $0xC0  }
0xba: {  	_ =	task [dreg:s22], $0x5FFFF  }
0xbb: {  	[dreg:$0x1] =	wrdreg $0xFFFFFFFF  }
0xbc: {  	[dreg:$0x0] =	wrdreg $0x60  }
0xbd: {  	[dreg:$0x2] =	wrdreg s18  }
0xbe: {  	[dreg:$0x3] =	wrdreg s24  }
0xbf: {  	[dreg:$0x4] =	wrdreg $0x1D5000  }
0xc0: {  	[dreg:$0x5] =	wrdreg $0x9  }
0xc1: {  	_ =	task.clear_ibuf [dreg:s22], $0x6FFFF;
	_ =	strace $0x90000049  }
0xc2: {  	s29 =	simm.s32 $0x9;
	_ =	strace $0x8000004B  }
0xc3: {  	_ =	swait.ge [sflag:s29], $0x1  }
0xc4: {  	[sflag:s29] =	ssyncadd.s32 $0xFFFFFFFF  }
0xc5: {  	_ =	strace $0x9000004B  }
0xc6: {  	_ =	sfence  }
0xc7: {  	s30 =	sld [smem:$0x0];
	_ =	sdelay $0x2  }
0xc8: {  	s31 =	sshll.u32 s1, $0xD;
	s1 =	sshrl.u32 s1, $0x2  }
0xc9: {  	s4 =	sand.u32 $0x4000, s31;
	s1 =	sadd.s32 s1, s30  }
0xca: {  	s0 =	sor.u32 s4, s0;
	s1 =	sshll.u32 s1, $0x11  }
0xcb: {  	s0 =	sor.u32 s1, s0  }
0xcc: {  	s0 =	sadd.s32 $0x8F2B, s0  }
0xcd: {  	[sflag:s0] =	ssyncadd.remote.s32 $0x1  }
0xce: {  	_ =	sfence.sel $0xFFFF  }
0xcf: {  	[dreg:$0x0] =	wrdreg $0xFFFFFFFF;
	(pc) =	sbr.abs _section_cstart, $3  }
0xd0: {  	[dreg:$0x1] =	wrdreg $0xFFFFFFFF  }
0xd1: {  	_ =	task.clear_ibuf [dreg:s22], $0x2FFFF;
	_ =	strace $0x9FFFFFFF  }
0xd2: {  	(tm) =	ssettm $0x7FFFFFFF  }
0xd3: {  	_ =	shalt  }
tec
execute0_lowered:
.L_overlay_start_1:
0x0: {  	(tag) =	ssettag $0x1  }
0x1: {  	s17 =	rddreg [dreg:$0x0]  }
0x2: {  	s0 =	rddreg [dreg:$0x1];
	s1 =	srdreg.scid  }
0x3: {  	s2 =	rddreg [dreg:$0x2];
	s4 =	simm.s32 $0x0;
	s3 =	stileid.u32  }
0x4: {  	s18 =	simm.s32 $0x18800;
	s19 =	simm.s32 $0x5;
	s23 =	simm.s32 $0xC800  }
0x5: {  	s28 =	simm.s32 $0x80;
	s29 =	simm.s32 $0x4;
	s1 =	sand.u32 $0x1, s1  }
0x6: {  	[smem:$0x7FF] =	sst s4;
	s5 =	smul.u32 $0x1880, s3;
	s24 =	sadd.s32 $0x27AC00, s17  }
0x7: {  	s12 =	sshll.u32 s3, $0xC;
	s13 =	sadd.s32 $0x1A00, s0;
	s14 =	sadd.s32 $0x27A180, s17  }
0x8: {  	p0 =	seq.s32 s3, $0xF;
	p1 =	sne.s32 s3, $0xF;
	s6 =	smul.u32 $0x1A00, s1  }
0x9: {  	s7 =	smul.u32 $0x13D600, s1;
	s8 =	ssub.s32 $0x2, s1;
	_ =	strace $0x8000004A  }
0xa: {  	[dreg:$0x4] =	wrdreg s24;
	s30 =	sadd.s32 s12, s2;
	s24 =	simm.s32 $0x3  }
0xb: {  	s10 =	sshrl.u32 s8, $0x1;
	s9 =	sadd.s32 s6, s0;
	s6 =	sadd.s32 $0x57600, s0  }
.Ltmp0:
0xc: {  	s7 =	sadd.s32 s5, s7;
	s26 =	sadd.s32 $0x1800, s9;
	(pc) =	sbr.rel .LBB2_1-.Ltmp0, $4  }
0xd: {  	v0 =	vimm.s32 $0x0;
	v9 =	vlaneseq.u32;
	s10 =	ssub.s32 s8, s10;
	s25 =	sadd.s32 s17, s7;
	[dreg:$0x6] =	wrdreg s26  }
0xe: {  	v1 =	vimm.s32 $0x1000;
	v2 =	vor.u32 $0x10000, v9;
	v3 =	vor.u32 $0x10010, v9;
	s8 =	smul.u32 $0xD, s1;
	s31 =	smax.u32 s10, $0x1;
	[dreg:$0x5] =	wrdreg s25  }
0xf: {  	v4 =	vor.u32 $0x10020, v9;
	v5 =	vor.u32 $0x10030, v9;
	v6 =	vor.u32 $0x10040, v9;
	s1 =	sadd.s32 $0xC80, s25;
	[dreg:$0x8] =	wrdreg s31;
	s25 =	sshrl.u32 s30, $0x3  }
0x10: {  	v7 =	vor.u32 $0x10050, v9;
	v8 =	vor.u32 $0x10060, v9;
	v9 =	vor.u32 $0x10070, v9;
	s26 =	simm.s32 $0x1;
	[dreg:$0x7] =	wrdreg s1;
	s1 =	simm.s32 $0x0  }
.LBB2_26:
0x11: {  	s1 =	rddreg [dreg:$0x9]  }
0x12: {  	s0 =	rddreg [dreg:$0x8];
	s1 =	sadd.s32 $0x1, s1  }
0x13: {  	p2 =	sne.s32 s1, s0  }
.Ltmp1:
0x14: {  	_ = 	snop;
	(pc) =	sbr.rel @!p2 .LBB2_27-.Ltmp1, $1  }
0x15: {  	_ =	sdelay $0x3  }
.LBB2_1:
0x16: {  	[dreg:$0x9] =	wrdreg s1  }
0x17: {  	s0 =	rddreg [dreg:$0x4];
	s15 =	simm.s32 $0x400;
	s7 =	simm.s32 $0x13D6400  }
0x18: {  	[tilespmem:s18], [sflag:$0x5] =	stream.strided.gather [hbm4b:s0+s15], $0x800, s7, s15, $0x38;
	[tilespmem:$0x1E508] =	vst v63  }
0x19: {  	_ =	swait.ge [sflag:s19], $0x800  }
0x1a: {  	[sflag:s19] =	ssyncset.done $0x0  }
0x1b: {  	s20 =	simm.s32 $0x19000;
	s16 =	rddreg [dreg:$0x6];
	[sflag:s19] =	ssyncadd.s32 $0xFFFFF800  }
0x1c: {  	[tilespmem:s20], [sflag:$0x3] =	stream.linear.gather [hbm4b:s16+s4], $0x1000, $0x38;
	[tilespmem:$0x1E508] =	vst v63  }
.Ltmp2:
0x1d: {  	_ = 	snop;
	(pc) =	sbr.rel .LBB2_2-.Ltmp2, $4  }
0x1e: {  	s22 =	simm.s32 $0x6400;
	s21 =	rddreg [dreg:$0x5]  }
0x1f: {  	[tilespmem:s4], [sflag:$0x1] =	stream.strided.gather [hbm4b:s21+s22], $0xC800, s7, s22, $0x38;
	[tilespmem:$0x1E508] =	vst v63  }
0x20: {  	s31 =	simm.s32 $0x6000;
	s0 =	simm.s32 $0x0;
	s30 =	rddreg [dreg:$0x7]  }
0x21: {  	[tilespmem:s23], [sflag:$0x2] =	stream.strided.gather [hbm4b:s30+s31], $0xC000, s7, s31, $0x38;
	[tilespmem:$0x1E508] =	vst v63  }
.LBB2_25:
0x22: {  	s1 =	sshll.u32 s16, $0x10  }
0x23: {  	s7 =	sshll.u32 s3, $0x6;
	s1 =	sor.u32 s12, s1  }
0x24: {  	[bflag:$0x0] =	sbarrier.arrive $0xFFFF;
	s0 =	sadd.s32 $0x1, s0;
	s1 =	sshrl.u32 s1, $0x3  }
0x25: {  	s7 =	sor.u32 $0x1C05, s7;
	p2 =	sne.s32 s0, $0xD;
	s1 =	sadd.s32 s6, s1  }
0x26: {  	[hbm:s1], [sflag:s7] =	dma.local [spmem:s25], $0x200  }
.Ltmp3:
0x27: {  	_ =	swait.ge [sflag:s19], $0x200;
	(pc) =	sbr.rel @!p2 .LBB2_26-.Ltmp3, $3  }
0x28: {  	[sflag:s19] =	ssyncset.done $0x0  }
0x29: {  	[sflag:s19] =	ssyncadd.s32 $0xFFFFFE00  }
0x2a: {  	[bflag:$0x0] =	sbarrier.arrive $0xFFFF;
	_ =	sdelay $0x1  }
.LBB2_2:
0x2b: {  	s1 =	sshll.u32 s0, $0xC  }
0x2c: {  	s7 =	sand.u32 $0x1000, s1;
	s1 =	simm.s32 $0x0  }
0x2d: {  	_ =	swait.ge [sflag:s24], $0x1000;
	s20 =	sadd.s32 $0x19000, s7;
	s9 =	sand.u32 $0xF80, s1  }
0x2e: {  	[sflag:s24] =	ssyncset.done $0x0;
	s10 =	sand.u32 $0x40, s1;
	s9 =	sadd.s32 s9, s20  }
0x2f: {  	s16 =	sadd.s32 s8, s0;
	[sflag:s24] =	ssyncadd.s32 $0xFFFFF000;
	s10 =	sadd.s32 s10, s9  }
0x30: {  	s11 =	smul.u32 $0x186A0, s16;
	s15 =	sshll.u32 s16, $0x5;
	v12 =	vld [tilespmem:s10+$0x0]  }
0x31: {  	p2 =	seq.s32 s16, $0x19;
	s22 =	sand.u32 $0x60, s15  }
0x32: {  	p2 =	por !p0, !p2;
	s10 =	ssub.s32 s11, s22  }
0x33: {  	p3 =	por !p2, !p2;
	s11 =	simm.s32 $0x1700;
	s10 =	sadd.s32 s5, s10  }
0x34: {  	s11 =	simm.s32 @!p3 $0x1880;
	v11 =	vmov s10  }
0x35: {  	v10 =	vmov s11;
	v12 =	vsub.s32 v12, v11  }
0x36: {  	vm0 =	vgt.s32 v12, $0xFFFFFFFF;
	vm1 =	vlt.s32 v12, v10  }
0x37: {  	vm0 =	vmand vm0, vm1  }
0x38: {  	v13 =	vsel vm0, $0x1, v0  }
0x39: {  	(xrf0) =	vadd.scan.msk.s32 $0xffff, v13;
	_ =	sdelay $0x5  }
0x3a: {  	v13, _, _ =	vpop (xrf0)  }
0x3b: {  	(v2sf) =	vpush v13, $0xF;
	_ =	sdelay $0xe  }
0x3c: {  	s30 =	spop (v2sf)  }
0x3d: {  	p2 =	slt.s32 s30, $0x1  }
0x3e: {  	s11 =	simm.s32 $0x10;
	v13 =	vlaneseq.u32 @!p2  }
0x3f: {  	s31 =	sand.u32 $0x50, s11;
	[tilespmem:s1+$0x1B000] =	vst.msk @!p2 vm0, v12;
	v13 =	vor.u32 @!p2 s1, v13  }
0x40: {  	s21 =	sadd.s32 s31, s9;
	[tilespmem:s1+$0x1C080] =	vst.msk @!p2 vm0, v13  }
0x41: {  	v12 =	vld [tilespmem:s21+$0x0];
	_ =	sdelay $0x4  }
0x42: {  	v12 =	vsub.s32 v12, v11  }
0x43: {  	vm0 =	vgt.s32 v12, $0xFFFFFFFF;
	vm1 =	vlt.s32 v12, v10  }
0x44: {  	vm0 =	vmand vm0, vm1  }
0x45: {  	v13 =	vsel vm0, $0x1, v0  }
0x46: {  	(xrf0) =	vadd.scan.msk.s32 $0xffff, v13;
	_ =	sdelay $0x5  }
0x47: {  	v13, _, _ =	vpop (xrf0)  }
0x48: {  	(v2sf) =	vpush v13, $0xF;
	_ =	sdelay $0xe  }
0x49: {  	s22 =	spop (v2sf)  }
0x4a: {  	p2 =	slt.s32 s22, $0x1  }
0x4b: {  	s15 =	simm.s32 $0x20;
	s10 =	sadd.s32 $0x0, s30;
	v13 =	vlaneseq.u32 @!p2  }
0x4c: {  	s30 =	sand.u32 $0x60, s15;
	[tilespmem:s10+$0x1B000] =	vst.msk @!p2 vm0, v12;
	v12 =	vor.u32 @!p2 s11, v13  }
0x4d: {  	s11 =	sadd.s32 s30, s9;
	[tilespmem:s10+$0x1C080] =	vst.msk @!p2 vm0, v12  }
0x4e: {  	v12 =	vld [tilespmem:s11+$0x0];
	_ =	sdelay $0x4  }
0x4f: {  	v12 =	vsub.s32 v12, v11  }
0x50: {  	vm0 =	vgt.s32 v12, $0xFFFFFFFF;
	vm1 =	vlt.s32 v12, v10  }
0x51: {  	vm0 =	vmand vm0, vm1  }
0x52: {  	v13 =	vsel vm0, $0x1, v0  }
0x53: {  	(xrf0) =	vadd.scan.msk.s32 $0xffff, v13;
	_ =	sdelay $0x5  }
0x54: {  	v13, _, _ =	vpop (xrf0)  }
0x55: {  	(v2sf) =	vpush v13, $0xF;
	_ =	sdelay $0xe  }
0x56: {  	s31 =	spop (v2sf)  }
0x57: {  	p2 =	slt.s32 s31, $0x1  }
0x58: {  	s21 =	simm.s32 $0x30;
	s1 =	sadd.s32 s10, s22;
	v13 =	vlaneseq.u32 @!p2  }
0x59: {  	s22 =	sand.u32 $0x70, s21;
	[tilespmem:s1+$0x1B000] =	vst.msk @!p2 vm0, v12;
	v12 =	vor.u32 @!p2 s15, v13  }
0x5a: {  	s9 =	sadd.s32 s22, s9;
	[tilespmem:s1+$0x1C080] =	vst.msk @!p2 vm0, v12  }
0x5b: {  	v12 =	vld [tilespmem:s9+$0x0];
	_ =	sdelay $0x4  }
0x5c: {  	v12 =	vsub.s32 v12, v11  }
0x5d: {  	vm0 =	vgt.s32 v12, $0xFFFFFFFF;
	vm1 =	vlt.s32 v12, v10  }
0x5e: {  	vm0 =	vmand vm0, vm1  }
0x5f: {  	v13 =	vsel vm0, $0x1, v0  }
0x60: {  	(xrf0) =	vadd.scan.msk.s32 $0xffff, v13;
	_ =	sdelay $0x5  }
0x61: {  	v13, _, _ =	vpop (xrf0)  }
0x62: {  	(v2sf) =	vpush v13, $0xF;
	_ =	sdelay $0xe  }
0x63: {  	s30 =	spop (v2sf)  }
0x64: {  	s9 =	simm.s32 $0x40;
	p4 =	slt.s32 s30, $0x1  }
0x65: {  	s10 =	simm.s32 $0x80;
	s1 =	sadd.s32 s1, s31;
	s31 =	sand.u32 $0xF80, s9;
	v13 =	vlaneseq.u32 @!p4  }
0x66: {  	s15 =	sand.u32 $0x40, s9;
	s11 =	sadd.s32 s31, s20;
	s22 =	sadd.s32 s1, s30;
	[tilespmem:s1+$0x1B000] =	vst.msk @!p4 vm0, v12;
	v12 =	vor.u32 @!p4 s21, v13  }
.LBB2_3:
0x67: {  	s21 =	sadd.s32 s15, s11;
	[tilespmem:s1+$0x1C080] =	vst.msk @!p4 vm0, v12;
	s15 =	smov.u32 s10;
	s10 =	sadd.s32 $0x40, s10  }
0x68: {  	p2 =	sne.s32 s10, $0x1000;
	v12 =	vld [tilespmem:s21+$0x0];
	_ =	sdelay $0x4  }
0x69: {  	v12 =	vsub.s32 v12, v11  }
0x6a: {  	vm0 =	vgt.s32 v12, $0xFFFFFFFF;
	vm1 =	vlt.s32 v12, v10  }
0x6b: {  	vm0 =	vmand vm0, vm1  }
0x6c: {  	v13 =	vsel vm0, $0x1, v0  }
0x6d: {  	(xrf0) =	vadd.scan.msk.s32 $0xffff, v13;
	_ =	sdelay $0x5  }
0x6e: {  	v13, _, _ =	vpop (xrf0)  }
0x6f: {  	(v2sf) =	vpush v13, $0xF;
	_ =	sdelay $0xe  }
0x70: {  	s1 =	spop (v2sf)  }
0x71: {  	p4 =	slt.s32 s1, $0x1  }
0x72: {  	s21 =	sadd.s32 $0x10, s9;
	v13 =	vlaneseq.u32 @!p4  }
0x73: {  	s30 =	sand.u32 $0x50, s21;
	v13 =	vor.u32 @!p4 s9, v13;
	[tilespmem:s22+$0x1B000] =	vst.msk @!p4 vm0, v12  }
0x74: {  	s30 =	sadd.s32 s30, s11;
	[tilespmem:s22+$0x1C080] =	vst.msk @!p4 vm0, v13  }
0x75: {  	v12 =	vld [tilespmem:s30+$0x0];
	_ =	sdelay $0x4  }
0x76: {  	v12 =	vsub.s32 v12, v11  }
0x77: {  	vm0 =	vgt.s32 v12, $0xFFFFFFFF;
	vm1 =	vlt.s32 v12, v10  }
0x78: {  	vm0 =	vmand vm0, vm1  }
0x79: {  	v13 =	vsel vm0, $0x1, v0  }
0x7a: {  	(xrf0) =	vadd.scan.msk.s32 $0xffff, v13;
	_ =	sdelay $0x5  }
0x7b: {  	v13, _, _ =	vpop (xrf0)  }
0x7c: {  	(v2sf) =	vpush v13, $0xF;
	_ =	sdelay $0xe  }
0x7d: {  	s30 =	spop (v2sf)  }
0x7e: {  	s1 =	sadd.s32 s22, s1;
	p4 =	slt.s32 s30, $0x1  }
0x7f: {  	s22 =	sadd.s32 $0x20, s9;
	v13 =	vlaneseq.u32 @!p4;
	[tilespmem:s1+$0x1B000] =	vst.msk @!p4 vm0, v12  }
0x80: {  	v12 =	vor.u32 @!p4 s21, v13;
	s21 =	sand.u32 $0x60, s22  }
0x81: {  	[tilespmem:s1+$0x1C080] =	vst.msk @!p4 vm0, v12;
	s21 =	sadd.s32 s21, s11  }
0x82: {  	v12 =	vld [tilespmem:s21+$0x0];
	_ =	sdelay $0x4  }
0x83: {  	v12 =	vsub.s32 v12, v11  }
0x84: {  	vm0 =	vgt.s32 v12, $0xFFFFFFFF;
	vm1 =	vlt.s32 v12, v10  }
0x85: {  	vm0 =	vmand vm0, vm1  }
0x86: {  	v13 =	vsel vm0, $0x1, v0  }
0x87: {  	(xrf0) =	vadd.scan.msk.s32 $0xffff, v13;
	_ =	sdelay $0x5  }
0x88: {  	v13, _, _ =	vpop (xrf0)  }
0x89: {  	(v2sf) =	vpush v13, $0xF;
	_ =	sdelay $0xe  }
0x8a: {  	s21 =	spop (v2sf)  }
0x8b: {  	s1 =	sadd.s32 s1, s30;
	p4 =	slt.s32 s21, $0x1  }
0x8c: {  	s30 =	sadd.s32 $0x30, s9;
	s9 =	smov.u32 s15;
	v13 =	vlaneseq.u32 @!p4;
	[tilespmem:s1+$0x1B000] =	vst.msk @!p4 vm0, v12  }
0x8d: {  	s15 =	sand.u32 $0x70, s30;
	v12 =	vor.u32 @!p4 s22, v13  }
0x8e: {  	s11 =	sadd.s32 s15, s11;
	[tilespmem:s1+$0x1C080] =	vst.msk @!p4 vm0, v12  }
0x8f: {  	v12 =	vld [tilespmem:s11+$0x0];
	_ =	sdelay $0x4  }
0x90: {  	v12 =	vsub.s32 v12, v11  }
0x91: {  	vm0 =	vgt.s32 v12, $0xFFFFFFFF;
	vm1 =	vlt.s32 v12, v10  }
0x92: {  	vm0 =	vmand vm0, vm1  }
0x93: {  	v13 =	vsel vm0, $0x1, v0  }
0x94: {  	(xrf0) =	vadd.scan.msk.s32 $0xffff, v13;
	_ =	sdelay $0x5  }
0x95: {  	v13, _, _ =	vpop (xrf0)  }
0x96: {  	(v2sf) =	vpush v13, $0xF;
	_ =	sdelay $0xd  }
.Ltmp4:
0x97: {  	(pc) =	sbr.rel @p2 .LBB2_3-.Ltmp4, $4  }
0x98: {  	s1 =	sadd.s32 s1, s21;
	s11 =	spop (v2sf)  }
0x99: {  	p4 =	slt.s32 s11, $0x1;
	s22 =	sadd.s32 s1, s11  }
0x9a: {  	s11 =	sand.u32 $0xF80, s9;
	v13 =	vlaneseq.u32 @!p4;
	[tilespmem:s1+$0x1B000] =	vst.msk @!p4 vm0, v12  }
0x9b: {  	s15 =	sand.u32 $0x40, s9;
	s11 =	sadd.s32 s11, s20;
	v12 =	vor.u32 @!p4 s30, v13  }
0x9c: {  	s10 =	sadd.s32 s15, s11;
	[tilespmem:s1+$0x1C080] =	vst.msk @!p4 vm0, v12  }
0x9d: {  	v12 =	vld [tilespmem:s10+$0x0];
	_ =	sdelay $0x4  }
0x9e: {  	v12 =	vsub.s32 v12, v11  }
0x9f: {  	vm9 =	vgt.s32 v12, $0xFFFFFFFF;
	vm1 =	vlt.s32 v12, v10  }
0xa0: {  	vm0 =	vmand vm9, vm1  }
0xa1: {  	v13 =	vsel vm0, $0x1, v0  }
0xa2: {  	(xrf0) =	vadd.scan.msk.s32 $0xffff, v13;
	_ =	sdelay $0x5  }
0xa3: {  	v13, _, _ =	vpop (xrf0)  }
0xa4: {  	(v2sf) =	vpush v13, $0xF;
	_ =	sdelay $0xe  }
0xa5: {  	s31 =	spop (v2sf)  }
0xa6: {  	p2 =	slt.s32 s31, $0x1  }
0xa7: {  	s10 =	sadd.s32 $0x10, s9;
	v13 =	vlaneseq.u32 @!p2  }
0xa8: {  	s21 =	sand.u32 $0x50, s10;
	[tilespmem:s22+$0x1B000] =	vst.msk @!p2 vm0, v12;
	v13 =	vor.u32 @!p2 s9, v13  }
0xa9: {  	s15 =	sadd.s32 s21, s11;
	[tilespmem:s22+$0x1C080] =	vst.msk @!p2 vm0, v13  }
0xaa: {  	v12 =	vld [tilespmem:s15+$0x0];
	_ =	sdelay $0x4  }
0xab: {  	v12 =	vsub.s32 v12, v11  }
0xac: {  	vm10 =	vgt.s32 v12, $0xFFFFFFFF;
	vm11 =	vlt.s32 v12, v10  }
0xad: {  	vm0 =	vmand vm10, vm11  }
0xae: {  	v62 =	vsel vm0, $0x1, v0  }
0xaf: {  	(xrf0) =	vadd.scan.msk.s32 $0xffff, v62;
	_ =	sdelay $0x5  }
0xb0: {  	v13, _, _ =	vpop (xrf0)  }
0xb1: {  	(v2sf) =	vpush v13, $0xF;
	_ =	sdelay $0xe  }
0xb2: {  	s30 =	spop (v2sf)  }
0xb3: {  	p2 =	slt.s32 s30, $0x1  }
0xb4: {  	s21 =	sadd.s32 $0x20, s9;
	s1 =	sadd.s32 s22, s31;
	v13 =	vlaneseq.u32 @!p2  }
0xb5: {  	s31 =	sand.u32 $0x60, s21;
	[tilespmem:s1+$0x1B000] =	vst.msk @!p2 vm0, v12;
	v12 =	vor.u32 @!p2 s10, v13  }
0xb6: {  	s10 =	sadd.s32 s31, s11;
	[tilespmem:s1+$0x1C080] =	vst.msk @!p2 vm0, v12  }
0xb7: {  	v12 =	vld [tilespmem:s10+$0x0];
	_ =	sdelay $0x4  }
0xb8: {  	v12 =	vsub.s32 v12, v11  }
0xb9: {  	vm12 =	vgt.s32 v12, $0xFFFFFFFF;
	vm13 =	vlt.s32 v12, v10  }
0xba: {  	vm0 =	vmand vm12, vm13  }
0xbb: {  	v63 =	vsel vm0, $0x1, v0  }
0xbc: {  	(xrf0) =	vadd.scan.msk.s32 $0xffff, v63;
	_ =	sdelay $0x5  }
0xbd: {  	v13, _, _ =	vpop (xrf0)  }
0xbe: {  	(v2sf) =	vpush v13, $0xF;
	_ =	sdelay $0xe  }
0xbf: {  	s22 =	spop (v2sf)  }
0xc0: {  	p2 =	slt.s32 s22, $0x1  }
0xc1: {  	s9 =	sadd.s32 $0x30, s9;
	s1 =	sadd.s32 s1, s30;
	v13 =	vlaneseq.u32 @!p2  }
0xc2: {  	s30 =	sand.u32 $0x70, s9;
	[tilespmem:s1+$0x1B000] =	vst.msk @!p2 vm0, v12;
	v12 =	vor.u32 @!p2 s21, v13  }
0xc3: {  	s31 =	sadd.s32 s30, s11;
	[tilespmem:s1+$0x1C080] =	vst.msk @!p2 vm0, v12  }
0xc4: {  	v12 =	vld [tilespmem:s31+$0x0];
	_ =	sdelay $0x4  }
0xc5: {  	v11 =	vsub.s32 v12, v11  }
0xc6: {  	vm14 =	vgt.s32 v11, $0xFFFFFFFF;
	vm15 =	vlt.s32 v11, v10  }
0xc7: {  	vm0 =	vmand vm14, vm15  }
0xc8: {  	v10 =	vsel vm0, $0x1, v0  }
0xc9: {  	(xrf0) =	vadd.scan.msk.s32 $0xffff, v10;
	_ =	sdelay $0x5  }
0xca: {  	v10, _, _ =	vpop (xrf0)  }
0xcb: {  	(v2sf) =	vpush v10, $0xF;
	_ =	sdelay $0xe  }
0xcc: {  	s15 =	spop (v2sf)  }
0xcd: {  	p4 =	slt.s32 s15, $0x1  }
0xce: {  	s1 =	sadd.s32 s1, s22;
	p2 =	seq.s32 s0, $0xC;
	v10 =	vlaneseq.u32 @!p4  }
0xcf: {  	s7 =	sxor.u32 @!p2 $0x1000, s7;
	[tilespmem:s1+$0x1B000] =	vst.msk @!p4 vm0, v11;
	v10 =	vor.u32 @!p4 s9, v10;
	s9 =	sshll.u32 @!p2 s16, $0x9  }
0xd0: {  	s10 =	simm.s32 @!p2 $0x0;
	s7 =	sadd.s32 @!p2 $0x19000, s7;
	[tilespmem:s1+$0x1C080] =	vst.msk @!p4 vm0, v10;
	s9 =	sadd.s32 @!p2 s9, s13  }
0xd1: {  	[tilespmem:s7], [sflag:$0x3] =	stream.linear.gather @!p2 [hbm4b:s9+s10], $0x1000, $0x38;
	[tilespmem:$0x1E508] =	vst v63  }
0xd2: {  	s1 =	sadd.s32 s1, s15;
	_ =	swait.ge [sflag:s26], $0xC800  }
0xd3: {  	s7 =	simm.s32 @!p3 $0x2;
	s21 =	sadd.s32 $0xF, s1;
	[sflag:s26] =	ssyncset.done $0x0  }
0xd4: {  	s10 =	simm.s32 @p3 $0x2;
	s9 =	simm.s32 $0x1;
	[sflag:s26] =	ssyncadd.s32 $0xFFFF3800  }
0xd5: {  	s22 =	sand.u32 $0xF, s21;
	s30 =	sshra.s32 s21, $0x1F;
	_ =	swait.ge @!p3 [sflag:s7], $0xC000  }
0xd6: {  	p6 =	slt.s32 s21, $0x1;
	p5 =	sne.s32 s22, $0x0;
	[sflag:s7] =	ssyncset.done @!p3 $0x0  }
0xd7: {  	s31 =	sshrl.u32 s30, $0x1C;
	p4 =	por !p6, !p5;
	[sflag:s7] =	ssyncadd.s32 @!p3 $0xFFFF4000  }
0xd8: {  	p4 =	por !p4, !p4;
	s7 =	sadd.s32 s31, s21;
	_ =	swait.ge @p3 [sflag:s10], $0xA800  }
0xd9: {  	s9 =	simm.s32 @!p4 $0x0;
	s7 =	sshra.s32 s7, $0x4;
	[sflag:s10] =	ssyncset.done @p3 $0x0  }
0xda: {  	[sflag:s10] =	ssyncadd.s32 @p3 $0xFFFF5800;
	s10 =	ssub.s32 s7, s9  }
0xdb: {  	p5 =	slt.s32 s10, $0x1  }
.Ltmp5:
0xdc: {  	_ = 	snop;
	(pc) =	sbr.rel @p5 .LBB2_8-.Ltmp5, $3  }
0xdd: {  	_ =	sdelay $0x1  }
0xde: {  	[tilespmem:s1+$0x1B000] =	vst v0  }
0xdf: {  	[tilespmem:s1+$0x1C080] =	vst v1  }
0xe0: {  	s11 =	simm.s32 $0x1B000  }
0xe1: {  	v13 =	vld [tilespmem:s11+$0x0];
	_ =	sdelay $0x4  }
0xe2: {  	vm0 =	vlt.s32 v13, $0xC7F;
	v10 =	vadd.s32 $0xFFFFF380, v13  }
0xe3: {  	s1 =	simm.s32 $0x1C080;
	p5 =	por $0x1, $0x1;
	v11 =	vnsel vm0, $0xC7F, v13;
	vm0 =	vgt.s32 v10, $0x0  }
0xe4: {  	v14 =	vld [tilespmem:s1+$0x0];
	s1 =	simm.s32 @!p5 $0x4;
	v10 =	vnsel vm0, $0x0, v10;
	v12 =	vshll.u32 v11, $0x3  }
0xe5: {  	_ =	swait.ge @!p5 [sflag:s1], $0x80;
	v11 =	vand.u32 $0x7F, v11;
	v12 =	vand.u32 $0xFFFFFC00, v12;
	v15 =	vshll.u32 v10, $0x3  }
0xe6: {  	[sflag:s1] =	ssyncset.done @!p5 $0x0;
	v10 =	vand.u32 $0x7F, v10;
	v12 =	vor.u32 v11, v12;
	v11 =	vand.u32 $0xFFFFFC00, v15  }
0xe7: {  	[sflag:s1] =	ssyncadd.s32 @!p5 $0xFFFFFF80;
	v11 =	vor.u32 v10, v11  }
0xe8: {  	_ =	swait.ge @!p5 [sflag:s1], $0x80  }
0xe9: {  	[sflag:s1] =	ssyncset.done @!p5 $0x0  }
0xea: {  	[sflag:s1] =	ssyncadd.s32 @!p5 $0xFFFFFF80  }
0xeb: {  	v15 =	vld.idx.msk [tilespmem:v12+s4+$0x0], $0xffff  }
0xec: {  	v16 =	vld.idx.msk [tilespmem:v11+s23+$0x0], $0xffff  }
0xed: {  	v10 =	vshll.u32 v14, $0x3  }
0xee: {  	v17 =	vand.u32 $0x7F, v14;
	v18 =	vor.u32 $0x80, v12;
	v10 =	vand.u32 $0xFFFFFC00, v10  }
0xef: {  	s31 =	simm.s32 $0x0;
	vm1 =	vgt.s32 v14, $0xFFF;
	v37 =	vor.u32 $0x80, v11;
	v10 =	vor.u32 v17, v10  }
0xf0: {  	s15 =	sand.u32 $0x100, s31;
	vm0 =	vlt.s32 v13, $0xC80;
	v13 =	vsel vm1, v2, v10  }
0xf1: {  	[tilespmem:s15+$0x1D300] =	vst v13;
	v14 =	vsel vm0, v15, v16  }
0xf2: {  	[tilespmem:s15+$0x1D100] =	vst v14  }
0xf3: {  	v13 =	vld.idx.msk [tilespmem:v18+s4+$0x0], $0xffff  }
0xf4: {  	v14 =	vld.idx.msk [tilespmem:v37+s23+$0x0], $0xffff;
	_ =	sdelay $0x1  }
0xf5: {  	v15 =	vor.u32 $0x100, v12  }
0xf6: {  	v39 =	vor.u32 $0x100, v11;
	v38 =	vor.u32 $0x80, v10  }
0xf7: {  	v16 =	vsel vm1, v3, v38  }
0xf8: {  	[tilespmem:s15+$0x1D310] =	vst v16;
	v13 =	vsel vm0, v13, v14  }
0xf9: {  	[tilespmem:s15+$0x1D110] =	vst v13  }
0xfa: {  	v13 =	vld.idx.msk [tilespmem:v15+s4+$0x0], $0xffff  }
0xfb: {  	v14 =	vld.idx.msk [tilespmem:v39+s23+$0x0], $0xffff;
	_ =	sdelay $0x1  }
0xfc: {  	v15 =	vor.u32 $0x180, v12  }
0xfd: {  	v41 =	vor.u32 $0x180, v11;
	v40 =	vor.u32 $0x100, v10  }
0xfe: {  	v16 =	vsel vm1, v4, v40  }
0xff: {  	[tilespmem:s15+$0x1D320] =	vst v16;
	v13 =	vsel vm0, v13, v14  }
0x100: {  	[tilespmem:s15+$0x1D120] =	vst v13  }
0x101: {  	v13 =	vld.idx.msk [tilespmem:v15+s4+$0x0], $0xffff  }
0x102: {  	v14 =	vld.idx.msk [tilespmem:v41+s23+$0x0], $0xffff;
	_ =	sdelay $0x1  }
0x103: {  	v15 =	vor.u32 $0x200, v12  }
0x104: {  	v43 =	vor.u32 $0x200, v11;
	v42 =	vor.u32 $0x180, v10  }
0x105: {  	v16 =	vsel vm1, v5, v42  }
0x106: {  	[tilespmem:s15+$0x1D330] =	vst v16;
	v13 =	vsel vm0, v13, v14  }
0x107: {  	[tilespmem:s15+$0x1D130] =	vst v13  }
0x108: {  	v13 =	vld.idx.msk [tilespmem:v15+s4+$0x0], $0xffff  }
0x109: {  	v14 =	vld.idx.msk [tilespmem:v43+s23+$0x0], $0xffff;
	_ =	sdelay $0x1  }
0x10a: {  	v15 =	vor.u32 $0x280, v12  }
0x10b: {  	v45 =	vor.u32 $0x280, v11;
	v44 =	vor.u32 $0x200, v10  }
0x10c: {  	v16 =	vsel vm1, v6, v44  }
0x10d: {  	[tilespmem:s15+$0x1D340] =	vst v16;
	v13 =	vsel vm0, v13, v14  }
0x10e: {  	[tilespmem:s15+$0x1D140] =	vst v13  }
0x10f: {  	v13 =	vld.idx.msk [tilespmem:v15+s4+$0x0], $0xffff  }
0x110: {  	v14 =	vld.idx.msk [tilespmem:v45+s23+$0x0], $0xffff;
	_ =	sdelay $0x1  }
0x111: {  	v15 =	vor.u32 $0x300, v12  }
0x112: {  	v47 =	vor.u32 $0x300, v11;
	v46 =	vor.u32 $0x280, v10  }
0x113: {  	v16 =	vsel vm1, v7, v46  }
0x114: {  	[tilespmem:s15+$0x1D350] =	vst v16;
	v13 =	vsel vm0, v13, v14  }
0x115: {  	[tilespmem:s15+$0x1D150] =	vst v13  }
0x116: {  	v13 =	vld.idx.msk [tilespmem:v15+s4+$0x0], $0xffff  }
0x117: {  	v14 =	vld.idx.msk [tilespmem:v47+s23+$0x0], $0xffff;
	_ =	sdelay $0x1  }
0x118: {  	v15 =	vor.u32 $0x380, v12  }
0x119: {  	v49 =	vor.u32 $0x380, v11;
	v48 =	vor.u32 $0x300, v10  }
0x11a: {  	v16 =	vsel vm1, v8, v48  }
0x11b: {  	[tilespmem:s15+$0x1D360] =	vst v16;
	v13 =	vsel vm0, v13, v14  }
0x11c: {  	[tilespmem:s15+$0x1D160] =	vst v13  }
0x11d: {  	v13 =	vld.idx.msk [tilespmem:v15+s4+$0x0], $0xffff  }
0x11e: {  	v14 =	vld.idx.msk [tilespmem:v49+s23+$0x0], $0xffff;
	_ =	sdelay $0x1  }
0x11f: {  	v15 =	vadd.s32 $0x6400, v12  }
0x120: {  	v51 =	vadd.s32 $0x6000, v11;
	v50 =	vor.u32 $0x380, v10  }
0x121: {  	v16 =	vsel vm1, v9, v50  }
0x122: {  	[tilespmem:s15+$0x1D370] =	vst v16;
	v13 =	vsel vm0, v13, v14  }
0x123: {  	[tilespmem:s15+$0x1D170] =	vst v13  }
0x124: {  	v13 =	vld.idx.msk [tilespmem:v15+s4+$0x0], $0xffff  }
0x125: {  	v14 =	vld.idx.msk [tilespmem:v51+s23+$0x0], $0xffff;
	_ =	sdelay $0x1  }
0x126: {  	v15 =	vadd.s32 $0x6480, v12  }
0x127: {  	v53 =	vadd.s32 $0x6080, v11;
	v52 =	vadd.s32 $0x8000, v10  }
0x128: {  	v16 =	vsel vm1, v2, v52  }
0x129: {  	[tilespmem:s15+$0x1D380] =	vst v16;
	v13 =	vsel vm0, v13, v14  }
0x12a: {  	[tilespmem:s15+$0x1D180] =	vst v13  }
0x12b: {  	v13 =	vld.idx.msk [tilespmem:v15+s4+$0x0], $0xffff  }
0x12c: {  	v14 =	vld.idx.msk [tilespmem:v53+s23+$0x0], $0xffff;
	_ =	sdelay $0x1  }
0x12d: {  	v15 =	vadd.s32 $0x6500, v12  }
0x12e: {  	v55 =	vadd.s32 $0x6100, v11;
	v54 =	vadd.s32 $0x8080, v10  }
0x12f: {  	v16 =	vsel vm1, v3, v54  }
0x130: {  	[tilespmem:s15+$0x1D390] =	vst v16;
	v13 =	vsel vm0, v13, v14  }
0x131: {  	[tilespmem:s15+$0x1D190] =	vst v13  }
0x132: {  	v13 =	vld.idx.msk [tilespmem:v15+s4+$0x0], $0xffff  }
0x133: {  	v14 =	vld.idx.msk [tilespmem:v55+s23+$0x0], $0xffff;
	_ =	sdelay $0x1  }
0x134: {  	v15 =	vadd.s32 $0x6180, v11  }
0x135: {  	v57 =	vadd.s32 $0x6580, v12;
	v56 =	vadd.s32 $0x8100, v10  }
0x136: {  	v16 =	vsel vm1, v4, v56  }
0x137: {  	[tilespmem:s15+$0x1D3A0] =	vst v16;
	v13 =	vsel vm0, v13, v14  }
0x138: {  	[tilespmem:s15+$0x1D1A0] =	vst v13  }
0x139: {  	v13 =	vld.idx.msk [tilespmem:v15+s23+$0x0], $0xffff  }
0x13a: {  	v14 =	vld.idx.msk [tilespmem:v57+s4+$0x0], $0xffff;
	_ =	sdelay $0x1  }
0x13b: {  	v15 =	vadd.s32 $0x6600, v12  }
0x13c: {  	v59 =	vadd.s32 $0x6200, v11;
	v58 =	vadd.s32 $0x8180, v10  }
0x13d: {  	v16 =	vsel vm1, v5, v58  }
0x13e: {  	[tilespmem:s15+$0x1D3B0] =	vst v16;
	v13 =	vsel vm0, v14, v13  }
0x13f: {  	[tilespmem:s15+$0x1D1B0] =	vst v13  }
0x140: {  	v13 =	vld.idx.msk [tilespmem:v15+s4+$0x0], $0xffff  }
0x141: {  	v14 =	vld.idx.msk [tilespmem:v59+s23+$0x0], $0xffff;
	_ =	sdelay $0x1  }
0x142: {  	v15 =	vadd.s32 $0x6680, v12  }
0x143: {  	v61 =	vadd.s32 $0x6280, v11;
	v60 =	vadd.s32 $0x8200, v10  }
0x144: {  	v16 =	vsel vm1, v6, v60  }
0x145: {  	[tilespmem:s15+$0x1D3C0] =	vst v16;
	v13 =	vsel vm0, v13, v14  }
0x146: {  	[tilespmem:s15+$0x1D1C0] =	vst v13  }
0x147: {  	v13 =	vld.idx.msk [tilespmem:v15+s4+$0x0], $0xffff  }
0x148: {  	v14 =	vld.idx.msk [tilespmem:v61+s23+$0x0], $0xffff;
	_ =	sdelay $0x1  }
0x149: {  	v15 =	vadd.s32 $0x6700, v12  }
0x14a: {  	v63 =	vadd.s32 $0x6300, v11;
	v62 =	vadd.s32 $0x8280, v10  }
0x14b: {  	p5 =	sne.s32 s10, $0x1;
	v16 =	vsel vm1, v7, v62  }
.Ltmp6:
0x14c: {  	[tilespmem:s15+$0x1D3D0] =	vst v16;
	v13 =	vsel vm0, v13, v14;
	(pc) =	sbr.rel @!p5 .LBB2_7-.Ltmp6, $4  }
0x14d: {  	[tilespmem:s15+$0x1D1D0] =	vst v13  }
0x14e: {  	v13 =	vld.idx.msk [tilespmem:v15+s4+$0x0], $0xffff;
	v15 =	vadd.s32 $0x8300, v10  }
0x14f: {  	v14 =	vld.idx.msk [tilespmem:v63+s23+$0x0], $0xffff;
	v15 =	vsel vm1, v8, v15  }
0x150: {  	s9 =	simm.s32 $0x0;
	s22 =	simm.s32 $0x1;
	s30 =	simm.s32 $0x1C090;
	v11 =	vadd.s32 $0x6380, v11;
	v12 =	vadd.s32 $0x6780, v12;
	[tilespmem:s15+$0x1D3E0] =	vst v15  }
.LBB2_6:
0x151: {  	s9 =	sadd.s32 $0x400, s9  }
0x152: {  	s11 =	sadd.s32 $0x10, s11;
	s1 =	smov.u32 s22;
	s22 =	sadd.s32 $0x1, s22  }
0x153: {  	p5 =	sne.s32 s10, s22  }
0x154: {  	v13 =	vsel vm0, v13, v14  }
0x155: {  	[tilespmem:s15+$0x1D1E0] =	vst v13  }
0x156: {  	v10 =	vadd.s32 $0x8380, v10;
	v12 =	vld.idx.msk [tilespmem:v12+s4+$0x0], $0xffff  }
0x157: {  	v10 =	vsel vm1, v9, v10;
	v11 =	vld.idx.msk [tilespmem:v11+s23+$0x0], $0xffff  }
0x158: {  	[tilespmem:s15+$0x1D3F0] =	vst v10;
	_ =	sdelay $0x4  }
0x159: {  	v10 =	vsel vm0, v12, v11  }
0x15a: {  	s21 =	sadd.s32 $0x1D100, s15;
	s31 =	sadd.s32 $0x1D300, s15;
	[tilespmem:s15+$0x1D1F0] =	vst v10  }
0x15b: {  	[spmem:s2] =	stream.indirect.scatter [tilespmem:s21], [sflag:$0x4], $0x1, s31, s28, $0xb8;
	[tilespmem:$0x1E508] =	vst v63  }
0x15c: {  	s21 =	sadd.s32 $0x1D180, s15;
	s15 =	sadd.s32 $0x1D380, s15  }
0x15d: {  	[spmem:s2] =	stream.indirect.scatter [tilespmem:s21], [sflag:$0x4], $0x1, s15, s28, $0xb8;
	[tilespmem:$0x1E508] =	vst v63  }
0x15e: {  	p6 =	slt.u32 s1, $0x2;
	v14 =	vld [tilespmem:s11+$0x0]  }
0x15f: {  	s1 =	simm.s32 @!p6 $0x4;
	v15 =	vld [tilespmem:s30+$0x0]  }
0x160: {  	_ =	swait.ge @!p6 [sflag:s1], $0x80  }
0x161: {  	[sflag:s1] =	ssyncset.done @!p6 $0x0  }
0x162: {  	[sflag:s1] =	ssyncadd.s32 @!p6 $0xFFFFFF80  }
0x163: {  	vm0 =	vlt.s32 v14, $0xC7F;
	v10 =	vadd.s32 $0xFFFFF380, v14  }
0x164: {  	v11 =	vnsel vm0, $0xC7F, v14;
	vm0 =	vgt.s32 v10, $0x0;
	v12 =	vshll.u32 v15, $0x3  }
0x165: {  	v10 =	vnsel vm0, $0x0, v10;
	v13 =	vand.u32 $0x7F, v11;
	v11 =	vshll.u32 v11, $0x3  }
0x166: {  	v16 =	vand.u32 $0xFFFFFC00, v12;
	v11 =	vand.u32 $0xFFFFFC00, v11;
	v17 =	vshll.u32 v10, $0x3  }
0x167: {  	v10 =	vand.u32 $0x7F, v10;
	v12 =	vor.u32 v13, v11;
	v11 =	vand.u32 $0xFFFFFC00, v17  }
0x168: {  	v17 =	vand.u32 $0x7F, v15;
	v13 =	vor.u32 v10, v11  }
0x169: {  	v10 =	vor.u32 v17, v16;
	_ =	swait.ge @!p6 [sflag:s1], $0x80;
	v11 =	vadd.s32 $0x6380, v13  }
0x16a: {  	[sflag:s1] =	ssyncset.done @!p6 $0x0  }
0x16b: {  	[sflag:s1] =	ssyncadd.s32 @!p6 $0xFFFFFF80  }
0x16c: {  	v16 =	vld.idx.msk [tilespmem:v12+s4+$0x0], $0xffff  }
0x16d: {  	v17 =	vld.idx.msk [tilespmem:v13+s23+$0x0], $0xffff;
	_ =	sdelay $0x2  }
0x16e: {  	v18 =	vor.u32 $0x80, v12;
	v19 =	vor.u32 $0x80, v13  }
0x16f: {  	vm1 =	vgt.s32 v15, $0xFFF;
	s1 =	sshrl.u32 s9, $0x2  }
0x170: {  	vm0 =	vlt.s32 v14, $0xC80;
	v14 =	vsel vm1, v2, v10;
	s15 =	sand.u32 $0x100, s1  }
0x171: {  	v15 =	vsel vm0, v16, v17;
	[tilespmem:s15+$0x1D300] =	vst v14  }
0x172: {  	[tilespmem:s15+$0x1D100] =	vst v15  }
0x173: {  	v14 =	vld.idx.msk [tilespmem:v18+s4+$0x0], $0xffff  }
0x174: {  	v15 =	vld.idx.msk [tilespmem:v19+s23+$0x0], $0xffff;
	_ =	sdelay $0x2  }
0x175: {  	v16 =	vor.u32 $0x100, v12  }
0x176: {  	v17 =	vor.u32 $0x80, v10;
	v18 =	vor.u32 $0x100, v13  }
0x177: {  	v17 =	vsel vm1, v3, v17  }
0x178: {  	v14 =	vsel vm0, v14, v15;
	[tilespmem:s15+$0x1D310] =	vst v17  }
0x179: {  	[tilespmem:s15+$0x1D110] =	vst v14  }
0x17a: {  	v14 =	vld.idx.msk [tilespmem:v16+s4+$0x0], $0xffff  }
0x17b: {  	v15 =	vld.idx.msk [tilespmem:v18+s23+$0x0], $0xffff;
	_ =	sdelay $0x2  }
0x17c: {  	v16 =	vor.u32 $0x180, v12  }
0x17d: {  	v17 =	vor.u32 $0x100, v10;
	v18 =	vor.u32 $0x180, v13  }
0x17e: {  	v17 =	vsel vm1, v4, v17  }
0x17f: {  	v14 =	vsel vm0, v14, v15;
	[tilespmem:s15+$0x1D320] =	vst v17  }
0x180: {  	[tilespmem:s15+$0x1D120] =	vst v14  }
0x181: {  	v14 =	vld.idx.msk [tilespmem:v16+s4+$0x0], $0xffff  }
0x182: {  	v15 =	vld.idx.msk [tilespmem:v18+s23+$0x0], $0xffff;
	_ =	sdelay $0x2  }
0x183: {  	v16 =	vor.u32 $0x200, v12  }
0x184: {  	v17 =	vor.u32 $0x180, v10;
	v18 =	vor.u32 $0x200, v13  }
0x185: {  	v17 =	vsel vm1, v5, v17  }
0x186: {  	v14 =	vsel vm0, v14, v15;
	[tilespmem:s15+$0x1D330] =	vst v17  }
0x187: {  	[tilespmem:s15+$0x1D130] =	vst v14  }
0x188: {  	v15 =	vor.u32 $0x200, v10;
	v14 =	vld.idx.msk [tilespmem:v16+s4+$0x0], $0xffff  }
0x189: {  	v15 =	vsel vm1, v6, v15;
	v16 =	vld.idx.msk [tilespmem:v18+s23+$0x0], $0xffff  }
0x18a: {  	[tilespmem:s15+$0x1D340] =	vst v15;
	_ =	sdelay $0x1  }
0x18b: {  	v15 =	vor.u32 $0x280, v12  }
0x18c: {  	v17 =	vor.u32 $0x280, v13;
	_ =	sdelay $0x1  }
0x18d: {  	v14 =	vsel vm0, v14, v16  }
0x18e: {  	[tilespmem:s15+$0x1D140] =	vst v14  }
0x18f: {  	v14 =	vld.idx.msk [tilespmem:v15+s4+$0x0], $0xffff  }
0x190: {  	v15 =	vld.idx.msk [tilespmem:v17+s23+$0x0], $0xffff;
	_ =	sdelay $0x2  }
0x191: {  	v16 =	vor.u32 $0x300, v12  }
0x192: {  	v18 =	vor.u32 $0x300, v13;
	v17 =	vor.u32 $0x280, v10  }
0x193: {  	v17 =	vsel vm1, v7, v17  }
0x194: {  	v14 =	vsel vm0, v14, v15;
	[tilespmem:s15+$0x1D350] =	vst v17  }
0x195: {  	[tilespmem:s15+$0x1D150] =	vst v14  }
0x196: {  	v15 =	vor.u32 $0x300, v10;
	v14 =	vld.idx.msk [tilespmem:v16+s4+$0x0], $0xffff  }
0x197: {  	v15 =	vsel vm1, v8, v15;
	v16 =	vld.idx.msk [tilespmem:v18+s23+$0x0], $0xffff  }
0x198: {  	[tilespmem:s15+$0x1D360] =	vst v15;
	_ =	sdelay $0x1  }
0x199: {  	v15 =	vor.u32 $0x380, v12  }
0x19a: {  	v17 =	vor.u32 $0x380, v13;
	_ =	sdelay $0x1  }
0x19b: {  	v14 =	vsel vm0, v14, v16  }
0x19c: {  	[tilespmem:s15+$0x1D160] =	vst v14  }
0x19d: {  	v14 =	vld.idx.msk [tilespmem:v15+s4+$0x0], $0xffff;
	v15 =	vor.u32 $0x380, v10  }
0x19e: {  	v16 =	vld.idx.msk [tilespmem:v17+s23+$0x0], $0xffff;
	v15 =	vsel vm1, v9, v15  }
0x19f: {  	[tilespmem:s15+$0x1D370] =	vst v15;
	_ =	sdelay $0x1  }
0x1a0: {  	v15 =	vadd.s32 $0x6400, v12  }
0x1a1: {  	v17 =	vadd.s32 $0x6000, v13;
	_ =	sdelay $0x1  }
0x1a2: {  	v14 =	vsel vm0, v14, v16  }
0x1a3: {  	[tilespmem:s15+$0x1D170] =	vst v14  }
0x1a4: {  	v14 =	vld.idx.msk [tilespmem:v15+s4+$0x0], $0xffff;
	v15 =	vadd.s32 $0x8000, v10  }
0x1a5: {  	v16 =	vld.idx.msk [tilespmem:v17+s23+$0x0], $0xffff;
	v15 =	vsel vm1, v2, v15  }
0x1a6: {  	[tilespmem:s15+$0x1D380] =	vst v15;
	_ =	sdelay $0x1  }
0x1a7: {  	v15 =	vadd.s32 $0x6480, v12  }
0x1a8: {  	v17 =	vadd.s32 $0x6080, v13;
	_ =	sdelay $0x1  }
0x1a9: {  	v14 =	vsel vm0, v14, v16  }
0x1aa: {  	[tilespmem:s15+$0x1D180] =	vst v14  }
0x1ab: {  	v14 =	vld.idx.msk [tilespmem:v15+s4+$0x0], $0xffff;
	v15 =	vadd.s32 $0x8080, v10  }
0x1ac: {  	v16 =	vld.idx.msk [tilespmem:v17+s23+$0x0], $0xffff;
	v15 =	vsel vm1, v3, v15  }
0x1ad: {  	[tilespmem:s15+$0x1D390] =	vst v15;
	_ =	sdelay $0x1  }
0x1ae: {  	v15 =	vadd.s32 $0x6500, v12  }
0x1af: {  	v17 =	vadd.s32 $0x6100, v13;
	_ =	sdelay $0x1  }
0x1b0: {  	v14 =	vsel vm0, v14, v16  }
0x1b1: {  	[tilespmem:s15+$0x1D190] =	vst v14  }
0x1b2: {  	v14 =	vld.idx.msk [tilespmem:v15+s4+$0x0], $0xffff;
	v15 =	vadd.s32 $0x8100, v10  }
0x1b3: {  	v16 =	vld.idx.msk [tilespmem:v17+s23+$0x0], $0xffff;
	v15 =	vsel vm1, v4, v15  }
0x1b4: {  	[tilespmem:s15+$0x1D3A0] =	vst v15;
	_ =	sdelay $0x1  }
0x1b5: {  	v15 =	vadd.s32 $0x6180, v13  }
0x1b6: {  	v17 =	vadd.s32 $0x6580, v12;
	_ =	sdelay $0x1  }
0x1b7: {  	v14 =	vsel vm0, v14, v16  }
0x1b8: {  	[tilespmem:s15+$0x1D1A0] =	vst v14  }
0x1b9: {  	v14 =	vld.idx.msk [tilespmem:v15+s23+$0x0], $0xffff;
	v15 =	vadd.s32 $0x8180, v10  }
0x1ba: {  	v16 =	vld.idx.msk [tilespmem:v17+s4+$0x0], $0xffff;
	v15 =	vsel vm1, v5, v15  }
0x1bb: {  	[tilespmem:s15+$0x1D3B0] =	vst v15;
	_ =	sdelay $0x1  }
0x1bc: {  	v15 =	vadd.s32 $0x6600, v12  }
0x1bd: {  	v17 =	vadd.s32 $0x6200, v13;
	_ =	sdelay $0x1  }
0x1be: {  	v14 =	vsel vm0, v16, v14  }
0x1bf: {  	[tilespmem:s15+$0x1D1B0] =	vst v14  }
0x1c0: {  	v14 =	vld.idx.msk [tilespmem:v15+s4+$0x0], $0xffff;
	v15 =	vadd.s32 $0x8200, v10  }
0x1c1: {  	v16 =	vld.idx.msk [tilespmem:v17+s23+$0x0], $0xffff;
	v15 =	vsel vm1, v6, v15  }
0x1c2: {  	[tilespmem:s15+$0x1D3C0] =	vst v15;
	_ =	sdelay $0x1  }
0x1c3: {  	v15 =	vadd.s32 $0x6680, v12  }
0x1c4: {  	v17 =	vadd.s32 $0x6280, v13;
	_ =	sdelay $0x1  }
0x1c5: {  	v14 =	vsel vm0, v14, v16  }
0x1c6: {  	[tilespmem:s15+$0x1D1C0] =	vst v14  }
0x1c7: {  	v14 =	vld.idx.msk [tilespmem:v15+s4+$0x0], $0xffff;
	v15 =	vadd.s32 $0x8280, v10  }
0x1c8: {  	v16 =	vld.idx.msk [tilespmem:v17+s23+$0x0], $0xffff;
	v15 =	vsel vm1, v7, v15  }
0x1c9: {  	[tilespmem:s15+$0x1D3D0] =	vst v15;
	_ =	sdelay $0x1  }
0x1ca: {  	v15 =	vadd.s32 $0x6700, v12  }
0x1cb: {  	v17 =	vadd.s32 $0x6300, v13;
	_ =	sdelay $0x1  }
0x1cc: {  	v13 =	vsel vm0, v14, v16  }
0x1cd: {  	[tilespmem:s15+$0x1D1D0] =	vst v13  }
.Ltmp7:
0x1ce: {  	v13 =	vld.idx.msk [tilespmem:v15+s4+$0x0], $0xffff;
	v15 =	vadd.s32 $0x8300, v10;
	(pc) =	sbr.rel @p5 .LBB2_6-.Ltmp7, $3  }
0x1cf: {  	v14 =	vld.idx.msk [tilespmem:v17+s23+$0x0], $0xffff;
	v15 =	vsel vm1, v8, v15  }
0x1d0: {  	[tilespmem:s15+$0x1D3E0] =	vst v15;
	_ =	sdelay $0x1  }
0x1d1: {  	s30 =	sadd.s32 $0x10, s30;
	v12 =	vadd.s32 $0x6780, v12  }
.LBB2_7:
0x1d2: {  	_ =	sdelay $0x2  }
0x1d3: {  	v13 =	vsel vm0, v13, v14  }
0x1d4: {  	[tilespmem:s15+$0x1D1E0] =	vst v13  }
0x1d5: {  	v12 =	vld.idx.msk [tilespmem:v12+s4+$0x0], $0xffff  }
0x1d6: {  	v11 =	vld.idx.msk [tilespmem:v11+s23+$0x0], $0xffff;
	_ =	sdelay $0x2  }
0x1d7: {  	v10 =	vadd.s32 $0x8380, v10  }
0x1d8: {  	v10 =	vsel vm1, v9, v10  }
0x1d9: {  	[tilespmem:s15+$0x1D3F0] =	vst v10;
	v10 =	vsel vm0, v12, v11  }
0x1da: {  	s1 =	sadd.s32 $0x1D100, s15;
	s9 =	sadd.s32 $0x1D300, s15;
	[tilespmem:s15+$0x1D1F0] =	vst v10  }
0x1db: {  	[spmem:s2] =	stream.indirect.scatter [tilespmem:s1], [sflag:$0x4], $0x1, s9, s28, $0xb8;
	[tilespmem:$0x1E508] =	vst v63  }
0x1dc: {  	s30 =	sadd.s32 $0x1D180, s15;
	s31 =	sadd.s32 $0x1D380, s15  }
0x1dd: {  	[spmem:s2] =	stream.indirect.scatter [tilespmem:s30], [sflag:$0x4], $0x1, s31, s28, $0xb8;
	[tilespmem:$0x1E508] =	vst v63  }
.LBB2_8:
0x1de: {  	p5 =	sgt.s32 s10, $0x2;
	s1 =	smov.u32 s10  }
0x1df: {  	s1 =	simm.s32 @!p5 $0x2  }
0x1e0: {  	s9 =	sadd.s32 $0xFFFFFFFE, s1  }
0x1e1: {  	p5 =	sge.s32 s9, s10  }
.Ltmp8:
0x1e2: {  	_ = 	snop;
	(pc) =	sbr.rel @p5 .LBB2_12-.Ltmp8, $1  }
0x1e3: {  	_ =	sdelay $0x3  }
0x1e4: {  	s9 =	simm.s32 $0xFFFFFFFF  }
0x1e5: {  	s9 =	simm.s32 @!p4 $0x0  }
0x1e6: {  	s7 =	sadd.s32 s9, s7  }
0x1e7: {  	s1 =	ssub.s32 s7, s1  }
0x1e8: {  	s1 =	sadd.s32 $0x2, s1  }
0x1e9: {  	p4 =	sne.s32 s1, $0x1  }
.Ltmp9:
0x1ea: {  	_ =	swait.ge [sflag:s29], $0x80;
	(pc) =	sbr.rel @!p4 .LBB2_11-.Ltmp9, $4  }
0x1eb: {  	[sflag:s29] =	ssyncset.done $0x0  }
0x1ec: {  	[sflag:s29] =	ssyncadd.s32 $0xFFFFFF80  }
0x1ed: {  	_ =	swait.ge [sflag:s29], $0x80  }
0x1ee: {  	[sflag:s29] =	ssyncset.done $0x0;
	s1 =	sadd.s32 $0xFFFFFFFF, s1  }
.LBB2_10:
0x1ef: {  	p4 =	sne.s32 s1, $0x1;
	s1 =	sadd.s32 $0xFFFFFFFF, s1;
	[sflag:s29] =	ssyncadd.s32 $0xFFFFFF80  }
.Ltmp10:
0x1f0: {  	_ =	swait.ge [sflag:s29], $0x80;
	(pc) =	sbr.rel @p4 .LBB2_10-.Ltmp10, $4  }
0x1f1: {  	[sflag:s29] =	ssyncset.done $0x0  }
0x1f2: {  	[sflag:s29] =	ssyncadd.s32 $0xFFFFFF80  }
0x1f3: {  	_ =	swait.ge [sflag:s29], $0x80  }
0x1f4: {  	[sflag:s29] =	ssyncset.done $0x0  }
.LBB2_11:
0x1f5: {  	[sflag:s29] =	ssyncadd.s32 $0xFFFFFF80  }
.LBB2_12:
.Ltmp11:
0x1f6: {  	(pc) =	sbr.rel @!p3 .LBB2_23-.Ltmp11, $2  }
0x1f7: {  	_ =	sdelay $0x2  }
0x1f8: {  	s10 =	simm.s32 $0x0  }
0x1f9: {  	s1 =	sand.u32 $0xF80, s10  }
0x1fa: {  	s7 =	sand.u32 $0x70, s10;
	s1 =	sadd.s32 s1, s20  }
0x1fb: {  	s1 =	sadd.s32 s7, s1  }
0x1fc: {  	v10 =	vld [tilespmem:s1+$0x0];
	_ =	sdelay $0x4  }
0x1fd: {  	v11 =	vand.u32 $0xFFFFFFC0, v10  }
0x1fe: {  	vm0 =	veq.s32 v11, $0x27AC00  }
0x1ff: {  	v12 =	vsel vm0, $0x1, v0  }
0x200: {  	(xrf0) =	vadd.scan.msk.s32 $0xffff, v12;
	_ =	sdelay $0x5  }
0x201: {  	v12, _, _ =	vpop (xrf0)  }
0x202: {  	(v2sf) =	vpush v12, $0xF;
	_ =	sdelay $0xe  }
0x203: {  	s31 =	spop (v2sf)  }
0x204: {  	s7 =	simm.s32 $0x10;
	p4 =	slt.s32 s31, $0x1  }
0x205: {  	s11 =	simm.s32 $0x20;
	s15 =	sand.u32 $0xF80, s7;
	vm0 =	veq.s32 @!p4 v11, $0x27AC00;
	v10 =	vadd.s32 @!p4 $0xFFD85400, v10;
	v11 =	vlaneseq.u32 @!p4  }
0x206: {  	s1 =	sand.u32 $0x70, s7;
	s15 =	sadd.s32 s15, s20;
	s9 =	sadd.s32 $0x0, s31;
	[tilespmem:s10+$0x1B000] =	vst.msk @!p4 vm0, v10;
	v10 =	vor.u32 @!p4 s10, v11  }
.LBB2_14:
0x207: {  	s1 =	sadd.s32 s1, s15;
	[tilespmem:s10+$0x1C080] =	vst.msk @!p4 vm0, v10;
	s21 =	smov.u32 s11;
	s11 =	sadd.s32 $0x10, s11  }
0x208: {  	s10 =	smov.u32 s9;
	p3 =	sne.s32 s11, $0x1000;
	v10 =	vld [tilespmem:s1+$0x0];
	_ =	sdelay $0x4  }
0x209: {  	v11 =	vand.u32 $0xFFFFFFC0, v10  }
0x20a: {  	vm0 =	veq.s32 v11, $0x27AC00  }
0x20b: {  	v12 =	vsel vm0, $0x1, v0  }
0x20c: {  	(xrf0) =	vadd.scan.msk.s32 $0xffff, v12;
	_ =	sdelay $0x5  }
0x20d: {  	v12, _, _ =	vpop (xrf0)  }
0x20e: {  	(v2sf) =	vpush v12, $0xF;
	_ =	sdelay $0xd  }
.Ltmp12:
0x20f: {  	(pc) =	sbr.rel @p3 .LBB2_14-.Ltmp12, $4  }
0x210: {  	s1 =	spop (v2sf)  }
0x211: {  	p4 =	slt.s32 s1, $0x1;
	s9 =	sadd.s32 s9, s1  }
0x212: {  	s15 =	sand.u32 $0xF80, s21;
	vm0 =	veq.s32 @!p4 v11, $0x27AC00;
	v10 =	vadd.s32 @!p4 $0xFFD85400, v10;
	v11 =	vlaneseq.u32 @!p4  }
0x213: {  	s15 =	sadd.s32 s15, s20;
	s1 =	sand.u32 $0x70, s21;
	[tilespmem:s10+$0x1B000] =	vst.msk @!p4 vm0, v10;
	v10 =	vor.u32 @!p4 s7, v11;
	s7 =	smov.u32 s21  }
0x214: {  	s1 =	sadd.s32 s1, s15;
	[tilespmem:s10+$0x1C080] =	vst.msk @!p4 vm0, v10  }
0x215: {  	v10 =	vld [tilespmem:s1+$0x0];
	_ =	sdelay $0x4  }
0x216: {  	v11 =	vand.u32 $0xFFFFFFC0, v10  }
0x217: {  	vm15 =	veq.s32 v11, $0x27AC00  }
0x218: {  	v12 =	vsel vm15, $0x1, v0  }
0x219: {  	(xrf0) =	vadd.scan.msk.s32 $0xffff, v12;
	_ =	sdelay $0x5  }
0x21a: {  	v12, _, _ =	vpop (xrf0)  }
0x21b: {  	(v2sf) =	vpush v12, $0xF;
	_ =	sdelay $0xe  }
0x21c: {  	s20 =	spop (v2sf)  }
0x21d: {  	s11 =	sadd.s32 s9, s20  }
0x21e: {  	s21 =	sadd.s32 $0xF, s11  }
0x21f: {  	s22 =	sand.u32 $0xF, s21  }
0x220: {  	s30 =	sshra.s32 s21, $0x1F;
	p6 =	slt.s32 s21, $0x1;
	p3 =	sne.s32 s22, $0x0  }
0x221: {  	p5 =	slt.s32 s20, $0x1;
	s31 =	sshrl.u32 s30, $0x1C;
	p3 =	por !p6, !p3  }
0x222: {  	s10 =	simm.s32 $0x1;
	vm0 =	veq.s32 @!p5 v11, $0x27AC00;
	v10 =	vadd.s32 @!p5 $0xFFD85400, v10;
	v11 =	vlaneseq.u32 @!p5;
	s1 =	sadd.s32 s31, s21;
	p3 =	por !p3, !p3  }
0x223: {  	[tilespmem:s9+$0x1B000] =	vst.msk @!p5 vm0, v10;
	v10 =	vor.u32 @!p5 s7, v11;
	s7 =	sshra.s32 s1, $0x4;
	s10 =	simm.s32 @!p3 $0x0  }
0x224: {  	s10 =	ssub.s32 s7, s10  }
0x225: {  	p4 =	slt.s32 s10, $0x1  }
.Ltmp13:
0x226: {  	_ = 	snop;
	(pc) =	sbr.rel @p4 .LBB2_19-.Ltmp13, $4  }
0x227: {  	_ = 	snop  }
0x228: {  	[tilespmem:s9+$0x1C080] =	vst.msk @!p5 vm0, v10  }
0x229: {  	[tilespmem:s11+$0x1B000] =	vst v0  }
0x22a: {  	[tilespmem:s11+$0x1C080] =	vst v1  }
0x22b: {  	s11 =	simm.s32 $0x1B000  }
0x22c: {  	v13 =	vld [tilespmem:s11+$0x0];
	_ =	sdelay $0x2  }
0x22d: {  	s1 =	simm.s32 $0x1C080;
	p4 =	por $0x1, $0x1  }
0x22e: {  	v14 =	vld [tilespmem:s1+$0x0];
	s1 =	simm.s32 @!p4 $0x4  }
0x22f: {  	_ =	swait.ge @!p4 [sflag:s1], $0x80;
	vm0 =	vlt.s32 v13, $0xC7F;
	v11 =	vadd.s32 $0xFFFFF380, v13  }
0x230: {  	[sflag:s1] =	ssyncset.done @!p4 $0x0;
	v10 =	vnsel vm0, $0xC7F, v13;
	vm0 =	vgt.s32 v11, $0x0  }
0x231: {  	[sflag:s1] =	ssyncadd.s32 @!p4 $0xFFFFFF80;
	v11 =	vnsel vm0, $0x0, v11  }
0x232: {  	_ =	swait.ge @!p4 [sflag:s1], $0x80  }
0x233: {  	[sflag:s1] =	ssyncset.done @!p4 $0x0  }
0x234: {  	[sflag:s1] =	ssyncadd.s32 @!p4 $0xFFFFFF80  }
0x235: {  	v15 =	vld.idx.msk [tilespmem:v10+s18+$0x0], $0xffff  }
0x236: {  	v16 =	vld.idx.msk [tilespmem:v11+s18+$0x0], $0xffff  }
0x237: {  	v12 =	vshll.u32 v14, $0x3;
	v17 =	vand.u32 $0x7F, v14  }
0x238: {  	v12 =	vand.u32 $0xFFFFFC00, v12;
	v18 =	vadd.s32 $0x80, v10;
	v11 =	vand.u32 $0x7FFFFFFF, v11  }
0x239: {  	s22 =	simm.s32 $0x0;
	vm1 =	vgt.s32 v14, $0xFFF;
	v12 =	vor.u32 v17, v12;
	v17 =	vadd.s32 $0x80, v11  }
0x23a: {  	s15 =	sand.u32 $0x100, s22;
	vm0 =	vlt.s32 v13, $0xC80;
	v13 =	vsel vm1, v2, v12  }
0x23b: {  	[tilespmem:s15+$0x1D300] =	vst v13;
	v14 =	vsel vm0, v15, v16  }
0x23c: {  	[tilespmem:s15+$0x1D100] =	vst v14  }
0x23d: {  	v13 =	vld.idx.msk [tilespmem:v18+s18+$0x0], $0xffff  }
0x23e: {  	v14 =	vld.idx.msk [tilespmem:v17+s18+$0x0], $0xffff;
	_ =	sdelay $0x1  }
0x23f: {  	v15 =	vadd.s32 $0x100, v10  }
0x240: {  	v16 =	vor.u32 $0x80, v12;
	v17 =	vadd.s32 $0x100, v11  }
0x241: {  	v16 =	vsel vm1, v3, v16  }
0x242: {  	[tilespmem:s15+$0x1D310] =	vst v16;
	v13 =	vsel vm0, v13, v14  }
0x243: {  	[tilespmem:s15+$0x1D110] =	vst v13  }
0x244: {  	v13 =	vld.idx.msk [tilespmem:v15+s18+$0x0], $0xffff  }
0x245: {  	v14 =	vld.idx.msk [tilespmem:v17+s18+$0x0], $0xffff;
	_ =	sdelay $0x1  }
0x246: {  	v15 =	vadd.s32 $0x180, v10  }
0x247: {  	v16 =	vor.u32 $0x100, v12;
	v17 =	vadd.s32 $0x180, v11  }
0x248: {  	v16 =	vsel vm1, v4, v16  }
0x249: {  	[tilespmem:s15+$0x1D320] =	vst v16;
	v13 =	vsel vm0, v13, v14  }
0x24a: {  	[tilespmem:s15+$0x1D120] =	vst v13  }
0x24b: {  	v13 =	vld.idx.msk [tilespmem:v15+s18+$0x0], $0xffff  }
0x24c: {  	v14 =	vld.idx.msk [tilespmem:v17+s18+$0x0], $0xffff;
	_ =	sdelay $0x1  }
0x24d: {  	v15 =	vadd.s32 $0x200, v10  }
0x24e: {  	v16 =	vor.u32 $0x180, v12;
	v17 =	vadd.s32 $0x200, v11  }
0x24f: {  	v16 =	vsel vm1, v5, v16  }
0x250: {  	[tilespmem:s15+$0x1D330] =	vst v16;
	v13 =	vsel vm0, v13, v14  }
0x251: {  	[tilespmem:s15+$0x1D130] =	vst v13  }
0x252: {  	v13 =	vld.idx.msk [tilespmem:v15+s18+$0x0], $0xffff  }
0x253: {  	v14 =	vld.idx.msk [tilespmem:v17+s18+$0x0], $0xffff;
	_ =	sdelay $0x1  }
0x254: {  	v15 =	vadd.s32 $0x280, v10  }
0x255: {  	v16 =	vadd.s32 $0x280, v11;
	v17 =	vor.u32 $0x200, v12  }
0x256: {  	v17 =	vsel vm1, v6, v17  }
0x257: {  	[tilespmem:s15+$0x1D340] =	vst v17;
	v13 =	vsel vm0, v13, v14  }
0x258: {  	[tilespmem:s15+$0x1D140] =	vst v13  }
0x259: {  	v13 =	vld.idx.msk [tilespmem:v15+s18+$0x0], $0xffff  }
0x25a: {  	v14 =	vld.idx.msk [tilespmem:v16+s18+$0x0], $0xffff;
	_ =	sdelay $0x1  }
0x25b: {  	v15 =	vadd.s32 $0x300, v10  }
0x25c: {  	v17 =	vadd.s32 $0x300, v11;
	v16 =	vor.u32 $0x280, v12  }
0x25d: {  	v16 =	vsel vm1, v7, v16  }
0x25e: {  	[tilespmem:s15+$0x1D350] =	vst v16;
	v13 =	vsel vm0, v13, v14  }
0x25f: {  	[tilespmem:s15+$0x1D150] =	vst v13  }
0x260: {  	v13 =	vld.idx.msk [tilespmem:v15+s18+$0x0], $0xffff  }
0x261: {  	v14 =	vld.idx.msk [tilespmem:v17+s18+$0x0], $0xffff;
	_ =	sdelay $0x1  }
0x262: {  	v15 =	vadd.s32 $0x380, v10  }
0x263: {  	v16 =	vor.u32 $0x300, v12;
	v17 =	vadd.s32 $0x380, v11  }
0x264: {  	v16 =	vsel vm1, v8, v16  }
0x265: {  	[tilespmem:s15+$0x1D360] =	vst v16;
	v13 =	vsel vm0, v13, v14  }
0x266: {  	[tilespmem:s15+$0x1D160] =	vst v13  }
0x267: {  	v13 =	vld.idx.msk [tilespmem:v15+s18+$0x0], $0xffff  }
0x268: {  	v14 =	vld.idx.msk [tilespmem:v17+s18+$0x0], $0xffff;
	_ =	sdelay $0x1  }
0x269: {  	v15 =	vadd.s32 $0x400, v10  }
0x26a: {  	v16 =	vor.u32 $0x380, v12;
	v17 =	vadd.s32 $0x400, v11  }
0x26b: {  	v16 =	vsel vm1, v9, v16  }
0x26c: {  	[tilespmem:s15+$0x1D370] =	vst v16;
	v13 =	vsel vm0, v13, v14  }
0x26d: {  	[tilespmem:s15+$0x1D170] =	vst v13  }
0x26e: {  	v13 =	vld.idx.msk [tilespmem:v15+s18+$0x0], $0xffff  }
0x26f: {  	v14 =	vld.idx.msk [tilespmem:v17+s18+$0x0], $0xffff;
	_ =	sdelay $0x1  }
0x270: {  	v15 =	vadd.s32 $0x480, v10  }
0x271: {  	v16 =	vadd.s32 $0x8000, v12;
	v17 =	vadd.s32 $0x480, v11  }
0x272: {  	v16 =	vsel vm1, v2, v16  }
0x273: {  	[tilespmem:s15+$0x1D380] =	vst v16;
	v13 =	vsel vm0, v13, v14  }
0x274: {  	[tilespmem:s15+$0x1D180] =	vst v13  }
0x275: {  	v13 =	vld.idx.msk [tilespmem:v15+s18+$0x0], $0xffff  }
0x276: {  	v14 =	vld.idx.msk [tilespmem:v17+s18+$0x0], $0xffff;
	_ =	sdelay $0x1  }
0x277: {  	v15 =	vadd.s32 $0x500, v10  }
0x278: {  	v16 =	vadd.s32 $0x8080, v12;
	v17 =	vadd.s32 $0x500, v11  }
0x279: {  	v16 =	vsel vm1, v3, v16  }
0x27a: {  	[tilespmem:s15+$0x1D390] =	vst v16;
	v13 =	vsel vm0, v13, v14  }
0x27b: {  	[tilespmem:s15+$0x1D190] =	vst v13  }
0x27c: {  	v13 =	vld.idx.msk [tilespmem:v15+s18+$0x0], $0xffff  }
0x27d: {  	v14 =	vld.idx.msk [tilespmem:v17+s18+$0x0], $0xffff;
	_ =	sdelay $0x1  }
0x27e: {  	v15 =	vadd.s32 $0x580, v10  }
0x27f: {  	v16 =	vadd.s32 $0x8100, v12;
	v17 =	vadd.s32 $0x580, v11  }
0x280: {  	v16 =	vsel vm1, v4, v16  }
0x281: {  	[tilespmem:s15+$0x1D3A0] =	vst v16;
	v13 =	vsel vm0, v13, v14  }
0x282: {  	[tilespmem:s15+$0x1D1A0] =	vst v13  }
0x283: {  	v13 =	vld.idx.msk [tilespmem:v15+s18+$0x0], $0xffff  }
0x284: {  	v14 =	vld.idx.msk [tilespmem:v17+s18+$0x0], $0xffff;
	_ =	sdelay $0x1  }
0x285: {  	v15 =	vadd.s32 $0x600, v10  }
0x286: {  	v16 =	vadd.s32 $0x8180, v12;
	v17 =	vadd.s32 $0x600, v11  }
0x287: {  	v16 =	vsel vm1, v5, v16  }
0x288: {  	[tilespmem:s15+$0x1D3B0] =	vst v16;
	v13 =	vsel vm0, v13, v14  }
0x289: {  	[tilespmem:s15+$0x1D1B0] =	vst v13  }
0x28a: {  	v13 =	vld.idx.msk [tilespmem:v15+s18+$0x0], $0xffff  }
0x28b: {  	v14 =	vld.idx.msk [tilespmem:v17+s18+$0x0], $0xffff;
	_ =	sdelay $0x1  }
0x28c: {  	v15 =	vadd.s32 $0x680, v10  }
0x28d: {  	v16 =	vadd.s32 $0x8200, v12;
	v17 =	vadd.s32 $0x680, v11  }
0x28e: {  	v16 =	vsel vm1, v6, v16  }
0x28f: {  	[tilespmem:s15+$0x1D3C0] =	vst v16;
	v13 =	vsel vm0, v13, v14  }
0x290: {  	[tilespmem:s15+$0x1D1C0] =	vst v13  }
0x291: {  	v13 =	vld.idx.msk [tilespmem:v15+s18+$0x0], $0xffff  }
0x292: {  	v14 =	vld.idx.msk [tilespmem:v17+s18+$0x0], $0xffff;
	_ =	sdelay $0x1  }
0x293: {  	v15 =	vadd.s32 $0x700, v10  }
0x294: {  	v16 =	vadd.s32 $0x8280, v12;
	v17 =	vadd.s32 $0x700, v11  }
0x295: {  	p4 =	sne.s32 s10, $0x1;
	v16 =	vsel vm1, v7, v16  }
.Ltmp14:
0x296: {  	[tilespmem:s15+$0x1D3D0] =	vst v16;
	v13 =	vsel vm0, v13, v14;
	(pc) =	sbr.rel @!p4 .LBB2_18-.Ltmp14, $4  }
0x297: {  	[tilespmem:s15+$0x1D1D0] =	vst v13  }
0x298: {  	s3 =	smov.u32 s17;
	s20 =	simm.s32 $0x0;
	v13 =	vadd.s32 $0x8300, v12;
	v14 =	vld.idx.msk [tilespmem:v15+s18+$0x0], $0xffff  }
0x299: {  	s9 =	simm.s32 $0x1;
	s22 =	simm.s32 $0x1C090;
	s30 =	sadd.s32 $0x1D100, s15;
	v12 =	vadd.s32 $0x8380, v12;
	v16 =	vsel vm1, v8, v13;
	v15 =	vld.idx.msk [tilespmem:v17+s18+$0x0], $0xffff  }
0x29a: {  	s31 =	sadd.s32 $0x1D300, s15;
	s21 =	sadd.s32 $0x1D180, s15;
	s1 =	sadd.s32 $0x1D380, s15;
	v13 =	vsel vm1, v9, v12;
	[tilespmem:s15+$0x1D3E0] =	vst v16;
	v16 =	vadd.s32 $0x780, v10;
	v10 =	vadd.s32 $0x780, v11  }
.LBB2_17:
0x29b: {  	s20 =	sadd.s32 $0x400, s20  }
0x29c: {  	s11 =	sadd.s32 $0x10, s11;
	s17 =	smov.u32 s9;
	s9 =	sadd.s32 $0x1, s9  }
0x29d: {  	p4 =	sne.s32 s10, s9  }
0x29e: {  	v11 =	vsel vm0, v14, v15  }
0x29f: {  	[tilespmem:s15+$0x1D1E0] =	vst v11  }
0x2a0: {  	v11 =	vld.idx.msk [tilespmem:v16+s18+$0x0], $0xffff  }
0x2a1: {  	v10 =	vld.idx.msk [tilespmem:v10+s18+$0x0], $0xffff  }
0x2a2: {  	[tilespmem:s15+$0x1D3F0] =	vst v13;
	_ =	sdelay $0x4  }
0x2a3: {  	v10 =	vsel vm0, v11, v10  }
0x2a4: {  	[tilespmem:s15+$0x1D1F0] =	vst v10  }
0x2a5: {  	[spmem:s2] =	stream.indirect.scatter [tilespmem:s30], [sflag:$0x4], $0x1, s31, s28, $0xb8;
	[tilespmem:$0x1E508] =	vst v63  }
0x2a6: {  	_ = 	snop  }
0x2a7: {  	[spmem:s2] =	stream.indirect.scatter [tilespmem:s21], [sflag:$0x4], $0x1, s1, s28, $0xb8;
	[tilespmem:$0x1E508] =	vst v63  }
0x2a8: {  	p5 =	slt.u32 s17, $0x2;
	v13 =	vld [tilespmem:s11+$0x0]  }
0x2a9: {  	s1 =	simm.s32 @!p5 $0x4;
	v14 =	vld [tilespmem:s22+$0x0]  }
0x2aa: {  	_ =	swait.ge @!p5 [sflag:s1], $0x80  }
0x2ab: {  	[sflag:s1] =	ssyncset.done @!p5 $0x0  }
0x2ac: {  	[sflag:s1] =	ssyncadd.s32 @!p5 $0xFFFFFF80  }
0x2ad: {  	vm0 =	vlt.s32 v13, $0xC7F;
	v11 =	vadd.s32 $0xFFFFF380, v13  }
0x2ae: {  	v10 =	vnsel vm0, $0xC7F, v13;
	vm0 =	vgt.s32 v11, $0x0;
	v12 =	vshll.u32 v14, $0x3  }
0x2af: {  	v15 =	vnsel vm0, $0x0, v11;
	v11 =	vand.u32 $0xFFFFFC00, v12;
	v12 =	vand.u32 $0x7F, v14  }
0x2b0: {  	v11 =	vor.u32 v12, v11;
	_ =	swait.ge @!p5 [sflag:s1], $0x80  }
0x2b1: {  	[sflag:s1] =	ssyncset.done @!p5 $0x0;
	v16 =	vor.u32 $0x80, v11;
	v17 =	vor.u32 $0x100, v11;
	v18 =	vor.u32 $0x180, v11  }
0x2b2: {  	v19 =	vor.u32 $0x280, v11;
	v20 =	vor.u32 $0x300, v11;
	[sflag:s1] =	ssyncadd.s32 @!p5 $0xFFFFFF80  }
0x2b3: {  	v21 =	vld.idx.msk [tilespmem:v10+s18+$0x0], $0xffff  }
0x2b4: {  	v22 =	vld.idx.msk [tilespmem:v15+s18+$0x0], $0xffff;
	_ =	sdelay $0x1  }
0x2b5: {  	v12 =	vand.u32 $0x7FFFFFFF, v15  }
0x2b6: {  	v23 =	vadd.s32 $0x80, v12;
	v15 =	vadd.s32 $0x80, v10  }
0x2b7: {  	vm1 =	vgt.s32 v14, $0xFFF;
	s1 =	sshrl.u32 s20, $0x2  }
0x2b8: {  	vm0 =	vlt.s32 v13, $0xC80;
	v13 =	vsel vm1, v2, v11;
	v14 =	vsel vm1, v3, v16;
	s15 =	sand.u32 $0x100, s1  }
0x2b9: {  	v16 =	vsel vm0, v21, v22;
	[tilespmem:s15+$0x1D300] =	vst v13;
	v13 =	vsel vm1, v4, v17;
	v17 =	vsel vm1, v5, v18  }
0x2ba: {  	v18 =	vsel vm1, v8, v20;
	[tilespmem:s15+$0x1D100] =	vst v16;
	v16 =	vsel vm1, v7, v19  }
0x2bb: {  	v15 =	vld.idx.msk [tilespmem:v15+s18+$0x0], $0xffff  }
0x2bc: {  	v19 =	vld.idx.msk [tilespmem:v23+s18+$0x0], $0xffff;
	_ =	sdelay $0x2  }
0x2bd: {  	v21 =	vadd.s32 $0x100, v12;
	v20 =	vadd.s32 $0x100, v10;
	_ =	sdelay $0x2  }
0x2be: {  	v15 =	vsel vm0, v15, v19;
	[tilespmem:s15+$0x1D310] =	vst v14  }
0x2bf: {  	[tilespmem:s15+$0x1D110] =	vst v15  }
0x2c0: {  	v14 =	vld.idx.msk [tilespmem:v20+s18+$0x0], $0xffff  }
0x2c1: {  	v15 =	vld.idx.msk [tilespmem:v21+s18+$0x0], $0xffff;
	_ =	sdelay $0x2  }
0x2c2: {  	v19 =	vadd.s32 $0x180, v10;
	v20 =	vadd.s32 $0x180, v12;
	_ =	sdelay $0x2  }
0x2c3: {  	v14 =	vsel vm0, v14, v15;
	[tilespmem:s15+$0x1D320] =	vst v13  }
0x2c4: {  	[tilespmem:s15+$0x1D120] =	vst v14  }
0x2c5: {  	v13 =	vld.idx.msk [tilespmem:v19+s18+$0x0], $0xffff  }
0x2c6: {  	v14 =	vld.idx.msk [tilespmem:v20+s18+$0x0], $0xffff;
	_ =	sdelay $0x2  }
0x2c7: {  	v15 =	vadd.s32 $0x200, v10;
	v19 =	vadd.s32 $0x200, v12;
	_ =	sdelay $0x2  }
0x2c8: {  	v13 =	vsel vm0, v13, v14;
	[tilespmem:s15+$0x1D330] =	vst v17  }
0x2c9: {  	[tilespmem:s15+$0x1D130] =	vst v13  }
0x2ca: {  	v13 =	vld.idx.msk [tilespmem:v15+s18+$0x0], $0xffff  }
0x2cb: {  	v14 =	vld.idx.msk [tilespmem:v19+s18+$0x0], $0xffff;
	_ =	sdelay $0x2  }
0x2cc: {  	v17 =	vadd.s32 $0x280, v12;
	v15 =	vadd.s32 $0x280, v10  }
0x2cd: {  	v19 =	vor.u32 $0x200, v11  }
0x2ce: {  	v19 =	vsel vm1, v6, v19  }
0x2cf: {  	v13 =	vsel vm0, v13, v14;
	[tilespmem:s15+$0x1D340] =	vst v19  }
0x2d0: {  	[tilespmem:s15+$0x1D140] =	vst v13  }
0x2d1: {  	v13 =	vld.idx.msk [tilespmem:v15+s18+$0x0], $0xffff  }
0x2d2: {  	v14 =	vld.idx.msk [tilespmem:v17+s18+$0x0], $0xffff;
	_ =	sdelay $0x2  }
0x2d3: {  	v15 =	vadd.s32 $0x300, v10;
	v17 =	vadd.s32 $0x300, v12;
	_ =	sdelay $0x2  }
0x2d4: {  	v13 =	vsel vm0, v13, v14;
	[tilespmem:s15+$0x1D350] =	vst v16  }
0x2d5: {  	[tilespmem:s15+$0x1D150] =	vst v13  }
0x2d6: {  	v13 =	vld.idx.msk [tilespmem:v15+s18+$0x0], $0xffff  }
0x2d7: {  	v14 =	vld.idx.msk [tilespmem:v17+s18+$0x0], $0xffff  }
0x2d8: {  	[tilespmem:s15+$0x1D360] =	vst v18;
	_ =	sdelay $0x1  }
0x2d9: {  	v16 =	vadd.s32 $0x380, v12;
	v15 =	vadd.s32 $0x380, v10;
	_ =	sdelay $0x2  }
0x2da: {  	v13 =	vsel vm0, v13, v14  }
0x2db: {  	[tilespmem:s15+$0x1D160] =	vst v13;
	v13 =	vor.u32 $0x380, v11  }
0x2dc: {  	v14 =	vld.idx.msk [tilespmem:v15+s18+$0x0], $0xffff;
	v13 =	vsel vm1, v9, v13  }
0x2dd: {  	v15 =	vld.idx.msk [tilespmem:v16+s18+$0x0], $0xffff  }
0x2de: {  	[tilespmem:s15+$0x1D370] =	vst v13;
	_ =	sdelay $0x1  }
0x2df: {  	v16 =	vadd.s32 $0x400, v12;
	v13 =	vadd.s32 $0x400, v10;
	_ =	sdelay $0x2  }
0x2e0: {  	v14 =	vsel vm0, v14, v15;
	v15 =	vadd.s32 $0x8000, v11  }
0x2e1: {  	[tilespmem:s15+$0x1D170] =	vst v14;
	v14 =	vsel vm1, v2, v15  }
0x2e2: {  	v13 =	vld.idx.msk [tilespmem:v13+s18+$0x0], $0xffff  }
0x2e3: {  	v15 =	vld.idx.msk [tilespmem:v16+s18+$0x0], $0xffff  }
0x2e4: {  	[tilespmem:s15+$0x1D380] =	vst v14;
	_ =	sdelay $0x1  }
0x2e5: {  	v16 =	vadd.s32 $0x480, v12;
	v14 =	vadd.s32 $0x480, v10;
	_ =	sdelay $0x1  }
0x2e6: {  	v17 =	vadd.s32 $0x8080, v11  }
0x2e7: {  	v13 =	vsel vm0, v13, v15;
	v15 =	vsel vm1, v3, v17  }
0x2e8: {  	[tilespmem:s15+$0x1D180] =	vst v13  }
0x2e9: {  	v13 =	vld.idx.msk [tilespmem:v14+s18+$0x0], $0xffff  }
0x2ea: {  	v14 =	vld.idx.msk [tilespmem:v16+s18+$0x0], $0xffff  }
0x2eb: {  	[tilespmem:s15+$0x1D390] =	vst v15;
	_ =	sdelay $0x1  }
0x2ec: {  	v16 =	vadd.s32 $0x500, v12;
	v15 =	vadd.s32 $0x500, v10  }
0x2ed: {  	v17 =	vadd.s32 $0x8100, v11  }
0x2ee: {  	v17 =	vsel vm1, v4, v17  }
0x2ef: {  	v13 =	vsel vm0, v13, v14  }
0x2f0: {  	[tilespmem:s15+$0x1D190] =	vst v13  }
0x2f1: {  	v13 =	vld.idx.msk [tilespmem:v15+s18+$0x0], $0xffff  }
0x2f2: {  	v14 =	vld.idx.msk [tilespmem:v16+s18+$0x0], $0xffff  }
0x2f3: {  	[tilespmem:s15+$0x1D3A0] =	vst v17;
	_ =	sdelay $0x1  }
0x2f4: {  	v15 =	vadd.s32 $0x580, v10;
	v16 =	vadd.s32 $0x580, v12;
	v17 =	vadd.s32 $0x8180, v11  }
0x2f5: {  	v17 =	vsel vm1, v5, v17;
	_ =	sdelay $0x1  }
0x2f6: {  	v13 =	vsel vm0, v13, v14  }
0x2f7: {  	[tilespmem:s15+$0x1D1A0] =	vst v13  }
0x2f8: {  	v13 =	vld.idx.msk [tilespmem:v15+s18+$0x0], $0xffff  }
0x2f9: {  	v14 =	vld.idx.msk [tilespmem:v16+s18+$0x0], $0xffff  }
0x2fa: {  	[tilespmem:s15+$0x1D3B0] =	vst v17  }
0x2fb: {  	v15 =	vadd.s32 $0x8200, v11  }
0x2fc: {  	v16 =	vadd.s32 $0x600, v10;
	v15 =	vsel vm1, v6, v15;
	v17 =	vadd.s32 $0x600, v12;
	_ =	sdelay $0x2  }
0x2fd: {  	v13 =	vsel vm0, v13, v14  }
0x2fe: {  	[tilespmem:s15+$0x1D1B0] =	vst v13  }
0x2ff: {  	v13 =	vld.idx.msk [tilespmem:v16+s18+$0x0], $0xffff  }
0x300: {  	v14 =	vld.idx.msk [tilespmem:v17+s18+$0x0], $0xffff  }
0x301: {  	[tilespmem:s15+$0x1D3C0] =	vst v15;
	v15 =	vadd.s32 $0x8280, v11  }
0x302: {  	v15 =	vsel vm1, v7, v15  }
0x303: {  	v16 =	vadd.s32 $0x680, v10;
	v17 =	vadd.s32 $0x680, v12;
	_ =	sdelay $0x2  }
0x304: {  	v13 =	vsel vm0, v13, v14  }
0x305: {  	[tilespmem:s15+$0x1D1C0] =	vst v13  }
0x306: {  	v13 =	vld.idx.msk [tilespmem:v16+s18+$0x0], $0xffff  }
0x307: {  	v16 =	vadd.s32 $0x8300, v11;
	v14 =	vld.idx.msk [tilespmem:v17+s18+$0x0], $0xffff  }
0x308: {  	v16 =	vsel vm1, v8, v16;
	[tilespmem:s15+$0x1D3D0] =	vst v15;
	_ =	sdelay $0x1  }
0x309: {  	v17 =	vadd.s32 $0x700, v12;
	v15 =	vadd.s32 $0x700, v10;
	_ =	sdelay $0x2  }
0x30a: {  	v13 =	vsel vm0, v13, v14  }
0x30b: {  	[tilespmem:s15+$0x1D1D0] =	vst v13  }
.Ltmp15:
0x30c: {  	v11 =	vadd.s32 $0x8380, v11;
	v14 =	vld.idx.msk [tilespmem:v15+s18+$0x0], $0xffff;
	(pc) =	sbr.rel @p4 .LBB2_17-.Ltmp15, $3  }
0x30d: {  	v13 =	vsel vm1, v9, v11;
	v15 =	vld.idx.msk [tilespmem:v17+s18+$0x0], $0xffff  }
0x30e: {  	s30 =	sadd.s32 $0x1D100, s15;
	s31 =	sadd.s32 $0x1D300, s15;
	[tilespmem:s15+$0x1D3E0] =	vst v16;
	_ =	sdelay $0x1  }
0x30f: {  	s22 =	sadd.s32 $0x10, s22;
	s21 =	sadd.s32 $0x1D180, s15;
	s1 =	sadd.s32 $0x1D380, s15;
	v16 =	vadd.s32 $0x780, v10;
	v10 =	vadd.s32 $0x780, v12  }
.LBB2_18:
0x310: {  	_ =	sdelay $0x2  }
0x311: {  	v11 =	vsel vm0, v14, v15  }
0x312: {  	[tilespmem:s15+$0x1D1E0] =	vst v11  }
0x313: {  	v11 =	vld.idx.msk [tilespmem:v16+s18+$0x0], $0xffff  }
0x314: {  	v10 =	vld.idx.msk [tilespmem:v10+s18+$0x0], $0xffff;
	_ =	sdelay $0x4  }
0x315: {  	[tilespmem:s15+$0x1D3F0] =	vst v13;
	v10 =	vsel vm0, v11, v10  }
0x316: {  	[tilespmem:s15+$0x1D1F0] =	vst v10  }
0x317: {  	[spmem:s2] =	stream.indirect.scatter [tilespmem:s30], [sflag:$0x4], $0x1, s31, s28, $0xb8;
	[tilespmem:$0x1E508] =	vst v63  }
0x318: {  	s17 =	smov.u32 s3;
	s3 =	stileid.u32  }
0x319: {  	[spmem:s2] =	stream.indirect.scatter [tilespmem:s21], [sflag:$0x4], $0x1, s1, s28, $0xb8;
	[tilespmem:$0x1E508] =	vst v63  }
.LBB2_19:
0x31a: {  	p4 =	sgt.s32 s10, $0x2;
	s1 =	smov.u32 s10  }
0x31b: {  	s1 =	simm.s32 @!p4 $0x2  }
0x31c: {  	s9 =	sadd.s32 $0xFFFFFFFE, s1  }
0x31d: {  	p4 =	sge.s32 s9, s10  }
.Ltmp16:
0x31e: {  	_ = 	snop;
	(pc) =	sbr.rel @p4 .LBB2_23-.Ltmp16, $1  }
0x31f: {  	_ =	sdelay $0x3  }
0x320: {  	s9 =	simm.s32 $0xFFFFFFFF  }
0x321: {  	s9 =	simm.s32 @!p3 $0x0  }
0x322: {  	s7 =	sadd.s32 s9, s7  }
0x323: {  	s1 =	ssub.s32 s7, s1  }
0x324: {  	s1 =	sadd.s32 $0x2, s1  }
0x325: {  	p3 =	sne.s32 s1, $0x1  }
.Ltmp17:
0x326: {  	_ =	swait.ge [sflag:s29], $0x80;
	(pc) =	sbr.rel @!p3 .LBB2_22-.Ltmp17, $4  }
0x327: {  	[sflag:s29] =	ssyncset.done $0x0  }
0x328: {  	[sflag:s29] =	ssyncadd.s32 $0xFFFFFF80  }
0x329: {  	_ =	swait.ge [sflag:s29], $0x80  }
0x32a: {  	[sflag:s29] =	ssyncset.done $0x0;
	s1 =	sadd.s32 $0xFFFFFFFF, s1  }
.LBB2_21:
0x32b: {  	p3 =	sne.s32 s1, $0x1;
	s1 =	sadd.s32 $0xFFFFFFFF, s1;
	[sflag:s29] =	ssyncadd.s32 $0xFFFFFF80  }
.Ltmp18:
0x32c: {  	_ =	swait.ge [sflag:s29], $0x80;
	(pc) =	sbr.rel @p3 .LBB2_21-.Ltmp18, $4  }
0x32d: {  	[sflag:s29] =	ssyncset.done $0x0  }
0x32e: {  	[sflag:s29] =	ssyncadd.s32 $0xFFFFFF80  }
0x32f: {  	_ =	swait.ge [sflag:s29], $0x80  }
0x330: {  	[sflag:s29] =	ssyncset.done $0x0  }
.LBB2_22:
0x331: {  	[sflag:s29] =	ssyncadd.s32 $0xFFFFFF80  }
.LBB2_23:
.Ltmp19:
0x332: {  	(pc) =	sbr.rel @p2 .LBB2_25-.Ltmp19, $1  }
0x333: {  	_ =	sdelay $0x3  }
0x334: {  	s9 =	sadd.s32 $0x1, s16  }
0x335: {  	s1 =	smul.u32 $0x186A0, s9;
	s7 =	sshll.u32 s9, $0x5  }
0x336: {  	s7 =	sand.u32 $0x60, s7  }
0x337: {  	s1 =	ssub.s32 s1, s7  }
0x338: {  	s7 =	sadd.s32 s5, s1  }
0x339: {  	s11 =	simm.s32 $0x13D6400;
	s10 =	sand.u32 $0xFFFFF80, s7  }
0x33a: {  	s15 =	simm.s32 $0x6400;
	p2 =	sne.s32 @!p1 s9, $0x19;
	s10 =	sadd.s32 s17, s10  }
0x33b: {  	[tilespmem:s4], [sflag:$0x1] =	stream.strided.gather [hbm4b:s10+s15], $0xC800, s11, s15, $0x38;
	[tilespmem:$0x1E508] =	vst v63  }
0x33c: {  	p2 =	por p1, p2  }
0x33d: {  	[tilespmem:s23], [sflag:$0x2] =	stream.linear.gather @!p2 [hbm4b:s14+s4], $0x5400, $0x38;
	[tilespmem:$0x1E508] =	vst v63  }
0x33e: {  	s1 =	sadd.s32 @!p2 $0x27AC80, s14;
	s7 =	simm.s32 @!p2 $0x12800  }
0x33f: {  	[tilespmem:s7], [sflag:$0x2] =	stream.linear.gather @!p2 [hbm4b:s1+s4], $0x5400, $0x38;
	[tilespmem:$0x1E508] =	vst v63  }
0x340: {  	s7 =	sshll.u32 @p2 s7, $0x3  }
0x341: {  	s1 =	sand.u32 @p2 $0x60, s1;
	s7 =	sand.u32 @p2 $0xFFFFFC00, s7  }
.Ltmp20:
0x342: {  	s1 =	sor.u32 @p2 s1, s7;
	(pc) =	sbr.rel .LBB2_25-.Ltmp20, $4  }
0x343: {  	s1 =	sadd.s32 @p2 $0x6400, s1  }
0x344: {  	s1 =	sshrl.u32 @p2 s1, $0x3  }
0x345: {  	s9 =	simm.s32 @p2 $0x6000;
	s7 =	simm.s32 @p2 $0x13D6400;
	s1 =	sadd.s32 @p2 s17, s1  }
0x346: {  	[tilespmem:s23], [sflag:$0x2] =	stream.strided.gather @p2 [hbm4b:s1+s9], $0xC000, s7, s9, $0x38;
	[tilespmem:$0x1E508] =	vst v63  }
.LBB2_27:
0x347: {  	_ =	sfence.sel $0x180000  }
0x348: {  	[bflag:$0x0] =	sbarrier.arrive $0xFFFF  }
0x349: {  	_ =	strace $0x9000004A  }
0x34a: {  	[bflag:$0x2] =	sbarrier.arrive $0xFFFF  }
0x34b: {  	p0 =	sne.s32 s3, $0x0;
	s0 =	rddreg [dreg:$0x3]  }
0x34c: {  	s0 =	sadd.s32 @!p0 $0x100000, s0  }
0x34d: {  	[sflag:s0] =	ssyncadd.tile.s32 @!p0 $0x1;
	_ =	shalt  }
.Lfunc_end2:
_tile_overlayer_lowered:
.L_overlay_start_2:
0x34e: {  	(tag) =	ssettag $0x2  }
0x34f: {  	s0 =	rddreg [dreg:$0x0];
	s2 =	stileid.u32  }
0x350: {  	s1 =	rddreg [dreg:$0x1];
	p0 =	sne.s32 s2, $0x0  }
0x351: {  	s3 =	rddreg [dreg:$0x2];
	[bflag:$0x3] =	sbarrier.arrive $0xFFFF;
	s2 =	simm.s32 @!p0 $0x1C05  }
0x352: {  	[timem:s3], [sflag:s2] =	dma.local @!p0 [hbm:s0], s1  }
0x353: {  	s0 =	simm.s32 @!p0 $0x5  }
0x354: {  	_ =	swait.ge @!p0 [sflag:s0], s1  }
0x355: {  	s1 =	ssub.s32 @!p0 $0x0, s1;
	[sflag:s0] =	ssyncset.done @!p0 $0x0  }
0x356: {  	[sflag:s0] =	ssyncadd.s32 @!p0 s1  }
0x357: {  	[bflag:$0x3] =	sbarrier.arrive $0xFFFF  }
0x358: {  	_ =	shalt  }

// kernel: kernel.8.cloned.1.call-start
scs
__scs_entry_jumppad:
0x0: {  	(pc) =	sbr.rel $0x88, $3  }
0x1: {  	(tag) =	ssettag $0x0;
	lr =	simm.s32 $0x1  }
0x2: {  	[smem:$0x3F91] =	sst lr;
	_ =	strace $0xD0000000  }
0x3: {  	_ = 	snop  }
0x4: {  	_ = 	snop  }
0x5: {  	_ = 	snop  }
0x6: {  	_ = 	snop  }
0x7: {  	_ = 	snop  }
__scs_overlays_trampoline_lowered:
0x8: {  	[smem:$0x3FA0] =	sst s0  }
0x9: {  	[smem:$0x3FA1] =	sst s1  }
0xa: {  	[smem:$0x3FA2] =	sst s2  }
0xb: {  	[smem:$0x3FA3] =	sst s3  }
0xc: {  	[smem:$0x3FA4] =	sst s4  }
0xd: {  	[smem:$0x3FA5] =	sst s5  }
0xe: {  	[smem:$0x3FA6] =	sst s6  }
0xf: {  	[smem:$0x3FA7] =	sst s7  }
0x10: {  	[smem:$0x3FA8] =	sst s8  }
0x11: {  	[smem:$0x3FA9] =	sst s9;
	s0 =	simm.s32 @!p0 $0x0  }
0x12: {  	s1 =	sld [smem:$0x3F8F];
	s0 =	simm.s32 @p0 $0x1  }
0x13: {  	[smem:$0x3FAA] =	sst s0;
	s0 =	simm.s32 @!p1 $0x0  }
0x14: {  	s2 =	sld [smem:$0x3F8E];
	s0 =	simm.s32 @p1 $0x1  }
0x15: {  	[smem:$0x3FAB] =	sst s0;
	s0 =	simm.s32 @!p2 $0x0  }
0x16: {  	s3 =	sld [smem:$0x3FDB];
	s0 =	simm.s32 @p2 $0x1  }
0x17: {  	s4 =	simm.s32 $0x1BF5;
	[smem:$0x3FAD] =	sst s0  }
0x18: {  	s0 =	sld [smem:$0x3F90];
	_ =	swait.ge [sflag:s4], $0x0  }
0x19: {  	s7 =	sld [smem:$0x3F91]  }
0x1a: {  	s8 =	sadd.s32 $0xFFFFE003, lr  }
0x1b: {  	s9 =	sadd.s32 $0xFFFFFEF7, lr;
	s5 =	simm.s32 $0xFFFFFFFF;
	p2 =	slt.u32 s8, $0xFFFFF086  }
0x1c: {  	p1 =	slt.u32 s9, $0xF7A;
	s5 =	simm.s32 @!p2 $0x0  }
0x1d: {  	s5 =	simm.s32 @p1 $0x1;
	p0 =	seq.s32 s7, s2  }
0x1e: {  	s7 =	smul.u32 @!p0 $0xF7A, s2;
	p2 =	seq.s32 @!p0 s5, $0x0  }
0x1f: {  	s9 =	smul.u32 $0xF7A, s1;
	s8 =	simm.s32 @!p0 $0x1BF5;
	p2 =	por !p2, p0  }
0x20: {  	[sflag:s8] =	ssyncset.s32 @!p0 $0xFFFFF086;
	s6 =	sadd.s32 @!p0 s3, s7;
	s7 =	simm.s32 @!p0 $0x108  }
0x21: {  	s3 =	sadd.s32 s3, s9;
	s6 =	sadd.s32 @!p0 $0x88, s6;
	s7 =	simm.s32 @p2 $0x1082  }
0x22: {  	[simem:s7], [sflag:s8] =	dma.local @!p0 [hbm:s6], $0xF7A  }
0x23: {  	s9 =	sor.u32 $0xD0000000, s2;
	s6 =	simm.s32 $0x108;
	_ =	swait.ge @!p0 [sflag:s8], $0x0  }
0x24: {  	s3 =	sadd.s32 $0x88, s3;
	s6 =	simm.s32 @!p1 $0x1082;
	[sflag:s4] =	ssyncset.s32 $0xFFFFF086  }
0x25: {  	[simem:s6], [sflag:s4] =	dma.local [hbm:s3], $0xF7A  }
0x26: {  	[smem:$0x3F91] =	sst s1;
	(tag) =	ssettag s2;
	_ =	strace s9  }
0x27: {  	s1 =	sld [smem:$0x3FA1]  }
0x28: {  	s2 =	sld [smem:$0x3FA2]  }
0x29: {  	s4 =	sld [smem:$0x3FA4]  }
0x2a: {  	p0 =	seq.s32 s5, $0x0;
	s5 =	sld [smem:$0x3FA5]  }
0x2b: {  	s6 =	sld [smem:$0x3FA6]  }
0x2c: {  	s7 =	sld [smem:$0x3FA7]  }
0x2d: {  	s3 =	simm.s32 $0x108;
	s8 =	sld [smem:$0x3FA8]  }
0x2e: {  	s3 =	simm.s32 @!p0 $0x1082;
	s9 =	sld [smem:$0x3FA9]  }
0x2f: {  	lr =	sadd.s32 s0, s3;
	s0 =	sld [smem:$0x3FA0]  }
0x30: {  	s3 =	sld [smem:$0x3FA3]  }
0x31: {  	[smem:$0x3FAC] =	sst s10  }
0x32: {  	s10 =	sld [smem:$0x3FAA];
	_ =	sdelay $0x3  }
0x33: {  	p0 =	seq.s32 s10, $0x1;
	s10 =	sld [smem:$0x3FAC];
	_ =	sdelay $0x3  }
0x34: {  	[smem:$0x3FAC] =	sst s10  }
0x35: {  	s10 =	sld [smem:$0x3FAB];
	_ =	sdelay $0x3  }
0x36: {  	p1 =	seq.s32 s10, $0x1;
	s10 =	sld [smem:$0x3FAC];
	_ =	sdelay $0x3  }
0x37: {  	[smem:$0x3FAC] =	sst s10  }
0x38: {  	s10 =	sld [smem:$0x3FAD]  }
0x39: {  	_ = 	snop;
	(pc) =	sbr.ind lr, $3  }
0x3a: {  	_ = 	snop  }
0x3b: {  	_ = 	snop  }
0x3c: {  	p2 =	seq.s32 s10, $0x1;
	s10 =	sld [smem:$0x3FAC]  }
0x3d: {  	_ =	shalt  }
0x3e: {  	_ =	shalt  }
0x3f: {  	_ =	shalt  }
0x40: {  	_ =	shalt  }
0x41: {  	_ =	shalt  }
0x42: {  	_ =	shalt  }
0x43: {  	_ =	shalt  }
0x44: {  	_ =	shalt  }
0x45: {  	_ =	shalt  }
0x46: {  	_ =	shalt  }
0x47: {  	_ =	shalt  }
0x48: {  	_ =	shalt  }
0x49: {  	_ =	shalt  }
0x4a: {  	_ =	shalt  }
0x4b: {  	_ =	shalt  }
0x4c: {  	_ =	shalt  }
0x4d: {  	_ =	shalt  }
0x4e: {  	_ =	shalt  }
0x4f: {  	_ =	shalt  }
0x50: {  	_ =	shalt  }
0x51: {  	_ =	shalt  }
0x52: {  	_ =	shalt  }
0x53: {  	_ =	shalt  }
0x54: {  	_ =	shalt  }
0x55: {  	_ =	shalt  }
0x56: {  	_ =	shalt  }
0x57: {  	_ =	shalt  }
0x58: {  	_ =	shalt  }
0x59: {  	_ =	shalt  }
0x5a: {  	_ =	shalt  }
0x5b: {  	_ =	shalt  }
0x5c: {  	_ =	shalt  }
0x5d: {  	_ =	shalt  }
0x5e: {  	_ =	shalt  }
0x5f: {  	_ =	shalt  }
0x60: {  	_ =	shalt  }
0x61: {  	_ =	shalt  }
0x62: {  	_ =	shalt  }
0x63: {  	_ =	shalt  }
0x64: {  	_ =	shalt  }
0x65: {  	_ =	shalt  }
0x66: {  	_ =	shalt  }
0x67: {  	_ =	shalt  }
0x68: {  	_ =	shalt  }
0x69: {  	_ =	shalt  }
0x6a: {  	_ =	shalt  }
0x6b: {  	_ =	shalt  }
0x6c: {  	_ =	shalt  }
0x6d: {  	_ =	shalt  }
0x6e: {  	_ =	shalt  }
0x6f: {  	_ =	shalt  }
0x70: {  	_ =	shalt  }
0x71: {  	_ =	shalt  }
0x72: {  	_ =	shalt  }
0x73: {  	_ =	shalt  }
0x74: {  	_ =	shalt  }
0x75: {  	_ =	shalt  }
0x76: {  	_ =	shalt  }
0x77: {  	_ =	shalt  }
0x78: {  	_ =	shalt  }
0x79: {  	_ =	shalt  }
0x7a: {  	_ =	shalt  }
0x7b: {  	_ =	shalt  }
0x7c: {  	_ =	shalt  }
0x7d: {  	_ =	shalt  }
0x7e: {  	_ =	shalt  }
0x7f: {  	_ =	shalt  }
0x80: {  	_ =	shalt  }
0x81: {  	_ =	shalt  }
0x82: {  	_ =	shalt  }
0x83: {  	_ =	shalt  }
0x84: {  	_ =	shalt  }
0x85: {  	_ =	shalt  }
0x86: {  	_ =	shalt  }
0x87: {  	_ =	shalt  }
.Lfunc_end0:
.L_simem_size_0:
called_computation.1_lowered:
.L_overlay_start_0:
0x88: {  	s2 =	sld [smem:$0x3FD9]  }
0x89: {  	s3 =	sld [smem:$0x3FFE];
	_ =	sdelay $0x1  }
0x8a: {  	s1 =	srdreg.scid  }
0x8b: {  	s0 =	sand.u32 $0x1, s1  }
0x8c: {  	s16 =	sshll.u32 s0, $0xA;
	s2 =	sadd.s32 s3, s2  }
0x8d: {  	s2 =	sadd.s32 s2, s16  }
0x8e: {  	[smem:$0x3FB8] =	sst s2  }
0x8f: {  	_ = 	snop  }
0x90: {  	(tm) =	ssettm $0x1  }
0x91: {  	s17 =	sld [smem:$0x3FFB];
	_ =	sdelay $0x3  }
0x92: {  	_ =	strace s17  }
0x93: {  	s2 =	sld [smem:$0x3FFC];
	_ =	sdelay $0x3  }
0x94: {  	_ =	strace s2  }
0x95: {  	s2 =	sld [smem:$0x3FFD];
	_ =	sdelay $0x3  }
0x96: {  	_ =	strace s2  }
0x97: {  	_ =	strace $0x8FFFFFFF  }
0x98: {  	s18 =	sld [smem:$0x3FDB];
	_ =	sdelay $0x1  }
0x99: {  	s19 =	simm.s32 $_scs_section_size  }
0x9a: {  	s4 =	simm.s32 $_size__tile_overlayer_lowered;
	s5 =	simm.s32 $_tile_overlayer_lowered  }
0x9b: {  	s22 =	simm.s32 $0x1BFF;
	s21 =	sshll.u32 s5, $0x1;
	s2 =	sadd.s32 s19, s18  }
0x9c: {  	s6 =	simm.s32 $0x0;
	s20 =	sshll.u32 s4, $0x1;
	s4 =	sadd.s32 s21, s2  }
0x9d: {  	[timem:s6], [sflag:s22] =	dma.local [hbm:s4], s20  }
0x9e: {  	_ =	swait.ge [sflag:s22], s20  }
0x9f: {  	s3 =	ssub.s32 $0x0, s20;
	[sflag:s22] =	ssyncset.done $0x0  }
0xa0: {  	[sflag:s22] =	ssyncadd.s32 s3;
	_ =	sdelay $0x1  }
0xa1: {  	s23 =	simm.s32 $0x1B8B  }
0xa2: {  	_ =	swait.ge [sflag:s23], $0x1  }
0xa3: {  	[sflag:s23] =	ssyncset.done $0x0  }
0xa4: {  	s25 =	simm.s32 $0x1B8E;
	s24 =	sld [smem:$0x3FFE];
	[sflag:s23] =	ssyncadd.s32 $0xFFFFFFFF  }
0xa5: {  	s26 =	simm.s32 $execute0_lowered;
	[smem:$0x3FD2] =	sst s25  }
0xa6: {  	s4 =	sshll.u32 s26, $0x1;
	_ =	strace $0x80000046;
	[dreg:$0x1] =	wrdreg $0xFFFFFFFF  }
0xa7: {  	s28 =	simm.s32 $_size_execute0_lowered;
	s2 =	sadd.s32 s2, s4;
	[dreg:$0x0] =	wrdreg $0x0  }
0xa8: {  	s4 =	sshll.u32 s28, $0x1;
	[dreg:$0x2] =	wrdreg s2  }
0xa9: {  	[dreg:$0x3] =	wrdreg s4  }
0xaa: {  	[dreg:$0x4] =	wrdreg $0xC0  }
0xab: {  	_ =	task [dreg:s6], $0x5FFFF  }
0xac: {  	[dreg:$0x1] =	wrdreg $0xFFFFFFFF  }
0xad: {  	[dreg:$0x0] =	wrdreg $0x60  }
0xae: {  	[dreg:$0x2] =	wrdreg s24  }
0xaf: {  	[dreg:$0x3] =	wrdreg $0xA  }
0xb0: {  	_ =	task.clear_ibuf [dreg:s6], $0x4FFFF;
	_ =	strace $0x90000046  }
0xb1: {  	s29 =	simm.s32 $0xA;
	_ =	strace $0x80000048  }
0xb2: {  	_ =	swait.ge [sflag:s29], $0x1  }
0xb3: {  	[sflag:s29] =	ssyncadd.s32 $0xFFFFFFFF  }
0xb4: {  	_ =	strace $0x90000048  }
0xb5: {  	_ =	sfence  }
0xb6: {  	s30 =	sld [smem:$0x0];
	_ =	sdelay $0x2  }
0xb7: {  	s31 =	sshll.u32 s1, $0xD;
	s1 =	sshrl.u32 s1, $0x2  }
0xb8: {  	s3 =	sand.u32 $0x4000, s31;
	s1 =	sadd.s32 s1, s30  }
0xb9: {  	s0 =	sor.u32 s3, s0;
	s1 =	sshll.u32 s1, $0x11  }
0xba: {  	s0 =	sor.u32 s1, s0  }
0xbb: {  	s0 =	sadd.s32 $0x8F2B, s0  }
0xbc: {  	[sflag:s0] =	ssyncadd.remote.s32 $0x1  }
0xbd: {  	_ =	sfence.sel $0xFFFF  }
0xbe: {  	[dreg:$0x0] =	wrdreg $0xFFFFFFFF;
	(pc) =	sbr.abs _section_cstart, $3  }
0xbf: {  	[dreg:$0x1] =	wrdreg $0xFFFFFFFF  }
0xc0: {  	_ =	task.clear_ibuf [dreg:s6], $0x2FFFF;
	_ =	strace $0x9FFFFFFF  }
0xc1: {  	(tm) =	ssettm $0x7FFFFFFF  }
tec
execute0_lowered:
.L_overlay_start_1:
0x0: {  	(tag) =	ssettag $0x1  }
0x1: {  	s0 =	srdreg.scid;
	s2 =	stileid.u32  }
0x2: {  	s1 =	sand.u32 $0x1, s0;
	s20 =	sshll.u32 s2, $0x1  }
0x3: {  	s2 =	sor.u32 s1, s20  }
0x4: {  	s0 =	rddreg [dreg:$0x0];
	s3 =	smul.u32 $0x1A0, s2;
	s2 =	simm.s32 $0x0  }
0x5: {  	s21 =	simm.s32 $0xD80;
	[smem:$0x7FF] =	sst s2  }
0x6: {  	s22 =	simm.s32 $0x100;
	_ =	strace $0x80000047;
	[dreg:$0x4] =	wrdreg s21  }
0x7: {  	s23 =	simm.s32 $0xE00;
	[dreg:$0x5] =	wrdreg s22  }
0x8: {  	s24 =	simm.s32 $0x180;
	[dreg:$0x6] =	wrdreg s23  }
0x9: {  	s25 =	simm.s32 $0xE80;
	[dreg:$0x7] =	wrdreg s24  }
0xa: {  	s26 =	simm.s32 $0x200;
	[dreg:$0x8] =	wrdreg s25  }
0xb: {  	s5 =	simm.s32 $0x280;
	[dreg:$0x9] =	wrdreg s26  }
0xc: {  	s6 =	simm.s32 $0xF80;
	[dreg:$0xb] =	wrdreg s5  }
0xd: {  	s7 =	simm.s32 $0x300;
	[dreg:$0xc] =	wrdreg s6  }
0xe: {  	s8 =	simm.s32 $0x1000;
	[dreg:$0xd] =	wrdreg s7  }
0xf: {  	s9 =	simm.s32 $0x380;
	[dreg:$0xe] =	wrdreg s8  }
0x10: {  	s10 =	simm.s32 $0x1080;
	[dreg:$0xf] =	wrdreg s9  }
0x11: {  	s11 =	simm.s32 $0x400;
	[dreg:$0x10] =	wrdreg s10  }
0x12: {  	s12 =	simm.s32 $0x1100;
	[dreg:$0x11] =	wrdreg s11  }
0x13: {  	s13 =	simm.s32 $0x480;
	[dreg:$0x12] =	wrdreg s12  }
0x14: {  	s14 =	simm.s32 $0x1180;
	[dreg:$0x13] =	wrdreg s13  }
0x15: {  	s15 =	simm.s32 $0x500;
	[dreg:$0x14] =	wrdreg s14  }
0x16: {  	s16 =	simm.s32 $0x1200;
	[dreg:$0x15] =	wrdreg s15  }
0x17: {  	s17 =	simm.s32 $0x580;
	[dreg:$0x16] =	wrdreg s16  }
0x18: {  	s18 =	simm.s32 $0x1280;
	[dreg:$0x17] =	wrdreg s17  }
0x19: {  	s19 =	simm.s32 $0x600;
	[dreg:$0x18] =	wrdreg s18  }
0x1a: {  	s20 =	simm.s32 $0x1300;
	[dreg:$0x19] =	wrdreg s19  }
0x1b: {  	[dreg:$0x1a] =	wrdreg s20;
	s21 =	simm.s32 $0x680  }
0x1c: {  	s22 =	simm.s32 $0x1380;
	[dreg:$0x1b] =	wrdreg s21  }
0x1d: {  	s3 =	sadd.s32 s3, s0;
	s5 =	simm.s32 $0x700;
	[dreg:$0x1c] =	wrdreg s22  }
0x1e: {  	s4 =	sadd.s32 $0x1800, s3;
	[dreg:$0x1d] =	wrdreg s5  }
0x1f: {  	s3 =	sadd.s32 $0x54200, s3;
	[dreg:$0x2] =	wrdreg s4  }
0x20: {  	[dreg:$0x3] =	wrdreg s3;
	s4 =	simm.s32 $0xF00  }
0x21: {  	[dreg:$0xa] =	wrdreg s4  }
0x22: {  	s3 =	simm.s32 $0x2;
	s4 =	rddreg [dreg:$0x2]  }
0x23: {  	[tilespmem:s2], [sflag:$0x2] =	stream.linear.gather [hbm4b:s4+s2], $0xD00, $0x38;
	[tilespmem:$0x1A00] =	vst v63  }
0x24: {  	_ =	swait.ge [sflag:s3], $0xD00  }
0x25: {  	s7 =	rddreg [dreg:$0x1c]  }
0x26: {  	s8 =	rddreg [dreg:$0x1a]  }
0x27: {  	s9 =	rddreg [dreg:$0x18]  }
0x28: {  	s10 =	rddreg [dreg:$0x16]  }
0x29: {  	s11 =	rddreg [dreg:$0x14]  }
0x2a: {  	s12 =	rddreg [dreg:$0x12]  }
0x2b: {  	s13 =	rddreg [dreg:$0x10]  }
0x2c: {  	s14 =	rddreg [dreg:$0xe]  }
0x2d: {  	s15 =	rddreg [dreg:$0xc]  }
0x2e: {  	s6 =	simm.s32 $0x80;
	s16 =	rddreg [dreg:$0xa]  }
0x2f: {  	s5 =	sadd.s32 $0x4C00, s0;
	s23 =	rddreg [dreg:$0x5];
	[sflag:s3] =	ssyncset.done $0x0  }
0x30: {  	s4 =	simm.s32 $0xD00;
	s17 =	rddreg [dreg:$0x4];
	[sflag:s3] =	ssyncadd.s32 $0xFFFFF300  }
0x31: {  	[tilespmem:s4], [sflag:$0x1] =	stream.indirect.gather [hbm4b:s5+s6], $0x1, s2, s6, $0xb8;
	[tilespmem:$0x1A00] =	vst v63  }
0x32: {  	s18 =	rddreg [dreg:$0x6]  }
0x33: {  	[tilespmem:s17], [sflag:$0x1] =	stream.indirect.gather [hbm4b:s5+s6], $0x1, s6, s6, $0xb8;
	[tilespmem:$0x1A00] =	vst v63  }
0x34: {  	s19 =	rddreg [dreg:$0x8]  }
0x35: {  	[tilespmem:s18], [sflag:$0x1] =	stream.indirect.gather [hbm4b:s5+s6], $0x1, s23, s6, $0xb8;
	[tilespmem:$0x1A00] =	vst v63  }
0x36: {  	s24 =	rddreg [dreg:$0x7]  }
0x37: {  	[tilespmem:s19], [sflag:$0x1] =	stream.indirect.gather [hbm4b:s5+s6], $0x1, s24, s6, $0xb8;
	[tilespmem:$0x1A00] =	vst v63  }
0x38: {  	s25 =	rddreg [dreg:$0x9]  }
0x39: {  	[tilespmem:s16], [sflag:$0x1] =	stream.indirect.gather [hbm4b:s5+s6], $0x1, s25, s6, $0xb8;
	[tilespmem:$0x1A00] =	vst v63  }
0x3a: {  	s26 =	rddreg [dreg:$0xb]  }
0x3b: {  	[tilespmem:s15], [sflag:$0x1] =	stream.indirect.gather [hbm4b:s5+s6], $0x1, s26, s6, $0xb8;
	[tilespmem:$0x1A00] =	vst v63  }
0x3c: {  	s16 =	rddreg [dreg:$0xd]  }
0x3d: {  	[tilespmem:s14], [sflag:$0x1] =	stream.indirect.gather [hbm4b:s5+s6], $0x1, s16, s6, $0xb8;
	[tilespmem:$0x1A00] =	vst v63  }
0x3e: {  	s18 =	rddreg [dreg:$0xf]  }
0x3f: {  	[tilespmem:s13], [sflag:$0x1] =	stream.indirect.gather [hbm4b:s5+s6], $0x1, s18, s6, $0xb8;
	[tilespmem:$0x1A00] =	vst v63  }
0x40: {  	s19 =	rddreg [dreg:$0x11]  }
0x41: {  	[tilespmem:s12], [sflag:$0x1] =	stream.indirect.gather [hbm4b:s5+s6], $0x1, s19, s6, $0xb8;
	[tilespmem:$0x1A00] =	vst v63  }
0x42: {  	s20 =	rddreg [dreg:$0x13]  }
0x43: {  	[tilespmem:s11], [sflag:$0x1] =	stream.indirect.gather [hbm4b:s5+s6], $0x1, s20, s6, $0xb8;
	[tilespmem:$0x1A00] =	vst v63  }
0x44: {  	s21 =	rddreg [dreg:$0x15]  }
0x45: {  	[tilespmem:s10], [sflag:$0x1] =	stream.indirect.gather [hbm4b:s5+s6], $0x1, s21, s6, $0xb8;
	[tilespmem:$0x1A00] =	vst v63  }
0x46: {  	s22 =	rddreg [dreg:$0x17]  }
0x47: {  	[tilespmem:s9], [sflag:$0x1] =	stream.indirect.gather [hbm4b:s5+s6], $0x1, s22, s6, $0xb8;
	[tilespmem:$0x1A00] =	vst v63  }
0x48: {  	s23 =	rddreg [dreg:$0x19]  }
0x49: {  	[tilespmem:s8], [sflag:$0x1] =	stream.indirect.gather [hbm4b:s5+s6], $0x1, s23, s6, $0xb8;
	[tilespmem:$0x1A00] =	vst v63  }
0x4a: {  	s24 =	rddreg [dreg:$0x1b]  }
0x4b: {  	[tilespmem:s7], [sflag:$0x1] =	stream.indirect.gather [hbm4b:s5+s6], $0x1, s24, s6, $0xb8;
	[tilespmem:$0x1A00] =	vst v63  }
0x4c: {  	s25 =	rddreg [dreg:$0x1d];
	s26 =	simm.s32 $0x1400  }
0x4d: {  	[tilespmem:s26], [sflag:$0x1] =	stream.indirect.gather [hbm4b:s5+s6], $0x1, s25, s6, $0xb8;
	[tilespmem:$0x1A00] =	vst v63  }
0x4e: {  	s8 =	simm.s32 $0x1480;
	s7 =	simm.s32 $0x780  }
0x4f: {  	[tilespmem:s8], [sflag:$0x1] =	stream.indirect.gather [hbm4b:s5+s6], $0x1, s7, s6, $0xb8;
	[tilespmem:$0x1A00] =	vst v63  }
0x50: {  	s10 =	simm.s32 $0x1500;
	s9 =	simm.s32 $0x800  }
0x51: {  	[tilespmem:s10], [sflag:$0x1] =	stream.indirect.gather [hbm4b:s5+s6], $0x1, s9, s6, $0xb8;
	[tilespmem:$0x1A00] =	vst v63  }
0x52: {  	s12 =	simm.s32 $0x1580;
	s11 =	simm.s32 $0x880  }
0x53: {  	[tilespmem:s12], [sflag:$0x1] =	stream.indirect.gather [hbm4b:s5+s6], $0x1, s11, s6, $0xb8;
	[tilespmem:$0x1A00] =	vst v63  }
0x54: {  	s14 =	simm.s32 $0x1600;
	s13 =	simm.s32 $0x900  }
0x55: {  	[tilespmem:s14], [sflag:$0x1] =	stream.indirect.gather [hbm4b:s5+s6], $0x1, s13, s6, $0xb8;
	[tilespmem:$0x1A00] =	vst v63  }
0x56: {  	s15 =	simm.s32 $0x980;
	s16 =	simm.s32 $0x1680  }
0x57: {  	[tilespmem:s16], [sflag:$0x1] =	stream.indirect.gather [hbm4b:s5+s6], $0x1, s15, s6, $0xb8;
	[tilespmem:$0x1A00] =	vst v63  }
0x58: {  	s17 =	simm.s32 $0xA00;
	s18 =	simm.s32 $0x1700  }
0x59: {  	[tilespmem:s18], [sflag:$0x1] =	stream.indirect.gather [hbm4b:s5+s6], $0x1, s17, s6, $0xb8;
	[tilespmem:$0x1A00] =	vst v63  }
0x5a: {  	s20 =	simm.s32 $0xA80;
	s21 =	simm.s32 $0x1780  }
0x5b: {  	[tilespmem:s21], [sflag:$0x1] =	stream.indirect.gather [hbm4b:s5+s6], $0x1, s20, s6, $0xb8;
	[tilespmem:$0x1A00] =	vst v63  }
0x5c: {  	s22 =	simm.s32 $0xB00;
	s23 =	simm.s32 $0x1800  }
0x5d: {  	[tilespmem:s23], [sflag:$0x1] =	stream.indirect.gather [hbm4b:s5+s6], $0x1, s22, s6, $0xb8;
	[tilespmem:$0x1A00] =	vst v63  }
0x5e: {  	s25 =	simm.s32 $0xB80;
	s26 =	simm.s32 $0x1880  }
0x5f: {  	[tilespmem:s26], [sflag:$0x1] =	stream.indirect.gather [hbm4b:s5+s6], $0x1, s25, s6, $0xb8;
	[tilespmem:$0x1A00] =	vst v63  }
0x60: {  	s28 =	simm.s32 $0xC00;
	s29 =	simm.s32 $0x1900  }
0x61: {  	[tilespmem:s29], [sflag:$0x1] =	stream.indirect.gather [hbm4b:s5+s6], $0x1, s28, s6, $0xb8;
	[tilespmem:$0x1A00] =	vst v63  }
0x62: {  	s30 =	simm.s32 $0xC80;
	s31 =	simm.s32 $0x1980;
	s24 =	simm.s32 $0x1  }
0x63: {  	[tilespmem:s31], [sflag:$0x1] =	stream.indirect.gather [hbm4b:s5+s6], $0x1, s30, s6, $0xb8;
	[tilespmem:$0x1A00] =	vst v63  }
0x64: {  	_ =	swait.ge [sflag:s24], $0x80  }
0x65: {  	[sflag:s24] =	ssyncset.done $0x0  }
0x66: {  	[sflag:s24] =	ssyncadd.s32 $0xFFFFFF80  }
0x67: {  	_ =	swait.ge [sflag:s24], $0x80  }
0x68: {  	[sflag:s24] =	ssyncset.done $0x0  }
0x69: {  	[sflag:s24] =	ssyncadd.s32 $0xFFFFFF80  }
0x6a: {  	_ =	swait.ge [sflag:s24], $0x80  }
0x6b: {  	[sflag:s24] =	ssyncset.done $0x0  }
0x6c: {  	[sflag:s24] =	ssyncadd.s32 $0xFFFFFF80  }
0x6d: {  	_ =	swait.ge [sflag:s24], $0x80  }
0x6e: {  	[sflag:s24] =	ssyncset.done $0x0  }
0x6f: {  	[sflag:s24] =	ssyncadd.s32 $0xFFFFFF80  }
0x70: {  	_ =	swait.ge [sflag:s24], $0x80  }
0x71: {  	[sflag:s24] =	ssyncset.done $0x0  }
0x72: {  	[sflag:s24] =	ssyncadd.s32 $0xFFFFFF80  }
0x73: {  	_ =	swait.ge [sflag:s24], $0x80  }
0x74: {  	[sflag:s24] =	ssyncset.done $0x0  }
0x75: {  	[sflag:s24] =	ssyncadd.s32 $0xFFFFFF80  }
0x76: {  	_ =	swait.ge [sflag:s24], $0x80  }
0x77: {  	[sflag:s24] =	ssyncset.done $0x0  }
0x78: {  	[sflag:s24] =	ssyncadd.s32 $0xFFFFFF80  }
0x79: {  	_ =	swait.ge [sflag:s24], $0x80  }
0x7a: {  	[sflag:s24] =	ssyncset.done $0x0  }
0x7b: {  	[sflag:s24] =	ssyncadd.s32 $0xFFFFFF80  }
0x7c: {  	_ =	swait.ge [sflag:s24], $0x80  }
0x7d: {  	[sflag:s24] =	ssyncset.done $0x0  }
0x7e: {  	[sflag:s24] =	ssyncadd.s32 $0xFFFFFF80  }
0x7f: {  	_ =	swait.ge [sflag:s24], $0x80  }
0x80: {  	[sflag:s24] =	ssyncset.done $0x0  }
0x81: {  	[sflag:s24] =	ssyncadd.s32 $0xFFFFFF80  }
0x82: {  	_ =	swait.ge [sflag:s24], $0x80  }
0x83: {  	[sflag:s24] =	ssyncset.done $0x0  }
0x84: {  	[sflag:s24] =	ssyncadd.s32 $0xFFFFFF80  }
0x85: {  	_ =	swait.ge [sflag:s24], $0x80  }
0x86: {  	[sflag:s24] =	ssyncset.done $0x0  }
0x87: {  	[sflag:s24] =	ssyncadd.s32 $0xFFFFFF80  }
0x88: {  	_ =	swait.ge [sflag:s24], $0x80  }
0x89: {  	[sflag:s24] =	ssyncset.done $0x0  }
0x8a: {  	[sflag:s24] =	ssyncadd.s32 $0xFFFFFF80  }
0x8b: {  	_ =	swait.ge [sflag:s24], $0x80  }
0x8c: {  	[sflag:s24] =	ssyncset.done $0x0  }
0x8d: {  	[sflag:s24] =	ssyncadd.s32 $0xFFFFFF80  }
0x8e: {  	_ =	swait.ge [sflag:s24], $0x80  }
0x8f: {  	[sflag:s24] =	ssyncset.done $0x0  }
0x90: {  	[sflag:s24] =	ssyncadd.s32 $0xFFFFFF80  }
0x91: {  	_ =	swait.ge [sflag:s24], $0x80  }
0x92: {  	[sflag:s24] =	ssyncset.done $0x0  }
0x93: {  	[sflag:s24] =	ssyncadd.s32 $0xFFFFFF80  }
0x94: {  	_ =	swait.ge [sflag:s24], $0x80  }
0x95: {  	[sflag:s24] =	ssyncset.done $0x0  }
0x96: {  	[sflag:s24] =	ssyncadd.s32 $0xFFFFFF80  }
0x97: {  	_ =	swait.ge [sflag:s24], $0x80  }
0x98: {  	[sflag:s24] =	ssyncset.done $0x0  }
0x99: {  	[sflag:s24] =	ssyncadd.s32 $0xFFFFFF80  }
0x9a: {  	_ =	swait.ge [sflag:s24], $0x80  }
0x9b: {  	[sflag:s24] =	ssyncset.done $0x0  }
0x9c: {  	[sflag:s24] =	ssyncadd.s32 $0xFFFFFF80  }
0x9d: {  	_ =	swait.ge [sflag:s24], $0x80  }
0x9e: {  	[sflag:s24] =	ssyncset.done $0x0  }
0x9f: {  	[sflag:s24] =	ssyncadd.s32 $0xFFFFFF80  }
0xa0: {  	s19 =	ssub.s32 $0x2, s1;
	_ =	swait.ge [sflag:s24], $0x80  }
0xa1: {  	s1 =	sshrl.u32 s19, $0x1;
	[sflag:s24] =	ssyncset.done $0x0  }
0xa2: {  	s0 =	ssub.s32 s19, s1;
	[sflag:s24] =	ssyncadd.s32 $0xFFFFFF80  }
0xa3: {  	s0 =	smax.u32 s0, $0x1;
	_ =	swait.ge [sflag:s24], $0x80  }
0xa4: {  	p0 =	sne.s32 s0, $0x1;
	[sflag:s24] =	ssyncset.done $0x0  }
.Ltmp0:
0xa5: {  	[sflag:s24] =	ssyncadd.s32 $0xFFFFFF80;
	(pc) =	sbr.rel @!p0 .LBB2_2-.Ltmp0, $4  }
0xa6: {  	_ =	swait.ge [sflag:s24], $0x80  }
0xa7: {  	[sflag:s24] =	ssyncset.done $0x0  }
0xa8: {  	[sflag:s24] =	ssyncadd.s32 $0xFFFFFF80  }
0xa9: {  	s1 =	sadd.s32 $0xFFFFFFFF, s0;
	_ =	swait.ge [sflag:s24], $0x80  }
.LBB2_1:
0xaa: {  	[sflag:s24] =	ssyncset.done $0x0  }
0xab: {  	[sflag:s24] =	ssyncadd.s32 $0xFFFFFF80  }
0xac: {  	_ =	swait.ge [sflag:s24], $0x80  }
0xad: {  	[sflag:s24] =	ssyncset.done $0x0  }
0xae: {  	[sflag:s24] =	ssyncadd.s32 $0xFFFFFF80  }
0xaf: {  	_ =	swait.ge [sflag:s24], $0x80  }
0xb0: {  	[sflag:s24] =	ssyncset.done $0x0  }
0xb1: {  	s0 =	rddreg [dreg:$0x3];
	[sflag:s24] =	ssyncadd.s32 $0xFFFFFF80  }
0xb2: {  	[hbm4b:s0+s2] =	stream.linear.scatter [tilespmem:s4], [sflag:$0x2], $0xD00, $0x38;
	[tilespmem:$0x1A00] =	vst v63  }
0xb3: {  	_ =	swait.ge [sflag:s3], $0xD00  }
0xb4: {  	[sflag:s3] =	ssyncset.done $0x0  }
0xb5: {  	s17 =	rddreg [dreg:$0x2];
	[sflag:s3] =	ssyncadd.s32 $0xFFFFF300  }
0xb6: {  	[tilespmem:s2], [sflag:$0x2] =	stream.linear.gather [hbm4b:s17+s2], $0xD00, $0x38;
	[tilespmem:$0x1A00] =	vst v63  }
0xb7: {  	_ =	swait.ge [sflag:s3], $0xD00  }
0xb8: {  	s0 =	rddreg [dreg:$0x1c]  }
0xb9: {  	s7 =	rddreg [dreg:$0x1a]  }
0xba: {  	s8 =	rddreg [dreg:$0x18]  }
0xbb: {  	s9 =	rddreg [dreg:$0x16]  }
0xbc: {  	s10 =	rddreg [dreg:$0x14]  }
0xbd: {  	s11 =	rddreg [dreg:$0x12]  }
0xbe: {  	s12 =	rddreg [dreg:$0x10]  }
0xbf: {  	s13 =	rddreg [dreg:$0xe]  }
0xc0: {  	s14 =	rddreg [dreg:$0xc]  }
0xc1: {  	s15 =	rddreg [dreg:$0xa]  }
0xc2: {  	s16 =	rddreg [dreg:$0x5];
	[sflag:s3] =	ssyncset.done $0x0  }
0xc3: {  	s17 =	rddreg [dreg:$0x4];
	[sflag:s3] =	ssyncadd.s32 $0xFFFFF300  }
0xc4: {  	[tilespmem:s4], [sflag:$0x1] =	stream.indirect.gather [hbm4b:s5+s6], $0x1, s2, s6, $0xb8;
	[tilespmem:$0x1A00] =	vst v63  }
0xc5: {  	s18 =	rddreg [dreg:$0x6]  }
0xc6: {  	[tilespmem:s17], [sflag:$0x1] =	stream.indirect.gather [hbm4b:s5+s6], $0x1, s6, s6, $0xb8;
	[tilespmem:$0x1A00] =	vst v63  }
0xc7: {  	s19 =	rddreg [dreg:$0x8]  }
0xc8: {  	[tilespmem:s18], [sflag:$0x1] =	stream.indirect.gather [hbm4b:s5+s6], $0x1, s16, s6, $0xb8;
	[tilespmem:$0x1A00] =	vst v63  }
0xc9: {  	s17 =	rddreg [dreg:$0x7]  }
0xca: {  	[tilespmem:s19], [sflag:$0x1] =	stream.indirect.gather [hbm4b:s5+s6], $0x1, s17, s6, $0xb8;
	[tilespmem:$0x1A00] =	vst v63  }
0xcb: {  	s18 =	rddreg [dreg:$0x9]  }
0xcc: {  	[tilespmem:s15], [sflag:$0x1] =	stream.indirect.gather [hbm4b:s5+s6], $0x1, s18, s6, $0xb8;
	[tilespmem:$0x1A00] =	vst v63  }
0xcd: {  	s19 =	rddreg [dreg:$0xb]  }
0xce: {  	[tilespmem:s14], [sflag:$0x1] =	stream.indirect.gather [hbm4b:s5+s6], $0x1, s19, s6, $0xb8;
	[tilespmem:$0x1A00] =	vst v63  }
0xcf: {  	s16 =	rddreg [dreg:$0xd]  }
0xd0: {  	[tilespmem:s13], [sflag:$0x1] =	stream.indirect.gather [hbm4b:s5+s6], $0x1, s16, s6, $0xb8;
	[tilespmem:$0x1A00] =	vst v63  }
0xd1: {  	s17 =	rddreg [dreg:$0xf]  }
0xd2: {  	[tilespmem:s12], [sflag:$0x1] =	stream.indirect.gather [hbm4b:s5+s6], $0x1, s17, s6, $0xb8;
	[tilespmem:$0x1A00] =	vst v63  }
0xd3: {  	s18 =	rddreg [dreg:$0x11]  }
0xd4: {  	[tilespmem:s11], [sflag:$0x1] =	stream.indirect.gather [hbm4b:s5+s6], $0x1, s18, s6, $0xb8;
	[tilespmem:$0x1A00] =	vst v63  }
0xd5: {  	s19 =	rddreg [dreg:$0x13]  }
0xd6: {  	[tilespmem:s10], [sflag:$0x1] =	stream.indirect.gather [hbm4b:s5+s6], $0x1, s19, s6, $0xb8;
	[tilespmem:$0x1A00] =	vst v63  }
0xd7: {  	s14 =	rddreg [dreg:$0x15]  }
0xd8: {  	[tilespmem:s9], [sflag:$0x1] =	stream.indirect.gather [hbm4b:s5+s6], $0x1, s14, s6, $0xb8;
	[tilespmem:$0x1A00] =	vst v63  }
0xd9: {  	s15 =	rddreg [dreg:$0x17]  }
0xda: {  	[tilespmem:s8], [sflag:$0x1] =	stream.indirect.gather [hbm4b:s5+s6], $0x1, s15, s6, $0xb8;
	[tilespmem:$0x1A00] =	vst v63  }
0xdb: {  	s16 =	rddreg [dreg:$0x19]  }
0xdc: {  	[tilespmem:s7], [sflag:$0x1] =	stream.indirect.gather [hbm4b:s5+s6], $0x1, s16, s6, $0xb8;
	[tilespmem:$0x1A00] =	vst v63  }
0xdd: {  	s17 =	rddreg [dreg:$0x1b]  }
0xde: {  	[tilespmem:s0], [sflag:$0x1] =	stream.indirect.gather [hbm4b:s5+s6], $0x1, s17, s6, $0xb8;
	[tilespmem:$0x1A00] =	vst v63  }
0xdf: {  	s18 =	rddreg [dreg:$0x1d];
	s19 =	simm.s32 $0x1400  }
0xe0: {  	[tilespmem:s19], [sflag:$0x1] =	stream.indirect.gather [hbm4b:s5+s6], $0x1, s18, s6, $0xb8;
	[tilespmem:$0x1A00] =	vst v63  }
0xe1: {  	s9 =	simm.s32 $0x1480;
	s8 =	simm.s32 $0x780  }
0xe2: {  	[tilespmem:s9], [sflag:$0x1] =	stream.indirect.gather [hbm4b:s5+s6], $0x1, s8, s6, $0xb8;
	[tilespmem:$0x1A00] =	vst v63  }
0xe3: {  	s11 =	simm.s32 $0x1500;
	s10 =	simm.s32 $0x800  }
0xe4: {  	[tilespmem:s11], [sflag:$0x1] =	stream.indirect.gather [hbm4b:s5+s6], $0x1, s10, s6, $0xb8;
	[tilespmem:$0x1A00] =	vst v63  }
0xe5: {  	s13 =	simm.s32 $0x1580;
	s12 =	simm.s32 $0x880  }
0xe6: {  	[tilespmem:s13], [sflag:$0x1] =	stream.indirect.gather [hbm4b:s5+s6], $0x1, s12, s6, $0xb8;
	[tilespmem:$0x1A00] =	vst v63  }
0xe7: {  	s14 =	simm.s32 $0x900;
	s15 =	simm.s32 $0x1600  }
0xe8: {  	[tilespmem:s15], [sflag:$0x1] =	stream.indirect.gather [hbm4b:s5+s6], $0x1, s14, s6, $0xb8;
	[tilespmem:$0x1A00] =	vst v63  }
0xe9: {  	s16 =	simm.s32 $0x980;
	s17 =	simm.s32 $0x1680  }
0xea: {  	[tilespmem:s17], [sflag:$0x1] =	stream.indirect.gather [hbm4b:s5+s6], $0x1, s16, s6, $0xb8;
	[tilespmem:$0x1A00] =	vst v63  }
0xeb: {  	s18 =	simm.s32 $0xA00;
	s19 =	simm.s32 $0x1700  }
0xec: {  	[tilespmem:s19], [sflag:$0x1] =	stream.indirect.gather [hbm4b:s5+s6], $0x1, s18, s6, $0xb8;
	[tilespmem:$0x1A00] =	vst v63  }
0xed: {  	_ = 	snop  }
0xee: {  	[tilespmem:s21], [sflag:$0x1] =	stream.indirect.gather [hbm4b:s5+s6], $0x1, s20, s6, $0xb8;
	[tilespmem:$0x1A00] =	vst v63  }
0xef: {  	_ = 	snop  }
0xf0: {  	[tilespmem:s23], [sflag:$0x1] =	stream.indirect.gather [hbm4b:s5+s6], $0x1, s22, s6, $0xb8;
	[tilespmem:$0x1A00] =	vst v63  }
0xf1: {  	_ = 	snop  }
0xf2: {  	[tilespmem:s26], [sflag:$0x1] =	stream.indirect.gather [hbm4b:s5+s6], $0x1, s25, s6, $0xb8;
	[tilespmem:$0x1A00] =	vst v63  }
0xf3: {  	_ = 	snop  }
0xf4: {  	[tilespmem:s29], [sflag:$0x1] =	stream.indirect.gather [hbm4b:s5+s6], $0x1, s28, s6, $0xb8;
	[tilespmem:$0x1A00] =	vst v63  }
0xf5: {  	_ = 	snop  }
0xf6: {  	[tilespmem:s31], [sflag:$0x1] =	stream.indirect.gather [hbm4b:s5+s6], $0x1, s30, s6, $0xb8;
	[tilespmem:$0x1A00] =	vst v63  }
0xf7: {  	_ =	swait.ge [sflag:s24], $0x80  }
0xf8: {  	[sflag:s24] =	ssyncset.done $0x0  }
0xf9: {  	[sflag:s24] =	ssyncadd.s32 $0xFFFFFF80  }
0xfa: {  	_ =	swait.ge [sflag:s24], $0x80  }
0xfb: {  	[sflag:s24] =	ssyncset.done $0x0  }
0xfc: {  	[sflag:s24] =	ssyncadd.s32 $0xFFFFFF80  }
0xfd: {  	_ =	swait.ge [sflag:s24], $0x80  }
0xfe: {  	[sflag:s24] =	ssyncset.done $0x0  }
0xff: {  	[sflag:s24] =	ssyncadd.s32 $0xFFFFFF80  }
0x100: {  	_ =	swait.ge [sflag:s24], $0x80  }
0x101: {  	[sflag:s24] =	ssyncset.done $0x0  }
0x102: {  	[sflag:s24] =	ssyncadd.s32 $0xFFFFFF80  }
0x103: {  	_ =	swait.ge [sflag:s24], $0x80  }
0x104: {  	[sflag:s24] =	ssyncset.done $0x0  }
0x105: {  	[sflag:s24] =	ssyncadd.s32 $0xFFFFFF80  }
0x106: {  	_ =	swait.ge [sflag:s24], $0x80  }
0x107: {  	[sflag:s24] =	ssyncset.done $0x0  }
0x108: {  	[sflag:s24] =	ssyncadd.s32 $0xFFFFFF80  }
0x109: {  	_ =	swait.ge [sflag:s24], $0x80  }
0x10a: {  	[sflag:s24] =	ssyncset.done $0x0  }
0x10b: {  	[sflag:s24] =	ssyncadd.s32 $0xFFFFFF80  }
0x10c: {  	_ =	swait.ge [sflag:s24], $0x80  }
0x10d: {  	[sflag:s24] =	ssyncset.done $0x0  }
0x10e: {  	[sflag:s24] =	ssyncadd.s32 $0xFFFFFF80  }
0x10f: {  	_ =	swait.ge [sflag:s24], $0x80  }
0x110: {  	[sflag:s24] =	ssyncset.done $0x0  }
0x111: {  	[sflag:s24] =	ssyncadd.s32 $0xFFFFFF80  }
0x112: {  	_ =	swait.ge [sflag:s24], $0x80  }
0x113: {  	[sflag:s24] =	ssyncset.done $0x0  }
0x114: {  	[sflag:s24] =	ssyncadd.s32 $0xFFFFFF80  }
0x115: {  	_ =	swait.ge [sflag:s24], $0x80  }
0x116: {  	[sflag:s24] =	ssyncset.done $0x0  }
0x117: {  	[sflag:s24] =	ssyncadd.s32 $0xFFFFFF80  }
0x118: {  	_ =	swait.ge [sflag:s24], $0x80  }
0x119: {  	[sflag:s24] =	ssyncset.done $0x0  }
0x11a: {  	[sflag:s24] =	ssyncadd.s32 $0xFFFFFF80  }
0x11b: {  	_ =	swait.ge [sflag:s24], $0x80  }
0x11c: {  	[sflag:s24] =	ssyncset.done $0x0  }
0x11d: {  	[sflag:s24] =	ssyncadd.s32 $0xFFFFFF80  }
0x11e: {  	_ =	swait.ge [sflag:s24], $0x80  }
0x11f: {  	[sflag:s24] =	ssyncset.done $0x0  }
0x120: {  	[sflag:s24] =	ssyncadd.s32 $0xFFFFFF80  }
0x121: {  	_ =	swait.ge [sflag:s24], $0x80  }
0x122: {  	[sflag:s24] =	ssyncset.done $0x0  }
0x123: {  	[sflag:s24] =	ssyncadd.s32 $0xFFFFFF80  }
0x124: {  	_ =	swait.ge [sflag:s24], $0x80  }
0x125: {  	[sflag:s24] =	ssyncset.done $0x0  }
0x126: {  	[sflag:s24] =	ssyncadd.s32 $0xFFFFFF80  }
0x127: {  	_ =	swait.ge [sflag:s24], $0x80  }
0x128: {  	[sflag:s24] =	ssyncset.done $0x0  }
0x129: {  	[sflag:s24] =	ssyncadd.s32 $0xFFFFFF80  }
0x12a: {  	_ =	swait.ge [sflag:s24], $0x80  }
0x12b: {  	[sflag:s24] =	ssyncset.done $0x0  }
0x12c: {  	[sflag:s24] =	ssyncadd.s32 $0xFFFFFF80  }
0x12d: {  	_ =	swait.ge [sflag:s24], $0x80  }
0x12e: {  	[sflag:s24] =	ssyncset.done $0x0  }
0x12f: {  	[sflag:s24] =	ssyncadd.s32 $0xFFFFFF80  }
0x130: {  	_ =	swait.ge [sflag:s24], $0x80  }
0x131: {  	[sflag:s24] =	ssyncset.done $0x0  }
0x132: {  	[sflag:s24] =	ssyncadd.s32 $0xFFFFFF80  }
0x133: {  	_ =	swait.ge [sflag:s24], $0x80  }
0x134: {  	[sflag:s24] =	ssyncset.done $0x0  }
0x135: {  	[sflag:s24] =	ssyncadd.s32 $0xFFFFFF80  }
0x136: {  	_ =	swait.ge [sflag:s24], $0x80  }
0x137: {  	p0 =	sne.s32 s1, $0x1;
	[sflag:s24] =	ssyncset.done $0x0  }
.Ltmp1:
0x138: {  	[sflag:s24] =	ssyncadd.s32 $0xFFFFFF80;
	(pc) =	sbr.rel @p0 .LBB2_1-.Ltmp1, $4  }
0x139: {  	_ =	swait.ge [sflag:s24], $0x80  }
0x13a: {  	[sflag:s24] =	ssyncset.done $0x0  }
0x13b: {  	[sflag:s24] =	ssyncadd.s32 $0xFFFFFF80  }
0x13c: {  	s1 =	sadd.s32 $0xFFFFFFFF, s1;
	_ =	swait.ge [sflag:s24], $0x80  }
.LBB2_2:
0x13d: {  	[sflag:s24] =	ssyncset.done $0x0  }
0x13e: {  	[sflag:s24] =	ssyncadd.s32 $0xFFFFFF80  }
0x13f: {  	_ =	swait.ge [sflag:s24], $0x80  }
0x140: {  	[sflag:s24] =	ssyncset.done $0x0  }
0x141: {  	[sflag:s24] =	ssyncadd.s32 $0xFFFFFF80  }
0x142: {  	_ =	swait.ge [sflag:s24], $0x80  }
0x143: {  	[sflag:s24] =	ssyncset.done $0x0  }
0x144: {  	s0 =	rddreg [dreg:$0x3];
	[sflag:s24] =	ssyncadd.s32 $0xFFFFFF80  }
0x145: {  	[hbm4b:s0+s2] =	stream.linear.scatter [tilespmem:s4], [sflag:$0x2], $0xD00, $0x38;
	[tilespmem:$0x1A00] =	vst v63  }
0x146: {  	_ =	swait.ge [sflag:s3], $0xD00  }
0x147: {  	[sflag:s3] =	ssyncset.done $0x0  }
0x148: {  	[sflag:s3] =	ssyncadd.s32 $0xFFFFF300  }
0x149: {  	_ =	sfence.sel $0x180000  }
0x14a: {  	[bflag:$0x0] =	sbarrier.arrive $0xFFFF  }
0x14b: {  	_ =	strace $0x90000047  }
0x14c: {  	s31 =	stileid.u32;
	[bflag:$0x2] =	sbarrier.arrive $0xFFFF  }
0x14d: {  	p0 =	sne.s32 s31, $0x0;
	s0 =	rddreg [dreg:$0x1]  }
0x14e: {  	s0 =	sadd.s32 @!p0 $0x100000, s0  }
0x14f: {  	[sflag:s0] =	ssyncadd.tile.s32 @!p0 $0x1;
	_ =	shalt  }
.Lfunc_end2:
_tile_overlayer_lowered:
.L_overlay_start_2:
0x150: {  	(tag) =	ssettag $0x2  }
0x151: {  	s0 =	rddreg [dreg:$0x0];
	s2 =	stileid.u32  }
0x152: {  	s1 =	rddreg [dreg:$0x1];
	p0 =	sne.s32 s2, $0x0  }
0x153: {  	s3 =	rddreg [dreg:$0x2];
	[bflag:$0x3] =	sbarrier.arrive $0xFFFF;
	s2 =	simm.s32 @!p0 $0x1C02  }
0x154: {  	[timem:s3], [sflag:s2] =	dma.local @!p0 [hbm:s0], s1  }
0x155: {  	s0 =	simm.s32 @!p0 $0x2  }
0x156: {  	_ =	swait.ge @!p0 [sflag:s0], s1  }
0x157: {  	s1 =	ssub.s32 @!p0 $0x0, s1;
	[sflag:s0] =	ssyncset.done @!p0 $0x0  }
0x158: {  	[sflag:s0] =	ssyncadd.s32 @!p0 s1  }
0x159: {  	[bflag:$0x3] =	sbarrier.arrive $0xFFFF  }
0x15a: {  	_ =	shalt  }

</sc_bundles>
